<compile_context>
chip_gen: v7x
topology: tpu7x:2x2x1
jax: 0.10.2.dev20260603
libtpu: 0.0.44.dev20260713+nightly
codegen_flags: <defaults>
</compile_context>

<pallas_src>
import functools

import jax
import jax.numpy as jnp
from jax import lax
from jax.experimental import pallas as pl
from jax.experimental.pallas import tpu as pltpu
from jax.experimental.pallas import tpu_sc as plsc

B = 16384
D = 16
H = 50
NC = 2
NS = 16
NW = NC * NS
BPW = B // NW
C = 64
NCH = BPW // C
IPC = C * H
GSZ = 128
NG = IPC // GSZ

_mesh = plsc.VectorSubcoreMesh(
    core_axis_name="c", subcore_axis_name="s", num_cores=NC, num_subcores=NS
)


@functools.partial(
    pl.kernel,
    out_type=(
        jax.ShapeDtypeStruct((B, D), jnp.float32),
        jax.ShapeDtypeStruct((B, D), jnp.float32),
    ),
    mesh=_mesh,
    compiler_params=pltpu.CompilerParams(use_tc_tiling_on_sc=False),
    scratch_types=[
        pltpu.VMEM((BPW,), jnp.int32),
        pltpu.VMEM((BPW, D), jnp.float32),
        pltpu.VMEM((IPC,), jnp.int32),
        pltpu.VMEM((IPC,), jnp.int32),
        pltpu.VMEM((IPC, D), jnp.float32),
        pltpu.VMEM((IPC, D), jnp.float32),
        pltpu.VMEM((C, D), jnp.float32),
        pltpu.SemaphoreType.DMA,
        pltpu.SemaphoreType.DMA,
        pltpu.SemaphoreType.DMA,
    ],
)
def _sc_gather_mean(ds_idx_hbm, lab_idx_hbm, ds_tab, lab_tab, ds_out, lab_out,
                    ds_idx_v, ds_rows_v, li0, li1, rb0, rb1, acc_v,
                    sem_ds, sem0, sem1):
    wid = lax.axis_index("s") * NC + lax.axis_index("c")
    base = wid * BPW
    lab_base = base * H

    pltpu.sync_copy(ds_idx_hbm.at[pl.ds(base, BPW)], ds_idx_v)
    for g in range(BPW // GSZ):
        pltpu.async_copy(
            ds_tab.at[ds_idx_v.at[pl.ds(g * GSZ, GSZ)]],
            ds_rows_v.at[pl.ds(g * GSZ, GSZ)],
            sem_ds,
        )

    idx_bufs = (li0, li1)
    row_bufs = (rb0, rb1)
    sems = (sem0, sem1)

    def fire(c, buf):
        pltpu.sync_copy(
            lab_idx_hbm.at[pl.ds(lab_base + c * IPC, IPC)], idx_bufs[buf]
        )

        def body(g, carry):
            pltpu.async_copy(
                lab_tab.at[idx_bufs[buf].at[pl.ds(g * GSZ, GSZ)]],
                row_bufs[buf].at[pl.ds(g * GSZ, GSZ)],
                sems[buf],
            )
            return carry

        lax.fori_loop(0, NG, body, 0)

    def drain(buf):
        pltpu.make_async_copy(
            lab_tab.at[pl.ds(0, IPC)], row_bufs[buf], sems[buf]
        ).wait()

    def reduce(c, buf):
        rows = row_bufs[buf]

        def rbody(b, carry):
            r0 = b * H
            s = [rows[r0 + k, :] for k in range(4)]
            for j in range(4, H):
                s[j % 4] = s[j % 4] + rows[r0 + j, :]
            acc_v[b, :] = ((s[0] + s[1]) + (s[2] + s[3])) * (1.0 / H)
            return carry

        lax.fori_loop(0, C, rbody, 0)
        pltpu.sync_copy(acc_v, lab_out.at[pl.ds(base + c * C, C)])

    fire(0, 0)
    for c in range(NCH):
        if c + 1 < NCH:
            fire(c + 1, (c + 1) % 2)
        drain(c % 2)
        reduce(c, c % 2)

    pltpu.make_async_copy(ds_tab.at[pl.ds(0, BPW)], ds_rows_v, sem_ds).wait()
    pltpu.sync_copy(ds_rows_v, ds_out.at[pl.ds(base, BPW)])


BLK = 1024


def _mlp_body(ds_ref, lab_ref, num_ref, w1_ref, b1_ref, w2_ref, b2_ref, o_ref):
    nf = lax.dot_general(
        num_ref[...], w1_ref[...], (((1,), (1,)), ((), ())),
        preferred_element_type=jnp.float32,
    ) + b1_ref[...]
    w2 = w2_ref[...]
    out = lax.dot_general(
        ds_ref[...], w2[:, 0:D], (((1,), (1,)), ((), ())),
        preferred_element_type=jnp.float32,
    )
    out = out + lax.dot_general(
        lab_ref[...], w2[:, D:2 * D], (((1,), (1,)), ((), ())),
        preferred_element_type=jnp.float32,
    )
    out = out + lax.dot_general(
        nf, w2[:, 2 * D:], (((1,), (1,)), ((), ())),
        preferred_element_type=jnp.float32,
    )
    o_ref[...] = jnp.maximum(out + b2_ref[...], 0.0)


def kernel(dataset_name, unique_labels, numeric_features, dataset_name_table,
           labels_table, W1, b1, W2, b2):
    ds_idx = dataset_name.astype(jnp.int32)
    lab_idx = unique_labels.astype(jnp.int32).reshape(-1)

    ds_emb, lab_mean = _sc_gather_mean(
        ds_idx, lab_idx, dataset_name_table, labels_table
    )

    n_in = W1.shape[1]
    h1 = W1.shape[0]
    n_out = W2.shape[0]
    out = pl.pallas_call(
        _mlp_body,
        grid=(B // BLK,),
        in_specs=[
            pl.BlockSpec((BLK, D), lambda i: (i, 0)),
            pl.BlockSpec((BLK, D), lambda i: (i, 0)),
            pl.BlockSpec((BLK, n_in), lambda i: (i, 0)),
            pl.BlockSpec((h1, n_in), lambda i: (0, 0)),
            pl.BlockSpec((1, h1), lambda i: (0, 0)),
            pl.BlockSpec((n_out, h1 + 2 * D), lambda i: (0, 0)),
            pl.BlockSpec((1, n_out), lambda i: (0, 0)),
        ],
        out_specs=pl.BlockSpec((BLK, n_out), lambda i: (i, 0)),
        out_shape=jax.ShapeDtypeStruct((B, n_out), jnp.float32),
    )(ds_emb, lab_mean, numeric_features, W1, b1.reshape(1, h1), W2,
      b2.reshape(1, n_out))
    return out

# --- scband reference (transcript-rebuilt; emitter-appended) ---
"""Pipeline reference for scband-dataset-encoder-87428354278023 (READ-ONLY COPY).

The authoritative reference and input builder live on the scoring server;
editing this copy changes nothing except your own understanding.
"""

import jax, jax.numpy as jnp
import numpy as np

DATASET_VOCAB = 100000
LABELS_VOCAB = 1000000
EMBED_DIM = 16
BATCH = 16384
HIST = 50
NUM_NUMERIC = 4


def setup_inputs(seed: int = 0) -> dict:
    key = jax.random.key(seed)
    ks = jax.random.split(key, 10)
    dataset_name = jax.random.randint(ks[0], (BATCH,), 0, DATASET_VOCAB, dtype=jnp.int64 if jax.config.jax_enable_x64 else jnp.int32)
    unique_labels = jax.random.randint(ks[1], (BATCH, HIST), 0, LABELS_VOCAB, dtype=jnp.int64 if jax.config.jax_enable_x64 else jnp.int32)
    numeric_features = jax.random.normal(ks[2], (BATCH, NUM_NUMERIC), dtype=jnp.float32)
    # learned parameters
    dataset_name_table = jax.random.normal(ks[3], (DATASET_VOCAB, EMBED_DIM), dtype=jnp.float32)
    labels_table = jax.random.normal(ks[4], (LABELS_VOCAB, EMBED_DIM), dtype=jnp.float32)
    # numeric_features_fc: Linear(4 -> 20)
    W1 = jax.random.normal(ks[5], (20, NUM_NUMERIC), dtype=jnp.float32) * (1.0 / np.sqrt(NUM_NUMERIC))
    b1 = jnp.zeros((20,), dtype=jnp.float32)
    # fc: Linear(20 + 2*embed_dim -> 64)
    in2 = 20 + 2 * EMBED_DIM
    W2 = jax.random.normal(ks[6], (64, in2), dtype=jnp.float32) * (1.0 / np.sqrt(in2))
    b2 = jnp.zeros((64,), dtype=jnp.float32)
    return {
        "dataset_name": dataset_name,
        "unique_labels": unique_labels,
        "numeric_features": numeric_features,
        "dataset_name_table": dataset_name_table,
        "labels_table": labels_table,
        "W1": W1,
        "b1": b1,
        "W2": W2,
        "b2": b2,
    }


def reference(dataset_name, unique_labels, numeric_features, dataset_name_table, labels_table, W1, b1, W2, b2):
    dataset_name_embedded = jnp.take(dataset_name_table, dataset_name, axis=0)  # [B, D]
    labels_embedded = jnp.take(labels_table, unique_labels, axis=0).mean(axis=1)  # [B, L, D] -> [B, D]
    nf = numeric_features @ W1.T + b1  # [B, 20]
    features = jnp.concatenate([dataset_name_embedded, labels_embedded, nf], axis=1)
    output = jax.nn.relu(features @ W2.T + b2)
    return output

if __name__ == "__main__":
    import jax
    _d = setup_inputs()
    print(jax.jit(kernel)(*tuple(_d.values())))

</pallas_src>

<mosaic_0001>
#map = affine_map<(d0, d1) -> (0)>
#map1 = affine_map<(d0, d1) -> (0, 0)>
module attributes {stable_mosaic.version = 14 : i64} {
  func.func @_sc_gather_mean(%arg0: i32, %arg1: i32, %arg2: memref<16384xi32, #tpu.memory_space<hbm>>, %arg3: memref<819200xi32, #tpu.memory_space<hbm>>, %arg4: memref<100000x16xf32, #tpu.memory_space<hbm>>, %arg5: memref<1000000x16xf32, #tpu.memory_space<hbm>>, %arg6: memref<16384x16xf32, #tpu.memory_space<hbm>>, %arg7: memref<16384x16xf32, #tpu.memory_space<hbm>>, %arg8: memref<512xi32, #tpu.memory_space<vmem>>, %arg9: memref<512x16xf32, #tpu.memory_space<vmem>>, %arg10: memref<3200xi32, #tpu.memory_space<vmem>>, %arg11: memref<3200xi32, #tpu.memory_space<vmem>>, %arg12: memref<3200x16xf32, #tpu.memory_space<vmem>>, %arg13: memref<3200x16xf32, #tpu.memory_space<vmem>>, %arg14: memref<64x16xf32, #tpu.memory_space<vmem>>, %arg15: memref<!tpu.dma_semaphore, #tpu.memory_space<semaphore_mem>>, %arg16: memref<!tpu.dma_semaphore, #tpu.memory_space<semaphore_mem>>, %arg17: memref<!tpu.dma_semaphore, #tpu.memory_space<semaphore_mem>>) attributes {dimension_semantics = [#tpu.dimension_semantics<core_parallel>, #tpu.dimension_semantics<subcore_parallel>], iteration_bounds = array<i64: 2, 16>, scalar_prefetch = 0 : i64, scratch_operands = 10 : i64, tpu.core_type = #tpu.core_type<sc_vector_subcore>, window_params = [{transform_indices = #map}, {transform_indices = #map}, {transform_indices = #map1}, {transform_indices = #map1}, {transform_indices = #map1}, {transform_indices = #map1}]} {
    %mul3A = arith.constant 2 : i32
    %mul3A_0 = arith.muli %arg1, %mul3A : i32
    %add3A = arith.addi %mul3A_0, %arg0 : i32
    %mul3A_1 = arith.constant 512 : i32
    %mul3A_2 = arith.muli %add3A, %mul3A_1 : i32
    %mul3A_3 = arith.constant 50 : i32
    %mul3A_4 = arith.muli %mul3A_2, %mul3A_3 : i32
    "tpu.region"() ({
      %run_scoped3A = tpu.sem_alloc : memref<!tpu.dma_semaphore, #tpu.memory_space<semaphore_mem>>
      %dma_start3A_216 = tpu.memref_slice %arg2[%mul3A_2] : memref<16384xi32, #tpu.memory_space<hbm>> -> memref<512xi32, #tpu.memory_space<hbm>>
      %dma_start3A_217 = tpu.memref_slice %arg2[%mul3A_2] : memref<16384xi32, #tpu.memory_space<hbm>> -> memref<512xi32, #tpu.memory_space<hbm>>
      tpu.enqueue_dma source(%dma_start3A_217 : memref<512xi32, #tpu.memory_space<hbm>>) target(%arg8 : memref<512xi32, #tpu.memory_space<vmem>>) target_semaphore(%run_scoped3A : memref<!tpu.dma_semaphore, #tpu.memory_space<semaphore_mem>>)
      %dma_wait3A_218 = tpu.memref_slice %arg2[%mul3A_2] : memref<16384xi32, #tpu.memory_space<hbm>> -> memref<512xi32, #tpu.memory_space<hbm>>
      %dma_wait3A_219 = tpu.memref_slice %arg2[%mul3A_2] : memref<16384xi32, #tpu.memory_space<hbm>> -> memref<512xi32, #tpu.memory_space<hbm>>
      tpu.wait_dma2 semaphore(%run_scoped3A : memref<!tpu.dma_semaphore, #tpu.memory_space<semaphore_mem>>) src(%dma_wait3A_219 : memref<512xi32, #tpu.memory_space<hbm>>) dst(%arg8 : memref<512xi32, #tpu.memory_space<vmem>>)
      tpu.yield
    }) : () -> ()
    %dma_start3A = arith.constant 0 : i32
    %dma_start3A_5 = arith.constant 0 : i32
    %dma_start3A_6 = tpu.memref_slice %arg9[%dma_start3A, %dma_start3A_5] : memref<512x16xf32, #tpu.memory_space<vmem>> -> memref<128x16xf32, #tpu.memory_space<vmem>>
    %dma_start3A_7 = arith.constant 0 : i32
    %dma_start3A_8 = tpu.memref_slice %arg8[%dma_start3A_7] : memref<512xi32, #tpu.memory_space<vmem>> -> memref<128xi32, #tpu.memory_space<vmem>>
    %dma_start3A_9 = arith.constant 0 : i32
    %dma_start3A_10 = arith.constant 0 : i32
    %dma_start3A_11 = tpu.memref_slice %arg4[%dma_start3A_9, %dma_start3A_10] : memref<100000x16xf32, #tpu.memory_space<hbm>> -> memref<100000x16xf32, #tpu.memory_space<hbm>>
    tpu.enqueue_indirect_dma source(%dma_start3A_11 : memref<100000x16xf32, #tpu.memory_space<hbm>>) target(%dma_start3A_6 : memref<128x16xf32, #tpu.memory_space<vmem>>) offsets(%dma_start3A_8 : memref<128xi32, #tpu.memory_space<vmem>>) semaphore(%arg15 : memref<!tpu.dma_semaphore, #tpu.memory_space<semaphore_mem>>)
    %dma_start3A_12 = arith.constant 128 : i32
    %dma_start3A_13 = arith.constant 0 : i32
    %dma_start3A_14 = tpu.memref_slice %arg9[%dma_start3A_12, %dma_start3A_13] : memref<512x16xf32, #tpu.memory_space<vmem>> -> memref<128x16xf32, #tpu.memory_space<vmem>>
    %dma_start3A_15 = arith.constant 128 : i32
    %dma_start3A_16 = tpu.memref_slice %arg8[%dma_start3A_15] : memref<512xi32, #tpu.memory_space<vmem>> -> memref<128xi32, #tpu.memory_space<vmem>>
    %dma_start3A_17 = arith.constant 0 : i32
    %dma_start3A_18 = arith.constant 0 : i32
    %dma_start3A_19 = tpu.memref_slice %arg4[%dma_start3A_17, %dma_start3A_18] : memref<100000x16xf32, #tpu.memory_space<hbm>> -> memref<100000x16xf32, #tpu.memory_space<hbm>>
    tpu.enqueue_indirect_dma source(%dma_start3A_19 : memref<100000x16xf32, #tpu.memory_space<hbm>>) target(%dma_start3A_14 : memref<128x16xf32, #tpu.memory_space<vmem>>) offsets(%dma_start3A_16 : memref<128xi32, #tpu.memory_space<vmem>>) semaphore(%arg15 : memref<!tpu.dma_semaphore, #tpu.memory_space<semaphore_mem>>)
    %dma_start3A_20 = arith.constant 256 : i32
    %dma_start3A_21 = arith.constant 0 : i32
    %dma_start3A_22 = tpu.memref_slice %arg9[%dma_start3A_20, %dma_start3A_21] : memref<512x16xf32, #tpu.memory_space<vmem>> -> memref<128x16xf32, #tpu.memory_space<vmem>>
    %dma_start3A_23 = arith.constant 256 : i32
    %dma_start3A_24 = tpu.memref_slice %arg8[%dma_start3A_23] : memref<512xi32, #tpu.memory_space<vmem>> -> memref<128xi32, #tpu.memory_space<vmem>>
    %dma_start3A_25 = arith.constant 0 : i32
    %dma_start3A_26 = arith.constant 0 : i32
    %dma_start3A_27 = tpu.memref_slice %arg4[%dma_start3A_25, %dma_start3A_26] : memref<100000x16xf32, #tpu.memory_space<hbm>> -> memref<100000x16xf32, #tpu.memory_space<hbm>>
    tpu.enqueue_indirect_dma source(%dma_start3A_27 : memref<100000x16xf32, #tpu.memory_space<hbm>>) target(%dma_start3A_22 : memref<128x16xf32, #tpu.memory_space<vmem>>) offsets(%dma_start3A_24 : memref<128xi32, #tpu.memory_space<vmem>>) semaphore(%arg15 : memref<!tpu.dma_semaphore, #tpu.memory_space<semaphore_mem>>)
    %dma_start3A_28 = arith.constant 384 : i32
    %dma_start3A_29 = arith.constant 0 : i32
    %dma_start3A_30 = tpu.memref_slice %arg9[%dma_start3A_28, %dma_start3A_29] : memref<512x16xf32, #tpu.memory_space<vmem>> -> memref<128x16xf32, #tpu.memory_space<vmem>>
    %dma_start3A_31 = arith.constant 384 : i32
    %dma_start3A_32 = tpu.memref_slice %arg8[%dma_start3A_31] : memref<512xi32, #tpu.memory_space<vmem>> -> memref<128xi32, #tpu.memory_space<vmem>>
    %dma_start3A_33 = arith.constant 0 : i32
    %dma_start3A_34 = arith.constant 0 : i32
    %dma_start3A_35 = tpu.memref_slice %arg4[%dma_start3A_33, %dma_start3A_34] : memref<100000x16xf32, #tpu.memory_space<hbm>> -> memref<100000x16xf32, #tpu.memory_space<hbm>>
    tpu.enqueue_indirect_dma source(%dma_start3A_35 : memref<100000x16xf32, #tpu.memory_space<hbm>>) target(%dma_start3A_30 : memref<128x16xf32, #tpu.memory_space<vmem>>) offsets(%dma_start3A_32 : memref<128xi32, #tpu.memory_space<vmem>>) semaphore(%arg15 : memref<!tpu.dma_semaphore, #tpu.memory_space<semaphore_mem>>)
    %add3A_36 = arith.constant 0 : i32
    %add3A_37 = arith.addi %mul3A_4, %add3A_36 : i32
    "tpu.region"() ({
      %run_scoped3A = tpu.sem_alloc : memref<!tpu.dma_semaphore, #tpu.memory_space<semaphore_mem>>
      %dma_start3A_216 = tpu.memref_slice %arg3[%add3A_37] : memref<819200xi32, #tpu.memory_space<hbm>> -> memref<3200xi32, #tpu.memory_space<hbm>>
      %dma_start3A_217 = tpu.memref_slice %arg3[%add3A_37] : memref<819200xi32, #tpu.memory_space<hbm>> -> memref<3200xi32, #tpu.memory_space<hbm>>
      tpu.enqueue_dma source(%dma_start3A_217 : memref<3200xi32, #tpu.memory_space<hbm>>) target(%arg10 : memref<3200xi32, #tpu.memory_space<vmem>>) target_semaphore(%run_scoped3A : memref<!tpu.dma_semaphore, #tpu.memory_space<semaphore_mem>>)
      %dma_wait3A_218 = tpu.memref_slice %arg3[%add3A_37] : memref<819200xi32, #tpu.memory_space<hbm>> -> memref<3200xi32, #tpu.memory_space<hbm>>
      %dma_wait3A_219 = tpu.memref_slice %arg3[%add3A_37] : memref<819200xi32, #tpu.memory_space<hbm>> -> memref<3200xi32, #tpu.memory_space<hbm>>
      tpu.wait_dma2 semaphore(%run_scoped3A : memref<!tpu.dma_semaphore, #tpu.memory_space<semaphore_mem>>) src(%dma_wait3A_219 : memref<3200xi32, #tpu.memory_space<hbm>>) dst(%arg10 : memref<3200xi32, #tpu.memory_space<vmem>>)
      tpu.yield
    }) : () -> ()
    %scan3A = arith.constant 0 : i32
    %scan3A_38 = arith.constant 0 : i32
    %scan3A_39 = arith.constant 25 : i32
    %scan3A_40 = arith.addi %scan3A_38, %scan3A_39 : i32
    %scan3A_41 = arith.constant 1 : i32
    scf.for %scan3A_216 = %scan3A_38 to %scan3A_40 step %scan3A_41  : i32 {
      %mul3A_217 = arith.constant 128 : i32
      %mul3A_218 = arith.muli %scan3A_216, %mul3A_217 : i32
      %mul3A_219 = arith.constant 128 : i32
      %mul3A_220 = arith.muli %scan3A_216, %mul3A_219 : i32
      %dma_start3A_221 = arith.constant 0 : i32
      %dma_start3A_222 = tpu.memref_slice %arg12[%mul3A_220, %dma_start3A_221] : memref<3200x16xf32, #tpu.memory_space<vmem>> -> memref<128x16xf32, #tpu.memory_space<vmem>>
      %dma_start3A_223 = tpu.memref_slice %arg10[%mul3A_218] : memref<3200xi32, #tpu.memory_space<vmem>> -> memref<128xi32, #tpu.memory_space<vmem>>
      %dma_start3A_224 = arith.constant 0 : i32
      %dma_start3A_225 = arith.constant 0 : i32
      %dma_start3A_226 = tpu.memref_slice %arg5[%dma_start3A_224, %dma_start3A_225] : memref<1000000x16xf32, #tpu.memory_space<hbm>> -> memref<1000000x16xf32, #tpu.memory_space<hbm>>
      tpu.enqueue_indirect_dma source(%dma_start3A_226 : memref<1000000x16xf32, #tpu.memory_space<hbm>>) target(%dma_start3A_222 : memref<128x16xf32, #tpu.memory_space<vmem>>) offsets(%dma_start3A_223 : memref<128xi32, #tpu.memory_space<vmem>>) semaphore(%arg16 : memref<!tpu.dma_semaphore, #tpu.memory_space<semaphore_mem>>)
    }
    %scan3A_42 = arith.constant 25 : i32
    %add3A_43 = arith.constant 3200 : i32
    %add3A_44 = arith.addi %mul3A_4, %add3A_43 : i32
    "tpu.region"() ({
      %run_scoped3A = tpu.sem_alloc : memref<!tpu.dma_semaphore, #tpu.memory_space<semaphore_mem>>
      %dma_start3A_216 = tpu.memref_slice %arg3[%add3A_44] : memref<819200xi32, #tpu.memory_space<hbm>> -> memref<3200xi32, #tpu.memory_space<hbm>>
      %dma_start3A_217 = tpu.memref_slice %arg3[%add3A_44] : memref<819200xi32, #tpu.memory_space<hbm>> -> memref<3200xi32, #tpu.memory_space<hbm>>
      tpu.enqueue_dma source(%dma_start3A_217 : memref<3200xi32, #tpu.memory_space<hbm>>) target(%arg11 : memref<3200xi32, #tpu.memory_space<vmem>>) target_semaphore(%run_scoped3A : memref<!tpu.dma_semaphore, #tpu.memory_space<semaphore_mem>>)
      %dma_wait3A_218 = tpu.memref_slice %arg3[%add3A_44] : memref<819200xi32, #tpu.memory_space<hbm>> -> memref<3200xi32, #tpu.memory_space<hbm>>
      %dma_wait3A_219 = tpu.memref_slice %arg3[%add3A_44] : memref<819200xi32, #tpu.memory_space<hbm>> -> memref<3200xi32, #tpu.memory_space<hbm>>
      tpu.wait_dma2 semaphore(%run_scoped3A : memref<!tpu.dma_semaphore, #tpu.memory_space<semaphore_mem>>) src(%dma_wait3A_219 : memref<3200xi32, #tpu.memory_space<hbm>>) dst(%arg11 : memref<3200xi32, #tpu.memory_space<vmem>>)
      tpu.yield
    }) : () -> ()
    %scan3A_45 = arith.constant 0 : i32
    %scan3A_46 = arith.constant 0 : i32
    %scan3A_47 = arith.constant 25 : i32
    %scan3A_48 = arith.addi %scan3A_46, %scan3A_47 : i32
    %scan3A_49 = arith.constant 1 : i32
    scf.for %scan3A_216 = %scan3A_46 to %scan3A_48 step %scan3A_49  : i32 {
      %mul3A_217 = arith.constant 128 : i32
      %mul3A_218 = arith.muli %scan3A_216, %mul3A_217 : i32
      %mul3A_219 = arith.constant 128 : i32
      %mul3A_220 = arith.muli %scan3A_216, %mul3A_219 : i32
      %dma_start3A_221 = arith.constant 0 : i32
      %dma_start3A_222 = tpu.memref_slice %arg13[%mul3A_220, %dma_start3A_221] : memref<3200x16xf32, #tpu.memory_space<vmem>> -> memref<128x16xf32, #tpu.memory_space<vmem>>
      %dma_start3A_223 = tpu.memref_slice %arg11[%mul3A_218] : memref<3200xi32, #tpu.memory_space<vmem>> -> memref<128xi32, #tpu.memory_space<vmem>>
      %dma_start3A_224 = arith.constant 0 : i32
      %dma_start3A_225 = arith.constant 0 : i32
      %dma_start3A_226 = tpu.memref_slice %arg5[%dma_start3A_224, %dma_start3A_225] : memref<1000000x16xf32, #tpu.memory_space<hbm>> -> memref<1000000x16xf32, #tpu.memory_space<hbm>>
      tpu.enqueue_indirect_dma source(%dma_start3A_226 : memref<1000000x16xf32, #tpu.memory_space<hbm>>) target(%dma_start3A_222 : memref<128x16xf32, #tpu.memory_space<vmem>>) offsets(%dma_start3A_223 : memref<128xi32, #tpu.memory_space<vmem>>) semaphore(%arg17 : memref<!tpu.dma_semaphore, #tpu.memory_space<semaphore_mem>>)
    }
    %scan3A_50 = arith.constant 25 : i32
    %dma_wait3A = arith.constant 0 : i32
    %dma_wait3A_51 = arith.constant 0 : i32
    %dma_wait3A_52 = tpu.memref_slice %arg5[%dma_wait3A, %dma_wait3A_51] : memref<1000000x16xf32, #tpu.memory_space<hbm>> -> memref<3200x16xf32, #tpu.memory_space<hbm>>
    %dma_wait3A_53 = arith.constant 0 : i32
    %dma_wait3A_54 = arith.constant 0 : i32
    %dma_wait3A_55 = tpu.memref_slice %arg5[%dma_wait3A_53, %dma_wait3A_54] : memref<1000000x16xf32, #tpu.memory_space<hbm>> -> memref<3200x16xf32, #tpu.memory_space<hbm>>
    tpu.wait_dma2 semaphore(%arg16 : memref<!tpu.dma_semaphore, #tpu.memory_space<semaphore_mem>>) src(%dma_wait3A_55 : memref<3200x16xf32, #tpu.memory_space<hbm>>) dst(%arg12 : memref<3200x16xf32, #tpu.memory_space<vmem>>)
    %scan3A_56 = arith.constant 0 : i32
    %scan3A_57 = arith.constant 0 : i32
    %scan3A_58 = arith.constant 64 : i32
    %scan3A_59 = arith.addi %scan3A_57, %scan3A_58 : i32
    %scan3A_60 = arith.constant 1 : i32
    scf.for %scan3A_216 = %scan3A_57 to %scan3A_59 step %scan3A_60  : i32 {
      %mul3A_217 = arith.constant 50 : i32
      %mul3A_218 = arith.muli %scan3A_216, %mul3A_217 : i32
      %add3A_219 = arith.constant 0 : i32
      %add3A_220 = arith.addi %mul3A_218, %add3A_219 : i32
      %get3A = arith.index_cast %add3A_220 : i32 to index
      %get3A_221 = arith.constant 0 : index
      %get3A_222 = tpu.vector_load %arg12[%get3A, %get3A_221] {strides = array<i32>} : memref<3200x16xf32, #tpu.memory_space<vmem>>, vector<1x16xf32>,
      %get3A_223 = vector.shape_cast %get3A_222 : vector<1x16xf32> to vector<16xf32>
      %add3A_224 = arith.constant 1 : i32
      %add3A_225 = arith.addi %mul3A_218, %add3A_224 : i32
      %get3A_226 = arith.index_cast %add3A_225 : i32 to index
      %get3A_227 = arith.constant 0 : index
      %get3A_228 = tpu.vector_load %arg12[%get3A_226, %get3A_227] {strides = array<i32>} : memref<3200x16xf32, #tpu.memory_space<vmem>>, vector<1x16xf32>,
      %get3A_229 = vector.shape_cast %get3A_228 : vector<1x16xf32> to vector<16xf32>
      %add3A_230 = arith.constant 2 : i32
      %add3A_231 = arith.addi %mul3A_218, %add3A_230 : i32
      %get3A_232 = arith.index_cast %add3A_231 : i32 to index
      %get3A_233 = arith.constant 0 : index
      %get3A_234 = tpu.vector_load %arg12[%get3A_232, %get3A_233] {strides = array<i32>} : memref<3200x16xf32, #tpu.memory_space<vmem>>, vector<1x16xf32>,
      %get3A_235 = vector.shape_cast %get3A_234 : vector<1x16xf32> to vector<16xf32>
      %add3A_236 = arith.constant 3 : i32
      %add3A_237 = arith.addi %mul3A_218, %add3A_236 : i32
      %get3A_238 = arith.index_cast %add3A_237 : i32 to index
      %get3A_239 = arith.constant 0 : index
      %get3A_240 = tpu.vector_load %arg12[%get3A_238, %get3A_239] {strides = array<i32>} : memref<3200x16xf32, #tpu.memory_space<vmem>>, vector<1x16xf32>,
      %get3A_241 = vector.shape_cast %get3A_240 : vector<1x16xf32> to vector<16xf32>
      %add3A_242 = arith.constant 4 : i32
      %add3A_243 = arith.addi %mul3A_218, %add3A_242 : i32
      %get3A_244 = arith.index_cast %add3A_243 : i32 to index
      %get3A_245 = arith.constant 0 : index
      %get3A_246 = tpu.vector_load %arg12[%get3A_244, %get3A_245] {strides = array<i32>} : memref<3200x16xf32, #tpu.memory_space<vmem>>, vector<1x16xf32>,
      %get3A_247 = vector.shape_cast %get3A_246 : vector<1x16xf32> to vector<16xf32>
      %add3A_248 = arith.addf %get3A_223, %get3A_247 : vector<16xf32>
      %add3A_249 = arith.constant 5 : i32
      %add3A_250 = arith.addi %mul3A_218, %add3A_249 : i32
      %get3A_251 = arith.index_cast %add3A_250 : i32 to index
      %get3A_252 = arith.constant 0 : index
      %get3A_253 = tpu.vector_load %arg12[%get3A_251, %get3A_252] {strides = array<i32>} : memref<3200x16xf32, #tpu.memory_space<vmem>>, vector<1x16xf32>,
      %get3A_254 = vector.shape_cast %get3A_253 : vector<1x16xf32> to vector<16xf32>
      %add3A_255 = arith.addf %get3A_229, %get3A_254 : vector<16xf32>
      %add3A_256 = arith.constant 6 : i32
      %add3A_257 = arith.addi %mul3A_218, %add3A_256 : i32
      %get3A_258 = arith.index_cast %add3A_257 : i32 to index
      %get3A_259 = arith.constant 0 : index
      %get3A_260 = tpu.vector_load %arg12[%get3A_258, %get3A_259] {strides = array<i32>} : memref<3200x16xf32, #tpu.memory_space<vmem>>, vector<1x16xf32>,
      %get3A_261 = vector.shape_cast %get3A_260 : vector<1x16xf32> to vector<16xf32>
      %add3A_262 = arith.addf %get3A_235, %get3A_261 : vector<16xf32>
      %add3A_263 = arith.constant 7 : i32
      %add3A_264 = arith.addi %mul3A_218, %add3A_263 : i32
      %get3A_265 = arith.index_cast %add3A_264 : i32 to index
      %get3A_266 = arith.constant 0 : index
      %get3A_267 = tpu.vector_load %arg12[%get3A_265, %get3A_266] {strides = array<i32>} : memref<3200x16xf32, #tpu.memory_space<vmem>>, vector<1x16xf32>,
      %get3A_268 = vector.shape_cast %get3A_267 : vector<1x16xf32> to vector<16xf32>
      %add3A_269 = arith.addf %get3A_241, %get3A_268 : vector<16xf32>
      %add3A_270 = arith.constant 8 : i32
      %add3A_271 = arith.addi %mul3A_218, %add3A_270 : i32
      %get3A_272 = arith.index_cast %add3A_271 : i32 to index
      %get3A_273 = arith.constant 0 : index
      %get3A_274 = tpu.vector_load %arg12[%get3A_272, %get3A_273] {strides = array<i32>} : memref<3200x16xf32, #tpu.memory_space<vmem>>, vector<1x16xf32>,
      %get3A_275 = vector.shape_cast %get3A_274 : vector<1x16xf32> to vector<16xf32>
      %add3A_276 = arith.addf %add3A_248, %get3A_275 : vector<16xf32>
      %add3A_277 = arith.constant 9 : i32
      %add3A_278 = arith.addi %mul3A_218, %add3A_277 : i32
      %get3A_279 = arith.index_cast %add3A_278 : i32 to index
      %get3A_280 = arith.constant 0 : index
      %get3A_281 = tpu.vector_load %arg12[%get3A_279, %get3A_280] {strides = array<i32>} : memref<3200x16xf32, #tpu.memory_space<vmem>>, vector<1x16xf32>,
      %get3A_282 = vector.shape_cast %get3A_281 : vector<1x16xf32> to vector<16xf32>
      %add3A_283 = arith.addf %add3A_255, %get3A_282 : vector<16xf32>
      %add3A_284 = arith.constant 10 : i32
      %add3A_285 = arith.addi %mul3A_218, %add3A_284 : i32
      %get3A_286 = arith.index_cast %add3A_285 : i32 to index
      %get3A_287 = arith.constant 0 : index
      %get3A_288 = tpu.vector_load %arg12[%get3A_286, %get3A_287] {strides = array<i32>} : memref<3200x16xf32, #tpu.memory_space<vmem>>, vector<1x16xf32>,
      %get3A_289 = vector.shape_cast %get3A_288 : vector<1x16xf32> to vector<16xf32>
      %add3A_290 = arith.addf %add3A_262, %get3A_289 : vector<16xf32>
      %add3A_291 = arith.constant 11 : i32
      %add3A_292 = arith.addi %mul3A_218, %add3A_291 : i32
      %get3A_293 = arith.index_cast %add3A_292 : i32 to index
      %get3A_294 = arith.constant 0 : index
      %get3A_295 = tpu.vector_load %arg12[%get3A_293, %get3A_294] {strides = array<i32>} : memref<3200x16xf32, #tpu.memory_space<vmem>>, vector<1x16xf32>,
      %get3A_296 = vector.shape_cast %get3A_295 : vector<1x16xf32> to vector<16xf32>
      %add3A_297 = arith.addf %add3A_269, %get3A_296 : vector<16xf32>
      %add3A_298 = arith.constant 12 : i32
      %add3A_299 = arith.addi %mul3A_218, %add3A_298 : i32
      %get3A_300 = arith.index_cast %add3A_299 : i32 to index
      %get3A_301 = arith.constant 0 : index
      %get3A_302 = tpu.vector_load %arg12[%get3A_300, %get3A_301] {strides = array<i32>} : memref<3200x16xf32, #tpu.memory_space<vmem>>, vector<1x16xf32>,
      %get3A_303 = vector.shape_cast %get3A_302 : vector<1x16xf32> to vector<16xf32>
      %add3A_304 = arith.addf %add3A_276, %get3A_303 : vector<16xf32>
      %add3A_305 = arith.constant 13 : i32
      %add3A_306 = arith.addi %mul3A_218, %add3A_305 : i32
      %get3A_307 = arith.index_cast %add3A_306 : i32 to index
      %get3A_308 = arith.constant 0 : index
      %get3A_309 = tpu.vector_load %arg12[%get3A_307, %get3A_308] {strides = array<i32>} : memref<3200x16xf32, #tpu.memory_space<vmem>>, vector<1x16xf32>,
      %get3A_310 = vector.shape_cast %get3A_309 : vector<1x16xf32> to vector<16xf32>
      %add3A_311 = arith.addf %add3A_283, %get3A_310 : vector<16xf32>
      %add3A_312 = arith.constant 14 : i32
      %add3A_313 = arith.addi %mul3A_218, %add3A_312 : i32
      %get3A_314 = arith.index_cast %add3A_313 : i32 to index
      %get3A_315 = arith.constant 0 : index
      %get3A_316 = tpu.vector_load %arg12[%get3A_314, %get3A_315] {strides = array<i32>} : memref<3200x16xf32, #tpu.memory_space<vmem>>, vector<1x16xf32>,
      %get3A_317 = vector.shape_cast %get3A_316 : vector<1x16xf32> to vector<16xf32>
      %add3A_318 = arith.addf %add3A_290, %get3A_317 : vector<16xf32>
      %add3A_319 = arith.constant 15 : i32
      %add3A_320 = arith.addi %mul3A_218, %add3A_319 : i32
      %get3A_321 = arith.index_cast %add3A_320 : i32 to index
      %get3A_322 = arith.constant 0 : index
      %get3A_323 = tpu.vector_load %arg12[%get3A_321, %get3A_322] {strides = array<i32>} : memref<3200x16xf32, #tpu.memory_space<vmem>>, vector<1x16xf32>,
      %get3A_324 = vector.shape_cast %get3A_323 : vector<1x16xf32> to vector<16xf32>
      %add3A_325 = arith.addf %add3A_297, %get3A_324 : vector<16xf32>
      %add3A_326 = arith.constant 16 : i32
      %add3A_327 = arith.addi %mul3A_218, %add3A_326 : i32
      %get3A_328 = arith.index_cast %add3A_327 : i32 to index
      %get3A_329 = arith.constant 0 : index
      %get3A_330 = tpu.vector_load %arg12[%get3A_328, %get3A_329] {strides = array<i32>} : memref<3200x16xf32, #tpu.memory_space<vmem>>, vector<1x16xf32>,
      %get3A_331 = vector.shape_cast %get3A_330 : vector<1x16xf32> to vector<16xf32>
      %add3A_332 = arith.addf %add3A_304, %get3A_331 : vector<16xf32>
      %add3A_333 = arith.constant 17 : i32
      %add3A_334 = arith.addi %mul3A_218, %add3A_333 : i32
      %get3A_335 = arith.index_cast %add3A_334 : i32 to index
      %get3A_336 = arith.constant 0 : index
      %get3A_337 = tpu.vector_load %arg12[%get3A_335, %get3A_336] {strides = array<i32>} : memref<3200x16xf32, #tpu.memory_space<vmem>>, vector<1x16xf32>,
      %get3A_338 = vector.shape_cast %get3A_337 : vector<1x16xf32> to vector<16xf32>
      %add3A_339 = arith.addf %add3A_311, %get3A_338 : vector<16xf32>
      %add3A_340 = arith.constant 18 : i32
      %add3A_341 = arith.addi %mul3A_218, %add3A_340 : i32
      %get3A_342 = arith.index_cast %add3A_341 : i32 to index
      %get3A_343 = arith.constant 0 : index
      %get3A_344 = tpu.vector_load %arg12[%get3A_342, %get3A_343] {strides = array<i32>} : memref<3200x16xf32, #tpu.memory_space<vmem>>, vector<1x16xf32>,
      %get3A_345 = vector.shape_cast %get3A_344 : vector<1x16xf32> to vector<16xf32>
      %add3A_346 = arith.addf %add3A_318, %get3A_345 : vector<16xf32>
      %add3A_347 = arith.constant 19 : i32
      %add3A_348 = arith.addi %mul3A_218, %add3A_347 : i32
      %get3A_349 = arith.index_cast %add3A_348 : i32 to index
      %get3A_350 = arith.constant 0 : index
      %get3A_351 = tpu.vector_load %arg12[%get3A_349, %get3A_350] {strides = array<i32>} : memref<3200x16xf32, #tpu.memory_space<vmem>>, vector<1x16xf32>,
      %get3A_352 = vector.shape_cast %get3A_351 : vector<1x16xf32> to vector<16xf32>
      %add3A_353 = arith.addf %add3A_325, %get3A_352 : vector<16xf32>
      %add3A_354 = arith.constant 20 : i32
      %add3A_355 = arith.addi %mul3A_218, %add3A_354 : i32
      %get3A_356 = arith.index_cast %add3A_355 : i32 to index
      %get3A_357 = arith.constant 0 : index
      %get3A_358 = tpu.vector_load %arg12[%get3A_356, %get3A_357] {strides = array<i32>} : memref<3200x16xf32, #tpu.memory_space<vmem>>, vector<1x16xf32>,
      %get3A_359 = vector.shape_cast %get3A_358 : vector<1x16xf32> to vector<16xf32>
      %add3A_360 = arith.addf %add3A_332, %get3A_359 : vector<16xf32>
      %add3A_361 = arith.constant 21 : i32
      %add3A_362 = arith.addi %mul3A_218, %add3A_361 : i32
      %get3A_363 = arith.index_cast %add3A_362 : i32 to index
      %get3A_364 = arith.constant 0 : index
      %get3A_365 = tpu.vector_load %arg12[%get3A_363, %get3A_364] {strides = array<i32>} : memref<3200x16xf32, #tpu.memory_space<vmem>>, vector<1x16xf32>,
      %get3A_366 = vector.shape_cast %get3A_365 : vector<1x16xf32> to vector<16xf32>
      %add3A_367 = arith.addf %add3A_339, %get3A_366 : vector<16xf32>
      %add3A_368 = arith.constant 22 : i32
      %add3A_369 = arith.addi %mul3A_218, %add3A_368 : i32
      %get3A_370 = arith.index_cast %add3A_369 : i32 to index
      %get3A_371 = arith.constant 0 : index
      %get3A_372 = tpu.vector_load %arg12[%get3A_370, %get3A_371] {strides = array<i32>} : memref<3200x16xf32, #tpu.memory_space<vmem>>, vector<1x16xf32>,
      %get3A_373 = vector.shape_cast %get3A_372 : vector<1x16xf32> to vector<16xf32>
      %add3A_374 = arith.addf %add3A_346, %get3A_373 : vector<16xf32>
      %add3A_375 = arith.constant 23 : i32
      %add3A_376 = arith.addi %mul3A_218, %add3A_375 : i32
      %get3A_377 = arith.index_cast %add3A_376 : i32 to index
      %get3A_378 = arith.constant 0 : index
      %get3A_379 = tpu.vector_load %arg12[%get3A_377, %get3A_378] {strides = array<i32>} : memref<3200x16xf32, #tpu.memory_space<vmem>>, vector<1x16xf32>,
      %get3A_380 = vector.shape_cast %get3A_379 : vector<1x16xf32> to vector<16xf32>
      %add3A_381 = arith.addf %add3A_353, %get3A_380 : vector<16xf32>
      %add3A_382 = arith.constant 24 : i32
      %add3A_383 = arith.addi %mul3A_218, %add3A_382 : i32
      %get3A_384 = arith.index_cast %add3A_383 : i32 to index
      %get3A_385 = arith.constant 0 : index
      %get3A_386 = tpu.vector_load %arg12[%get3A_384, %get3A_385] {strides = array<i32>} : memref<3200x16xf32, #tpu.memory_space<vmem>>, vector<1x16xf32>,
      %get3A_387 = vector.shape_cast %get3A_386 : vector<1x16xf32> to vector<16xf32>
      %add3A_388 = arith.addf %add3A_360, %get3A_387 : vector<16xf32>
      %add3A_389 = arith.constant 25 : i32
      %add3A_390 = arith.addi %mul3A_218, %add3A_389 : i32
      %get3A_391 = arith.index_cast %add3A_390 : i32 to index
      %get3A_392 = arith.constant 0 : index
      %get3A_393 = tpu.vector_load %arg12[%get3A_391, %get3A_392] {strides = array<i32>} : memref<3200x16xf32, #tpu.memory_space<vmem>>, vector<1x16xf32>,
      %get3A_394 = vector.shape_cast %get3A_393 : vector<1x16xf32> to vector<16xf32>
      %add3A_395 = arith.addf %add3A_367, %get3A_394 : vector<16xf32>
      %add3A_396 = arith.constant 26 : i32
      %add3A_397 = arith.addi %mul3A_218, %add3A_396 : i32
      %get3A_398 = arith.index_cast %add3A_397 : i32 to index
      %get3A_399 = arith.constant 0 : index
      %get3A_400 = tpu.vector_load %arg12[%get3A_398, %get3A_399] {strides = array<i32>} : memref<3200x16xf32, #tpu.memory_space<vmem>>, vector<1x16xf32>,
      %get3A_401 = vector.shape_cast %get3A_400 : vector<1x16xf32> to vector<16xf32>
      %add3A_402 = arith.addf %add3A_374, %get3A_401 : vector<16xf32>
      %add3A_403 = arith.constant 27 : i32
      %add3A_404 = arith.addi %mul3A_218, %add3A_403 : i32
      %get3A_405 = arith.index_cast %add3A_404 : i32 to index
      %get3A_406 = arith.constant 0 : index
      %get3A_407 = tpu.vector_load %arg12[%get3A_405, %get3A_406] {strides = array<i32>} : memref<3200x16xf32, #tpu.memory_space<vmem>>, vector<1x16xf32>,
      %get3A_408 = vector.shape_cast %get3A_407 : vector<1x16xf32> to vector<16xf32>
      %add3A_409 = arith.addf %add3A_381, %get3A_408 : vector<16xf32>
      %add3A_410 = arith.constant 28 : i32
      %add3A_411 = arith.addi %mul3A_218, %add3A_410 : i32
      %get3A_412 = arith.index_cast %add3A_411 : i32 to index
      %get3A_413 = arith.constant 0 : index
      %get3A_414 = tpu.vector_load %arg12[%get3A_412, %get3A_413] {strides = array<i32>} : memref<3200x16xf32, #tpu.memory_space<vmem>>, vector<1x16xf32>,
      %get3A_415 = vector.shape_cast %get3A_414 : vector<1x16xf32> to vector<16xf32>
      %add3A_416 = arith.addf %add3A_388, %get3A_415 : vector<16xf32>
      %add3A_417 = arith.constant 29 : i32
      %add3A_418 = arith.addi %mul3A_218, %add3A_417 : i32
      %get3A_419 = arith.index_cast %add3A_418 : i32 to index
      %get3A_420 = arith.constant 0 : index
      %get3A_421 = tpu.vector_load %arg12[%get3A_419, %get3A_420] {strides = array<i32>} : memref<3200x16xf32, #tpu.memory_space<vmem>>, vector<1x16xf32>,
      %get3A_422 = vector.shape_cast %get3A_421 : vector<1x16xf32> to vector<16xf32>
      %add3A_423 = arith.addf %add3A_395, %get3A_422 : vector<16xf32>
      %add3A_424 = arith.constant 30 : i32
      %add3A_425 = arith.addi %mul3A_218, %add3A_424 : i32
      %get3A_426 = arith.index_cast %add3A_425 : i32 to index
      %get3A_427 = arith.constant 0 : index
      %get3A_428 = tpu.vector_load %arg12[%get3A_426, %get3A_427] {strides = array<i32>} : memref<3200x16xf32, #tpu.memory_space<vmem>>, vector<1x16xf32>,
      %get3A_429 = vector.shape_cast %get3A_428 : vector<1x16xf32> to vector<16xf32>
      %add3A_430 = arith.addf %add3A_402, %get3A_429 : vector<16xf32>
      %add3A_431 = arith.constant 31 : i32
      %add3A_432 = arith.addi %mul3A_218, %add3A_431 : i32
      %get3A_433 = arith.index_cast %add3A_432 : i32 to index
      %get3A_434 = arith.constant 0 : index
      %get3A_435 = tpu.vector_load %arg12[%get3A_433, %get3A_434] {strides = array<i32>} : memref<3200x16xf32, #tpu.memory_space<vmem>>, vector<1x16xf32>,
      %get3A_436 = vector.shape_cast %get3A_435 : vector<1x16xf32> to vector<16xf32>
      %add3A_437 = arith.addf %add3A_409, %get3A_436 : vector<16xf32>
      %add3A_438 = arith.constant 32 : i32
      %add3A_439 = arith.addi %mul3A_218, %add3A_438 : i32
      %get3A_440 = arith.index_cast %add3A_439 : i32 to index
      %get3A_441 = arith.constant 0 : index
      %get3A_442 = tpu.vector_load %arg12[%get3A_440, %get3A_441] {strides = array<i32>} : memref<3200x16xf32, #tpu.memory_space<vmem>>, vector<1x16xf32>,
      %get3A_443 = vector.shape_cast %get3A_442 : vector<1x16xf32> to vector<16xf32>
      %add3A_444 = arith.addf %add3A_416, %get3A_443 : vector<16xf32>
      %add3A_445 = arith.constant 33 : i32
      %add3A_446 = arith.addi %mul3A_218, %add3A_445 : i32
      %get3A_447 = arith.index_cast %add3A_446 : i32 to index
      %get3A_448 = arith.constant 0 : index
      %get3A_449 = tpu.vector_load %arg12[%get3A_447, %get3A_448] {strides = array<i32>} : memref<3200x16xf32, #tpu.memory_space<vmem>>, vector<1x16xf32>,
      %get3A_450 = vector.shape_cast %get3A_449 : vector<1x16xf32> to vector<16xf32>
      %add3A_451 = arith.addf %add3A_423, %get3A_450 : vector<16xf32>
      %add3A_452 = arith.constant 34 : i32
      %add3A_453 = arith.addi %mul3A_218, %add3A_452 : i32
      %get3A_454 = arith.index_cast %add3A_453 : i32 to index
      %get3A_455 = arith.constant 0 : index
      %get3A_456 = tpu.vector_load %arg12[%get3A_454, %get3A_455] {strides = array<i32>} : memref<3200x16xf32, #tpu.memory_space<vmem>>, vector<1x16xf32>,
      %get3A_457 = vector.shape_cast %get3A_456 : vector<1x16xf32> to vector<16xf32>
      %add3A_458 = arith.addf %add3A_430, %get3A_457 : vector<16xf32>
      %add3A_459 = arith.constant 35 : i32
      %add3A_460 = arith.addi %mul3A_218, %add3A_459 : i32
      %get3A_461 = arith.index_cast %add3A_460 : i32 to index
      %get3A_462 = arith.constant 0 : index
      %get3A_463 = tpu.vector_load %arg12[%get3A_461, %get3A_462] {strides = array<i32>} : memref<3200x16xf32, #tpu.memory_space<vmem>>, vector<1x16xf32>,
      %get3A_464 = vector.shape_cast %get3A_463 : vector<1x16xf32> to vector<16xf32>
      %add3A_465 = arith.addf %add3A_437, %get3A_464 : vector<16xf32>
      %add3A_466 = arith.constant 36 : i32
      %add3A_467 = arith.addi %mul3A_218, %add3A_466 : i32
      %get3A_468 = arith.index_cast %add3A_467 : i32 to index
      %get3A_469 = arith.constant 0 : index
      %get3A_470 = tpu.vector_load %arg12[%get3A_468, %get3A_469] {strides = array<i32>} : memref<3200x16xf32, #tpu.memory_space<vmem>>, vector<1x16xf32>,
      %get3A_471 = vector.shape_cast %get3A_470 : vector<1x16xf32> to vector<16xf32>
      %add3A_472 = arith.addf %add3A_444, %get3A_471 : vector<16xf32>
      %add3A_473 = arith.constant 37 : i32
      %add3A_474 = arith.addi %mul3A_218, %add3A_473 : i32
      %get3A_475 = arith.index_cast %add3A_474 : i32 to index
      %get3A_476 = arith.constant 0 : index
      %get3A_477 = tpu.vector_load %arg12[%get3A_475, %get3A_476] {strides = array<i32>} : memref<3200x16xf32, #tpu.memory_space<vmem>>, vector<1x16xf32>,
      %get3A_478 = vector.shape_cast %get3A_477 : vector<1x16xf32> to vector<16xf32>
      %add3A_479 = arith.addf %add3A_451, %get3A_478 : vector<16xf32>
      %add3A_480 = arith.constant 38 : i32
      %add3A_481 = arith.addi %mul3A_218, %add3A_480 : i32
      %get3A_482 = arith.index_cast %add3A_481 : i32 to index
      %get3A_483 = arith.constant 0 : index
      %get3A_484 = tpu.vector_load %arg12[%get3A_482, %get3A_483] {strides = array<i32>} : memref<3200x16xf32, #tpu.memory_space<vmem>>, vector<1x16xf32>,
      %get3A_485 = vector.shape_cast %get3A_484 : vector<1x16xf32> to vector<16xf32>
      %add3A_486 = arith.addf %add3A_458, %get3A_485 : vector<16xf32>
      %add3A_487 = arith.constant 39 : i32
      %add3A_488 = arith.addi %mul3A_218, %add3A_487 : i32
      %get3A_489 = arith.index_cast %add3A_488 : i32 to index
      %get3A_490 = arith.constant 0 : index
      %get3A_491 = tpu.vector_load %arg12[%get3A_489, %get3A_490] {strides = array<i32>} : memref<3200x16xf32, #tpu.memory_space<vmem>>, vector<1x16xf32>,
      %get3A_492 = vector.shape_cast %get3A_491 : vector<1x16xf32> to vector<16xf32>
      %add3A_493 = arith.addf %add3A_465, %get3A_492 : vector<16xf32>
      %add3A_494 = arith.constant 40 : i32
      %add3A_495 = arith.addi %mul3A_218, %add3A_494 : i32
      %get3A_496 = arith.index_cast %add3A_495 : i32 to index
      %get3A_497 = arith.constant 0 : index
      %get3A_498 = tpu.vector_load %arg12[%get3A_496, %get3A_497] {strides = array<i32>} : memref<3200x16xf32, #tpu.memory_space<vmem>>, vector<1x16xf32>,
      %get3A_499 = vector.shape_cast %get3A_498 : vector<1x16xf32> to vector<16xf32>
      %add3A_500 = arith.addf %add3A_472, %get3A_499 : vector<16xf32>
      %add3A_501 = arith.constant 41 : i32
      %add3A_502 = arith.addi %mul3A_218, %add3A_501 : i32
      %get3A_503 = arith.index_cast %add3A_502 : i32 to index
      %get3A_504 = arith.constant 0 : index
      %get3A_505 = tpu.vector_load %arg12[%get3A_503, %get3A_504] {strides = array<i32>} : memref<3200x16xf32, #tpu.memory_space<vmem>>, vector<1x16xf32>,
      %get3A_506 = vector.shape_cast %get3A_505 : vector<1x16xf32> to vector<16xf32>
      %add3A_507 = arith.addf %add3A_479, %get3A_506 : vector<16xf32>
      %add3A_508 = arith.constant 42 : i32
      %add3A_509 = arith.addi %mul3A_218, %add3A_508 : i32
      %get3A_510 = arith.index_cast %add3A_509 : i32 to index
      %get3A_511 = arith.constant 0 : index
      %get3A_512 = tpu.vector_load %arg12[%get3A_510, %get3A_511] {strides = array<i32>} : memref<3200x16xf32, #tpu.memory_space<vmem>>, vector<1x16xf32>,
      %get3A_513 = vector.shape_cast %get3A_512 : vector<1x16xf32> to vector<16xf32>
      %add3A_514 = arith.addf %add3A_486, %get3A_513 : vector<16xf32>
      %add3A_515 = arith.constant 43 : i32
      %add3A_516 = arith.addi %mul3A_218, %add3A_515 : i32
      %get3A_517 = arith.index_cast %add3A_516 : i32 to index
      %get3A_518 = arith.constant 0 : index
      %get3A_519 = tpu.vector_load %arg12[%get3A_517, %get3A_518] {strides = array<i32>} : memref<3200x16xf32, #tpu.memory_space<vmem>>, vector<1x16xf32>,
      %get3A_520 = vector.shape_cast %get3A_519 : vector<1x16xf32> to vector<16xf32>
      %add3A_521 = arith.addf %add3A_493, %get3A_520 : vector<16xf32>
      %add3A_522 = arith.constant 44 : i32
      %add3A_523 = arith.addi %mul3A_218, %add3A_522 : i32
      %get3A_524 = arith.index_cast %add3A_523 : i32 to index
      %get3A_525 = arith.constant 0 : index
      %get3A_526 = tpu.vector_load %arg12[%get3A_524, %get3A_525] {strides = array<i32>} : memref<3200x16xf32, #tpu.memory_space<vmem>>, vector<1x16xf32>,
      %get3A_527 = vector.shape_cast %get3A_526 : vector<1x16xf32> to vector<16xf32>
      %add3A_528 = arith.addf %add3A_500, %get3A_527 : vector<16xf32>
      %add3A_529 = arith.constant 45 : i32
      %add3A_530 = arith.addi %mul3A_218, %add3A_529 : i32
      %get3A_531 = arith.index_cast %add3A_530 : i32 to index
      %get3A_532 = arith.constant 0 : index
      %get3A_533 = tpu.vector_load %arg12[%get3A_531, %get3A_532] {strides = array<i32>} : memref<3200x16xf32, #tpu.memory_space<vmem>>, vector<1x16xf32>,
      %get3A_534 = vector.shape_cast %get3A_533 : vector<1x16xf32> to vector<16xf32>
      %add3A_535 = arith.addf %add3A_507, %get3A_534 : vector<16xf32>
      %add3A_536 = arith.constant 46 : i32
      %add3A_537 = arith.addi %mul3A_218, %add3A_536 : i32
      %get3A_538 = arith.index_cast %add3A_537 : i32 to index
      %get3A_539 = arith.constant 0 : index
      %get3A_540 = tpu.vector_load %arg12[%get3A_538, %get3A_539] {strides = array<i32>} : memref<3200x16xf32, #tpu.memory_space<vmem>>, vector<1x16xf32>,
      %get3A_541 = vector.shape_cast %get3A_540 : vector<1x16xf32> to vector<16xf32>
      %add3A_542 = arith.addf %add3A_514, %get3A_541 : vector<16xf32>
      %add3A_543 = arith.constant 47 : i32
      %add3A_544 = arith.addi %mul3A_218, %add3A_543 : i32
      %get3A_545 = arith.index_cast %add3A_544 : i32 to index
      %get3A_546 = arith.constant 0 : index
      %get3A_547 = tpu.vector_load %arg12[%get3A_545, %get3A_546] {strides = array<i32>} : memref<3200x16xf32, #tpu.memory_space<vmem>>, vector<1x16xf32>,
      %get3A_548 = vector.shape_cast %get3A_547 : vector<1x16xf32> to vector<16xf32>
      %add3A_549 = arith.addf %add3A_521, %get3A_548 : vector<16xf32>
      %add3A_550 = arith.constant 48 : i32
      %add3A_551 = arith.addi %mul3A_218, %add3A_550 : i32
      %get3A_552 = arith.index_cast %add3A_551 : i32 to index
      %get3A_553 = arith.constant 0 : index
      %get3A_554 = tpu.vector_load %arg12[%get3A_552, %get3A_553] {strides = array<i32>} : memref<3200x16xf32, #tpu.memory_space<vmem>>, vector<1x16xf32>,
      %get3A_555 = vector.shape_cast %get3A_554 : vector<1x16xf32> to vector<16xf32>
      %add3A_556 = arith.addf %add3A_528, %get3A_555 : vector<16xf32>
      %add3A_557 = arith.constant 49 : i32
      %add3A_558 = arith.addi %mul3A_218, %add3A_557 : i32
      %get3A_559 = arith.index_cast %add3A_558 : i32 to index
      %get3A_560 = arith.constant 0 : index
      %get3A_561 = tpu.vector_load %arg12[%get3A_559, %get3A_560] {strides = array<i32>} : memref<3200x16xf32, #tpu.memory_space<vmem>>, vector<1x16xf32>,
      %get3A_562 = vector.shape_cast %get3A_561 : vector<1x16xf32> to vector<16xf32>
      %add3A_563 = arith.addf %add3A_535, %get3A_562 : vector<16xf32>
      %add3A_564 = arith.addf %add3A_556, %add3A_563 : vector<16xf32>
      %add3A_565 = arith.addf %add3A_542, %add3A_549 : vector<16xf32>
      %add3A_566 = arith.addf %add3A_564, %add3A_565 : vector<16xf32>
      %mul3A_567 = arith.constant 2.000000e-02 : f32
      %mul3A_568 = vector.broadcast %mul3A_567 : f32 to vector<16xf32>
      %mul3A_569 = arith.mulf %add3A_566, %mul3A_568 : vector<16xf32>
      %swap3A = arith.index_cast %scan3A_216 : i32 to index
      %swap3A_570 = arith.constant 0 : index
      %swap3A_571 = tpu.vector_load %arg14[%swap3A, %swap3A_570] {strides = array<i32>} : memref<64x16xf32, #tpu.memory_space<vmem>>, vector<1x16xf32>,
      %swap3A_572 = vector.shape_cast %swap3A_571 : vector<1x16xf32> to vector<16xf32>
      %swap3A_573 = vector.shape_cast %mul3A_569 : vector<16xf32> to vector<1x16xf32>
      tpu.vector_store %arg14[%swap3A, %swap3A_570], %swap3A_573 {strides = array<i32>} : memref<64x16xf32, #tpu.memory_space<vmem>>, vector<1x16xf32>,
    }
    %scan3A_61 = arith.constant 64 : i32
    %add3A_62 = arith.constant 0 : i32
    %add3A_63 = arith.addi %mul3A_2, %add3A_62 : i32
    "tpu.region"() ({
      %run_scoped3A = tpu.sem_alloc : memref<!tpu.dma_semaphore, #tpu.memory_space<semaphore_mem>>
      %dma_start3A_216 = arith.constant 0 : i32
      %dma_start3A_217 = tpu.memref_slice %arg7[%add3A_63, %dma_start3A_216] : memref<16384x16xf32, #tpu.memory_space<hbm>> -> memref<64x16xf32, #tpu.memory_space<hbm>>
      %dma_start3A_218 = arith.constant 0 : i32
      %dma_start3A_219 = tpu.memref_slice %arg7[%add3A_63, %dma_start3A_218] : memref<16384x16xf32, #tpu.memory_space<hbm>> -> memref<64x16xf32, #tpu.memory_space<hbm>>
      tpu.enqueue_dma source(%arg14 : memref<64x16xf32, #tpu.memory_space<vmem>>) target(%dma_start3A_219 : memref<64x16xf32, #tpu.memory_space<hbm>>) target_semaphore(%run_scoped3A : memref<!tpu.dma_semaphore, #tpu.memory_space<semaphore_mem>>)
      %dma_wait3A_220 = arith.constant 0 : i32
      %dma_wait3A_221 = tpu.memref_slice %arg7[%add3A_63, %dma_wait3A_220] : memref<16384x16xf32, #tpu.memory_space<hbm>> -> memref<64x16xf32, #tpu.memory_space<hbm>>
      %dma_wait3A_222 = arith.constant 0 : i32
      %dma_wait3A_223 = tpu.memref_slice %arg7[%add3A_63, %dma_wait3A_222] : memref<16384x16xf32, #tpu.memory_space<hbm>> -> memref<64x16xf32, #tpu.memory_space<hbm>>
      tpu.wait_dma2 semaphore(%run_scoped3A : memref<!tpu.dma_semaphore, #tpu.memory_space<semaphore_mem>>) src(%arg14 : memref<64x16xf32, #tpu.memory_space<vmem>>) dst(%dma_wait3A_223 : memref<64x16xf32, #tpu.memory_space<hbm>>)
      tpu.yield
    }) : () -> ()
    %add3A_64 = arith.constant 6400 : i32
    %add3A_65 = arith.addi %mul3A_4, %add3A_64 : i32
    "tpu.region"() ({
      %run_scoped3A = tpu.sem_alloc : memref<!tpu.dma_semaphore, #tpu.memory_space<semaphore_mem>>
      %dma_start3A_216 = tpu.memref_slice %arg3[%add3A_65] : memref<819200xi32, #tpu.memory_space<hbm>> -> memref<3200xi32, #tpu.memory_space<hbm>>
      %dma_start3A_217 = tpu.memref_slice %arg3[%add3A_65] : memref<819200xi32, #tpu.memory_space<hbm>> -> memref<3200xi32, #tpu.memory_space<hbm>>
      tpu.enqueue_dma source(%dma_start3A_217 : memref<3200xi32, #tpu.memory_space<hbm>>) target(%arg10 : memref<3200xi32, #tpu.memory_space<vmem>>) target_semaphore(%run_scoped3A : memref<!tpu.dma_semaphore, #tpu.memory_space<semaphore_mem>>)
      %dma_wait3A_218 = tpu.memref_slice %arg3[%add3A_65] : memref<819200xi32, #tpu.memory_space<hbm>> -> memref<3200xi32, #tpu.memory_space<hbm>>
      %dma_wait3A_219 = tpu.memref_slice %arg3[%add3A_65] : memref<819200xi32, #tpu.memory_space<hbm>> -> memref<3200xi32, #tpu.memory_space<hbm>>
      tpu.wait_dma2 semaphore(%run_scoped3A : memref<!tpu.dma_semaphore, #tpu.memory_space<semaphore_mem>>) src(%dma_wait3A_219 : memref<3200xi32, #tpu.memory_space<hbm>>) dst(%arg10 : memref<3200xi32, #tpu.memory_space<vmem>>)
      tpu.yield
    }) : () -> ()
    %scan3A_66 = arith.constant 0 : i32
    %scan3A_67 = arith.constant 0 : i32
    %scan3A_68 = arith.constant 25 : i32
    %scan3A_69 = arith.addi %scan3A_67, %scan3A_68 : i32
    %scan3A_70 = arith.constant 1 : i32
    scf.for %scan3A_216 = %scan3A_67 to %scan3A_69 step %scan3A_70  : i32 {
      %mul3A_217 = arith.constant 128 : i32
      %mul3A_218 = arith.muli %scan3A_216, %mul3A_217 : i32
      %mul3A_219 = arith.constant 128 : i32
      %mul3A_220 = arith.muli %scan3A_216, %mul3A_219 : i32
      %dma_start3A_221 = arith.constant 0 : i32
      %dma_start3A_222 = tpu.memref_slice %arg12[%mul3A_220, %dma_start3A_221] : memref<3200x16xf32, #tpu.memory_space<vmem>> -> memref<128x16xf32, #tpu.memory_space<vmem>>
      %dma_start3A_223 = tpu.memref_slice %arg10[%mul3A_218] : memref<3200xi32, #tpu.memory_space<vmem>> -> memref<128xi32, #tpu.memory_space<vmem>>
      %dma_start3A_224 = arith.constant 0 : i32
      %dma_start3A_225 = arith.constant 0 : i32
      %dma_start3A_226 = tpu.memref_slice %arg5[%dma_start3A_224, %dma_start3A_225] : memref<1000000x16xf32, #tpu.memory_space<hbm>> -> memref<1000000x16xf32, #tpu.memory_space<hbm>>
      tpu.enqueue_indirect_dma source(%dma_start3A_226 : memref<1000000x16xf32, #tpu.memory_space<hbm>>) target(%dma_start3A_222 : memref<128x16xf32, #tpu.memory_space<vmem>>) offsets(%dma_start3A_223 : memref<128xi32, #tpu.memory_space<vmem>>) semaphore(%arg16 : memref<!tpu.dma_semaphore, #tpu.memory_space<semaphore_mem>>)
    }
    %scan3A_71 = arith.constant 25 : i32
    %dma_wait3A_72 = arith.constant 0 : i32
    %dma_wait3A_73 = arith.constant 0 : i32
    %dma_wait3A_74 = tpu.memref_slice %arg5[%dma_wait3A_72, %dma_wait3A_73] : memref<1000000x16xf32, #tpu.memory_space<hbm>> -> memref<3200x16xf32, #tpu.memory_space<hbm>>
    %dma_wait3A_75 = arith.constant 0 : i32
    %dma_wait3A_76 = arith.constant 0 : i32
    %dma_wait3A_77 = tpu.memref_slice %arg5[%dma_wait3A_75, %dma_wait3A_76] : memref<1000000x16xf32, #tpu.memory_space<hbm>> -> memref<3200x16xf32, #tpu.memory_space<hbm>>
    tpu.wait_dma2 semaphore(%arg17 : memref<!tpu.dma_semaphore, #tpu.memory_space<semaphore_mem>>) src(%dma_wait3A_77 : memref<3200x16xf32, #tpu.memory_space<hbm>>) dst(%arg13 : memref<3200x16xf32, #tpu.memory_space<vmem>>)
    %scan3A_78 = arith.constant 0 : i32
    %scan3A_79 = arith.constant 0 : i32
    %scan3A_80 = arith.constant 64 : i32
    %scan3A_81 = arith.addi %scan3A_79, %scan3A_80 : i32
    %scan3A_82 = arith.constant 1 : i32
    scf.for %scan3A_216 = %scan3A_79 to %scan3A_81 step %scan3A_82  : i32 {
      %mul3A_217 = arith.constant 50 : i32
      %mul3A_218 = arith.muli %scan3A_216, %mul3A_217 : i32
      %add3A_219 = arith.constant 0 : i32
      %add3A_220 = arith.addi %mul3A_218, %add3A_219 : i32
      %get3A = arith.index_cast %add3A_220 : i32 to index
      %get3A_221 = arith.constant 0 : index
      %get3A_222 = tpu.vector_load %arg13[%get3A, %get3A_221] {strides = array<i32>} : memref<3200x16xf32, #tpu.memory_space<vmem>>, vector<1x16xf32>,
      %get3A_223 = vector.shape_cast %get3A_222 : vector<1x16xf32> to vector<16xf32>
      %add3A_224 = arith.constant 1 : i32
      %add3A_225 = arith.addi %mul3A_218, %add3A_224 : i32
      %get3A_226 = arith.index_cast %add3A_225 : i32 to index
      %get3A_227 = arith.constant 0 : index
      %get3A_228 = tpu.vector_load %arg13[%get3A_226, %get3A_227] {strides = array<i32>} : memref<3200x16xf32, #tpu.memory_space<vmem>>, vector<1x16xf32>,
      %get3A_229 = vector.shape_cast %get3A_228 : vector<1x16xf32> to vector<16xf32>
      %add3A_230 = arith.constant 2 : i32
      %add3A_231 = arith.addi %mul3A_218, %add3A_230 : i32
      %get3A_232 = arith.index_cast %add3A_231 : i32 to index
      %get3A_233 = arith.constant 0 : index
      %get3A_234 = tpu.vector_load %arg13[%get3A_232, %get3A_233] {strides = array<i32>} : memref<3200x16xf32, #tpu.memory_space<vmem>>, vector<1x16xf32>,
      %get3A_235 = vector.shape_cast %get3A_234 : vector<1x16xf32> to vector<16xf32>
      %add3A_236 = arith.constant 3 : i32
      %add3A_237 = arith.addi %mul3A_218, %add3A_236 : i32
      %get3A_238 = arith.index_cast %add3A_237 : i32 to index
      %get3A_239 = arith.constant 0 : index
      %get3A_240 = tpu.vector_load %arg13[%get3A_238, %get3A_239] {strides = array<i32>} : memref<3200x16xf32, #tpu.memory_space<vmem>>, vector<1x16xf32>,
      %get3A_241 = vector.shape_cast %get3A_240 : vector<1x16xf32> to vector<16xf32>
      %add3A_242 = arith.constant 4 : i32
      %add3A_243 = arith.addi %mul3A_218, %add3A_242 : i32
      %get3A_244 = arith.index_cast %add3A_243 : i32 to index
      %get3A_245 = arith.constant 0 : index
      %get3A_246 = tpu.vector_load %arg13[%get3A_244, %get3A_245] {strides = array<i32>} : memref<3200x16xf32, #tpu.memory_space<vmem>>, vector<1x16xf32>,
      %get3A_247 = vector.shape_cast %get3A_246 : vector<1x16xf32> to vector<16xf32>
      %add3A_248 = arith.addf %get3A_223, %get3A_247 : vector<16xf32>
      %add3A_249 = arith.constant 5 : i32
      %add3A_250 = arith.addi %mul3A_218, %add3A_249 : i32
      %get3A_251 = arith.index_cast %add3A_250 : i32 to index
      %get3A_252 = arith.constant 0 : index
      %get3A_253 = tpu.vector_load %arg13[%get3A_251, %get3A_252] {strides = array<i32>} : memref<3200x16xf32, #tpu.memory_space<vmem>>, vector<1x16xf32>,
      %get3A_254 = vector.shape_cast %get3A_253 : vector<1x16xf32> to vector<16xf32>
      %add3A_255 = arith.addf %get3A_229, %get3A_254 : vector<16xf32>
      %add3A_256 = arith.constant 6 : i32
      %add3A_257 = arith.addi %mul3A_218, %add3A_256 : i32
      %get3A_258 = arith.index_cast %add3A_257 : i32 to index
      %get3A_259 = arith.constant 0 : index
      %get3A_260 = tpu.vector_load %arg13[%get3A_258, %get3A_259] {strides = array<i32>} : memref<3200x16xf32, #tpu.memory_space<vmem>>, vector<1x16xf32>,
      %get3A_261 = vector.shape_cast %get3A_260 : vector<1x16xf32> to vector<16xf32>
      %add3A_262 = arith.addf %get3A_235, %get3A_261 : vector<16xf32>
      %add3A_263 = arith.constant 7 : i32
      %add3A_264 = arith.addi %mul3A_218, %add3A_263 : i32
      %get3A_265 = arith.index_cast %add3A_264 : i32 to index
      %get3A_266 = arith.constant 0 : index
      %get3A_267 = tpu.vector_load %arg13[%get3A_265, %get3A_266] {strides = array<i32>} : memref<3200x16xf32, #tpu.memory_space<vmem>>, vector<1x16xf32>,
      %get3A_268 = vector.shape_cast %get3A_267 : vector<1x16xf32> to vector<16xf32>
      %add3A_269 = arith.addf %get3A_241, %get3A_268 : vector<16xf32>
      %add3A_270 = arith.constant 8 : i32
      %add3A_271 = arith.addi %mul3A_218, %add3A_270 : i32
      %get3A_272 = arith.index_cast %add3A_271 : i32 to index
      %get3A_273 = arith.constant 0 : index
      %get3A_274 = tpu.vector_load %arg13[%get3A_272, %get3A_273] {strides = array<i32>} : memref<3200x16xf32, #tpu.memory_space<vmem>>, vector<1x16xf32>,
      %get3A_275 = vector.shape_cast %get3A_274 : vector<1x16xf32> to vector<16xf32>
      %add3A_276 = arith.addf %add3A_248, %get3A_275 : vector<16xf32>
      %add3A_277 = arith.constant 9 : i32
      %add3A_278 = arith.addi %mul3A_218, %add3A_277 : i32
      %get3A_279 = arith.index_cast %add3A_278 : i32 to index
      %get3A_280 = arith.constant 0 : index
      %get3A_281 = tpu.vector_load %arg13[%get3A_279, %get3A_280] {strides = array<i32>} : memref<3200x16xf32, #tpu.memory_space<vmem>>, vector<1x16xf32>,
      %get3A_282 = vector.shape_cast %get3A_281 : vector<1x16xf32> to vector<16xf32>
      %add3A_283 = arith.addf %add3A_255, %get3A_282 : vector<16xf32>
      %add3A_284 = arith.constant 10 : i32
      %add3A_285 = arith.addi %mul3A_218, %add3A_284 : i32
      %get3A_286 = arith.index_cast %add3A_285 : i32 to index
      %get3A_287 = arith.constant 0 : index
      %get3A_288 = tpu.vector_load %arg13[%get3A_286, %get3A_287] {strides = array<i32>} : memref<3200x16xf32, #tpu.memory_space<vmem>>, vector<1x16xf32>,
      %get3A_289 = vector.shape_cast %get3A_288 : vector<1x16xf32> to vector<16xf32>
      %add3A_290 = arith.addf %add3A_262, %get3A_289 : vector<16xf32>
      %add3A_291 = arith.constant 11 : i32
      %add3A_292 = arith.addi %mul3A_218, %add3A_291 : i32
      %get3A_293 = arith.index_cast %add3A_292 : i32 to index
      %get3A_294 = arith.constant 0 : index
      %get3A_295 = tpu.vector_load %arg13[%get3A_293, %get3A_294] {strides = array<i32>} : memref<3200x16xf32, #tpu.memory_space<vmem>>, vector<1x16xf32>,
      %get3A_296 = vector.shape_cast %get3A_295 : vector<1x16xf32> to vector<16xf32>
      %add3A_297 = arith.addf %add3A_269, %get3A_296 : vector<16xf32>
      %add3A_298 = arith.constant 12 : i32
      %add3A_299 = arith.addi %mul3A_218, %add3A_298 : i32
      %get3A_300 = arith.index_cast %add3A_299 : i32 to index
      %get3A_301 = arith.constant 0 : index
      %get3A_302 = tpu.vector_load %arg13[%get3A_300, %get3A_301] {strides = array<i32>} : memref<3200x16xf32, #tpu.memory_space<vmem>>, vector<1x16xf32>,
      %get3A_303 = vector.shape_cast %get3A_302 : vector<1x16xf32> to vector<16xf32>
      %add3A_304 = arith.addf %add3A_276, %get3A_303 : vector<16xf32>
      %add3A_305 = arith.constant 13 : i32
      %add3A_306 = arith.addi %mul3A_218, %add3A_305 : i32
      %get3A_307 = arith.index_cast %add3A_306 : i32 to index
      %get3A_308 = arith.constant 0 : index
      %get3A_309 = tpu.vector_load %arg13[%get3A_307, %get3A_308] {strides = array<i32>} : memref<3200x16xf32, #tpu.memory_space<vmem>>, vector<1x16xf32>,
      %get3A_310 = vector.shape_cast %get3A_309 : vector<1x16xf32> to vector<16xf32>
      %add3A_311 = arith.addf %add3A_283, %get3A_310 : vector<16xf32>
      %add3A_312 = arith.constant 14 : i32
      %add3A_313 = arith.addi %mul3A_218, %add3A_312 : i32
      %get3A_314 = arith.index_cast %add3A_313 : i32 to index
      %get3A_315 = arith.constant 0 : index
      %get3A_316 = tpu.vector_load %arg13[%get3A_314, %get3A_315] {strides = array<i32>} : memref<3200x16xf32, #tpu.memory_space<vmem>>, vector<1x16xf32>,
      %get3A_317 = vector.shape_cast %get3A_316 : vector<1x16xf32> to vector<16xf32>
      %add3A_318 = arith.addf %add3A_290, %get3A_317 : vector<16xf32>
      %add3A_319 = arith.constant 15 : i32
      %add3A_320 = arith.addi %mul3A_218, %add3A_319 : i32
      %get3A_321 = arith.index_cast %add3A_320 : i32 to index
      %get3A_322 = arith.constant 0 : index
      %get3A_323 = tpu.vector_load %arg13[%get3A_321, %get3A_322] {strides = array<i32>} : memref<3200x16xf32, #tpu.memory_space<vmem>>, vector<1x16xf32>,
      %get3A_324 = vector.shape_cast %get3A_323 : vector<1x16xf32> to vector<16xf32>
      %add3A_325 = arith.addf %add3A_297, %get3A_324 : vector<16xf32>
      %add3A_326 = arith.constant 16 : i32
      %add3A_327 = arith.addi %mul3A_218, %add3A_326 : i32
      %get3A_328 = arith.index_cast %add3A_327 : i32 to index
      %get3A_329 = arith.constant 0 : index
      %get3A_330 = tpu.vector_load %arg13[%get3A_328, %get3A_329] {strides = array<i32>} : memref<3200x16xf32, #tpu.memory_space<vmem>>, vector<1x16xf32>,
      %get3A_331 = vector.shape_cast %get3A_330 : vector<1x16xf32> to vector<16xf32>
      %add3A_332 = arith.addf %add3A_304, %get3A_331 : vector<16xf32>
      %add3A_333 = arith.constant 17 : i32
      %add3A_334 = arith.addi %mul3A_218, %add3A_333 : i32
      %get3A_335 = arith.index_cast %add3A_334 : i32 to index
      %get3A_336 = arith.constant 0 : index
      %get3A_337 = tpu.vector_load %arg13[%get3A_335, %get3A_336] {strides = array<i32>} : memref<3200x16xf32, #tpu.memory_space<vmem>>, vector<1x16xf32>,
      %get3A_338 = vector.shape_cast %get3A_337 : vector<1x16xf32> to vector<16xf32>
      %add3A_339 = arith.addf %add3A_311, %get3A_338 : vector<16xf32>
      %add3A_340 = arith.constant 18 : i32
      %add3A_341 = arith.addi %mul3A_218, %add3A_340 : i32
      %get3A_342 = arith.index_cast %add3A_341 : i32 to index
      %get3A_343 = arith.constant 0 : index
      %get3A_344 = tpu.vector_load %arg13[%get3A_342, %get3A_343] {strides = array<i32>} : memref<3200x16xf32, #tpu.memory_space<vmem>>, vector<1x16xf32>,
      %get3A_345 = vector.shape_cast %get3A_344 : vector<1x16xf32> to vector<16xf32>
      %add3A_346 = arith.addf %add3A_318, %get3A_345 : vector<16xf32>
      %add3A_347 = arith.constant 19 : i32
      %add3A_348 = arith.addi %mul3A_218, %add3A_347 : i32
      %get3A_349 = arith.index_cast %add3A_348 : i32 to index
      %get3A_350 = arith.constant 0 : index
      %get3A_351 = tpu.vector_load %arg13[%get3A_349, %get3A_350] {strides = array<i32>} : memref<3200x16xf32, #tpu.memory_space<vmem>>, vector<1x16xf32>,
      %get3A_352 = vector.shape_cast %get3A_351 : vector<1x16xf32> to vector<16xf32>
      %add3A_353 = arith.addf %add3A_325, %get3A_352 : vector<16xf32>
      %add3A_354 = arith.constant 20 : i32
      %add3A_355 = arith.addi %mul3A_218, %add3A_354 : i32
      %get3A_356 = arith.index_cast %add3A_355 : i32 to index
      %get3A_357 = arith.constant 0 : index
      %get3A_358 = tpu.vector_load %arg13[%get3A_356, %get3A_357] {strides = array<i32>} : memref<3200x16xf32, #tpu.memory_space<vmem>>, vector<1x16xf32>,
      %get3A_359 = vector.shape_cast %get3A_358 : vector<1x16xf32> to vector<16xf32>
      %add3A_360 = arith.addf %add3A_332, %get3A_359 : vector<16xf32>
      %add3A_361 = arith.constant 21 : i32
      %add3A_362 = arith.addi %mul3A_218, %add3A_361 : i32
      %get3A_363 = arith.index_cast %add3A_362 : i32 to index
      %get3A_364 = arith.constant 0 : index
      %get3A_365 = tpu.vector_load %arg13[%get3A_363, %get3A_364] {strides = array<i32>} : memref<3200x16xf32, #tpu.memory_space<vmem>>, vector<1x16xf32>,
      %get3A_366 = vector.shape_cast %get3A_365 : vector<1x16xf32> to vector<16xf32>
      %add3A_367 = arith.addf %add3A_339, %get3A_366 : vector<16xf32>
      %add3A_368 = arith.constant 22 : i32
      %add3A_369 = arith.addi %mul3A_218, %add3A_368 : i32
      %get3A_370 = arith.index_cast %add3A_369 : i32 to index
      %get3A_371 = arith.constant 0 : index
      %get3A_372 = tpu.vector_load %arg13[%get3A_370, %get3A_371] {strides = array<i32>} : memref<3200x16xf32, #tpu.memory_space<vmem>>, vector<1x16xf32>,
      %get3A_373 = vector.shape_cast %get3A_372 : vector<1x16xf32> to vector<16xf32>
      %add3A_374 = arith.addf %add3A_346, %get3A_373 : vector<16xf32>
      %add3A_375 = arith.constant 23 : i32
      %add3A_376 = arith.addi %mul3A_218, %add3A_375 : i32
      %get3A_377 = arith.index_cast %add3A_376 : i32 to index
      %get3A_378 = arith.constant 0 : index
      %get3A_379 = tpu.vector_load %arg13[%get3A_377, %get3A_378] {strides = array<i32>} : memref<3200x16xf32, #tpu.memory_space<vmem>>, vector<1x16xf32>,
      %get3A_380 = vector.shape_cast %get3A_379 : vector<1x16xf32> to vector<16xf32>
      %add3A_381 = arith.addf %add3A_353, %get3A_380 : vector<16xf32>
      %add3A_382 = arith.constant 24 : i32
      %add3A_383 = arith.addi %mul3A_218, %add3A_382 : i32
      %get3A_384 = arith.index_cast %add3A_383 : i32 to index
      %get3A_385 = arith.constant 0 : index
      %get3A_386 = tpu.vector_load %arg13[%get3A_384, %get3A_385] {strides = array<i32>} : memref<3200x16xf32, #tpu.memory_space<vmem>>, vector<1x16xf32>,
      %get3A_387 = vector.shape_cast %get3A_386 : vector<1x16xf32> to vector<16xf32>
      %add3A_388 = arith.addf %add3A_360, %get3A_387 : vector<16xf32>
      %add3A_389 = arith.constant 25 : i32
      %add3A_390 = arith.addi %mul3A_218, %add3A_389 : i32
      %get3A_391 = arith.index_cast %add3A_390 : i32 to index
      %get3A_392 = arith.constant 0 : index
      %get3A_393 = tpu.vector_load %arg13[%get3A_391, %get3A_392] {strides = array<i32>} : memref<3200x16xf32, #tpu.memory_space<vmem>>, vector<1x16xf32>,
      %get3A_394 = vector.shape_cast %get3A_393 : vector<1x16xf32> to vector<16xf32>
      %add3A_395 = arith.addf %add3A_367, %get3A_394 : vector<16xf32>
      %add3A_396 = arith.constant 26 : i32
      %add3A_397 = arith.addi %mul3A_218, %add3A_396 : i32
      %get3A_398 = arith.index_cast %add3A_397 : i32 to index
      %get3A_399 = arith.constant 0 : index
      %get3A_400 = tpu.vector_load %arg13[%get3A_398, %get3A_399] {strides = array<i32>} : memref<3200x16xf32, #tpu.memory_space<vmem>>, vector<1x16xf32>,
      %get3A_401 = vector.shape_cast %get3A_400 : vector<1x16xf32> to vector<16xf32>
      %add3A_402 = arith.addf %add3A_374, %get3A_401 : vector<16xf32>
      %add3A_403 = arith.constant 27 : i32
      %add3A_404 = arith.addi %mul3A_218, %add3A_403 : i32
      %get3A_405 = arith.index_cast %add3A_404 : i32 to index
      %get3A_406 = arith.constant 0 : index
      %get3A_407 = tpu.vector_load %arg13[%get3A_405, %get3A_406] {strides = array<i32>} : memref<3200x16xf32, #tpu.memory_space<vmem>>, vector<1x16xf32>,
      %get3A_408 = vector.shape_cast %get3A_407 : vector<1x16xf32> to vector<16xf32>
      %add3A_409 = arith.addf %add3A_381, %get3A_408 : vector<16xf32>
      %add3A_410 = arith.constant 28 : i32
      %add3A_411 = arith.addi %mul3A_218, %add3A_410 : i32
      %get3A_412 = arith.index_cast %add3A_411 : i32 to index
      %get3A_413 = arith.constant 0 : index
      %get3A_414 = tpu.vector_load %arg13[%get3A_412, %get3A_413] {strides = array<i32>} : memref<3200x16xf32, #tpu.memory_space<vmem>>, vector<1x16xf32>,
      %get3A_415 = vector.shape_cast %get3A_414 : vector<1x16xf32> to vector<16xf32>
      %add3A_416 = arith.addf %add3A_388, %get3A_415 : vector<16xf32>
      %add3A_417 = arith.constant 29 : i32
      %add3A_418 = arith.addi %mul3A_218, %add3A_417 : i32
      %get3A_419 = arith.index_cast %add3A_418 : i32 to index
      %get3A_420 = arith.constant 0 : index
      %get3A_421 = tpu.vector_load %arg13[%get3A_419, %get3A_420] {strides = array<i32>} : memref<3200x16xf32, #tpu.memory_space<vmem>>, vector<1x16xf32>,
      %get3A_422 = vector.shape_cast %get3A_421 : vector<1x16xf32> to vector<16xf32>
      %add3A_423 = arith.addf %add3A_395, %get3A_422 : vector<16xf32>
      %add3A_424 = arith.constant 30 : i32
      %add3A_425 = arith.addi %mul3A_218, %add3A_424 : i32
      %get3A_426 = arith.index_cast %add3A_425 : i32 to index
      %get3A_427 = arith.constant 0 : index
      %get3A_428 = tpu.vector_load %arg13[%get3A_426, %get3A_427] {strides = array<i32>} : memref<3200x16xf32, #tpu.memory_space<vmem>>, vector<1x16xf32>,
      %get3A_429 = vector.shape_cast %get3A_428 : vector<1x16xf32> to vector<16xf32>
      %add3A_430 = arith.addf %add3A_402, %get3A_429 : vector<16xf32>
      %add3A_431 = arith.constant 31 : i32
      %add3A_432 = arith.addi %mul3A_218, %add3A_431 : i32
      %get3A_433 = arith.index_cast %add3A_432 : i32 to index
      %get3A_434 = arith.constant 0 : index
      %get3A_435 = tpu.vector_load %arg13[%get3A_433, %get3A_434] {strides = array<i32>} : memref<3200x16xf32, #tpu.memory_space<vmem>>, vector<1x16xf32>,
      %get3A_436 = vector.shape_cast %get3A_435 : vector<1x16xf32> to vector<16xf32>
      %add3A_437 = arith.addf %add3A_409, %get3A_436 : vector<16xf32>
      %add3A_438 = arith.constant 32 : i32
      %add3A_439 = arith.addi %mul3A_218, %add3A_438 : i32
      %get3A_440 = arith.index_cast %add3A_439 : i32 to index
      %get3A_441 = arith.constant 0 : index
      %get3A_442 = tpu.vector_load %arg13[%get3A_440, %get3A_441] {strides = array<i32>} : memref<3200x16xf32, #tpu.memory_space<vmem>>, vector<1x16xf32>,
      %get3A_443 = vector.shape_cast %get3A_442 : vector<1x16xf32> to vector<16xf32>
      %add3A_444 = arith.addf %add3A_416, %get3A_443 : vector<16xf32>
      %add3A_445 = arith.constant 33 : i32
      %add3A_446 = arith.addi %mul3A_218, %add3A_445 : i32
      %get3A_447 = arith.index_cast %add3A_446 : i32 to index
      %get3A_448 = arith.constant 0 : index
      %get3A_449 = tpu.vector_load %arg13[%get3A_447, %get3A_448] {strides = array<i32>} : memref<3200x16xf32, #tpu.memory_space<vmem>>, vector<1x16xf32>,
      %get3A_450 = vector.shape_cast %get3A_449 : vector<1x16xf32> to vector<16xf32>
      %add3A_451 = arith.addf %add3A_423, %get3A_450 : vector<16xf32>
      %add3A_452 = arith.constant 34 : i32
      %add3A_453 = arith.addi %mul3A_218, %add3A_452 : i32
      %get3A_454 = arith.index_cast %add3A_453 : i32 to index
      %get3A_455 = arith.constant 0 : index
      %get3A_456 = tpu.vector_load %arg13[%get3A_454, %get3A_455] {strides = array<i32>} : memref<3200x16xf32, #tpu.memory_space<vmem>>, vector<1x16xf32>,
      %get3A_457 = vector.shape_cast %get3A_456 : vector<1x16xf32> to vector<16xf32>
      %add3A_458 = arith.addf %add3A_430, %get3A_457 : vector<16xf32>
      %add3A_459 = arith.constant 35 : i32
      %add3A_460 = arith.addi %mul3A_218, %add3A_459 : i32
      %get3A_461 = arith.index_cast %add3A_460 : i32 to index
      %get3A_462 = arith.constant 0 : index
      %get3A_463 = tpu.vector_load %arg13[%get3A_461, %get3A_462] {strides = array<i32>} : memref<3200x16xf32, #tpu.memory_space<vmem>>, vector<1x16xf32>,
      %get3A_464 = vector.shape_cast %get3A_463 : vector<1x16xf32> to vector<16xf32>
      %add3A_465 = arith.addf %add3A_437, %get3A_464 : vector<16xf32>
      %add3A_466 = arith.constant 36 : i32
      %add3A_467 = arith.addi %mul3A_218, %add3A_466 : i32
      %get3A_468 = arith.index_cast %add3A_467 : i32 to index
      %get3A_469 = arith.constant 0 : index
      %get3A_470 = tpu.vector_load %arg13[%get3A_468, %get3A_469] {strides = array<i32>} : memref<3200x16xf32, #tpu.memory_space<vmem>>, vector<1x16xf32>,
      %get3A_471 = vector.shape_cast %get3A_470 : vector<1x16xf32> to vector<16xf32>
      %add3A_472 = arith.addf %add3A_444, %get3A_471 : vector<16xf32>
      %add3A_473 = arith.constant 37 : i32
      %add3A_474 = arith.addi %mul3A_218, %add3A_473 : i32
      %get3A_475 = arith.index_cast %add3A_474 : i32 to index
      %get3A_476 = arith.constant 0 : index
      %get3A_477 = tpu.vector_load %arg13[%get3A_475, %get3A_476] {strides = array<i32>} : memref<3200x16xf32, #tpu.memory_space<vmem>>, vector<1x16xf32>,
      %get3A_478 = vector.shape_cast %get3A_477 : vector<1x16xf32> to vector<16xf32>
      %add3A_479 = arith.addf %add3A_451, %get3A_478 : vector<16xf32>
      %add3A_480 = arith.constant 38 : i32
      %add3A_481 = arith.addi %mul3A_218, %add3A_480 : i32
      %get3A_482 = arith.index_cast %add3A_481 : i32 to index
      %get3A_483 = arith.constant 0 : index
      %get3A_484 = tpu.vector_load %arg13[%get3A_482, %get3A_483] {strides = array<i32>} : memref<3200x16xf32, #tpu.memory_space<vmem>>, vector<1x16xf32>,
      %get3A_485 = vector.shape_cast %get3A_484 : vector<1x16xf32> to vector<16xf32>
      %add3A_486 = arith.addf %add3A_458, %get3A_485 : vector<16xf32>
      %add3A_487 = arith.constant 39 : i32
      %add3A_488 = arith.addi %mul3A_218, %add3A_487 : i32
      %get3A_489 = arith.index_cast %add3A_488 : i32 to index
      %get3A_490 = arith.constant 0 : index
      %get3A_491 = tpu.vector_load %arg13[%get3A_489, %get3A_490] {strides = array<i32>} : memref<3200x16xf32, #tpu.memory_space<vmem>>, vector<1x16xf32>,
      %get3A_492 = vector.shape_cast %get3A_491 : vector<1x16xf32> to vector<16xf32>
      %add3A_493 = arith.addf %add3A_465, %get3A_492 : vector<16xf32>
      %add3A_494 = arith.constant 40 : i32
      %add3A_495 = arith.addi %mul3A_218, %add3A_494 : i32
      %get3A_496 = arith.index_cast %add3A_495 : i32 to index
      %get3A_497 = arith.constant 0 : index
      %get3A_498 = tpu.vector_load %arg13[%get3A_496, %get3A_497] {strides = array<i32>} : memref<3200x16xf32, #tpu.memory_space<vmem>>, vector<1x16xf32>,
      %get3A_499 = vector.shape_cast %get3A_498 : vector<1x16xf32> to vector<16xf32>
      %add3A_500 = arith.addf %add3A_472, %get3A_499 : vector<16xf32>
      %add3A_501 = arith.constant 41 : i32
      %add3A_502 = arith.addi %mul3A_218, %add3A_501 : i32
      %get3A_503 = arith.index_cast %add3A_502 : i32 to index
      %get3A_504 = arith.constant 0 : index
      %get3A_505 = tpu.vector_load %arg13[%get3A_503, %get3A_504] {strides = array<i32>} : memref<3200x16xf32, #tpu.memory_space<vmem>>, vector<1x16xf32>,
      %get3A_506 = vector.shape_cast %get3A_505 : vector<1x16xf32> to vector<16xf32>
      %add3A_507 = arith.addf %add3A_479, %get3A_506 : vector<16xf32>
      %add3A_508 = arith.constant 42 : i32
      %add3A_509 = arith.addi %mul3A_218, %add3A_508 : i32
      %get3A_510 = arith.index_cast %add3A_509 : i32 to index
      %get3A_511 = arith.constant 0 : index
      %get3A_512 = tpu.vector_load %arg13[%get3A_510, %get3A_511] {strides = array<i32>} : memref<3200x16xf32, #tpu.memory_space<vmem>>, vector<1x16xf32>,
      %get3A_513 = vector.shape_cast %get3A_512 : vector<1x16xf32> to vector<16xf32>
      %add3A_514 = arith.addf %add3A_486, %get3A_513 : vector<16xf32>
      %add3A_515 = arith.constant 43 : i32
      %add3A_516 = arith.addi %mul3A_218, %add3A_515 : i32
      %get3A_517 = arith.index_cast %add3A_516 : i32 to index
      %get3A_518 = arith.constant 0 : index
      %get3A_519 = tpu.vector_load %arg13[%get3A_517, %get3A_518] {strides = array<i32>} : memref<3200x16xf32, #tpu.memory_space<vmem>>, vector<1x16xf32>,
      %get3A_520 = vector.shape_cast %get3A_519 : vector<1x16xf32> to vector<16xf32>
      %add3A_521 = arith.addf %add3A_493, %get3A_520 : vector<16xf32>
      %add3A_522 = arith.constant 44 : i32
      %add3A_523 = arith.addi %mul3A_218, %add3A_522 : i32
      %get3A_524 = arith.index_cast %add3A_523 : i32 to index
      %get3A_525 = arith.constant 0 : index
      %get3A_526 = tpu.vector_load %arg13[%get3A_524, %get3A_525] {strides = array<i32>} : memref<3200x16xf32, #tpu.memory_space<vmem>>, vector<1x16xf32>,
      %get3A_527 = vector.shape_cast %get3A_526 : vector<1x16xf32> to vector<16xf32>
      %add3A_528 = arith.addf %add3A_500, %get3A_527 : vector<16xf32>
      %add3A_529 = arith.constant 45 : i32
      %add3A_530 = arith.addi %mul3A_218, %add3A_529 : i32
      %get3A_531 = arith.index_cast %add3A_530 : i32 to index
      %get3A_532 = arith.constant 0 : index
      %get3A_533 = tpu.vector_load %arg13[%get3A_531, %get3A_532] {strides = array<i32>} : memref<3200x16xf32, #tpu.memory_space<vmem>>, vector<1x16xf32>,
      %get3A_534 = vector.shape_cast %get3A_533 : vector<1x16xf32> to vector<16xf32>
      %add3A_535 = arith.addf %add3A_507, %get3A_534 : vector<16xf32>
      %add3A_536 = arith.constant 46 : i32
      %add3A_537 = arith.addi %mul3A_218, %add3A_536 : i32
      %get3A_538 = arith.index_cast %add3A_537 : i32 to index
      %get3A_539 = arith.constant 0 : index
      %get3A_540 = tpu.vector_load %arg13[%get3A_538, %get3A_539] {strides = array<i32>} : memref<3200x16xf32, #tpu.memory_space<vmem>>, vector<1x16xf32>,
      %get3A_541 = vector.shape_cast %get3A_540 : vector<1x16xf32> to vector<16xf32>
      %add3A_542 = arith.addf %add3A_514, %get3A_541 : vector<16xf32>
      %add3A_543 = arith.constant 47 : i32
      %add3A_544 = arith.addi %mul3A_218, %add3A_543 : i32
      %get3A_545 = arith.index_cast %add3A_544 : i32 to index
      %get3A_546 = arith.constant 0 : index
      %get3A_547 = tpu.vector_load %arg13[%get3A_545, %get3A_546] {strides = array<i32>} : memref<3200x16xf32, #tpu.memory_space<vmem>>, vector<1x16xf32>,
      %get3A_548 = vector.shape_cast %get3A_547 : vector<1x16xf32> to vector<16xf32>
      %add3A_549 = arith.addf %add3A_521, %get3A_548 : vector<16xf32>
      %add3A_550 = arith.constant 48 : i32
      %add3A_551 = arith.addi %mul3A_218, %add3A_550 : i32
      %get3A_552 = arith.index_cast %add3A_551 : i32 to index
      %get3A_553 = arith.constant 0 : index
      %get3A_554 = tpu.vector_load %arg13[%get3A_552, %get3A_553] {strides = array<i32>} : memref<3200x16xf32, #tpu.memory_space<vmem>>, vector<1x16xf32>,
      %get3A_555 = vector.shape_cast %get3A_554 : vector<1x16xf32> to vector<16xf32>
      %add3A_556 = arith.addf %add3A_528, %get3A_555 : vector<16xf32>
      %add3A_557 = arith.constant 49 : i32
      %add3A_558 = arith.addi %mul3A_218, %add3A_557 : i32
      %get3A_559 = arith.index_cast %add3A_558 : i32 to index
      %get3A_560 = arith.constant 0 : index
      %get3A_561 = tpu.vector_load %arg13[%get3A_559, %get3A_560] {strides = array<i32>} : memref<3200x16xf32, #tpu.memory_space<vmem>>, vector<1x16xf32>,
      %get3A_562 = vector.shape_cast %get3A_561 : vector<1x16xf32> to vector<16xf32>
      %add3A_563 = arith.addf %add3A_535, %get3A_562 : vector<16xf32>
      %add3A_564 = arith.addf %add3A_556, %add3A_563 : vector<16xf32>
      %add3A_565 = arith.addf %add3A_542, %add3A_549 : vector<16xf32>
      %add3A_566 = arith.addf %add3A_564, %add3A_565 : vector<16xf32>
      %mul3A_567 = arith.constant 2.000000e-02 : f32
      %mul3A_568 = vector.broadcast %mul3A_567 : f32 to vector<16xf32>
      %mul3A_569 = arith.mulf %add3A_566, %mul3A_568 : vector<16xf32>
      %swap3A = arith.index_cast %scan3A_216 : i32 to index
      %swap3A_570 = arith.constant 0 : index
      %swap3A_571 = tpu.vector_load %arg14[%swap3A, %swap3A_570] {strides = array<i32>} : memref<64x16xf32, #tpu.memory_space<vmem>>, vector<1x16xf32>,
      %swap3A_572 = vector.shape_cast %swap3A_571 : vector<1x16xf32> to vector<16xf32>
      %swap3A_573 = vector.shape_cast %mul3A_569 : vector<16xf32> to vector<1x16xf32>
      tpu.vector_store %arg14[%swap3A, %swap3A_570], %swap3A_573 {strides = array<i32>} : memref<64x16xf32, #tpu.memory_space<vmem>>, vector<1x16xf32>,
    }
    %scan3A_83 = arith.constant 64 : i32
    %add3A_84 = arith.constant 64 : i32
    %add3A_85 = arith.addi %mul3A_2, %add3A_84 : i32
    "tpu.region"() ({
      %run_scoped3A = tpu.sem_alloc : memref<!tpu.dma_semaphore, #tpu.memory_space<semaphore_mem>>
      %dma_start3A_216 = arith.constant 0 : i32
      %dma_start3A_217 = tpu.memref_slice %arg7[%add3A_85, %dma_start3A_216] : memref<16384x16xf32, #tpu.memory_space<hbm>> -> memref<64x16xf32, #tpu.memory_space<hbm>>
      %dma_start3A_218 = arith.constant 0 : i32
      %dma_start3A_219 = tpu.memref_slice %arg7[%add3A_85, %dma_start3A_218] : memref<16384x16xf32, #tpu.memory_space<hbm>> -> memref<64x16xf32, #tpu.memory_space<hbm>>
      tpu.enqueue_dma source(%arg14 : memref<64x16xf32, #tpu.memory_space<vmem>>) target(%dma_start3A_219 : memref<64x16xf32, #tpu.memory_space<hbm>>) target_semaphore(%run_scoped3A : memref<!tpu.dma_semaphore, #tpu.memory_space<semaphore_mem>>)
      %dma_wait3A_220 = arith.constant 0 : i32
      %dma_wait3A_221 = tpu.memref_slice %arg7[%add3A_85, %dma_wait3A_220] : memref<16384x16xf32, #tpu.memory_space<hbm>> -> memref<64x16xf32, #tpu.memory_space<hbm>>
      %dma_wait3A_222 = arith.constant 0 : i32
      %dma_wait3A_223 = tpu.memref_slice %arg7[%add3A_85, %dma_wait3A_222] : memref<16384x16xf32, #tpu.memory_space<hbm>> -> memref<64x16xf32, #tpu.memory_space<hbm>>
      tpu.wait_dma2 semaphore(%run_scoped3A : memref<!tpu.dma_semaphore, #tpu.memory_space<semaphore_mem>>) src(%arg14 : memref<64x16xf32, #tpu.memory_space<vmem>>) dst(%dma_wait3A_223 : memref<64x16xf32, #tpu.memory_space<hbm>>)
      tpu.yield
    }) : () -> ()
    %add3A_86 = arith.constant 9600 : i32
    %add3A_87 = arith.addi %mul3A_4, %add3A_86 : i32
    "tpu.region"() ({
      %run_scoped3A = tpu.sem_alloc : memref<!tpu.dma_semaphore, #tpu.memory_space<semaphore_mem>>
      %dma_start3A_216 = tpu.memref_slice %arg3[%add3A_87] : memref<819200xi32, #tpu.memory_space<hbm>> -> memref<3200xi32, #tpu.memory_space<hbm>>
      %dma_start3A_217 = tpu.memref_slice %arg3[%add3A_87] : memref<819200xi32, #tpu.memory_space<hbm>> -> memref<3200xi32, #tpu.memory_space<hbm>>
      tpu.enqueue_dma source(%dma_start3A_217 : memref<3200xi32, #tpu.memory_space<hbm>>) target(%arg11 : memref<3200xi32, #tpu.memory_space<vmem>>) target_semaphore(%run_scoped3A : memref<!tpu.dma_semaphore, #tpu.memory_space<semaphore_mem>>)
      %dma_wait3A_218 = tpu.memref_slice %arg3[%add3A_87] : memref<819200xi32, #tpu.memory_space<hbm>> -> memref<3200xi32, #tpu.memory_space<hbm>>
      %dma_wait3A_219 = tpu.memref_slice %arg3[%add3A_87] : memref<819200xi32, #tpu.memory_space<hbm>> -> memref<3200xi32, #tpu.memory_space<hbm>>
      tpu.wait_dma2 semaphore(%run_scoped3A : memref<!tpu.dma_semaphore, #tpu.memory_space<semaphore_mem>>) src(%dma_wait3A_219 : memref<3200xi32, #tpu.memory_space<hbm>>) dst(%arg11 : memref<3200xi32, #tpu.memory_space<vmem>>)
      tpu.yield
    }) : () -> ()
    %scan3A_88 = arith.constant 0 : i32
    %scan3A_89 = arith.constant 0 : i32
    %scan3A_90 = arith.constant 25 : i32
    %scan3A_91 = arith.addi %scan3A_89, %scan3A_90 : i32
    %scan3A_92 = arith.constant 1 : i32
    scf.for %scan3A_216 = %scan3A_89 to %scan3A_91 step %scan3A_92  : i32 {
      %mul3A_217 = arith.constant 128 : i32
      %mul3A_218 = arith.muli %scan3A_216, %mul3A_217 : i32
      %mul3A_219 = arith.constant 128 : i32
      %mul3A_220 = arith.muli %scan3A_216, %mul3A_219 : i32
      %dma_start3A_221 = arith.constant 0 : i32
      %dma_start3A_222 = tpu.memref_slice %arg13[%mul3A_220, %dma_start3A_221] : memref<3200x16xf32, #tpu.memory_space<vmem>> -> memref<128x16xf32, #tpu.memory_space<vmem>>
      %dma_start3A_223 = tpu.memref_slice %arg11[%mul3A_218] : memref<3200xi32, #tpu.memory_space<vmem>> -> memref<128xi32, #tpu.memory_space<vmem>>
      %dma_start3A_224 = arith.constant 0 : i32
      %dma_start3A_225 = arith.constant 0 : i32
      %dma_start3A_226 = tpu.memref_slice %arg5[%dma_start3A_224, %dma_start3A_225] : memref<1000000x16xf32, #tpu.memory_space<hbm>> -> memref<1000000x16xf32, #tpu.memory_space<hbm>>
      tpu.enqueue_indirect_dma source(%dma_start3A_226 : memref<1000000x16xf32, #tpu.memory_space<hbm>>) target(%dma_start3A_222 : memref<128x16xf32, #tpu.memory_space<vmem>>) offsets(%dma_start3A_223 : memref<128xi32, #tpu.memory_space<vmem>>) semaphore(%arg17 : memref<!tpu.dma_semaphore, #tpu.memory_space<semaphore_mem>>)
    }
    %scan3A_93 = arith.constant 25 : i32
    %dma_wait3A_94 = arith.constant 0 : i32
    %dma_wait3A_95 = arith.constant 0 : i32
    %dma_wait3A_96 = tpu.memref_slice %arg5[%dma_wait3A_94, %dma_wait3A_95] : memref<1000000x16xf32, #tpu.memory_space<hbm>> -> memref<3200x16xf32, #tpu.memory_space<hbm>>
    %dma_wait3A_97 = arith.constant 0 : i32
    %dma_wait3A_98 = arith.constant 0 : i32
    %dma_wait3A_99 = tpu.memref_slice %arg5[%dma_wait3A_97, %dma_wait3A_98] : memref<1000000x16xf32, #tpu.memory_space<hbm>> -> memref<3200x16xf32, #tpu.memory_space<hbm>>
    tpu.wait_dma2 semaphore(%arg16 : memref<!tpu.dma_semaphore, #tpu.memory_space<semaphore_mem>>) src(%dma_wait3A_99 : memref<3200x16xf32, #tpu.memory_space<hbm>>) dst(%arg12 : memref<3200x16xf32, #tpu.memory_space<vmem>>)
    %scan3A_100 = arith.constant 0 : i32
    %scan3A_101 = arith.constant 0 : i32
    %scan3A_102 = arith.constant 64 : i32
    %scan3A_103 = arith.addi %scan3A_101, %scan3A_102 : i32
    %scan3A_104 = arith.constant 1 : i32
    scf.for %scan3A_216 = %scan3A_101 to %scan3A_103 step %scan3A_104  : i32 {
      %mul3A_217 = arith.constant 50 : i32
      %mul3A_218 = arith.muli %scan3A_216, %mul3A_217 : i32
      %add3A_219 = arith.constant 0 : i32
      %add3A_220 = arith.addi %mul3A_218, %add3A_219 : i32
      %get3A = arith.index_cast %add3A_220 : i32 to index
      %get3A_221 = arith.constant 0 : index
      %get3A_222 = tpu.vector_load %arg12[%get3A, %get3A_221] {strides = array<i32>} : memref<3200x16xf32, #tpu.memory_space<vmem>>, vector<1x16xf32>,
      %get3A_223 = vector.shape_cast %get3A_222 : vector<1x16xf32> to vector<16xf32>
      %add3A_224 = arith.constant 1 : i32
      %add3A_225 = arith.addi %mul3A_218, %add3A_224 : i32
      %get3A_226 = arith.index_cast %add3A_225 : i32 to index
      %get3A_227 = arith.constant 0 : index
      %get3A_228 = tpu.vector_load %arg12[%get3A_226, %get3A_227] {strides = array<i32>} : memref<3200x16xf32, #tpu.memory_space<vmem>>, vector<1x16xf32>,
      %get3A_229 = vector.shape_cast %get3A_228 : vector<1x16xf32> to vector<16xf32>
      %add3A_230 = arith.constant 2 : i32
      %add3A_231 = arith.addi %mul3A_218, %add3A_230 : i32
      %get3A_232 = arith.index_cast %add3A_231 : i32 to index
      %get3A_233 = arith.constant 0 : index
      %get3A_234 = tpu.vector_load %arg12[%get3A_232, %get3A_233] {strides = array<i32>} : memref<3200x16xf32, #tpu.memory_space<vmem>>, vector<1x16xf32>,
      %get3A_235 = vector.shape_cast %get3A_234 : vector<1x16xf32> to vector<16xf32>
      %add3A_236 = arith.constant 3 : i32
      %add3A_237 = arith.addi %mul3A_218, %add3A_236 : i32
      %get3A_238 = arith.index_cast %add3A_237 : i32 to index
      %get3A_239 = arith.constant 0 : index
      %get3A_240 = tpu.vector_load %arg12[%get3A_238, %get3A_239] {strides = array<i32>} : memref<3200x16xf32, #tpu.memory_space<vmem>>, vector<1x16xf32>,
      %get3A_241 = vector.shape_cast %get3A_240 : vector<1x16xf32> to vector<16xf32>
      %add3A_242 = arith.constant 4 : i32
      %add3A_243 = arith.addi %mul3A_218, %add3A_242 : i32
      %get3A_244 = arith.index_cast %add3A_243 : i32 to index
      %get3A_245 = arith.constant 0 : index
      %get3A_246 = tpu.vector_load %arg12[%get3A_244, %get3A_245] {strides = array<i32>} : memref<3200x16xf32, #tpu.memory_space<vmem>>, vector<1x16xf32>,
      %get3A_247 = vector.shape_cast %get3A_246 : vector<1x16xf32> to vector<16xf32>
      %add3A_248 = arith.addf %get3A_223, %get3A_247 : vector<16xf32>
      %add3A_249 = arith.constant 5 : i32
      %add3A_250 = arith.addi %mul3A_218, %add3A_249 : i32
      %get3A_251 = arith.index_cast %add3A_250 : i32 to index
      %get3A_252 = arith.constant 0 : index
      %get3A_253 = tpu.vector_load %arg12[%get3A_251, %get3A_252] {strides = array<i32>} : memref<3200x16xf32, #tpu.memory_space<vmem>>, vector<1x16xf32>,
      %get3A_254 = vector.shape_cast %get3A_253 : vector<1x16xf32> to vector<16xf32>
      %add3A_255 = arith.addf %get3A_229, %get3A_254 : vector<16xf32>
      %add3A_256 = arith.constant 6 : i32
      %add3A_257 = arith.addi %mul3A_218, %add3A_256 : i32
      %get3A_258 = arith.index_cast %add3A_257 : i32 to index
      %get3A_259 = arith.constant 0 : index
      %get3A_260 = tpu.vector_load %arg12[%get3A_258, %get3A_259] {strides = array<i32>} : memref<3200x16xf32, #tpu.memory_space<vmem>>, vector<1x16xf32>,
      %get3A_261 = vector.shape_cast %get3A_260 : vector<1x16xf32> to vector<16xf32>
      %add3A_262 = arith.addf %get3A_235, %get3A_261 : vector<16xf32>
      %add3A_263 = arith.constant 7 : i32
      %add3A_264 = arith.addi %mul3A_218, %add3A_263 : i32
      %get3A_265 = arith.index_cast %add3A_264 : i32 to index
      %get3A_266 = arith.constant 0 : index
      %get3A_267 = tpu.vector_load %arg12[%get3A_265, %get3A_266] {strides = array<i32>} : memref<3200x16xf32, #tpu.memory_space<vmem>>, vector<1x16xf32>,
      %get3A_268 = vector.shape_cast %get3A_267 : vector<1x16xf32> to vector<16xf32>
      %add3A_269 = arith.addf %get3A_241, %get3A_268 : vector<16xf32>
      %add3A_270 = arith.constant 8 : i32
      %add3A_271 = arith.addi %mul3A_218, %add3A_270 : i32
      %get3A_272 = arith.index_cast %add3A_271 : i32 to index
      %get3A_273 = arith.constant 0 : index
      %get3A_274 = tpu.vector_load %arg12[%get3A_272, %get3A_273] {strides = array<i32>} : memref<3200x16xf32, #tpu.memory_space<vmem>>, vector<1x16xf32>,
      %get3A_275 = vector.shape_cast %get3A_274 : vector<1x16xf32> to vector<16xf32>
      %add3A_276 = arith.addf %add3A_248, %get3A_275 : vector<16xf32>
      %add3A_277 = arith.constant 9 : i32
      %add3A_278 = arith.addi %mul3A_218, %add3A_277 : i32
      %get3A_279 = arith.index_cast %add3A_278 : i32 to index
      %get3A_280 = arith.constant 0 : index
      %get3A_281 = tpu.vector_load %arg12[%get3A_279, %get3A_280] {strides = array<i32>} : memref<3200x16xf32, #tpu.memory_space<vmem>>, vector<1x16xf32>,
      %get3A_282 = vector.shape_cast %get3A_281 : vector<1x16xf32> to vector<16xf32>
      %add3A_283 = arith.addf %add3A_255, %get3A_282 : vector<16xf32>
      %add3A_284 = arith.constant 10 : i32
      %add3A_285 = arith.addi %mul3A_218, %add3A_284 : i32
      %get3A_286 = arith.index_cast %add3A_285 : i32 to index
      %get3A_287 = arith.constant 0 : index
      %get3A_288 = tpu.vector_load %arg12[%get3A_286, %get3A_287] {strides = array<i32>} : memref<3200x16xf32, #tpu.memory_space<vmem>>, vector<1x16xf32>,
      %get3A_289 = vector.shape_cast %get3A_288 : vector<1x16xf32> to vector<16xf32>
      %add3A_290 = arith.addf %add3A_262, %get3A_289 : vector<16xf32>
      %add3A_291 = arith.constant 11 : i32
      %add3A_292 = arith.addi %mul3A_218, %add3A_291 : i32
      %get3A_293 = arith.index_cast %add3A_292 : i32 to index
      %get3A_294 = arith.constant 0 : index
      %get3A_295 = tpu.vector_load %arg12[%get3A_293, %get3A_294] {strides = array<i32>} : memref<3200x16xf32, #tpu.memory_space<vmem>>, vector<1x16xf32>,
      %get3A_296 = vector.shape_cast %get3A_295 : vector<1x16xf32> to vector<16xf32>
      %add3A_297 = arith.addf %add3A_269, %get3A_296 : vector<16xf32>
      %add3A_298 = arith.constant 12 : i32
      %add3A_299 = arith.addi %mul3A_218, %add3A_298 : i32
      %get3A_300 = arith.index_cast %add3A_299 : i32 to index
      %get3A_301 = arith.constant 0 : index
      %get3A_302 = tpu.vector_load %arg12[%get3A_300, %get3A_301] {strides = array<i32>} : memref<3200x16xf32, #tpu.memory_space<vmem>>, vector<1x16xf32>,
      %get3A_303 = vector.shape_cast %get3A_302 : vector<1x16xf32> to vector<16xf32>
      %add3A_304 = arith.addf %add3A_276, %get3A_303 : vector<16xf32>
      %add3A_305 = arith.constant 13 : i32
      %add3A_306 = arith.addi %mul3A_218, %add3A_305 : i32
      %get3A_307 = arith.index_cast %add3A_306 : i32 to index
      %get3A_308 = arith.constant 0 : index
      %get3A_309 = tpu.vector_load %arg12[%get3A_307, %get3A_308] {strides = array<i32>} : memref<3200x16xf32, #tpu.memory_space<vmem>>, vector<1x16xf32>,
      %get3A_310 = vector.shape_cast %get3A_309 : vector<1x16xf32> to vector<16xf32>
      %add3A_311 = arith.addf %add3A_283, %get3A_310 : vector<16xf32>
      %add3A_312 = arith.constant 14 : i32
      %add3A_313 = arith.addi %mul3A_218, %add3A_312 : i32
      %get3A_314 = arith.index_cast %add3A_313 : i32 to index
      %get3A_315 = arith.constant 0 : index
      %get3A_316 = tpu.vector_load %arg12[%get3A_314, %get3A_315] {strides = array<i32>} : memref<3200x16xf32, #tpu.memory_space<vmem>>, vector<1x16xf32>,
      %get3A_317 = vector.shape_cast %get3A_316 : vector<1x16xf32> to vector<16xf32>
      %add3A_318 = arith.addf %add3A_290, %get3A_317 : vector<16xf32>
      %add3A_319 = arith.constant 15 : i32
      %add3A_320 = arith.addi %mul3A_218, %add3A_319 : i32
      %get3A_321 = arith.index_cast %add3A_320 : i32 to index
      %get3A_322 = arith.constant 0 : index
      %get3A_323 = tpu.vector_load %arg12[%get3A_321, %get3A_322] {strides = array<i32>} : memref<3200x16xf32, #tpu.memory_space<vmem>>, vector<1x16xf32>,
      %get3A_324 = vector.shape_cast %get3A_323 : vector<1x16xf32> to vector<16xf32>
      %add3A_325 = arith.addf %add3A_297, %get3A_324 : vector<16xf32>
      %add3A_326 = arith.constant 16 : i32
      %add3A_327 = arith.addi %mul3A_218, %add3A_326 : i32
      %get3A_328 = arith.index_cast %add3A_327 : i32 to index
      %get3A_329 = arith.constant 0 : index
      %get3A_330 = tpu.vector_load %arg12[%get3A_328, %get3A_329] {strides = array<i32>} : memref<3200x16xf32, #tpu.memory_space<vmem>>, vector<1x16xf32>,
      %get3A_331 = vector.shape_cast %get3A_330 : vector<1x16xf32> to vector<16xf32>
      %add3A_332 = arith.addf %add3A_304, %get3A_331 : vector<16xf32>
      %add3A_333 = arith.constant 17 : i32
      %add3A_334 = arith.addi %mul3A_218, %add3A_333 : i32
      %get3A_335 = arith.index_cast %add3A_334 : i32 to index
      %get3A_336 = arith.constant 0 : index
      %get3A_337 = tpu.vector_load %arg12[%get3A_335, %get3A_336] {strides = array<i32>} : memref<3200x16xf32, #tpu.memory_space<vmem>>, vector<1x16xf32>,
      %get3A_338 = vector.shape_cast %get3A_337 : vector<1x16xf32> to vector<16xf32>
      %add3A_339 = arith.addf %add3A_311, %get3A_338 : vector<16xf32>
      %add3A_340 = arith.constant 18 : i32
      %add3A_341 = arith.addi %mul3A_218, %add3A_340 : i32
      %get3A_342 = arith.index_cast %add3A_341 : i32 to index
      %get3A_343 = arith.constant 0 : index
      %get3A_344 = tpu.vector_load %arg12[%get3A_342, %get3A_343] {strides = array<i32>} : memref<3200x16xf32, #tpu.memory_space<vmem>>, vector<1x16xf32>,
      %get3A_345 = vector.shape_cast %get3A_344 : vector<1x16xf32> to vector<16xf32>
      %add3A_346 = arith.addf %add3A_318, %get3A_345 : vector<16xf32>
      %add3A_347 = arith.constant 19 : i32
      %add3A_348 = arith.addi %mul3A_218, %add3A_347 : i32
      %get3A_349 = arith.index_cast %add3A_348 : i32 to index
      %get3A_350 = arith.constant 0 : index
      %get3A_351 = tpu.vector_load %arg12[%get3A_349, %get3A_350] {strides = array<i32>} : memref<3200x16xf32, #tpu.memory_space<vmem>>, vector<1x16xf32>,
      %get3A_352 = vector.shape_cast %get3A_351 : vector<1x16xf32> to vector<16xf32>
      %add3A_353 = arith.addf %add3A_325, %get3A_352 : vector<16xf32>
      %add3A_354 = arith.constant 20 : i32
      %add3A_355 = arith.addi %mul3A_218, %add3A_354 : i32
      %get3A_356 = arith.index_cast %add3A_355 : i32 to index
      %get3A_357 = arith.constant 0 : index
      %get3A_358 = tpu.vector_load %arg12[%get3A_356, %get3A_357] {strides = array<i32>} : memref<3200x16xf32, #tpu.memory_space<vmem>>, vector<1x16xf32>,
      %get3A_359 = vector.shape_cast %get3A_358 : vector<1x16xf32> to vector<16xf32>
      %add3A_360 = arith.addf %add3A_332, %get3A_359 : vector<16xf32>
      %add3A_361 = arith.constant 21 : i32
      %add3A_362 = arith.addi %mul3A_218, %add3A_361 : i32
      %get3A_363 = arith.index_cast %add3A_362 : i32 to index
      %get3A_364 = arith.constant 0 : index
      %get3A_365 = tpu.vector_load %arg12[%get3A_363, %get3A_364] {strides = array<i32>} : memref<3200x16xf32, #tpu.memory_space<vmem>>, vector<1x16xf32>,
      %get3A_366 = vector.shape_cast %get3A_365 : vector<1x16xf32> to vector<16xf32>
      %add3A_367 = arith.addf %add3A_339, %get3A_366 : vector<16xf32>
      %add3A_368 = arith.constant 22 : i32
      %add3A_369 = arith.addi %mul3A_218, %add3A_368 : i32
      %get3A_370 = arith.index_cast %add3A_369 : i32 to index
      %get3A_371 = arith.constant 0 : index
      %get3A_372 = tpu.vector_load %arg12[%get3A_370, %get3A_371] {strides = array<i32>} : memref<3200x16xf32, #tpu.memory_space<vmem>>, vector<1x16xf32>,
      %get3A_373 = vector.shape_cast %get3A_372 : vector<1x16xf32> to vector<16xf32>
      %add3A_374 = arith.addf %add3A_346, %get3A_373 : vector<16xf32>
      %add3A_375 = arith.constant 23 : i32
      %add3A_376 = arith.addi %mul3A_218, %add3A_375 : i32
      %get3A_377 = arith.index_cast %add3A_376 : i32 to index
      %get3A_378 = arith.constant 0 : index
      %get3A_379 = tpu.vector_load %arg12[%get3A_377, %get3A_378] {strides = array<i32>} : memref<3200x16xf32, #tpu.memory_space<vmem>>, vector<1x16xf32>,
      %get3A_380 = vector.shape_cast %get3A_379 : vector<1x16xf32> to vector<16xf32>
      %add3A_381 = arith.addf %add3A_353, %get3A_380 : vector<16xf32>
      %add3A_382 = arith.constant 24 : i32
      %add3A_383 = arith.addi %mul3A_218, %add3A_382 : i32
      %get3A_384 = arith.index_cast %add3A_383 : i32 to index
      %get3A_385 = arith.constant 0 : index
      %get3A_386 = tpu.vector_load %arg12[%get3A_384, %get3A_385] {strides = array<i32>} : memref<3200x16xf32, #tpu.memory_space<vmem>>, vector<1x16xf32>,
      %get3A_387 = vector.shape_cast %get3A_386 : vector<1x16xf32> to vector<16xf32>
      %add3A_388 = arith.addf %add3A_360, %get3A_387 : vector<16xf32>
      %add3A_389 = arith.constant 25 : i32
      %add3A_390 = arith.addi %mul3A_218, %add3A_389 : i32
      %get3A_391 = arith.index_cast %add3A_390 : i32 to index
      %get3A_392 = arith.constant 0 : index
      %get3A_393 = tpu.vector_load %arg12[%get3A_391, %get3A_392] {strides = array<i32>} : memref<3200x16xf32, #tpu.memory_space<vmem>>, vector<1x16xf32>,
      %get3A_394 = vector.shape_cast %get3A_393 : vector<1x16xf32> to vector<16xf32>
      %add3A_395 = arith.addf %add3A_367, %get3A_394 : vector<16xf32>
      %add3A_396 = arith.constant 26 : i32
      %add3A_397 = arith.addi %mul3A_218, %add3A_396 : i32
      %get3A_398 = arith.index_cast %add3A_397 : i32 to index
      %get3A_399 = arith.constant 0 : index
      %get3A_400 = tpu.vector_load %arg12[%get3A_398, %get3A_399] {strides = array<i32>} : memref<3200x16xf32, #tpu.memory_space<vmem>>, vector<1x16xf32>,
      %get3A_401 = vector.shape_cast %get3A_400 : vector<1x16xf32> to vector<16xf32>
      %add3A_402 = arith.addf %add3A_374, %get3A_401 : vector<16xf32>
      %add3A_403 = arith.constant 27 : i32
      %add3A_404 = arith.addi %mul3A_218, %add3A_403 : i32
      %get3A_405 = arith.index_cast %add3A_404 : i32 to index
      %get3A_406 = arith.constant 0 : index
      %get3A_407 = tpu.vector_load %arg12[%get3A_405, %get3A_406] {strides = array<i32>} : memref<3200x16xf32, #tpu.memory_space<vmem>>, vector<1x16xf32>,
      %get3A_408 = vector.shape_cast %get3A_407 : vector<1x16xf32> to vector<16xf32>
      %add3A_409 = arith.addf %add3A_381, %get3A_408 : vector<16xf32>
      %add3A_410 = arith.constant 28 : i32
      %add3A_411 = arith.addi %mul3A_218, %add3A_410 : i32
      %get3A_412 = arith.index_cast %add3A_411 : i32 to index
      %get3A_413 = arith.constant 0 : index
      %get3A_414 = tpu.vector_load %arg12[%get3A_412, %get3A_413] {strides = array<i32>} : memref<3200x16xf32, #tpu.memory_space<vmem>>, vector<1x16xf32>,
      %get3A_415 = vector.shape_cast %get3A_414 : vector<1x16xf32> to vector<16xf32>
      %add3A_416 = arith.addf %add3A_388, %get3A_415 : vector<16xf32>
      %add3A_417 = arith.constant 29 : i32
      %add3A_418 = arith.addi %mul3A_218, %add3A_417 : i32
      %get3A_419 = arith.index_cast %add3A_418 : i32 to index
      %get3A_420 = arith.constant 0 : index
      %get3A_421 = tpu.vector_load %arg12[%get3A_419, %get3A_420] {strides = array<i32>} : memref<3200x16xf32, #tpu.memory_space<vmem>>, vector<1x16xf32>,
      %get3A_422 = vector.shape_cast %get3A_421 : vector<1x16xf32> to vector<16xf32>
      %add3A_423 = arith.addf %add3A_395, %get3A_422 : vector<16xf32>
      %add3A_424 = arith.constant 30 : i32
      %add3A_425 = arith.addi %mul3A_218, %add3A_424 : i32
      %get3A_426 = arith.index_cast %add3A_425 : i32 to index
      %get3A_427 = arith.constant 0 : index
      %get3A_428 = tpu.vector_load %arg12[%get3A_426, %get3A_427] {strides = array<i32>} : memref<3200x16xf32, #tpu.memory_space<vmem>>, vector<1x16xf32>,
      %get3A_429 = vector.shape_cast %get3A_428 : vector<1x16xf32> to vector<16xf32>
      %add3A_430 = arith.addf %add3A_402, %get3A_429 : vector<16xf32>
      %add3A_431 = arith.constant 31 : i32
      %add3A_432 = arith.addi %mul3A_218, %add3A_431 : i32
      %get3A_433 = arith.index_cast %add3A_432 : i32 to index
      %get3A_434 = arith.constant 0 : index
      %get3A_435 = tpu.vector_load %arg12[%get3A_433, %get3A_434] {strides = array<i32>} : memref<3200x16xf32, #tpu.memory_space<vmem>>, vector<1x16xf32>,
      %get3A_436 = vector.shape_cast %get3A_435 : vector<1x16xf32> to vector<16xf32>
      %add3A_437 = arith.addf %add3A_409, %get3A_436 : vector<16xf32>
      %add3A_438 = arith.constant 32 : i32
      %add3A_439 = arith.addi %mul3A_218, %add3A_438 : i32
      %get3A_440 = arith.index_cast %add3A_439 : i32 to index
      %get3A_441 = arith.constant 0 : index
      %get3A_442 = tpu.vector_load %arg12[%get3A_440, %get3A_441] {strides = array<i32>} : memref<3200x16xf32, #tpu.memory_space<vmem>>, vector<1x16xf32>,
      %get3A_443 = vector.shape_cast %get3A_442 : vector<1x16xf32> to vector<16xf32>
      %add3A_444 = arith.addf %add3A_416, %get3A_443 : vector<16xf32>
      %add3A_445 = arith.constant 33 : i32
      %add3A_446 = arith.addi %mul3A_218, %add3A_445 : i32
      %get3A_447 = arith.index_cast %add3A_446 : i32 to index
      %get3A_448 = arith.constant 0 : index
      %get3A_449 = tpu.vector_load %arg12[%get3A_447, %get3A_448] {strides = array<i32>} : memref<3200x16xf32, #tpu.memory_space<vmem>>, vector<1x16xf32>,
      %get3A_450 = vector.shape_cast %get3A_449 : vector<1x16xf32> to vector<16xf32>
      %add3A_451 = arith.addf %add3A_423, %get3A_450 : vector<16xf32>
      %add3A_452 = arith.constant 34 : i32
      %add3A_453 = arith.addi %mul3A_218, %add3A_452 : i32
      %get3A_454 = arith.index_cast %add3A_453 : i32 to index
      %get3A_455 = arith.constant 0 : index
      %get3A_456 = tpu.vector_load %arg12[%get3A_454, %get3A_455] {strides = array<i32>} : memref<3200x16xf32, #tpu.memory_space<vmem>>, vector<1x16xf32>,
      %get3A_457 = vector.shape_cast %get3A_456 : vector<1x16xf32> to vector<16xf32>
      %add3A_458 = arith.addf %add3A_430, %get3A_457 : vector<16xf32>
      %add3A_459 = arith.constant 35 : i32
      %add3A_460 = arith.addi %mul3A_218, %add3A_459 : i32
      %get3A_461 = arith.index_cast %add3A_460 : i32 to index
      %get3A_462 = arith.constant 0 : index
      %get3A_463 = tpu.vector_load %arg12[%get3A_461, %get3A_462] {strides = array<i32>} : memref<3200x16xf32, #tpu.memory_space<vmem>>, vector<1x16xf32>,
      %get3A_464 = vector.shape_cast %get3A_463 : vector<1x16xf32> to vector<16xf32>
      %add3A_465 = arith.addf %add3A_437, %get3A_464 : vector<16xf32>
      %add3A_466 = arith.constant 36 : i32
      %add3A_467 = arith.addi %mul3A_218, %add3A_466 : i32
      %get3A_468 = arith.index_cast %add3A_467 : i32 to index
      %get3A_469 = arith.constant 0 : index
      %get3A_470 = tpu.vector_load %arg12[%get3A_468, %get3A_469] {strides = array<i32>} : memref<3200x16xf32, #tpu.memory_space<vmem>>, vector<1x16xf32>,
      %get3A_471 = vector.shape_cast %get3A_470 : vector<1x16xf32> to vector<16xf32>
      %add3A_472 = arith.addf %add3A_444, %get3A_471 : vector<16xf32>
      %add3A_473 = arith.constant 37 : i32
      %add3A_474 = arith.addi %mul3A_218, %add3A_473 : i32
      %get3A_475 = arith.index_cast %add3A_474 : i32 to index
      %get3A_476 = arith.constant 0 : index
      %get3A_477 = tpu.vector_load %arg12[%get3A_475, %get3A_476] {strides = array<i32>} : memref<3200x16xf32, #tpu.memory_space<vmem>>, vector<1x16xf32>,
      %get3A_478 = vector.shape_cast %get3A_477 : vector<1x16xf32> to vector<16xf32>
      %add3A_479 = arith.addf %add3A_451, %get3A_478 : vector<16xf32>
      %add3A_480 = arith.constant 38 : i32
      %add3A_481 = arith.addi %mul3A_218, %add3A_480 : i32
      %get3A_482 = arith.index_cast %add3A_481 : i32 to index
      %get3A_483 = arith.constant 0 : index
      %get3A_484 = tpu.vector_load %arg12[%get3A_482, %get3A_483] {strides = array<i32>} : memref<3200x16xf32, #tpu.memory_space<vmem>>, vector<1x16xf32>,
      %get3A_485 = vector.shape_cast %get3A_484 : vector<1x16xf32> to vector<16xf32>
      %add3A_486 = arith.addf %add3A_458, %get3A_485 : vector<16xf32>
      %add3A_487 = arith.constant 39 : i32
      %add3A_488 = arith.addi %mul3A_218, %add3A_487 : i32
      %get3A_489 = arith.index_cast %add3A_488 : i32 to index
      %get3A_490 = arith.constant 0 : index
      %get3A_491 = tpu.vector_load %arg12[%get3A_489, %get3A_490] {strides = array<i32>} : memref<3200x16xf32, #tpu.memory_space<vmem>>, vector<1x16xf32>,
      %get3A_492 = vector.shape_cast %get3A_491 : vector<1x16xf32> to vector<16xf32>
      %add3A_493 = arith.addf %add3A_465, %get3A_492 : vector<16xf32>
      %add3A_494 = arith.constant 40 : i32
      %add3A_495 = arith.addi %mul3A_218, %add3A_494 : i32
      %get3A_496 = arith.index_cast %add3A_495 : i32 to index
      %get3A_497 = arith.constant 0 : index
      %get3A_498 = tpu.vector_load %arg12[%get3A_496, %get3A_497] {strides = array<i32>} : memref<3200x16xf32, #tpu.memory_space<vmem>>, vector<1x16xf32>,
      %get3A_499 = vector.shape_cast %get3A_498 : vector<1x16xf32> to vector<16xf32>
      %add3A_500 = arith.addf %add3A_472, %get3A_499 : vector<16xf32>
      %add3A_501 = arith.constant 41 : i32
      %add3A_502 = arith.addi %mul3A_218, %add3A_501 : i32
      %get3A_503 = arith.index_cast %add3A_502 : i32 to index
      %get3A_504 = arith.constant 0 : index
      %get3A_505 = tpu.vector_load %arg12[%get3A_503, %get3A_504] {strides = array<i32>} : memref<3200x16xf32, #tpu.memory_space<vmem>>, vector<1x16xf32>,
      %get3A_506 = vector.shape_cast %get3A_505 : vector<1x16xf32> to vector<16xf32>
      %add3A_507 = arith.addf %add3A_479, %get3A_506 : vector<16xf32>
      %add3A_508 = arith.constant 42 : i32
      %add3A_509 = arith.addi %mul3A_218, %add3A_508 : i32
      %get3A_510 = arith.index_cast %add3A_509 : i32 to index
      %get3A_511 = arith.constant 0 : index
      %get3A_512 = tpu.vector_load %arg12[%get3A_510, %get3A_511] {strides = array<i32>} : memref<3200x16xf32, #tpu.memory_space<vmem>>, vector<1x16xf32>,
      %get3A_513 = vector.shape_cast %get3A_512 : vector<1x16xf32> to vector<16xf32>
      %add3A_514 = arith.addf %add3A_486, %get3A_513 : vector<16xf32>
      %add3A_515 = arith.constant 43 : i32
      %add3A_516 = arith.addi %mul3A_218, %add3A_515 : i32
      %get3A_517 = arith.index_cast %add3A_516 : i32 to index
      %get3A_518 = arith.constant 0 : index
      %get3A_519 = tpu.vector_load %arg12[%get3A_517, %get3A_518] {strides = array<i32>} : memref<3200x16xf32, #tpu.memory_space<vmem>>, vector<1x16xf32>,
      %get3A_520 = vector.shape_cast %get3A_519 : vector<1x16xf32> to vector<16xf32>
      %add3A_521 = arith.addf %add3A_493, %get3A_520 : vector<16xf32>
      %add3A_522 = arith.constant 44 : i32
      %add3A_523 = arith.addi %mul3A_218, %add3A_522 : i32
      %get3A_524 = arith.index_cast %add3A_523 : i32 to index
      %get3A_525 = arith.constant 0 : index
      %get3A_526 = tpu.vector_load %arg12[%get3A_524, %get3A_525] {strides = array<i32>} : memref<3200x16xf32, #tpu.memory_space<vmem>>, vector<1x16xf32>,
      %get3A_527 = vector.shape_cast %get3A_526 : vector<1x16xf32> to vector<16xf32>
      %add3A_528 = arith.addf %add3A_500, %get3A_527 : vector<16xf32>
      %add3A_529 = arith.constant 45 : i32
      %add3A_530 = arith.addi %mul3A_218, %add3A_529 : i32
      %get3A_531 = arith.index_cast %add3A_530 : i32 to index
      %get3A_532 = arith.constant 0 : index
      %get3A_533 = tpu.vector_load %arg12[%get3A_531, %get3A_532] {strides = array<i32>} : memref<3200x16xf32, #tpu.memory_space<vmem>>, vector<1x16xf32>,
      %get3A_534 = vector.shape_cast %get3A_533 : vector<1x16xf32> to vector<16xf32>
      %add3A_535 = arith.addf %add3A_507, %get3A_534 : vector<16xf32>
      %add3A_536 = arith.constant 46 : i32
      %add3A_537 = arith.addi %mul3A_218, %add3A_536 : i32
      %get3A_538 = arith.index_cast %add3A_537 : i32 to index
      %get3A_539 = arith.constant 0 : index
      %get3A_540 = tpu.vector_load %arg12[%get3A_538, %get3A_539] {strides = array<i32>} : memref<3200x16xf32, #tpu.memory_space<vmem>>, vector<1x16xf32>,
      %get3A_541 = vector.shape_cast %get3A_540 : vector<1x16xf32> to vector<16xf32>
      %add3A_542 = arith.addf %add3A_514, %get3A_541 : vector<16xf32>
      %add3A_543 = arith.constant 47 : i32
      %add3A_544 = arith.addi %mul3A_218, %add3A_543 : i32
      %get3A_545 = arith.index_cast %add3A_544 : i32 to index
      %get3A_546 = arith.constant 0 : index
      %get3A_547 = tpu.vector_load %arg12[%get3A_545, %get3A_546] {strides = array<i32>} : memref<3200x16xf32, #tpu.memory_space<vmem>>, vector<1x16xf32>,
      %get3A_548 = vector.shape_cast %get3A_547 : vector<1x16xf32> to vector<16xf32>
      %add3A_549 = arith.addf %add3A_521, %get3A_548 : vector<16xf32>
      %add3A_550 = arith.constant 48 : i32
      %add3A_551 = arith.addi %mul3A_218, %add3A_550 : i32
      %get3A_552 = arith.index_cast %add3A_551 : i32 to index
      %get3A_553 = arith.constant 0 : index
      %get3A_554 = tpu.vector_load %arg12[%get3A_552, %get3A_553] {strides = array<i32>} : memref<3200x16xf32, #tpu.memory_space<vmem>>, vector<1x16xf32>,
      %get3A_555 = vector.shape_cast %get3A_554 : vector<1x16xf32> to vector<16xf32>
      %add3A_556 = arith.addf %add3A_528, %get3A_555 : vector<16xf32>
      %add3A_557 = arith.constant 49 : i32
      %add3A_558 = arith.addi %mul3A_218, %add3A_557 : i32
      %get3A_559 = arith.index_cast %add3A_558 : i32 to index
      %get3A_560 = arith.constant 0 : index
      %get3A_561 = tpu.vector_load %arg12[%get3A_559, %get3A_560] {strides = array<i32>} : memref<3200x16xf32, #tpu.memory_space<vmem>>, vector<1x16xf32>,
      %get3A_562 = vector.shape_cast %get3A_561 : vector<1x16xf32> to vector<16xf32>
      %add3A_563 = arith.addf %add3A_535, %get3A_562 : vector<16xf32>
      %add3A_564 = arith.addf %add3A_556, %add3A_563 : vector<16xf32>
      %add3A_565 = arith.addf %add3A_542, %add3A_549 : vector<16xf32>
      %add3A_566 = arith.addf %add3A_564, %add3A_565 : vector<16xf32>
      %mul3A_567 = arith.constant 2.000000e-02 : f32
      %mul3A_568 = vector.broadcast %mul3A_567 : f32 to vector<16xf32>
      %mul3A_569 = arith.mulf %add3A_566, %mul3A_568 : vector<16xf32>
      %swap3A = arith.index_cast %scan3A_216 : i32 to index
      %swap3A_570 = arith.constant 0 : index
      %swap3A_571 = tpu.vector_load %arg14[%swap3A, %swap3A_570] {strides = array<i32>} : memref<64x16xf32, #tpu.memory_space<vmem>>, vector<1x16xf32>,
      %swap3A_572 = vector.shape_cast %swap3A_571 : vector<1x16xf32> to vector<16xf32>
      %swap3A_573 = vector.shape_cast %mul3A_569 : vector<16xf32> to vector<1x16xf32>
      tpu.vector_store %arg14[%swap3A, %swap3A_570], %swap3A_573 {strides = array<i32>} : memref<64x16xf32, #tpu.memory_space<vmem>>, vector<1x16xf32>,
    }
    %scan3A_105 = arith.constant 64 : i32
    %add3A_106 = arith.constant 128 : i32
    %add3A_107 = arith.addi %mul3A_2, %add3A_106 : i32
    "tpu.region"() ({
      %run_scoped3A = tpu.sem_alloc : memref<!tpu.dma_semaphore, #tpu.memory_space<semaphore_mem>>
      %dma_start3A_216 = arith.constant 0 : i32
      %dma_start3A_217 = tpu.memref_slice %arg7[%add3A_107, %dma_start3A_216] : memref<16384x16xf32, #tpu.memory_space<hbm>> -> memref<64x16xf32, #tpu.memory_space<hbm>>
      %dma_start3A_218 = arith.constant 0 : i32
      %dma_start3A_219 = tpu.memref_slice %arg7[%add3A_107, %dma_start3A_218] : memref<16384x16xf32, #tpu.memory_space<hbm>> -> memref<64x16xf32, #tpu.memory_space<hbm>>
      tpu.enqueue_dma source(%arg14 : memref<64x16xf32, #tpu.memory_space<vmem>>) target(%dma_start3A_219 : memref<64x16xf32, #tpu.memory_space<hbm>>) target_semaphore(%run_scoped3A : memref<!tpu.dma_semaphore, #tpu.memory_space<semaphore_mem>>)
      %dma_wait3A_220 = arith.constant 0 : i32
      %dma_wait3A_221 = tpu.memref_slice %arg7[%add3A_107, %dma_wait3A_220] : memref<16384x16xf32, #tpu.memory_space<hbm>> -> memref<64x16xf32, #tpu.memory_space<hbm>>
      %dma_wait3A_222 = arith.constant 0 : i32
      %dma_wait3A_223 = tpu.memref_slice %arg7[%add3A_107, %dma_wait3A_222] : memref<16384x16xf32, #tpu.memory_space<hbm>> -> memref<64x16xf32, #tpu.memory_space<hbm>>
      tpu.wait_dma2 semaphore(%run_scoped3A : memref<!tpu.dma_semaphore, #tpu.memory_space<semaphore_mem>>) src(%arg14 : memref<64x16xf32, #tpu.memory_space<vmem>>) dst(%dma_wait3A_223 : memref<64x16xf32, #tpu.memory_space<hbm>>)
      tpu.yield
    }) : () -> ()
    %add3A_108 = arith.constant 12800 : i32
    %add3A_109 = arith.addi %mul3A_4, %add3A_108 : i32
    "tpu.region"() ({
      %run_scoped3A = tpu.sem_alloc : memref<!tpu.dma_semaphore, #tpu.memory_space<semaphore_mem>>
      %dma_start3A_216 = tpu.memref_slice %arg3[%add3A_109] : memref<819200xi32, #tpu.memory_space<hbm>> -> memref<3200xi32, #tpu.memory_space<hbm>>
      %dma_start3A_217 = tpu.memref_slice %arg3[%add3A_109] : memref<819200xi32, #tpu.memory_space<hbm>> -> memref<3200xi32, #tpu.memory_space<hbm>>
      tpu.enqueue_dma source(%dma_start3A_217 : memref<3200xi32, #tpu.memory_space<hbm>>) target(%arg10 : memref<3200xi32, #tpu.memory_space<vmem>>) target_semaphore(%run_scoped3A : memref<!tpu.dma_semaphore, #tpu.memory_space<semaphore_mem>>)
      %dma_wait3A_218 = tpu.memref_slice %arg3[%add3A_109] : memref<819200xi32, #tpu.memory_space<hbm>> -> memref<3200xi32, #tpu.memory_space<hbm>>
      %dma_wait3A_219 = tpu.memref_slice %arg3[%add3A_109] : memref<819200xi32, #tpu.memory_space<hbm>> -> memref<3200xi32, #tpu.memory_space<hbm>>
      tpu.wait_dma2 semaphore(%run_scoped3A : memref<!tpu.dma_semaphore, #tpu.memory_space<semaphore_mem>>) src(%dma_wait3A_219 : memref<3200xi32, #tpu.memory_space<hbm>>) dst(%arg10 : memref<3200xi32, #tpu.memory_space<vmem>>)
      tpu.yield
    }) : () -> ()
    %scan3A_110 = arith.constant 0 : i32
    %scan3A_111 = arith.constant 0 : i32
    %scan3A_112 = arith.constant 25 : i32
    %scan3A_113 = arith.addi %scan3A_111, %scan3A_112 : i32
    %scan3A_114 = arith.constant 1 : i32
    scf.for %scan3A_216 = %scan3A_111 to %scan3A_113 step %scan3A_114  : i32 {
      %mul3A_217 = arith.constant 128 : i32
      %mul3A_218 = arith.muli %scan3A_216, %mul3A_217 : i32
      %mul3A_219 = arith.constant 128 : i32
      %mul3A_220 = arith.muli %scan3A_216, %mul3A_219 : i32
      %dma_start3A_221 = arith.constant 0 : i32
      %dma_start3A_222 = tpu.memref_slice %arg12[%mul3A_220, %dma_start3A_221] : memref<3200x16xf32, #tpu.memory_space<vmem>> -> memref<128x16xf32, #tpu.memory_space<vmem>>
      %dma_start3A_223 = tpu.memref_slice %arg10[%mul3A_218] : memref<3200xi32, #tpu.memory_space<vmem>> -> memref<128xi32, #tpu.memory_space<vmem>>
      %dma_start3A_224 = arith.constant 0 : i32
      %dma_start3A_225 = arith.constant 0 : i32
      %dma_start3A_226 = tpu.memref_slice %arg5[%dma_start3A_224, %dma_start3A_225] : memref<1000000x16xf32, #tpu.memory_space<hbm>> -> memref<1000000x16xf32, #tpu.memory_space<hbm>>
      tpu.enqueue_indirect_dma source(%dma_start3A_226 : memref<1000000x16xf32, #tpu.memory_space<hbm>>) target(%dma_start3A_222 : memref<128x16xf32, #tpu.memory_space<vmem>>) offsets(%dma_start3A_223 : memref<128xi32, #tpu.memory_space<vmem>>) semaphore(%arg16 : memref<!tpu.dma_semaphore, #tpu.memory_space<semaphore_mem>>)
    }
    %scan3A_115 = arith.constant 25 : i32
    %dma_wait3A_116 = arith.constant 0 : i32
    %dma_wait3A_117 = arith.constant 0 : i32
    %dma_wait3A_118 = tpu.memref_slice %arg5[%dma_wait3A_116, %dma_wait3A_117] : memref<1000000x16xf32, #tpu.memory_space<hbm>> -> memref<3200x16xf32, #tpu.memory_space<hbm>>
    %dma_wait3A_119 = arith.constant 0 : i32
    %dma_wait3A_120 = arith.constant 0 : i32
    %dma_wait3A_121 = tpu.memref_slice %arg5[%dma_wait3A_119, %dma_wait3A_120] : memref<1000000x16xf32, #tpu.memory_space<hbm>> -> memref<3200x16xf32, #tpu.memory_space<hbm>>
    tpu.wait_dma2 semaphore(%arg17 : memref<!tpu.dma_semaphore, #tpu.memory_space<semaphore_mem>>) src(%dma_wait3A_121 : memref<3200x16xf32, #tpu.memory_space<hbm>>) dst(%arg13 : memref<3200x16xf32, #tpu.memory_space<vmem>>)
    %scan3A_122 = arith.constant 0 : i32
    %scan3A_123 = arith.constant 0 : i32
    %scan3A_124 = arith.constant 64 : i32
    %scan3A_125 = arith.addi %scan3A_123, %scan3A_124 : i32
    %scan3A_126 = arith.constant 1 : i32
    scf.for %scan3A_216 = %scan3A_123 to %scan3A_125 step %scan3A_126  : i32 {
      %mul3A_217 = arith.constant 50 : i32
      %mul3A_218 = arith.muli %scan3A_216, %mul3A_217 : i32
      %add3A_219 = arith.constant 0 : i32
      %add3A_220 = arith.addi %mul3A_218, %add3A_219 : i32
      %get3A = arith.index_cast %add3A_220 : i32 to index
      %get3A_221 = arith.constant 0 : index
      %get3A_222 = tpu.vector_load %arg13[%get3A, %get3A_221] {strides = array<i32>} : memref<3200x16xf32, #tpu.memory_space<vmem>>, vector<1x16xf32>,
      %get3A_223 = vector.shape_cast %get3A_222 : vector<1x16xf32> to vector<16xf32>
      %add3A_224 = arith.constant 1 : i32
      %add3A_225 = arith.addi %mul3A_218, %add3A_224 : i32
      %get3A_226 = arith.index_cast %add3A_225 : i32 to index
      %get3A_227 = arith.constant 0 : index
      %get3A_228 = tpu.vector_load %arg13[%get3A_226, %get3A_227] {strides = array<i32>} : memref<3200x16xf32, #tpu.memory_space<vmem>>, vector<1x16xf32>,
      %get3A_229 = vector.shape_cast %get3A_228 : vector<1x16xf32> to vector<16xf32>
      %add3A_230 = arith.constant 2 : i32
      %add3A_231 = arith.addi %mul3A_218, %add3A_230 : i32
      %get3A_232 = arith.index_cast %add3A_231 : i32 to index
      %get3A_233 = arith.constant 0 : index
      %get3A_234 = tpu.vector_load %arg13[%get3A_232, %get3A_233] {strides = array<i32>} : memref<3200x16xf32, #tpu.memory_space<vmem>>, vector<1x16xf32>,
      %get3A_235 = vector.shape_cast %get3A_234 : vector<1x16xf32> to vector<16xf32>
      %add3A_236 = arith.constant 3 : i32
      %add3A_237 = arith.addi %mul3A_218, %add3A_236 : i32
      %get3A_238 = arith.index_cast %add3A_237 : i32 to index
      %get3A_239 = arith.constant 0 : index
      %get3A_240 = tpu.vector_load %arg13[%get3A_238, %get3A_239] {strides = array<i32>} : memref<3200x16xf32, #tpu.memory_space<vmem>>, vector<1x16xf32>,
      %get3A_241 = vector.shape_cast %get3A_240 : vector<1x16xf32> to vector<16xf32>
      %add3A_242 = arith.constant 4 : i32
      %add3A_243 = arith.addi %mul3A_218, %add3A_242 : i32
      %get3A_244 = arith.index_cast %add3A_243 : i32 to index
      %get3A_245 = arith.constant 0 : index
      %get3A_246 = tpu.vector_load %arg13[%get3A_244, %get3A_245] {strides = array<i32>} : memref<3200x16xf32, #tpu.memory_space<vmem>>, vector<1x16xf32>,
      %get3A_247 = vector.shape_cast %get3A_246 : vector<1x16xf32> to vector<16xf32>
      %add3A_248 = arith.addf %get3A_223, %get3A_247 : vector<16xf32>
      %add3A_249 = arith.constant 5 : i32
      %add3A_250 = arith.addi %mul3A_218, %add3A_249 : i32
      %get3A_251 = arith.index_cast %add3A_250 : i32 to index
      %get3A_252 = arith.constant 0 : index
      %get3A_253 = tpu.vector_load %arg13[%get3A_251, %get3A_252] {strides = array<i32>} : memref<3200x16xf32, #tpu.memory_space<vmem>>, vector<1x16xf32>,
      %get3A_254 = vector.shape_cast %get3A_253 : vector<1x16xf32> to vector<16xf32>
      %add3A_255 = arith.addf %get3A_229, %get3A_254 : vector<16xf32>
      %add3A_256 = arith.constant 6 : i32
      %add3A_257 = arith.addi %mul3A_218, %add3A_256 : i32
      %get3A_258 = arith.index_cast %add3A_257 : i32 to index
      %get3A_259 = arith.constant 0 : index
      %get3A_260 = tpu.vector_load %arg13[%get3A_258, %get3A_259] {strides = array<i32>} : memref<3200x16xf32, #tpu.memory_space<vmem>>, vector<1x16xf32>,
      %get3A_261 = vector.shape_cast %get3A_260 : vector<1x16xf32> to vector<16xf32>
      %add3A_262 = arith.addf %get3A_235, %get3A_261 : vector<16xf32>
      %add3A_263 = arith.constant 7 : i32
      %add3A_264 = arith.addi %mul3A_218, %add3A_263 : i32
      %get3A_265 = arith.index_cast %add3A_264 : i32 to index
      %get3A_266 = arith.constant 0 : index
      %get3A_267 = tpu.vector_load %arg13[%get3A_265, %get3A_266] {strides = array<i32>} : memref<3200x16xf32, #tpu.memory_space<vmem>>, vector<1x16xf32>,
      %get3A_268 = vector.shape_cast %get3A_267 : vector<1x16xf32> to vector<16xf32>
      %add3A_269 = arith.addf %get3A_241, %get3A_268 : vector<16xf32>
      %add3A_270 = arith.constant 8 : i32
      %add3A_271 = arith.addi %mul3A_218, %add3A_270 : i32
      %get3A_272 = arith.index_cast %add3A_271 : i32 to index
      %get3A_273 = arith.constant 0 : index
      %get3A_274 = tpu.vector_load %arg13[%get3A_272, %get3A_273] {strides = array<i32>} : memref<3200x16xf32, #tpu.memory_space<vmem>>, vector<1x16xf32>,
      %get3A_275 = vector.shape_cast %get3A_274 : vector<1x16xf32> to vector<16xf32>
      %add3A_276 = arith.addf %add3A_248, %get3A_275 : vector<16xf32>
      %add3A_277 = arith.constant 9 : i32
      %add3A_278 = arith.addi %mul3A_218, %add3A_277 : i32
      %get3A_279 = arith.index_cast %add3A_278 : i32 to index
      %get3A_280 = arith.constant 0 : index
      %get3A_281 = tpu.vector_load %arg13[%get3A_279, %get3A_280] {strides = array<i32>} : memref<3200x16xf32, #tpu.memory_space<vmem>>, vector<1x16xf32>,
      %get3A_282 = vector.shape_cast %get3A_281 : vector<1x16xf32> to vector<16xf32>
      %add3A_283 = arith.addf %add3A_255, %get3A_282 : vector<16xf32>
      %add3A_284 = arith.constant 10 : i32
      %add3A_285 = arith.addi %mul3A_218, %add3A_284 : i32
      %get3A_286 = arith.index_cast %add3A_285 : i32 to index
      %get3A_287 = arith.constant 0 : index
      %get3A_288 = tpu.vector_load %arg13[%get3A_286, %get3A_287] {strides = array<i32>} : memref<3200x16xf32, #tpu.memory_space<vmem>>, vector<1x16xf32>,
      %get3A_289 = vector.shape_cast %get3A_288 : vector<1x16xf32> to vector<16xf32>
      %add3A_290 = arith.addf %add3A_262, %get3A_289 : vector<16xf32>
      %add3A_291 = arith.constant 11 : i32
      %add3A_292 = arith.addi %mul3A_218, %add3A_291 : i32
      %get3A_293 = arith.index_cast %add3A_292 : i32 to index
      %get3A_294 = arith.constant 0 : index
      %get3A_295 = tpu.vector_load %arg13[%get3A_293, %get3A_294] {strides = array<i32>} : memref<3200x16xf32, #tpu.memory_space<vmem>>, vector<1x16xf32>,
      %get3A_296 = vector.shape_cast %get3A_295 : vector<1x16xf32> to vector<16xf32>
      %add3A_297 = arith.addf %add3A_269, %get3A_296 : vector<16xf32>
      %add3A_298 = arith.constant 12 : i32
      %add3A_299 = arith.addi %mul3A_218, %add3A_298 : i32
      %get3A_300 = arith.index_cast %add3A_299 : i32 to index
      %get3A_301 = arith.constant 0 : index
      %get3A_302 = tpu.vector_load %arg13[%get3A_300, %get3A_301] {strides = array<i32>} : memref<3200x16xf32, #tpu.memory_space<vmem>>, vector<1x16xf32>,
      %get3A_303 = vector.shape_cast %get3A_302 : vector<1x16xf32> to vector<16xf32>
      %add3A_304 = arith.addf %add3A_276, %get3A_303 : vector<16xf32>
      %add3A_305 = arith.constant 13 : i32
      %add3A_306 = arith.addi %mul3A_218, %add3A_305 : i32
      %get3A_307 = arith.index_cast %add3A_306 : i32 to index
      %get3A_308 = arith.constant 0 : index
      %get3A_309 = tpu.vector_load %arg13[%get3A_307, %get3A_308] {strides = array<i32>} : memref<3200x16xf32, #tpu.memory_space<vmem>>, vector<1x16xf32>,
      %get3A_310 = vector.shape_cast %get3A_309 : vector<1x16xf32> to vector<16xf32>
      %add3A_311 = arith.addf %add3A_283, %get3A_310 : vector<16xf32>
      %add3A_312 = arith.constant 14 : i32
      %add3A_313 = arith.addi %mul3A_218, %add3A_312 : i32
      %get3A_314 = arith.index_cast %add3A_313 : i32 to index
      %get3A_315 = arith.constant 0 : index
      %get3A_316 = tpu.vector_load %arg13[%get3A_314, %get3A_315] {strides = array<i32>} : memref<3200x16xf32, #tpu.memory_space<vmem>>, vector<1x16xf32>,
      %get3A_317 = vector.shape_cast %get3A_316 : vector<1x16xf32> to vector<16xf32>
      %add3A_318 = arith.addf %add3A_290, %get3A_317 : vector<16xf32>
      %add3A_319 = arith.constant 15 : i32
      %add3A_320 = arith.addi %mul3A_218, %add3A_319 : i32
      %get3A_321 = arith.index_cast %add3A_320 : i32 to index
      %get3A_322 = arith.constant 0 : index
      %get3A_323 = tpu.vector_load %arg13[%get3A_321, %get3A_322] {strides = array<i32>} : memref<3200x16xf32, #tpu.memory_space<vmem>>, vector<1x16xf32>,
      %get3A_324 = vector.shape_cast %get3A_323 : vector<1x16xf32> to vector<16xf32>
      %add3A_325 = arith.addf %add3A_297, %get3A_324 : vector<16xf32>
      %add3A_326 = arith.constant 16 : i32
      %add3A_327 = arith.addi %mul3A_218, %add3A_326 : i32
      %get3A_328 = arith.index_cast %add3A_327 : i32 to index
      %get3A_329 = arith.constant 0 : index
      %get3A_330 = tpu.vector_load %arg13[%get3A_328, %get3A_329] {strides = array<i32>} : memref<3200x16xf32, #tpu.memory_space<vmem>>, vector<1x16xf32>,
      %get3A_331 = vector.shape_cast %get3A_330 : vector<1x16xf32> to vector<16xf32>
      %add3A_332 = arith.addf %add3A_304, %get3A_331 : vector<16xf32>
      %add3A_333 = arith.constant 17 : i32
      %add3A_334 = arith.addi %mul3A_218, %add3A_333 : i32
      %get3A_335 = arith.index_cast %add3A_334 : i32 to index
      %get3A_336 = arith.constant 0 : index
      %get3A_337 = tpu.vector_load %arg13[%get3A_335, %get3A_336] {strides = array<i32>} : memref<3200x16xf32, #tpu.memory_space<vmem>>, vector<1x16xf32>,
      %get3A_338 = vector.shape_cast %get3A_337 : vector<1x16xf32> to vector<16xf32>
      %add3A_339 = arith.addf %add3A_311, %get3A_338 : vector<16xf32>
      %add3A_340 = arith.constant 18 : i32
      %add3A_341 = arith.addi %mul3A_218, %add3A_340 : i32
      %get3A_342 = arith.index_cast %add3A_341 : i32 to index
      %get3A_343 = arith.constant 0 : index
      %get3A_344 = tpu.vector_load %arg13[%get3A_342, %get3A_343] {strides = array<i32>} : memref<3200x16xf32, #tpu.memory_space<vmem>>, vector<1x16xf32>,
      %get3A_345 = vector.shape_cast %get3A_344 : vector<1x16xf32> to vector<16xf32>
      %add3A_346 = arith.addf %add3A_318, %get3A_345 : vector<16xf32>
      %add3A_347 = arith.constant 19 : i32
      %add3A_348 = arith.addi %mul3A_218, %add3A_347 : i32
      %get3A_349 = arith.index_cast %add3A_348 : i32 to index
      %get3A_350 = arith.constant 0 : index
      %get3A_351 = tpu.vector_load %arg13[%get3A_349, %get3A_350] {strides = array<i32>} : memref<3200x16xf32, #tpu.memory_space<vmem>>, vector<1x16xf32>,
      %get3A_352 = vector.shape_cast %get3A_351 : vector<1x16xf32> to vector<16xf32>
      %add3A_353 = arith.addf %add3A_325, %get3A_352 : vector<16xf32>
      %add3A_354 = arith.constant 20 : i32
      %add3A_355 = arith.addi %mul3A_218, %add3A_354 : i32
      %get3A_356 = arith.index_cast %add3A_355 : i32 to index
      %get3A_357 = arith.constant 0 : index
      %get3A_358 = tpu.vector_load %arg13[%get3A_356, %get3A_357] {strides = array<i32>} : memref<3200x16xf32, #tpu.memory_space<vmem>>, vector<1x16xf32>,
      %get3A_359 = vector.shape_cast %get3A_358 : vector<1x16xf32> to vector<16xf32>
      %add3A_360 = arith.addf %add3A_332, %get3A_359 : vector<16xf32>
      %add3A_361 = arith.constant 21 : i32
      %add3A_362 = arith.addi %mul3A_218, %add3A_361 : i32
      %get3A_363 = arith.index_cast %add3A_362 : i32 to index
      %get3A_364 = arith.constant 0 : index
      %get3A_365 = tpu.vector_load %arg13[%get3A_363, %get3A_364] {strides = array<i32>} : memref<3200x16xf32, #tpu.memory_space<vmem>>, vector<1x16xf32>,
      %get3A_366 = vector.shape_cast %get3A_365 : vector<1x16xf32> to vector<16xf32>
      %add3A_367 = arith.addf %add3A_339, %get3A_366 : vector<16xf32>
      %add3A_368 = arith.constant 22 : i32
      %add3A_369 = arith.addi %mul3A_218, %add3A_368 : i32
      %get3A_370 = arith.index_cast %add3A_369 : i32 to index
      %get3A_371 = arith.constant 0 : index
      %get3A_372 = tpu.vector_load %arg13[%get3A_370, %get3A_371] {strides = array<i32>} : memref<3200x16xf32, #tpu.memory_space<vmem>>, vector<1x16xf32>,
      %get3A_373 = vector.shape_cast %get3A_372 : vector<1x16xf32> to vector<16xf32>
      %add3A_374 = arith.addf %add3A_346, %get3A_373 : vector<16xf32>
      %add3A_375 = arith.constant 23 : i32
      %add3A_376 = arith.addi %mul3A_218, %add3A_375 : i32
      %get3A_377 = arith.index_cast %add3A_376 : i32 to index
      %get3A_378 = arith.constant 0 : index
      %get3A_379 = tpu.vector_load %arg13[%get3A_377, %get3A_378] {strides = array<i32>} : memref<3200x16xf32, #tpu.memory_space<vmem>>, vector<1x16xf32>,
      %get3A_380 = vector.shape_cast %get3A_379 : vector<1x16xf32> to vector<16xf32>
      %add3A_381 = arith.addf %add3A_353, %get3A_380 : vector<16xf32>
      %add3A_382 = arith.constant 24 : i32
      %add3A_383 = arith.addi %mul3A_218, %add3A_382 : i32
      %get3A_384 = arith.index_cast %add3A_383 : i32 to index
      %get3A_385 = arith.constant 0 : index
      %get3A_386 = tpu.vector_load %arg13[%get3A_384, %get3A_385] {strides = array<i32>} : memref<3200x16xf32, #tpu.memory_space<vmem>>, vector<1x16xf32>,
      %get3A_387 = vector.shape_cast %get3A_386 : vector<1x16xf32> to vector<16xf32>
      %add3A_388 = arith.addf %add3A_360, %get3A_387 : vector<16xf32>
      %add3A_389 = arith.constant 25 : i32
      %add3A_390 = arith.addi %mul3A_218, %add3A_389 : i32
      %get3A_391 = arith.index_cast %add3A_390 : i32 to index
      %get3A_392 = arith.constant 0 : index
      %get3A_393 = tpu.vector_load %arg13[%get3A_391, %get3A_392] {strides = array<i32>} : memref<3200x16xf32, #tpu.memory_space<vmem>>, vector<1x16xf32>,
      %get3A_394 = vector.shape_cast %get3A_393 : vector<1x16xf32> to vector<16xf32>
      %add3A_395 = arith.addf %add3A_367, %get3A_394 : vector<16xf32>
      %add3A_396 = arith.constant 26 : i32
      %add3A_397 = arith.addi %mul3A_218, %add3A_396 : i32
      %get3A_398 = arith.index_cast %add3A_397 : i32 to index
      %get3A_399 = arith.constant 0 : index
      %get3A_400 = tpu.vector_load %arg13[%get3A_398, %get3A_399] {strides = array<i32>} : memref<3200x16xf32, #tpu.memory_space<vmem>>, vector<1x16xf32>,
      %get3A_401 = vector.shape_cast %get3A_400 : vector<1x16xf32> to vector<16xf32>
      %add3A_402 = arith.addf %add3A_374, %get3A_401 : vector<16xf32>
      %add3A_403 = arith.constant 27 : i32
      %add3A_404 = arith.addi %mul3A_218, %add3A_403 : i32
      %get3A_405 = arith.index_cast %add3A_404 : i32 to index
      %get3A_406 = arith.constant 0 : index
      %get3A_407 = tpu.vector_load %arg13[%get3A_405, %get3A_406] {strides = array<i32>} : memref<3200x16xf32, #tpu.memory_space<vmem>>, vector<1x16xf32>,
      %get3A_408 = vector.shape_cast %get3A_407 : vector<1x16xf32> to vector<16xf32>
      %add3A_409 = arith.addf %add3A_381, %get3A_408 : vector<16xf32>
      %add3A_410 = arith.constant 28 : i32
      %add3A_411 = arith.addi %mul3A_218, %add3A_410 : i32
      %get3A_412 = arith.index_cast %add3A_411 : i32 to index
      %get3A_413 = arith.constant 0 : index
      %get3A_414 = tpu.vector_load %arg13[%get3A_412, %get3A_413] {strides = array<i32>} : memref<3200x16xf32, #tpu.memory_space<vmem>>, vector<1x16xf32>,
      %get3A_415 = vector.shape_cast %get3A_414 : vector<1x16xf32> to vector<16xf32>
      %add3A_416 = arith.addf %add3A_388, %get3A_415 : vector<16xf32>
      %add3A_417 = arith.constant 29 : i32
      %add3A_418 = arith.addi %mul3A_218, %add3A_417 : i32
      %get3A_419 = arith.index_cast %add3A_418 : i32 to index
      %get3A_420 = arith.constant 0 : index
      %get3A_421 = tpu.vector_load %arg13[%get3A_419, %get3A_420] {strides = array<i32>} : memref<3200x16xf32, #tpu.memory_space<vmem>>, vector<1x16xf32>,
      %get3A_422 = vector.shape_cast %get3A_421 : vector<1x16xf32> to vector<16xf32>
      %add3A_423 = arith.addf %add3A_395, %get3A_422 : vector<16xf32>
      %add3A_424 = arith.constant 30 : i32
      %add3A_425 = arith.addi %mul3A_218, %add3A_424 : i32
      %get3A_426 = arith.index_cast %add3A_425 : i32 to index
      %get3A_427 = arith.constant 0 : index
      %get3A_428 = tpu.vector_load %arg13[%get3A_426, %get3A_427] {strides = array<i32>} : memref<3200x16xf32, #tpu.memory_space<vmem>>, vector<1x16xf32>,
      %get3A_429 = vector.shape_cast %get3A_428 : vector<1x16xf32> to vector<16xf32>
      %add3A_430 = arith.addf %add3A_402, %get3A_429 : vector<16xf32>
      %add3A_431 = arith.constant 31 : i32
      %add3A_432 = arith.addi %mul3A_218, %add3A_431 : i32
      %get3A_433 = arith.index_cast %add3A_432 : i32 to index
      %get3A_434 = arith.constant 0 : index
      %get3A_435 = tpu.vector_load %arg13[%get3A_433, %get3A_434] {strides = array<i32>} : memref<3200x16xf32, #tpu.memory_space<vmem>>, vector<1x16xf32>,
      %get3A_436 = vector.shape_cast %get3A_435 : vector<1x16xf32> to vector<16xf32>
      %add3A_437 = arith.addf %add3A_409, %get3A_436 : vector<16xf32>
      %add3A_438 = arith.constant 32 : i32
      %add3A_439 = arith.addi %mul3A_218, %add3A_438 : i32
      %get3A_440 = arith.index_cast %add3A_439 : i32 to index
      %get3A_441 = arith.constant 0 : index
      %get3A_442 = tpu.vector_load %arg13[%get3A_440, %get3A_441] {strides = array<i32>} : memref<3200x16xf32, #tpu.memory_space<vmem>>, vector<1x16xf32>,
      %get3A_443 = vector.shape_cast %get3A_442 : vector<1x16xf32> to vector<16xf32>
      %add3A_444 = arith.addf %add3A_416, %get3A_443 : vector<16xf32>
      %add3A_445 = arith.constant 33 : i32
      %add3A_446 = arith.addi %mul3A_218, %add3A_445 : i32
      %get3A_447 = arith.index_cast %add3A_446 : i32 to index
      %get3A_448 = arith.constant 0 : index
      %get3A_449 = tpu.vector_load %arg13[%get3A_447, %get3A_448] {strides = array<i32>} : memref<3200x16xf32, #tpu.memory_space<vmem>>, vector<1x16xf32>,
      %get3A_450 = vector.shape_cast %get3A_449 : vector<1x16xf32> to vector<16xf32>
      %add3A_451 = arith.addf %add3A_423, %get3A_450 : vector<16xf32>
      %add3A_452 = arith.constant 34 : i32
      %add3A_453 = arith.addi %mul3A_218, %add3A_452 : i32
      %get3A_454 = arith.index_cast %add3A_453 : i32 to index
      %get3A_455 = arith.constant 0 : index
      %get3A_456 = tpu.vector_load %arg13[%get3A_454, %get3A_455] {strides = array<i32>} : memref<3200x16xf32, #tpu.memory_space<vmem>>, vector<1x16xf32>,
      %get3A_457 = vector.shape_cast %get3A_456 : vector<1x16xf32> to vector<16xf32>
      %add3A_458 = arith.addf %add3A_430, %get3A_457 : vector<16xf32>
      %add3A_459 = arith.constant 35 : i32
      %add3A_460 = arith.addi %mul3A_218, %add3A_459 : i32
      %get3A_461 = arith.index_cast %add3A_460 : i32 to index
      %get3A_462 = arith.constant 0 : index
      %get3A_463 = tpu.vector_load %arg13[%get3A_461, %get3A_462] {strides = array<i32>} : memref<3200x16xf32, #tpu.memory_space<vmem>>, vector<1x16xf32>,
      %get3A_464 = vector.shape_cast %get3A_463 : vector<1x16xf32> to vector<16xf32>
      %add3A_465 = arith.addf %add3A_437, %get3A_464 : vector<16xf32>
      %add3A_466 = arith.constant 36 : i32
      %add3A_467 = arith.addi %mul3A_218, %add3A_466 : i32
      %get3A_468 = arith.index_cast %add3A_467 : i32 to index
      %get3A_469 = arith.constant 0 : index
      %get3A_470 = tpu.vector_load %arg13[%get3A_468, %get3A_469] {strides = array<i32>} : memref<3200x16xf32, #tpu.memory_space<vmem>>, vector<1x16xf32>,
      %get3A_471 = vector.shape_cast %get3A_470 : vector<1x16xf32> to vector<16xf32>
      %add3A_472 = arith.addf %add3A_444, %get3A_471 : vector<16xf32>
      %add3A_473 = arith.constant 37 : i32
      %add3A_474 = arith.addi %mul3A_218, %add3A_473 : i32
      %get3A_475 = arith.index_cast %add3A_474 : i32 to index
      %get3A_476 = arith.constant 0 : index
      %get3A_477 = tpu.vector_load %arg13[%get3A_475, %get3A_476] {strides = array<i32>} : memref<3200x16xf32, #tpu.memory_space<vmem>>, vector<1x16xf32>,
      %get3A_478 = vector.shape_cast %get3A_477 : vector<1x16xf32> to vector<16xf32>
      %add3A_479 = arith.addf %add3A_451, %get3A_478 : vector<16xf32>
      %add3A_480 = arith.constant 38 : i32
      %add3A_481 = arith.addi %mul3A_218, %add3A_480 : i32
      %get3A_482 = arith.index_cast %add3A_481 : i32 to index
      %get3A_483 = arith.constant 0 : index
      %get3A_484 = tpu.vector_load %arg13[%get3A_482, %get3A_483] {strides = array<i32>} : memref<3200x16xf32, #tpu.memory_space<vmem>>, vector<1x16xf32>,
      %get3A_485 = vector.shape_cast %get3A_484 : vector<1x16xf32> to vector<16xf32>
      %add3A_486 = arith.addf %add3A_458, %get3A_485 : vector<16xf32>
      %add3A_487 = arith.constant 39 : i32
      %add3A_488 = arith.addi %mul3A_218, %add3A_487 : i32
      %get3A_489 = arith.index_cast %add3A_488 : i32 to index
      %get3A_490 = arith.constant 0 : index
      %get3A_491 = tpu.vector_load %arg13[%get3A_489, %get3A_490] {strides = array<i32>} : memref<3200x16xf32, #tpu.memory_space<vmem>>, vector<1x16xf32>,
      %get3A_492 = vector.shape_cast %get3A_491 : vector<1x16xf32> to vector<16xf32>
      %add3A_493 = arith.addf %add3A_465, %get3A_492 : vector<16xf32>
      %add3A_494 = arith.constant 40 : i32
      %add3A_495 = arith.addi %mul3A_218, %add3A_494 : i32
      %get3A_496 = arith.index_cast %add3A_495 : i32 to index
      %get3A_497 = arith.constant 0 : index
      %get3A_498 = tpu.vector_load %arg13[%get3A_496, %get3A_497] {strides = array<i32>} : memref<3200x16xf32, #tpu.memory_space<vmem>>, vector<1x16xf32>,
      %get3A_499 = vector.shape_cast %get3A_498 : vector<1x16xf32> to vector<16xf32>
      %add3A_500 = arith.addf %add3A_472, %get3A_499 : vector<16xf32>
      %add3A_501 = arith.constant 41 : i32
      %add3A_502 = arith.addi %mul3A_218, %add3A_501 : i32
      %get3A_503 = arith.index_cast %add3A_502 : i32 to index
      %get3A_504 = arith.constant 0 : index
      %get3A_505 = tpu.vector_load %arg13[%get3A_503, %get3A_504] {strides = array<i32>} : memref<3200x16xf32, #tpu.memory_space<vmem>>, vector<1x16xf32>,
      %get3A_506 = vector.shape_cast %get3A_505 : vector<1x16xf32> to vector<16xf32>
      %add3A_507 = arith.addf %add3A_479, %get3A_506 : vector<16xf32>
      %add3A_508 = arith.constant 42 : i32
      %add3A_509 = arith.addi %mul3A_218, %add3A_508 : i32
      %get3A_510 = arith.index_cast %add3A_509 : i32 to index
      %get3A_511 = arith.constant 0 : index
      %get3A_512 = tpu.vector_load %arg13[%get3A_510, %get3A_511] {strides = array<i32>} : memref<3200x16xf32, #tpu.memory_space<vmem>>, vector<1x16xf32>,
      %get3A_513 = vector.shape_cast %get3A_512 : vector<1x16xf32> to vector<16xf32>
      %add3A_514 = arith.addf %add3A_486, %get3A_513 : vector<16xf32>
      %add3A_515 = arith.constant 43 : i32
      %add3A_516 = arith.addi %mul3A_218, %add3A_515 : i32
      %get3A_517 = arith.index_cast %add3A_516 : i32 to index
      %get3A_518 = arith.constant 0 : index
      %get3A_519 = tpu.vector_load %arg13[%get3A_517, %get3A_518] {strides = array<i32>} : memref<3200x16xf32, #tpu.memory_space<vmem>>, vector<1x16xf32>,
      %get3A_520 = vector.shape_cast %get3A_519 : vector<1x16xf32> to vector<16xf32>
      %add3A_521 = arith.addf %add3A_493, %get3A_520 : vector<16xf32>
      %add3A_522 = arith.constant 44 : i32
      %add3A_523 = arith.addi %mul3A_218, %add3A_522 : i32
      %get3A_524 = arith.index_cast %add3A_523 : i32 to index
      %get3A_525 = arith.constant 0 : index
      %get3A_526 = tpu.vector_load %arg13[%get3A_524, %get3A_525] {strides = array<i32>} : memref<3200x16xf32, #tpu.memory_space<vmem>>, vector<1x16xf32>,
      %get3A_527 = vector.shape_cast %get3A_526 : vector<1x16xf32> to vector<16xf32>
      %add3A_528 = arith.addf %add3A_500, %get3A_527 : vector<16xf32>
      %add3A_529 = arith.constant 45 : i32
      %add3A_530 = arith.addi %mul3A_218, %add3A_529 : i32
      %get3A_531 = arith.index_cast %add3A_530 : i32 to index
      %get3A_532 = arith.constant 0 : index
      %get3A_533 = tpu.vector_load %arg13[%get3A_531, %get3A_532] {strides = array<i32>} : memref<3200x16xf32, #tpu.memory_space<vmem>>, vector<1x16xf32>,
      %get3A_534 = vector.shape_cast %get3A_533 : vector<1x16xf32> to vector<16xf32>
      %add3A_535 = arith.addf %add3A_507, %get3A_534 : vector<16xf32>
      %add3A_536 = arith.constant 46 : i32
      %add3A_537 = arith.addi %mul3A_218, %add3A_536 : i32
      %get3A_538 = arith.index_cast %add3A_537 : i32 to index
      %get3A_539 = arith.constant 0 : index
      %get3A_540 = tpu.vector_load %arg13[%get3A_538, %get3A_539] {strides = array<i32>} : memref<3200x16xf32, #tpu.memory_space<vmem>>, vector<1x16xf32>,
      %get3A_541 = vector.shape_cast %get3A_540 : vector<1x16xf32> to vector<16xf32>
      %add3A_542 = arith.addf %add3A_514, %get3A_541 : vector<16xf32>
      %add3A_543 = arith.constant 47 : i32
      %add3A_544 = arith.addi %mul3A_218, %add3A_543 : i32
      %get3A_545 = arith.index_cast %add3A_544 : i32 to index
      %get3A_546 = arith.constant 0 : index
      %get3A_547 = tpu.vector_load %arg13[%get3A_545, %get3A_546] {strides = array<i32>} : memref<3200x16xf32, #tpu.memory_space<vmem>>, vector<1x16xf32>,
      %get3A_548 = vector.shape_cast %get3A_547 : vector<1x16xf32> to vector<16xf32>
      %add3A_549 = arith.addf %add3A_521, %get3A_548 : vector<16xf32>
      %add3A_550 = arith.constant 48 : i32
      %add3A_551 = arith.addi %mul3A_218, %add3A_550 : i32
      %get3A_552 = arith.index_cast %add3A_551 : i32 to index
      %get3A_553 = arith.constant 0 : index
      %get3A_554 = tpu.vector_load %arg13[%get3A_552, %get3A_553] {strides = array<i32>} : memref<3200x16xf32, #tpu.memory_space<vmem>>, vector<1x16xf32>,
      %get3A_555 = vector.shape_cast %get3A_554 : vector<1x16xf32> to vector<16xf32>
      %add3A_556 = arith.addf %add3A_528, %get3A_555 : vector<16xf32>
      %add3A_557 = arith.constant 49 : i32
      %add3A_558 = arith.addi %mul3A_218, %add3A_557 : i32
      %get3A_559 = arith.index_cast %add3A_558 : i32 to index
      %get3A_560 = arith.constant 0 : index
      %get3A_561 = tpu.vector_load %arg13[%get3A_559, %get3A_560] {strides = array<i32>} : memref<3200x16xf32, #tpu.memory_space<vmem>>, vector<1x16xf32>,
      %get3A_562 = vector.shape_cast %get3A_561 : vector<1x16xf32> to vector<16xf32>
      %add3A_563 = arith.addf %add3A_535, %get3A_562 : vector<16xf32>
      %add3A_564 = arith.addf %add3A_556, %add3A_563 : vector<16xf32>
      %add3A_565 = arith.addf %add3A_542, %add3A_549 : vector<16xf32>
      %add3A_566 = arith.addf %add3A_564, %add3A_565 : vector<16xf32>
      %mul3A_567 = arith.constant 2.000000e-02 : f32
      %mul3A_568 = vector.broadcast %mul3A_567 : f32 to vector<16xf32>
      %mul3A_569 = arith.mulf %add3A_566, %mul3A_568 : vector<16xf32>
      %swap3A = arith.index_cast %scan3A_216 : i32 to index
      %swap3A_570 = arith.constant 0 : index
      %swap3A_571 = tpu.vector_load %arg14[%swap3A, %swap3A_570] {strides = array<i32>} : memref<64x16xf32, #tpu.memory_space<vmem>>, vector<1x16xf32>,
      %swap3A_572 = vector.shape_cast %swap3A_571 : vector<1x16xf32> to vector<16xf32>
      %swap3A_573 = vector.shape_cast %mul3A_569 : vector<16xf32> to vector<1x16xf32>
      tpu.vector_store %arg14[%swap3A, %swap3A_570], %swap3A_573 {strides = array<i32>} : memref<64x16xf32, #tpu.memory_space<vmem>>, vector<1x16xf32>,
    }
    %scan3A_127 = arith.constant 64 : i32
    %add3A_128 = arith.constant 192 : i32
    %add3A_129 = arith.addi %mul3A_2, %add3A_128 : i32
    "tpu.region"() ({
      %run_scoped3A = tpu.sem_alloc : memref<!tpu.dma_semaphore, #tpu.memory_space<semaphore_mem>>
      %dma_start3A_216 = arith.constant 0 : i32
      %dma_start3A_217 = tpu.memref_slice %arg7[%add3A_129, %dma_start3A_216] : memref<16384x16xf32, #tpu.memory_space<hbm>> -> memref<64x16xf32, #tpu.memory_space<hbm>>
      %dma_start3A_218 = arith.constant 0 : i32
      %dma_start3A_219 = tpu.memref_slice %arg7[%add3A_129, %dma_start3A_218] : memref<16384x16xf32, #tpu.memory_space<hbm>> -> memref<64x16xf32, #tpu.memory_space<hbm>>
      tpu.enqueue_dma source(%arg14 : memref<64x16xf32, #tpu.memory_space<vmem>>) target(%dma_start3A_219 : memref<64x16xf32, #tpu.memory_space<hbm>>) target_semaphore(%run_scoped3A : memref<!tpu.dma_semaphore, #tpu.memory_space<semaphore_mem>>)
      %dma_wait3A_220 = arith.constant 0 : i32
      %dma_wait3A_221 = tpu.memref_slice %arg7[%add3A_129, %dma_wait3A_220] : memref<16384x16xf32, #tpu.memory_space<hbm>> -> memref<64x16xf32, #tpu.memory_space<hbm>>
      %dma_wait3A_222 = arith.constant 0 : i32
      %dma_wait3A_223 = tpu.memref_slice %arg7[%add3A_129, %dma_wait3A_222] : memref<16384x16xf32, #tpu.memory_space<hbm>> -> memref<64x16xf32, #tpu.memory_space<hbm>>
      tpu.wait_dma2 semaphore(%run_scoped3A : memref<!tpu.dma_semaphore, #tpu.memory_space<semaphore_mem>>) src(%arg14 : memref<64x16xf32, #tpu.memory_space<vmem>>) dst(%dma_wait3A_223 : memref<64x16xf32, #tpu.memory_space<hbm>>)
      tpu.yield
    }) : () -> ()
    %add3A_130 = arith.constant 16000 : i32
    %add3A_131 = arith.addi %mul3A_4, %add3A_130 : i32
    "tpu.region"() ({
      %run_scoped3A = tpu.sem_alloc : memref<!tpu.dma_semaphore, #tpu.memory_space<semaphore_mem>>
      %dma_start3A_216 = tpu.memref_slice %arg3[%add3A_131] : memref<819200xi32, #tpu.memory_space<hbm>> -> memref<3200xi32, #tpu.memory_space<hbm>>
      %dma_start3A_217 = tpu.memref_slice %arg3[%add3A_131] : memref<819200xi32, #tpu.memory_space<hbm>> -> memref<3200xi32, #tpu.memory_space<hbm>>
      tpu.enqueue_dma source(%dma_start3A_217 : memref<3200xi32, #tpu.memory_space<hbm>>) target(%arg11 : memref<3200xi32, #tpu.memory_space<vmem>>) target_semaphore(%run_scoped3A : memref<!tpu.dma_semaphore, #tpu.memory_space<semaphore_mem>>)
      %dma_wait3A_218 = tpu.memref_slice %arg3[%add3A_131] : memref<819200xi32, #tpu.memory_space<hbm>> -> memref<3200xi32, #tpu.memory_space<hbm>>
      %dma_wait3A_219 = tpu.memref_slice %arg3[%add3A_131] : memref<819200xi32, #tpu.memory_space<hbm>> -> memref<3200xi32, #tpu.memory_space<hbm>>
      tpu.wait_dma2 semaphore(%run_scoped3A : memref<!tpu.dma_semaphore, #tpu.memory_space<semaphore_mem>>) src(%dma_wait3A_219 : memref<3200xi32, #tpu.memory_space<hbm>>) dst(%arg11 : memref<3200xi32, #tpu.memory_space<vmem>>)
      tpu.yield
    }) : () -> ()
    %scan3A_132 = arith.constant 0 : i32
    %scan3A_133 = arith.constant 0 : i32
    %scan3A_134 = arith.constant 25 : i32
    %scan3A_135 = arith.addi %scan3A_133, %scan3A_134 : i32
    %scan3A_136 = arith.constant 1 : i32
    scf.for %scan3A_216 = %scan3A_133 to %scan3A_135 step %scan3A_136  : i32 {
      %mul3A_217 = arith.constant 128 : i32
      %mul3A_218 = arith.muli %scan3A_216, %mul3A_217 : i32
      %mul3A_219 = arith.constant 128 : i32
      %mul3A_220 = arith.muli %scan3A_216, %mul3A_219 : i32
      %dma_start3A_221 = arith.constant 0 : i32
      %dma_start3A_222 = tpu.memref_slice %arg13[%mul3A_220, %dma_start3A_221] : memref<3200x16xf32, #tpu.memory_space<vmem>> -> memref<128x16xf32, #tpu.memory_space<vmem>>
      %dma_start3A_223 = tpu.memref_slice %arg11[%mul3A_218] : memref<3200xi32, #tpu.memory_space<vmem>> -> memref<128xi32, #tpu.memory_space<vmem>>
      %dma_start3A_224 = arith.constant 0 : i32
      %dma_start3A_225 = arith.constant 0 : i32
      %dma_start3A_226 = tpu.memref_slice %arg5[%dma_start3A_224, %dma_start3A_225] : memref<1000000x16xf32, #tpu.memory_space<hbm>> -> memref<1000000x16xf32, #tpu.memory_space<hbm>>
      tpu.enqueue_indirect_dma source(%dma_start3A_226 : memref<1000000x16xf32, #tpu.memory_space<hbm>>) target(%dma_start3A_222 : memref<128x16xf32, #tpu.memory_space<vmem>>) offsets(%dma_start3A_223 : memref<128xi32, #tpu.memory_space<vmem>>) semaphore(%arg17 : memref<!tpu.dma_semaphore, #tpu.memory_space<semaphore_mem>>)
    }
    %scan3A_137 = arith.constant 25 : i32
    %dma_wait3A_138 = arith.constant 0 : i32
    %dma_wait3A_139 = arith.constant 0 : i32
    %dma_wait3A_140 = tpu.memref_slice %arg5[%dma_wait3A_138, %dma_wait3A_139] : memref<1000000x16xf32, #tpu.memory_space<hbm>> -> memref<3200x16xf32, #tpu.memory_space<hbm>>
    %dma_wait3A_141 = arith.constant 0 : i32
    %dma_wait3A_142 = arith.constant 0 : i32
    %dma_wait3A_143 = tpu.memref_slice %arg5[%dma_wait3A_141, %dma_wait3A_142] : memref<1000000x16xf32, #tpu.memory_space<hbm>> -> memref<3200x16xf32, #tpu.memory_space<hbm>>
    tpu.wait_dma2 semaphore(%arg16 : memref<!tpu.dma_semaphore, #tpu.memory_space<semaphore_mem>>) src(%dma_wait3A_143 : memref<3200x16xf32, #tpu.memory_space<hbm>>) dst(%arg12 : memref<3200x16xf32, #tpu.memory_space<vmem>>)
    %scan3A_144 = arith.constant 0 : i32
    %scan3A_145 = arith.constant 0 : i32
    %scan3A_146 = arith.constant 64 : i32
    %scan3A_147 = arith.addi %scan3A_145, %scan3A_146 : i32
    %scan3A_148 = arith.constant 1 : i32
    scf.for %scan3A_216 = %scan3A_145 to %scan3A_147 step %scan3A_148  : i32 {
      %mul3A_217 = arith.constant 50 : i32
      %mul3A_218 = arith.muli %scan3A_216, %mul3A_217 : i32
      %add3A_219 = arith.constant 0 : i32
      %add3A_220 = arith.addi %mul3A_218, %add3A_219 : i32
      %get3A = arith.index_cast %add3A_220 : i32 to index
      %get3A_221 = arith.constant 0 : index
      %get3A_222 = tpu.vector_load %arg12[%get3A, %get3A_221] {strides = array<i32>} : memref<3200x16xf32, #tpu.memory_space<vmem>>, vector<1x16xf32>,
      %get3A_223 = vector.shape_cast %get3A_222 : vector<1x16xf32> to vector<16xf32>
      %add3A_224 = arith.constant 1 : i32
      %add3A_225 = arith.addi %mul3A_218, %add3A_224 : i32
      %get3A_226 = arith.index_cast %add3A_225 : i32 to index
      %get3A_227 = arith.constant 0 : index
      %get3A_228 = tpu.vector_load %arg12[%get3A_226, %get3A_227] {strides = array<i32>} : memref<3200x16xf32, #tpu.memory_space<vmem>>, vector<1x16xf32>,
      %get3A_229 = vector.shape_cast %get3A_228 : vector<1x16xf32> to vector<16xf32>
      %add3A_230 = arith.constant 2 : i32
      %add3A_231 = arith.addi %mul3A_218, %add3A_230 : i32
      %get3A_232 = arith.index_cast %add3A_231 : i32 to index
      %get3A_233 = arith.constant 0 : index
      %get3A_234 = tpu.vector_load %arg12[%get3A_232, %get3A_233] {strides = array<i32>} : memref<3200x16xf32, #tpu.memory_space<vmem>>, vector<1x16xf32>,
      %get3A_235 = vector.shape_cast %get3A_234 : vector<1x16xf32> to vector<16xf32>
      %add3A_236 = arith.constant 3 : i32
      %add3A_237 = arith.addi %mul3A_218, %add3A_236 : i32
      %get3A_238 = arith.index_cast %add3A_237 : i32 to index
      %get3A_239 = arith.constant 0 : index
      %get3A_240 = tpu.vector_load %arg12[%get3A_238, %get3A_239] {strides = array<i32>} : memref<3200x16xf32, #tpu.memory_space<vmem>>, vector<1x16xf32>,
      %get3A_241 = vector.shape_cast %get3A_240 : vector<1x16xf32> to vector<16xf32>
      %add3A_242 = arith.constant 4 : i32
      %add3A_243 = arith.addi %mul3A_218, %add3A_242 : i32
      %get3A_244 = arith.index_cast %add3A_243 : i32 to index
      %get3A_245 = arith.constant 0 : index
      %get3A_246 = tpu.vector_load %arg12[%get3A_244, %get3A_245] {strides = array<i32>} : memref<3200x16xf32, #tpu.memory_space<vmem>>, vector<1x16xf32>,
      %get3A_247 = vector.shape_cast %get3A_246 : vector<1x16xf32> to vector<16xf32>
      %add3A_248 = arith.addf %get3A_223, %get3A_247 : vector<16xf32>
      %add3A_249 = arith.constant 5 : i32
      %add3A_250 = arith.addi %mul3A_218, %add3A_249 : i32
      %get3A_251 = arith.index_cast %add3A_250 : i32 to index
      %get3A_252 = arith.constant 0 : index
      %get3A_253 = tpu.vector_load %arg12[%get3A_251, %get3A_252] {strides = array<i32>} : memref<3200x16xf32, #tpu.memory_space<vmem>>, vector<1x16xf32>,
      %get3A_254 = vector.shape_cast %get3A_253 : vector<1x16xf32> to vector<16xf32>
      %add3A_255 = arith.addf %get3A_229, %get3A_254 : vector<16xf32>
      %add3A_256 = arith.constant 6 : i32
      %add3A_257 = arith.addi %mul3A_218, %add3A_256 : i32
      %get3A_258 = arith.index_cast %add3A_257 : i32 to index
      %get3A_259 = arith.constant 0 : index
      %get3A_260 = tpu.vector_load %arg12[%get3A_258, %get3A_259] {strides = array<i32>} : memref<3200x16xf32, #tpu.memory_space<vmem>>, vector<1x16xf32>,
      %get3A_261 = vector.shape_cast %get3A_260 : vector<1x16xf32> to vector<16xf32>
      %add3A_262 = arith.addf %get3A_235, %get3A_261 : vector<16xf32>
      %add3A_263 = arith.constant 7 : i32
      %add3A_264 = arith.addi %mul3A_218, %add3A_263 : i32
      %get3A_265 = arith.index_cast %add3A_264 : i32 to index
      %get3A_266 = arith.constant 0 : index
      %get3A_267 = tpu.vector_load %arg12[%get3A_265, %get3A_266] {strides = array<i32>} : memref<3200x16xf32, #tpu.memory_space<vmem>>, vector<1x16xf32>,
      %get3A_268 = vector.shape_cast %get3A_267 : vector<1x16xf32> to vector<16xf32>
      %add3A_269 = arith.addf %get3A_241, %get3A_268 : vector<16xf32>
      %add3A_270 = arith.constant 8 : i32
      %add3A_271 = arith.addi %mul3A_218, %add3A_270 : i32
      %get3A_272 = arith.index_cast %add3A_271 : i32 to index
      %get3A_273 = arith.constant 0 : index
      %get3A_274 = tpu.vector_load %arg12[%get3A_272, %get3A_273] {strides = array<i32>} : memref<3200x16xf32, #tpu.memory_space<vmem>>, vector<1x16xf32>,
      %get3A_275 = vector.shape_cast %get3A_274 : vector<1x16xf32> to vector<16xf32>
      %add3A_276 = arith.addf %add3A_248, %get3A_275 : vector<16xf32>
      %add3A_277 = arith.constant 9 : i32
      %add3A_278 = arith.addi %mul3A_218, %add3A_277 : i32
      %get3A_279 = arith.index_cast %add3A_278 : i32 to index
      %get3A_280 = arith.constant 0 : index
      %get3A_281 = tpu.vector_load %arg12[%get3A_279, %get3A_280] {strides = array<i32>} : memref<3200x16xf32, #tpu.memory_space<vmem>>, vector<1x16xf32>,
      %get3A_282 = vector.shape_cast %get3A_281 : vector<1x16xf32> to vector<16xf32>
      %add3A_283 = arith.addf %add3A_255, %get3A_282 : vector<16xf32>
      %add3A_284 = arith.constant 10 : i32
      %add3A_285 = arith.addi %mul3A_218, %add3A_284 : i32
      %get3A_286 = arith.index_cast %add3A_285 : i32 to index
      %get3A_287 = arith.constant 0 : index
      %get3A_288 = tpu.vector_load %arg12[%get3A_286, %get3A_287] {strides = array<i32>} : memref<3200x16xf32, #tpu.memory_space<vmem>>, vector<1x16xf32>,
      %get3A_289 = vector.shape_cast %get3A_288 : vector<1x16xf32> to vector<16xf32>
      %add3A_290 = arith.addf %add3A_262, %get3A_289 : vector<16xf32>
      %add3A_291 = arith.constant 11 : i32
      %add3A_292 = arith.addi %mul3A_218, %add3A_291 : i32
      %get3A_293 = arith.index_cast %add3A_292 : i32 to index
      %get3A_294 = arith.constant 0 : index
      %get3A_295 = tpu.vector_load %arg12[%get3A_293, %get3A_294] {strides = array<i32>} : memref<3200x16xf32, #tpu.memory_space<vmem>>, vector<1x16xf32>,
      %get3A_296 = vector.shape_cast %get3A_295 : vector<1x16xf32> to vector<16xf32>
      %add3A_297 = arith.addf %add3A_269, %get3A_296 : vector<16xf32>
      %add3A_298 = arith.constant 12 : i32
      %add3A_299 = arith.addi %mul3A_218, %add3A_298 : i32
      %get3A_300 = arith.index_cast %add3A_299 : i32 to index
      %get3A_301 = arith.constant 0 : index
      %get3A_302 = tpu.vector_load %arg12[%get3A_300, %get3A_301] {strides = array<i32>} : memref<3200x16xf32, #tpu.memory_space<vmem>>, vector<1x16xf32>,
      %get3A_303 = vector.shape_cast %get3A_302 : vector<1x16xf32> to vector<16xf32>
      %add3A_304 = arith.addf %add3A_276, %get3A_303 : vector<16xf32>
      %add3A_305 = arith.constant 13 : i32
      %add3A_306 = arith.addi %mul3A_218, %add3A_305 : i32
      %get3A_307 = arith.index_cast %add3A_306 : i32 to index
      %get3A_308 = arith.constant 0 : index
      %get3A_309 = tpu.vector_load %arg12[%get3A_307, %get3A_308] {strides = array<i32>} : memref<3200x16xf32, #tpu.memory_space<vmem>>, vector<1x16xf32>,
      %get3A_310 = vector.shape_cast %get3A_309 : vector<1x16xf32> to vector<16xf32>
      %add3A_311 = arith.addf %add3A_283, %get3A_310 : vector<16xf32>
      %add3A_312 = arith.constant 14 : i32
      %add3A_313 = arith.addi %mul3A_218, %add3A_312 : i32
      %get3A_314 = arith.index_cast %add3A_313 : i32 to index
      %get3A_315 = arith.constant 0 : index
      %get3A_316 = tpu.vector_load %arg12[%get3A_314, %get3A_315] {strides = array<i32>} : memref<3200x16xf32, #tpu.memory_space<vmem>>, vector<1x16xf32>,
      %get3A_317 = vector.shape_cast %get3A_316 : vector<1x16xf32> to vector<16xf32>
      %add3A_318 = arith.addf %add3A_290, %get3A_317 : vector<16xf32>
      %add3A_319 = arith.constant 15 : i32
      %add3A_320 = arith.addi %mul3A_218, %add3A_319 : i32
      %get3A_321 = arith.index_cast %add3A_320 : i32 to index
      %get3A_322 = arith.constant 0 : index
      %get3A_323 = tpu.vector_load %arg12[%get3A_321, %get3A_322] {strides = array<i32>} : memref<3200x16xf32, #tpu.memory_space<vmem>>, vector<1x16xf32>,
      %get3A_324 = vector.shape_cast %get3A_323 : vector<1x16xf32> to vector<16xf32>
      %add3A_325 = arith.addf %add3A_297, %get3A_324 : vector<16xf32>
      %add3A_326 = arith.constant 16 : i32
      %add3A_327 = arith.addi %mul3A_218, %add3A_326 : i32
      %get3A_328 = arith.index_cast %add3A_327 : i32 to index
      %get3A_329 = arith.constant 0 : index
      %get3A_330 = tpu.vector_load %arg12[%get3A_328, %get3A_329] {strides = array<i32>} : memref<3200x16xf32, #tpu.memory_space<vmem>>, vector<1x16xf32>,
      %get3A_331 = vector.shape_cast %get3A_330 : vector<1x16xf32> to vector<16xf32>
      %add3A_332 = arith.addf %add3A_304, %get3A_331 : vector<16xf32>
      %add3A_333 = arith.constant 17 : i32
      %add3A_334 = arith.addi %mul3A_218, %add3A_333 : i32
      %get3A_335 = arith.index_cast %add3A_334 : i32 to index
      %get3A_336 = arith.constant 0 : index
      %get3A_337 = tpu.vector_load %arg12[%get3A_335, %get3A_336] {strides = array<i32>} : memref<3200x16xf32, #tpu.memory_space<vmem>>, vector<1x16xf32>,
      %get3A_338 = vector.shape_cast %get3A_337 : vector<1x16xf32> to vector<16xf32>
      %add3A_339 = arith.addf %add3A_311, %get3A_338 : vector<16xf32>
      %add3A_340 = arith.constant 18 : i32
      %add3A_341 = arith.addi %mul3A_218, %add3A_340 : i32
      %get3A_342 = arith.index_cast %add3A_341 : i32 to index
      %get3A_343 = arith.constant 0 : index
      %get3A_344 = tpu.vector_load %arg12[%get3A_342, %get3A_343] {strides = array<i32>} : memref<3200x16xf32, #tpu.memory_space<vmem>>, vector<1x16xf32>,
      %get3A_345 = vector.shape_cast %get3A_344 : vector<1x16xf32> to vector<16xf32>
      %add3A_346 = arith.addf %add3A_318, %get3A_345 : vector<16xf32>
      %add3A_347 = arith.constant 19 : i32
      %add3A_348 = arith.addi %mul3A_218, %add3A_347 : i32
      %get3A_349 = arith.index_cast %add3A_348 : i32 to index
      %get3A_350 = arith.constant 0 : index
      %get3A_351 = tpu.vector_load %arg12[%get3A_349, %get3A_350] {strides = array<i32>} : memref<3200x16xf32, #tpu.memory_space<vmem>>, vector<1x16xf32>,
      %get3A_352 = vector.shape_cast %get3A_351 : vector<1x16xf32> to vector<16xf32>
      %add3A_353 = arith.addf %add3A_325, %get3A_352 : vector<16xf32>
      %add3A_354 = arith.constant 20 : i32
      %add3A_355 = arith.addi %mul3A_218, %add3A_354 : i32
      %get3A_356 = arith.index_cast %add3A_355 : i32 to index
      %get3A_357 = arith.constant 0 : index
      %get3A_358 = tpu.vector_load %arg12[%get3A_356, %get3A_357] {strides = array<i32>} : memref<3200x16xf32, #tpu.memory_space<vmem>>, vector<1x16xf32>,
      %get3A_359 = vector.shape_cast %get3A_358 : vector<1x16xf32> to vector<16xf32>
      %add3A_360 = arith.addf %add3A_332, %get3A_359 : vector<16xf32>
      %add3A_361 = arith.constant 21 : i32
      %add3A_362 = arith.addi %mul3A_218, %add3A_361 : i32
      %get3A_363 = arith.index_cast %add3A_362 : i32 to index
      %get3A_364 = arith.constant 0 : index
      %get3A_365 = tpu.vector_load %arg12[%get3A_363, %get3A_364] {strides = array<i32>} : memref<3200x16xf32, #tpu.memory_space<vmem>>, vector<1x16xf32>,
      %get3A_366 = vector.shape_cast %get3A_365 : vector<1x16xf32> to vector<16xf32>
      %add3A_367 = arith.addf %add3A_339, %get3A_366 : vector<16xf32>
      %add3A_368 = arith.constant 22 : i32
      %add3A_369 = arith.addi %mul3A_218, %add3A_368 : i32
      %get3A_370 = arith.index_cast %add3A_369 : i32 to index
      %get3A_371 = arith.constant 0 : index
      %get3A_372 = tpu.vector_load %arg12[%get3A_370, %get3A_371] {strides = array<i32>} : memref<3200x16xf32, #tpu.memory_space<vmem>>, vector<1x16xf32>,
      %get3A_373 = vector.shape_cast %get3A_372 : vector<1x16xf32> to vector<16xf32>
      %add3A_374 = arith.addf %add3A_346, %get3A_373 : vector<16xf32>
      %add3A_375 = arith.constant 23 : i32
      %add3A_376 = arith.addi %mul3A_218, %add3A_375 : i32
      %get3A_377 = arith.index_cast %add3A_376 : i32 to index
      %get3A_378 = arith.constant 0 : index
      %get3A_379 = tpu.vector_load %arg12[%get3A_377, %get3A_378] {strides = array<i32>} : memref<3200x16xf32, #tpu.memory_space<vmem>>, vector<1x16xf32>,
      %get3A_380 = vector.shape_cast %get3A_379 : vector<1x16xf32> to vector<16xf32>
      %add3A_381 = arith.addf %add3A_353, %get3A_380 : vector<16xf32>
      %add3A_382 = arith.constant 24 : i32
      %add3A_383 = arith.addi %mul3A_218, %add3A_382 : i32
      %get3A_384 = arith.index_cast %add3A_383 : i32 to index
      %get3A_385 = arith.constant 0 : index
      %get3A_386 = tpu.vector_load %arg12[%get3A_384, %get3A_385] {strides = array<i32>} : memref<3200x16xf32, #tpu.memory_space<vmem>>, vector<1x16xf32>,
      %get3A_387 = vector.shape_cast %get3A_386 : vector<1x16xf32> to vector<16xf32>
      %add3A_388 = arith.addf %add3A_360, %get3A_387 : vector<16xf32>
      %add3A_389 = arith.constant 25 : i32
      %add3A_390 = arith.addi %mul3A_218, %add3A_389 : i32
      %get3A_391 = arith.index_cast %add3A_390 : i32 to index
      %get3A_392 = arith.constant 0 : index
      %get3A_393 = tpu.vector_load %arg12[%get3A_391, %get3A_392] {strides = array<i32>} : memref<3200x16xf32, #tpu.memory_space<vmem>>, vector<1x16xf32>,
      %get3A_394 = vector.shape_cast %get3A_393 : vector<1x16xf32> to vector<16xf32>
      %add3A_395 = arith.addf %add3A_367, %get3A_394 : vector<16xf32>
      %add3A_396 = arith.constant 26 : i32
      %add3A_397 = arith.addi %mul3A_218, %add3A_396 : i32
      %get3A_398 = arith.index_cast %add3A_397 : i32 to index
      %get3A_399 = arith.constant 0 : index
      %get3A_400 = tpu.vector_load %arg12[%get3A_398, %get3A_399] {strides = array<i32>} : memref<3200x16xf32, #tpu.memory_space<vmem>>, vector<1x16xf32>,
      %get3A_401 = vector.shape_cast %get3A_400 : vector<1x16xf32> to vector<16xf32>
      %add3A_402 = arith.addf %add3A_374, %get3A_401 : vector<16xf32>
      %add3A_403 = arith.constant 27 : i32
      %add3A_404 = arith.addi %mul3A_218, %add3A_403 : i32
      %get3A_405 = arith.index_cast %add3A_404 : i32 to index
      %get3A_406 = arith.constant 0 : index
      %get3A_407 = tpu.vector_load %arg12[%get3A_405, %get3A_406] {strides = array<i32>} : memref<3200x16xf32, #tpu.memory_space<vmem>>, vector<1x16xf32>,
      %get3A_408 = vector.shape_cast %get3A_407 : vector<1x16xf32> to vector<16xf32>
      %add3A_409 = arith.addf %add3A_381, %get3A_408 : vector<16xf32>
      %add3A_410 = arith.constant 28 : i32
      %add3A_411 = arith.addi %mul3A_218, %add3A_410 : i32
      %get3A_412 = arith.index_cast %add3A_411 : i32 to index
      %get3A_413 = arith.constant 0 : index
      %get3A_414 = tpu.vector_load %arg12[%get3A_412, %get3A_413] {strides = array<i32>} : memref<3200x16xf32, #tpu.memory_space<vmem>>, vector<1x16xf32>,
      %get3A_415 = vector.shape_cast %get3A_414 : vector<1x16xf32> to vector<16xf32>
      %add3A_416 = arith.addf %add3A_388, %get3A_415 : vector<16xf32>
      %add3A_417 = arith.constant 29 : i32
      %add3A_418 = arith.addi %mul3A_218, %add3A_417 : i32
      %get3A_419 = arith.index_cast %add3A_418 : i32 to index
      %get3A_420 = arith.constant 0 : index
      %get3A_421 = tpu.vector_load %arg12[%get3A_419, %get3A_420] {strides = array<i32>} : memref<3200x16xf32, #tpu.memory_space<vmem>>, vector<1x16xf32>,
      %get3A_422 = vector.shape_cast %get3A_421 : vector<1x16xf32> to vector<16xf32>
      %add3A_423 = arith.addf %add3A_395, %get3A_422 : vector<16xf32>
      %add3A_424 = arith.constant 30 : i32
      %add3A_425 = arith.addi %mul3A_218, %add3A_424 : i32
      %get3A_426 = arith.index_cast %add3A_425 : i32 to index
      %get3A_427 = arith.constant 0 : index
      %get3A_428 = tpu.vector_load %arg12[%get3A_426, %get3A_427] {strides = array<i32>} : memref<3200x16xf32, #tpu.memory_space<vmem>>, vector<1x16xf32>,
      %get3A_429 = vector.shape_cast %get3A_428 : vector<1x16xf32> to vector<16xf32>
      %add3A_430 = arith.addf %add3A_402, %get3A_429 : vector<16xf32>
      %add3A_431 = arith.constant 31 : i32
      %add3A_432 = arith.addi %mul3A_218, %add3A_431 : i32
      %get3A_433 = arith.index_cast %add3A_432 : i32 to index
      %get3A_434 = arith.constant 0 : index
      %get3A_435 = tpu.vector_load %arg12[%get3A_433, %get3A_434] {strides = array<i32>} : memref<3200x16xf32, #tpu.memory_space<vmem>>, vector<1x16xf32>,
      %get3A_436 = vector.shape_cast %get3A_435 : vector<1x16xf32> to vector<16xf32>
      %add3A_437 = arith.addf %add3A_409, %get3A_436 : vector<16xf32>
      %add3A_438 = arith.constant 32 : i32
      %add3A_439 = arith.addi %mul3A_218, %add3A_438 : i32
      %get3A_440 = arith.index_cast %add3A_439 : i32 to index
      %get3A_441 = arith.constant 0 : index
      %get3A_442 = tpu.vector_load %arg12[%get3A_440, %get3A_441] {strides = array<i32>} : memref<3200x16xf32, #tpu.memory_space<vmem>>, vector<1x16xf32>,
      %get3A_443 = vector.shape_cast %get3A_442 : vector<1x16xf32> to vector<16xf32>
      %add3A_444 = arith.addf %add3A_416, %get3A_443 : vector<16xf32>
      %add3A_445 = arith.constant 33 : i32
      %add3A_446 = arith.addi %mul3A_218, %add3A_445 : i32
      %get3A_447 = arith.index_cast %add3A_446 : i32 to index
      %get3A_448 = arith.constant 0 : index
      %get3A_449 = tpu.vector_load %arg12[%get3A_447, %get3A_448] {strides = array<i32>} : memref<3200x16xf32, #tpu.memory_space<vmem>>, vector<1x16xf32>,
      %get3A_450 = vector.shape_cast %get3A_449 : vector<1x16xf32> to vector<16xf32>
      %add3A_451 = arith.addf %add3A_423, %get3A_450 : vector<16xf32>
      %add3A_452 = arith.constant 34 : i32
      %add3A_453 = arith.addi %mul3A_218, %add3A_452 : i32
      %get3A_454 = arith.index_cast %add3A_453 : i32 to index
      %get3A_455 = arith.constant 0 : index
      %get3A_456 = tpu.vector_load %arg12[%get3A_454, %get3A_455] {strides = array<i32>} : memref<3200x16xf32, #tpu.memory_space<vmem>>, vector<1x16xf32>,
      %get3A_457 = vector.shape_cast %get3A_456 : vector<1x16xf32> to vector<16xf32>
      %add3A_458 = arith.addf %add3A_430, %get3A_457 : vector<16xf32>
      %add3A_459 = arith.constant 35 : i32
      %add3A_460 = arith.addi %mul3A_218, %add3A_459 : i32
      %get3A_461 = arith.index_cast %add3A_460 : i32 to index
      %get3A_462 = arith.constant 0 : index
      %get3A_463 = tpu.vector_load %arg12[%get3A_461, %get3A_462] {strides = array<i32>} : memref<3200x16xf32, #tpu.memory_space<vmem>>, vector<1x16xf32>,
      %get3A_464 = vector.shape_cast %get3A_463 : vector<1x16xf32> to vector<16xf32>
      %add3A_465 = arith.addf %add3A_437, %get3A_464 : vector<16xf32>
      %add3A_466 = arith.constant 36 : i32
      %add3A_467 = arith.addi %mul3A_218, %add3A_466 : i32
      %get3A_468 = arith.index_cast %add3A_467 : i32 to index
      %get3A_469 = arith.constant 0 : index
      %get3A_470 = tpu.vector_load %arg12[%get3A_468, %get3A_469] {strides = array<i32>} : memref<3200x16xf32, #tpu.memory_space<vmem>>, vector<1x16xf32>,
      %get3A_471 = vector.shape_cast %get3A_470 : vector<1x16xf32> to vector<16xf32>
      %add3A_472 = arith.addf %add3A_444, %get3A_471 : vector<16xf32>
      %add3A_473 = arith.constant 37 : i32
      %add3A_474 = arith.addi %mul3A_218, %add3A_473 : i32
      %get3A_475 = arith.index_cast %add3A_474 : i32 to index
      %get3A_476 = arith.constant 0 : index
      %get3A_477 = tpu.vector_load %arg12[%get3A_475, %get3A_476] {strides = array<i32>} : memref<3200x16xf32, #tpu.memory_space<vmem>>, vector<1x16xf32>,
      %get3A_478 = vector.shape_cast %get3A_477 : vector<1x16xf32> to vector<16xf32>
      %add3A_479 = arith.addf %add3A_451, %get3A_478 : vector<16xf32>
      %add3A_480 = arith.constant 38 : i32
      %add3A_481 = arith.addi %mul3A_218, %add3A_480 : i32
      %get3A_482 = arith.index_cast %add3A_481 : i32 to index
      %get3A_483 = arith.constant 0 : index
      %get3A_484 = tpu.vector_load %arg12[%get3A_482, %get3A_483] {strides = array<i32>} : memref<3200x16xf32, #tpu.memory_space<vmem>>, vector<1x16xf32>,
      %get3A_485 = vector.shape_cast %get3A_484 : vector<1x16xf32> to vector<16xf32>
      %add3A_486 = arith.addf %add3A_458, %get3A_485 : vector<16xf32>
      %add3A_487 = arith.constant 39 : i32
      %add3A_488 = arith.addi %mul3A_218, %add3A_487 : i32
      %get3A_489 = arith.index_cast %add3A_488 : i32 to index
      %get3A_490 = arith.constant 0 : index
      %get3A_491 = tpu.vector_load %arg12[%get3A_489, %get3A_490] {strides = array<i32>} : memref<3200x16xf32, #tpu.memory_space<vmem>>, vector<1x16xf32>,
      %get3A_492 = vector.shape_cast %get3A_491 : vector<1x16xf32> to vector<16xf32>
      %add3A_493 = arith.addf %add3A_465, %get3A_492 : vector<16xf32>
      %add3A_494 = arith.constant 40 : i32
      %add3A_495 = arith.addi %mul3A_218, %add3A_494 : i32
      %get3A_496 = arith.index_cast %add3A_495 : i32 to index
      %get3A_497 = arith.constant 0 : index
      %get3A_498 = tpu.vector_load %arg12[%get3A_496, %get3A_497] {strides = array<i32>} : memref<3200x16xf32, #tpu.memory_space<vmem>>, vector<1x16xf32>,
      %get3A_499 = vector.shape_cast %get3A_498 : vector<1x16xf32> to vector<16xf32>
      %add3A_500 = arith.addf %add3A_472, %get3A_499 : vector<16xf32>
      %add3A_501 = arith.constant 41 : i32
      %add3A_502 = arith.addi %mul3A_218, %add3A_501 : i32
      %get3A_503 = arith.index_cast %add3A_502 : i32 to index
      %get3A_504 = arith.constant 0 : index
      %get3A_505 = tpu.vector_load %arg12[%get3A_503, %get3A_504] {strides = array<i32>} : memref<3200x16xf32, #tpu.memory_space<vmem>>, vector<1x16xf32>,
      %get3A_506 = vector.shape_cast %get3A_505 : vector<1x16xf32> to vector<16xf32>
      %add3A_507 = arith.addf %add3A_479, %get3A_506 : vector<16xf32>
      %add3A_508 = arith.constant 42 : i32
      %add3A_509 = arith.addi %mul3A_218, %add3A_508 : i32
      %get3A_510 = arith.index_cast %add3A_509 : i32 to index
      %get3A_511 = arith.constant 0 : index
      %get3A_512 = tpu.vector_load %arg12[%get3A_510, %get3A_511] {strides = array<i32>} : memref<3200x16xf32, #tpu.memory_space<vmem>>, vector<1x16xf32>,
      %get3A_513 = vector.shape_cast %get3A_512 : vector<1x16xf32> to vector<16xf32>
      %add3A_514 = arith.addf %add3A_486, %get3A_513 : vector<16xf32>
      %add3A_515 = arith.constant 43 : i32
      %add3A_516 = arith.addi %mul3A_218, %add3A_515 : i32
      %get3A_517 = arith.index_cast %add3A_516 : i32 to index
      %get3A_518 = arith.constant 0 : index
      %get3A_519 = tpu.vector_load %arg12[%get3A_517, %get3A_518] {strides = array<i32>} : memref<3200x16xf32, #tpu.memory_space<vmem>>, vector<1x16xf32>,
      %get3A_520 = vector.shape_cast %get3A_519 : vector<1x16xf32> to vector<16xf32>
      %add3A_521 = arith.addf %add3A_493, %get3A_520 : vector<16xf32>
      %add3A_522 = arith.constant 44 : i32
      %add3A_523 = arith.addi %mul3A_218, %add3A_522 : i32
      %get3A_524 = arith.index_cast %add3A_523 : i32 to index
      %get3A_525 = arith.constant 0 : index
      %get3A_526 = tpu.vector_load %arg12[%get3A_524, %get3A_525] {strides = array<i32>} : memref<3200x16xf32, #tpu.memory_space<vmem>>, vector<1x16xf32>,
      %get3A_527 = vector.shape_cast %get3A_526 : vector<1x16xf32> to vector<16xf32>
      %add3A_528 = arith.addf %add3A_500, %get3A_527 : vector<16xf32>
      %add3A_529 = arith.constant 45 : i32
      %add3A_530 = arith.addi %mul3A_218, %add3A_529 : i32
      %get3A_531 = arith.index_cast %add3A_530 : i32 to index
      %get3A_532 = arith.constant 0 : index
      %get3A_533 = tpu.vector_load %arg12[%get3A_531, %get3A_532] {strides = array<i32>} : memref<3200x16xf32, #tpu.memory_space<vmem>>, vector<1x16xf32>,
      %get3A_534 = vector.shape_cast %get3A_533 : vector<1x16xf32> to vector<16xf32>
      %add3A_535 = arith.addf %add3A_507, %get3A_534 : vector<16xf32>
      %add3A_536 = arith.constant 46 : i32
      %add3A_537 = arith.addi %mul3A_218, %add3A_536 : i32
      %get3A_538 = arith.index_cast %add3A_537 : i32 to index
      %get3A_539 = arith.constant 0 : index
      %get3A_540 = tpu.vector_load %arg12[%get3A_538, %get3A_539] {strides = array<i32>} : memref<3200x16xf32, #tpu.memory_space<vmem>>, vector<1x16xf32>,
      %get3A_541 = vector.shape_cast %get3A_540 : vector<1x16xf32> to vector<16xf32>
      %add3A_542 = arith.addf %add3A_514, %get3A_541 : vector<16xf32>
      %add3A_543 = arith.constant 47 : i32
      %add3A_544 = arith.addi %mul3A_218, %add3A_543 : i32
      %get3A_545 = arith.index_cast %add3A_544 : i32 to index
      %get3A_546 = arith.constant 0 : index
      %get3A_547 = tpu.vector_load %arg12[%get3A_545, %get3A_546] {strides = array<i32>} : memref<3200x16xf32, #tpu.memory_space<vmem>>, vector<1x16xf32>,
      %get3A_548 = vector.shape_cast %get3A_547 : vector<1x16xf32> to vector<16xf32>
      %add3A_549 = arith.addf %add3A_521, %get3A_548 : vector<16xf32>
      %add3A_550 = arith.constant 48 : i32
      %add3A_551 = arith.addi %mul3A_218, %add3A_550 : i32
      %get3A_552 = arith.index_cast %add3A_551 : i32 to index
      %get3A_553 = arith.constant 0 : index
      %get3A_554 = tpu.vector_load %arg12[%get3A_552, %get3A_553] {strides = array<i32>} : memref<3200x16xf32, #tpu.memory_space<vmem>>, vector<1x16xf32>,
      %get3A_555 = vector.shape_cast %get3A_554 : vector<1x16xf32> to vector<16xf32>
      %add3A_556 = arith.addf %add3A_528, %get3A_555 : vector<16xf32>
      %add3A_557 = arith.constant 49 : i32
      %add3A_558 = arith.addi %mul3A_218, %add3A_557 : i32
      %get3A_559 = arith.index_cast %add3A_558 : i32 to index
      %get3A_560 = arith.constant 0 : index
      %get3A_561 = tpu.vector_load %arg12[%get3A_559, %get3A_560] {strides = array<i32>} : memref<3200x16xf32, #tpu.memory_space<vmem>>, vector<1x16xf32>,
      %get3A_562 = vector.shape_cast %get3A_561 : vector<1x16xf32> to vector<16xf32>
      %add3A_563 = arith.addf %add3A_535, %get3A_562 : vector<16xf32>
      %add3A_564 = arith.addf %add3A_556, %add3A_563 : vector<16xf32>
      %add3A_565 = arith.addf %add3A_542, %add3A_549 : vector<16xf32>
      %add3A_566 = arith.addf %add3A_564, %add3A_565 : vector<16xf32>
      %mul3A_567 = arith.constant 2.000000e-02 : f32
      %mul3A_568 = vector.broadcast %mul3A_567 : f32 to vector<16xf32>
      %mul3A_569 = arith.mulf %add3A_566, %mul3A_568 : vector<16xf32>
      %swap3A = arith.index_cast %scan3A_216 : i32 to index
      %swap3A_570 = arith.constant 0 : index
      %swap3A_571 = tpu.vector_load %arg14[%swap3A, %swap3A_570] {strides = array<i32>} : memref<64x16xf32, #tpu.memory_space<vmem>>, vector<1x16xf32>,
      %swap3A_572 = vector.shape_cast %swap3A_571 : vector<1x16xf32> to vector<16xf32>
      %swap3A_573 = vector.shape_cast %mul3A_569 : vector<16xf32> to vector<1x16xf32>
      tpu.vector_store %arg14[%swap3A, %swap3A_570], %swap3A_573 {strides = array<i32>} : memref<64x16xf32, #tpu.memory_space<vmem>>, vector<1x16xf32>,
    }
    %scan3A_149 = arith.constant 64 : i32
    %add3A_150 = arith.constant 256 : i32
    %add3A_151 = arith.addi %mul3A_2, %add3A_150 : i32
    "tpu.region"() ({
      %run_scoped3A = tpu.sem_alloc : memref<!tpu.dma_semaphore, #tpu.memory_space<semaphore_mem>>
      %dma_start3A_216 = arith.constant 0 : i32
      %dma_start3A_217 = tpu.memref_slice %arg7[%add3A_151, %dma_start3A_216] : memref<16384x16xf32, #tpu.memory_space<hbm>> -> memref<64x16xf32, #tpu.memory_space<hbm>>
      %dma_start3A_218 = arith.constant 0 : i32
      %dma_start3A_219 = tpu.memref_slice %arg7[%add3A_151, %dma_start3A_218] : memref<16384x16xf32, #tpu.memory_space<hbm>> -> memref<64x16xf32, #tpu.memory_space<hbm>>
      tpu.enqueue_dma source(%arg14 : memref<64x16xf32, #tpu.memory_space<vmem>>) target(%dma_start3A_219 : memref<64x16xf32, #tpu.memory_space<hbm>>) target_semaphore(%run_scoped3A : memref<!tpu.dma_semaphore, #tpu.memory_space<semaphore_mem>>)
      %dma_wait3A_220 = arith.constant 0 : i32
      %dma_wait3A_221 = tpu.memref_slice %arg7[%add3A_151, %dma_wait3A_220] : memref<16384x16xf32, #tpu.memory_space<hbm>> -> memref<64x16xf32, #tpu.memory_space<hbm>>
      %dma_wait3A_222 = arith.constant 0 : i32
      %dma_wait3A_223 = tpu.memref_slice %arg7[%add3A_151, %dma_wait3A_222] : memref<16384x16xf32, #tpu.memory_space<hbm>> -> memref<64x16xf32, #tpu.memory_space<hbm>>
      tpu.wait_dma2 semaphore(%run_scoped3A : memref<!tpu.dma_semaphore, #tpu.memory_space<semaphore_mem>>) src(%arg14 : memref<64x16xf32, #tpu.memory_space<vmem>>) dst(%dma_wait3A_223 : memref<64x16xf32, #tpu.memory_space<hbm>>)
      tpu.yield
    }) : () -> ()
    %add3A_152 = arith.constant 19200 : i32
    %add3A_153 = arith.addi %mul3A_4, %add3A_152 : i32
    "tpu.region"() ({
      %run_scoped3A = tpu.sem_alloc : memref<!tpu.dma_semaphore, #tpu.memory_space<semaphore_mem>>
      %dma_start3A_216 = tpu.memref_slice %arg3[%add3A_153] : memref<819200xi32, #tpu.memory_space<hbm>> -> memref<3200xi32, #tpu.memory_space<hbm>>
      %dma_start3A_217 = tpu.memref_slice %arg3[%add3A_153] : memref<819200xi32, #tpu.memory_space<hbm>> -> memref<3200xi32, #tpu.memory_space<hbm>>
      tpu.enqueue_dma source(%dma_start3A_217 : memref<3200xi32, #tpu.memory_space<hbm>>) target(%arg10 : memref<3200xi32, #tpu.memory_space<vmem>>) target_semaphore(%run_scoped3A : memref<!tpu.dma_semaphore, #tpu.memory_space<semaphore_mem>>)
      %dma_wait3A_218 = tpu.memref_slice %arg3[%add3A_153] : memref<819200xi32, #tpu.memory_space<hbm>> -> memref<3200xi32, #tpu.memory_space<hbm>>
      %dma_wait3A_219 = tpu.memref_slice %arg3[%add3A_153] : memref<819200xi32, #tpu.memory_space<hbm>> -> memref<3200xi32, #tpu.memory_space<hbm>>
      tpu.wait_dma2 semaphore(%run_scoped3A : memref<!tpu.dma_semaphore, #tpu.memory_space<semaphore_mem>>) src(%dma_wait3A_219 : memref<3200xi32, #tpu.memory_space<hbm>>) dst(%arg10 : memref<3200xi32, #tpu.memory_space<vmem>>)
      tpu.yield
    }) : () -> ()
    %scan3A_154 = arith.constant 0 : i32
    %scan3A_155 = arith.constant 0 : i32
    %scan3A_156 = arith.constant 25 : i32
    %scan3A_157 = arith.addi %scan3A_155, %scan3A_156 : i32
    %scan3A_158 = arith.constant 1 : i32
    scf.for %scan3A_216 = %scan3A_155 to %scan3A_157 step %scan3A_158  : i32 {
      %mul3A_217 = arith.constant 128 : i32
      %mul3A_218 = arith.muli %scan3A_216, %mul3A_217 : i32
      %mul3A_219 = arith.constant 128 : i32
      %mul3A_220 = arith.muli %scan3A_216, %mul3A_219 : i32
      %dma_start3A_221 = arith.constant 0 : i32
      %dma_start3A_222 = tpu.memref_slice %arg12[%mul3A_220, %dma_start3A_221] : memref<3200x16xf32, #tpu.memory_space<vmem>> -> memref<128x16xf32, #tpu.memory_space<vmem>>
      %dma_start3A_223 = tpu.memref_slice %arg10[%mul3A_218] : memref<3200xi32, #tpu.memory_space<vmem>> -> memref<128xi32, #tpu.memory_space<vmem>>
      %dma_start3A_224 = arith.constant 0 : i32
      %dma_start3A_225 = arith.constant 0 : i32
      %dma_start3A_226 = tpu.memref_slice %arg5[%dma_start3A_224, %dma_start3A_225] : memref<1000000x16xf32, #tpu.memory_space<hbm>> -> memref<1000000x16xf32, #tpu.memory_space<hbm>>
      tpu.enqueue_indirect_dma source(%dma_start3A_226 : memref<1000000x16xf32, #tpu.memory_space<hbm>>) target(%dma_start3A_222 : memref<128x16xf32, #tpu.memory_space<vmem>>) offsets(%dma_start3A_223 : memref<128xi32, #tpu.memory_space<vmem>>) semaphore(%arg16 : memref<!tpu.dma_semaphore, #tpu.memory_space<semaphore_mem>>)
    }
    %scan3A_159 = arith.constant 25 : i32
    %dma_wait3A_160 = arith.constant 0 : i32
    %dma_wait3A_161 = arith.constant 0 : i32
    %dma_wait3A_162 = tpu.memref_slice %arg5[%dma_wait3A_160, %dma_wait3A_161] : memref<1000000x16xf32, #tpu.memory_space<hbm>> -> memref<3200x16xf32, #tpu.memory_space<hbm>>
    %dma_wait3A_163 = arith.constant 0 : i32
    %dma_wait3A_164 = arith.constant 0 : i32
    %dma_wait3A_165 = tpu.memref_slice %arg5[%dma_wait3A_163, %dma_wait3A_164] : memref<1000000x16xf32, #tpu.memory_space<hbm>> -> memref<3200x16xf32, #tpu.memory_space<hbm>>
    tpu.wait_dma2 semaphore(%arg17 : memref<!tpu.dma_semaphore, #tpu.memory_space<semaphore_mem>>) src(%dma_wait3A_165 : memref<3200x16xf32, #tpu.memory_space<hbm>>) dst(%arg13 : memref<3200x16xf32, #tpu.memory_space<vmem>>)
    %scan3A_166 = arith.constant 0 : i32
    %scan3A_167 = arith.constant 0 : i32
    %scan3A_168 = arith.constant 64 : i32
    %scan3A_169 = arith.addi %scan3A_167, %scan3A_168 : i32
    %scan3A_170 = arith.constant 1 : i32
    scf.for %scan3A_216 = %scan3A_167 to %scan3A_169 step %scan3A_170  : i32 {
      %mul3A_217 = arith.constant 50 : i32
      %mul3A_218 = arith.muli %scan3A_216, %mul3A_217 : i32
      %add3A_219 = arith.constant 0 : i32
      %add3A_220 = arith.addi %mul3A_218, %add3A_219 : i32
      %get3A = arith.index_cast %add3A_220 : i32 to index
      %get3A_221 = arith.constant 0 : index
      %get3A_222 = tpu.vector_load %arg13[%get3A, %get3A_221] {strides = array<i32>} : memref<3200x16xf32, #tpu.memory_space<vmem>>, vector<1x16xf32>,
      %get3A_223 = vector.shape_cast %get3A_222 : vector<1x16xf32> to vector<16xf32>
      %add3A_224 = arith.constant 1 : i32
      %add3A_225 = arith.addi %mul3A_218, %add3A_224 : i32
      %get3A_226 = arith.index_cast %add3A_225 : i32 to index
      %get3A_227 = arith.constant 0 : index
      %get3A_228 = tpu.vector_load %arg13[%get3A_226, %get3A_227] {strides = array<i32>} : memref<3200x16xf32, #tpu.memory_space<vmem>>, vector<1x16xf32>,
      %get3A_229 = vector.shape_cast %get3A_228 : vector<1x16xf32> to vector<16xf32>
      %add3A_230 = arith.constant 2 : i32
      %add3A_231 = arith.addi %mul3A_218, %add3A_230 : i32
      %get3A_232 = arith.index_cast %add3A_231 : i32 to index
      %get3A_233 = arith.constant 0 : index
      %get3A_234 = tpu.vector_load %arg13[%get3A_232, %get3A_233] {strides = array<i32>} : memref<3200x16xf32, #tpu.memory_space<vmem>>, vector<1x16xf32>,
      %get3A_235 = vector.shape_cast %get3A_234 : vector<1x16xf32> to vector<16xf32>
      %add3A_236 = arith.constant 3 : i32
      %add3A_237 = arith.addi %mul3A_218, %add3A_236 : i32
      %get3A_238 = arith.index_cast %add3A_237 : i32 to index
      %get3A_239 = arith.constant 0 : index
      %get3A_240 = tpu.vector_load %arg13[%get3A_238, %get3A_239] {strides = array<i32>} : memref<3200x16xf32, #tpu.memory_space<vmem>>, vector<1x16xf32>,
      %get3A_241 = vector.shape_cast %get3A_240 : vector<1x16xf32> to vector<16xf32>
      %add3A_242 = arith.constant 4 : i32
      %add3A_243 = arith.addi %mul3A_218, %add3A_242 : i32
      %get3A_244 = arith.index_cast %add3A_243 : i32 to index
      %get3A_245 = arith.constant 0 : index
      %get3A_246 = tpu.vector_load %arg13[%get3A_244, %get3A_245] {strides = array<i32>} : memref<3200x16xf32, #tpu.memory_space<vmem>>, vector<1x16xf32>,
      %get3A_247 = vector.shape_cast %get3A_246 : vector<1x16xf32> to vector<16xf32>
      %add3A_248 = arith.addf %get3A_223, %get3A_247 : vector<16xf32>
      %add3A_249 = arith.constant 5 : i32
      %add3A_250 = arith.addi %mul3A_218, %add3A_249 : i32
      %get3A_251 = arith.index_cast %add3A_250 : i32 to index
      %get3A_252 = arith.constant 0 : index
      %get3A_253 = tpu.vector_load %arg13[%get3A_251, %get3A_252] {strides = array<i32>} : memref<3200x16xf32, #tpu.memory_space<vmem>>, vector<1x16xf32>,
      %get3A_254 = vector.shape_cast %get3A_253 : vector<1x16xf32> to vector<16xf32>
      %add3A_255 = arith.addf %get3A_229, %get3A_254 : vector<16xf32>
      %add3A_256 = arith.constant 6 : i32
      %add3A_257 = arith.addi %mul3A_218, %add3A_256 : i32
      %get3A_258 = arith.index_cast %add3A_257 : i32 to index
      %get3A_259 = arith.constant 0 : index
      %get3A_260 = tpu.vector_load %arg13[%get3A_258, %get3A_259] {strides = array<i32>} : memref<3200x16xf32, #tpu.memory_space<vmem>>, vector<1x16xf32>,
      %get3A_261 = vector.shape_cast %get3A_260 : vector<1x16xf32> to vector<16xf32>
      %add3A_262 = arith.addf %get3A_235, %get3A_261 : vector<16xf32>
      %add3A_263 = arith.constant 7 : i32
      %add3A_264 = arith.addi %mul3A_218, %add3A_263 : i32
      %get3A_265 = arith.index_cast %add3A_264 : i32 to index
      %get3A_266 = arith.constant 0 : index
      %get3A_267 = tpu.vector_load %arg13[%get3A_265, %get3A_266] {strides = array<i32>} : memref<3200x16xf32, #tpu.memory_space<vmem>>, vector<1x16xf32>,
      %get3A_268 = vector.shape_cast %get3A_267 : vector<1x16xf32> to vector<16xf32>
      %add3A_269 = arith.addf %get3A_241, %get3A_268 : vector<16xf32>
      %add3A_270 = arith.constant 8 : i32
      %add3A_271 = arith.addi %mul3A_218, %add3A_270 : i32
      %get3A_272 = arith.index_cast %add3A_271 : i32 to index
      %get3A_273 = arith.constant 0 : index
      %get3A_274 = tpu.vector_load %arg13[%get3A_272, %get3A_273] {strides = array<i32>} : memref<3200x16xf32, #tpu.memory_space<vmem>>, vector<1x16xf32>,
      %get3A_275 = vector.shape_cast %get3A_274 : vector<1x16xf32> to vector<16xf32>
      %add3A_276 = arith.addf %add3A_248, %get3A_275 : vector<16xf32>
      %add3A_277 = arith.constant 9 : i32
      %add3A_278 = arith.addi %mul3A_218, %add3A_277 : i32
      %get3A_279 = arith.index_cast %add3A_278 : i32 to index
      %get3A_280 = arith.constant 0 : index
      %get3A_281 = tpu.vector_load %arg13[%get3A_279, %get3A_280] {strides = array<i32>} : memref<3200x16xf32, #tpu.memory_space<vmem>>, vector<1x16xf32>,
      %get3A_282 = vector.shape_cast %get3A_281 : vector<1x16xf32> to vector<16xf32>
      %add3A_283 = arith.addf %add3A_255, %get3A_282 : vector<16xf32>
      %add3A_284 = arith.constant 10 : i32
      %add3A_285 = arith.addi %mul3A_218, %add3A_284 : i32
      %get3A_286 = arith.index_cast %add3A_285 : i32 to index
      %get3A_287 = arith.constant 0 : index
      %get3A_288 = tpu.vector_load %arg13[%get3A_286, %get3A_287] {strides = array<i32>} : memref<3200x16xf32, #tpu.memory_space<vmem>>, vector<1x16xf32>,
      %get3A_289 = vector.shape_cast %get3A_288 : vector<1x16xf32> to vector<16xf32>
      %add3A_290 = arith.addf %add3A_262, %get3A_289 : vector<16xf32>
      %add3A_291 = arith.constant 11 : i32
      %add3A_292 = arith.addi %mul3A_218, %add3A_291 : i32
      %get3A_293 = arith.index_cast %add3A_292 : i32 to index
      %get3A_294 = arith.constant 0 : index
      %get3A_295 = tpu.vector_load %arg13[%get3A_293, %get3A_294] {strides = array<i32>} : memref<3200x16xf32, #tpu.memory_space<vmem>>, vector<1x16xf32>,
      %get3A_296 = vector.shape_cast %get3A_295 : vector<1x16xf32> to vector<16xf32>
      %add3A_297 = arith.addf %add3A_269, %get3A_296 : vector<16xf32>
      %add3A_298 = arith.constant 12 : i32
      %add3A_299 = arith.addi %mul3A_218, %add3A_298 : i32
      %get3A_300 = arith.index_cast %add3A_299 : i32 to index
      %get3A_301 = arith.constant 0 : index
      %get3A_302 = tpu.vector_load %arg13[%get3A_300, %get3A_301] {strides = array<i32>} : memref<3200x16xf32, #tpu.memory_space<vmem>>, vector<1x16xf32>,
      %get3A_303 = vector.shape_cast %get3A_302 : vector<1x16xf32> to vector<16xf32>
      %add3A_304 = arith.addf %add3A_276, %get3A_303 : vector<16xf32>
      %add3A_305 = arith.constant 13 : i32
      %add3A_306 = arith.addi %mul3A_218, %add3A_305 : i32
      %get3A_307 = arith.index_cast %add3A_306 : i32 to index
      %get3A_308 = arith.constant 0 : index
      %get3A_309 = tpu.vector_load %arg13[%get3A_307, %get3A_308] {strides = array<i32>} : memref<3200x16xf32, #tpu.memory_space<vmem>>, vector<1x16xf32>,
      %get3A_310 = vector.shape_cast %get3A_309 : vector<1x16xf32> to vector<16xf32>
      %add3A_311 = arith.addf %add3A_283, %get3A_310 : vector<16xf32>
      %add3A_312 = arith.constant 14 : i32
      %add3A_313 = arith.addi %mul3A_218, %add3A_312 : i32
      %get3A_314 = arith.index_cast %add3A_313 : i32 to index
      %get3A_315 = arith.constant 0 : index
      %get3A_316 = tpu.vector_load %arg13[%get3A_314, %get3A_315] {strides = array<i32>} : memref<3200x16xf32, #tpu.memory_space<vmem>>, vector<1x16xf32>,
      %get3A_317 = vector.shape_cast %get3A_316 : vector<1x16xf32> to vector<16xf32>
      %add3A_318 = arith.addf %add3A_290, %get3A_317 : vector<16xf32>
      %add3A_319 = arith.constant 15 : i32
      %add3A_320 = arith.addi %mul3A_218, %add3A_319 : i32
      %get3A_321 = arith.index_cast %add3A_320 : i32 to index
      %get3A_322 = arith.constant 0 : index
      %get3A_323 = tpu.vector_load %arg13[%get3A_321, %get3A_322] {strides = array<i32>} : memref<3200x16xf32, #tpu.memory_space<vmem>>, vector<1x16xf32>,
      %get3A_324 = vector.shape_cast %get3A_323 : vector<1x16xf32> to vector<16xf32>
      %add3A_325 = arith.addf %add3A_297, %get3A_324 : vector<16xf32>
      %add3A_326 = arith.constant 16 : i32
      %add3A_327 = arith.addi %mul3A_218, %add3A_326 : i32
      %get3A_328 = arith.index_cast %add3A_327 : i32 to index
      %get3A_329 = arith.constant 0 : index
      %get3A_330 = tpu.vector_load %arg13[%get3A_328, %get3A_329] {strides = array<i32>} : memref<3200x16xf32, #tpu.memory_space<vmem>>, vector<1x16xf32>,
      %get3A_331 = vector.shape_cast %get3A_330 : vector<1x16xf32> to vector<16xf32>
      %add3A_332 = arith.addf %add3A_304, %get3A_331 : vector<16xf32>
      %add3A_333 = arith.constant 17 : i32
      %add3A_334 = arith.addi %mul3A_218, %add3A_333 : i32
      %get3A_335 = arith.index_cast %add3A_334 : i32 to index
      %get3A_336 = arith.constant 0 : index
      %get3A_337 = tpu.vector_load %arg13[%get3A_335, %get3A_336] {strides = array<i32>} : memref<3200x16xf32, #tpu.memory_space<vmem>>, vector<1x16xf32>,
      %get3A_338 = vector.shape_cast %get3A_337 : vector<1x16xf32> to vector<16xf32>
      %add3A_339 = arith.addf %add3A_311, %get3A_338 : vector<16xf32>
      %add3A_340 = arith.constant 18 : i32
      %add3A_341 = arith.addi %mul3A_218, %add3A_340 : i32
      %get3A_342 = arith.index_cast %add3A_341 : i32 to index
      %get3A_343 = arith.constant 0 : index
      %get3A_344 = tpu.vector_load %arg13[%get3A_342, %get3A_343] {strides = array<i32>} : memref<3200x16xf32, #tpu.memory_space<vmem>>, vector<1x16xf32>,
      %get3A_345 = vector.shape_cast %get3A_344 : vector<1x16xf32> to vector<16xf32>
      %add3A_346 = arith.addf %add3A_318, %get3A_345 : vector<16xf32>
      %add3A_347 = arith.constant 19 : i32
      %add3A_348 = arith.addi %mul3A_218, %add3A_347 : i32
      %get3A_349 = arith.index_cast %add3A_348 : i32 to index
      %get3A_350 = arith.constant 0 : index
      %get3A_351 = tpu.vector_load %arg13[%get3A_349, %get3A_350] {strides = array<i32>} : memref<3200x16xf32, #tpu.memory_space<vmem>>, vector<1x16xf32>,
      %get3A_352 = vector.shape_cast %get3A_351 : vector<1x16xf32> to vector<16xf32>
      %add3A_353 = arith.addf %add3A_325, %get3A_352 : vector<16xf32>
      %add3A_354 = arith.constant 20 : i32
      %add3A_355 = arith.addi %mul3A_218, %add3A_354 : i32
      %get3A_356 = arith.index_cast %add3A_355 : i32 to index
      %get3A_357 = arith.constant 0 : index
      %get3A_358 = tpu.vector_load %arg13[%get3A_356, %get3A_357] {strides = array<i32>} : memref<3200x16xf32, #tpu.memory_space<vmem>>, vector<1x16xf32>,
      %get3A_359 = vector.shape_cast %get3A_358 : vector<1x16xf32> to vector<16xf32>
      %add3A_360 = arith.addf %add3A_332, %get3A_359 : vector<16xf32>
      %add3A_361 = arith.constant 21 : i32
      %add3A_362 = arith.addi %mul3A_218, %add3A_361 : i32
      %get3A_363 = arith.index_cast %add3A_362 : i32 to index
      %get3A_364 = arith.constant 0 : index
      %get3A_365 = tpu.vector_load %arg13[%get3A_363, %get3A_364] {strides = array<i32>} : memref<3200x16xf32, #tpu.memory_space<vmem>>, vector<1x16xf32>,
      %get3A_366 = vector.shape_cast %get3A_365 : vector<1x16xf32> to vector<16xf32>
      %add3A_367 = arith.addf %add3A_339, %get3A_366 : vector<16xf32>
      %add3A_368 = arith.constant 22 : i32
      %add3A_369 = arith.addi %mul3A_218, %add3A_368 : i32
      %get3A_370 = arith.index_cast %add3A_369 : i32 to index
      %get3A_371 = arith.constant 0 : index
      %get3A_372 = tpu.vector_load %arg13[%get3A_370, %get3A_371] {strides = array<i32>} : memref<3200x16xf32, #tpu.memory_space<vmem>>, vector<1x16xf32>,
      %get3A_373 = vector.shape_cast %get3A_372 : vector<1x16xf32> to vector<16xf32>
      %add3A_374 = arith.addf %add3A_346, %get3A_373 : vector<16xf32>
      %add3A_375 = arith.constant 23 : i32
      %add3A_376 = arith.addi %mul3A_218, %add3A_375 : i32
      %get3A_377 = arith.index_cast %add3A_376 : i32 to index
      %get3A_378 = arith.constant 0 : index
      %get3A_379 = tpu.vector_load %arg13[%get3A_377, %get3A_378] {strides = array<i32>} : memref<3200x16xf32, #tpu.memory_space<vmem>>, vector<1x16xf32>,
      %get3A_380 = vector.shape_cast %get3A_379 : vector<1x16xf32> to vector<16xf32>
      %add3A_381 = arith.addf %add3A_353, %get3A_380 : vector<16xf32>
      %add3A_382 = arith.constant 24 : i32
      %add3A_383 = arith.addi %mul3A_218, %add3A_382 : i32
      %get3A_384 = arith.index_cast %add3A_383 : i32 to index
      %get3A_385 = arith.constant 0 : index
      %get3A_386 = tpu.vector_load %arg13[%get3A_384, %get3A_385] {strides = array<i32>} : memref<3200x16xf32, #tpu.memory_space<vmem>>, vector<1x16xf32>,
      %get3A_387 = vector.shape_cast %get3A_386 : vector<1x16xf32> to vector<16xf32>
      %add3A_388 = arith.addf %add3A_360, %get3A_387 : vector<16xf32>
      %add3A_389 = arith.constant 25 : i32
      %add3A_390 = arith.addi %mul3A_218, %add3A_389 : i32
      %get3A_391 = arith.index_cast %add3A_390 : i32 to index
      %get3A_392 = arith.constant 0 : index
      %get3A_393 = tpu.vector_load %arg13[%get3A_391, %get3A_392] {strides = array<i32>} : memref<3200x16xf32, #tpu.memory_space<vmem>>, vector<1x16xf32>,
      %get3A_394 = vector.shape_cast %get3A_393 : vector<1x16xf32> to vector<16xf32>
      %add3A_395 = arith.addf %add3A_367, %get3A_394 : vector<16xf32>
      %add3A_396 = arith.constant 26 : i32
      %add3A_397 = arith.addi %mul3A_218, %add3A_396 : i32
      %get3A_398 = arith.index_cast %add3A_397 : i32 to index
      %get3A_399 = arith.constant 0 : index
      %get3A_400 = tpu.vector_load %arg13[%get3A_398, %get3A_399] {strides = array<i32>} : memref<3200x16xf32, #tpu.memory_space<vmem>>, vector<1x16xf32>,
      %get3A_401 = vector.shape_cast %get3A_400 : vector<1x16xf32> to vector<16xf32>
      %add3A_402 = arith.addf %add3A_374, %get3A_401 : vector<16xf32>
      %add3A_403 = arith.constant 27 : i32
      %add3A_404 = arith.addi %mul3A_218, %add3A_403 : i32
      %get3A_405 = arith.index_cast %add3A_404 : i32 to index
      %get3A_406 = arith.constant 0 : index
      %get3A_407 = tpu.vector_load %arg13[%get3A_405, %get3A_406] {strides = array<i32>} : memref<3200x16xf32, #tpu.memory_space<vmem>>, vector<1x16xf32>,
      %get3A_408 = vector.shape_cast %get3A_407 : vector<1x16xf32> to vector<16xf32>
      %add3A_409 = arith.addf %add3A_381, %get3A_408 : vector<16xf32>
      %add3A_410 = arith.constant 28 : i32
      %add3A_411 = arith.addi %mul3A_218, %add3A_410 : i32
      %get3A_412 = arith.index_cast %add3A_411 : i32 to index
      %get3A_413 = arith.constant 0 : index
      %get3A_414 = tpu.vector_load %arg13[%get3A_412, %get3A_413] {strides = array<i32>} : memref<3200x16xf32, #tpu.memory_space<vmem>>, vector<1x16xf32>,
      %get3A_415 = vector.shape_cast %get3A_414 : vector<1x16xf32> to vector<16xf32>
      %add3A_416 = arith.addf %add3A_388, %get3A_415 : vector<16xf32>
      %add3A_417 = arith.constant 29 : i32
      %add3A_418 = arith.addi %mul3A_218, %add3A_417 : i32
      %get3A_419 = arith.index_cast %add3A_418 : i32 to index
      %get3A_420 = arith.constant 0 : index
      %get3A_421 = tpu.vector_load %arg13[%get3A_419, %get3A_420] {strides = array<i32>} : memref<3200x16xf32, #tpu.memory_space<vmem>>, vector<1x16xf32>,
      %get3A_422 = vector.shape_cast %get3A_421 : vector<1x16xf32> to vector<16xf32>
      %add3A_423 = arith.addf %add3A_395, %get3A_422 : vector<16xf32>
      %add3A_424 = arith.constant 30 : i32
      %add3A_425 = arith.addi %mul3A_218, %add3A_424 : i32
      %get3A_426 = arith.index_cast %add3A_425 : i32 to index
      %get3A_427 = arith.constant 0 : index
      %get3A_428 = tpu.vector_load %arg13[%get3A_426, %get3A_427] {strides = array<i32>} : memref<3200x16xf32, #tpu.memory_space<vmem>>, vector<1x16xf32>,
      %get3A_429 = vector.shape_cast %get3A_428 : vector<1x16xf32> to vector<16xf32>
      %add3A_430 = arith.addf %add3A_402, %get3A_429 : vector<16xf32>
      %add3A_431 = arith.constant 31 : i32
      %add3A_432 = arith.addi %mul3A_218, %add3A_431 : i32
      %get3A_433 = arith.index_cast %add3A_432 : i32 to index
      %get3A_434 = arith.constant 0 : index
      %get3A_435 = tpu.vector_load %arg13[%get3A_433, %get3A_434] {strides = array<i32>} : memref<3200x16xf32, #tpu.memory_space<vmem>>, vector<1x16xf32>,
      %get3A_436 = vector.shape_cast %get3A_435 : vector<1x16xf32> to vector<16xf32>
      %add3A_437 = arith.addf %add3A_409, %get3A_436 : vector<16xf32>
      %add3A_438 = arith.constant 32 : i32
      %add3A_439 = arith.addi %mul3A_218, %add3A_438 : i32
      %get3A_440 = arith.index_cast %add3A_439 : i32 to index
      %get3A_441 = arith.constant 0 : index
      %get3A_442 = tpu.vector_load %arg13[%get3A_440, %get3A_441] {strides = array<i32>} : memref<3200x16xf32, #tpu.memory_space<vmem>>, vector<1x16xf32>,
      %get3A_443 = vector.shape_cast %get3A_442 : vector<1x16xf32> to vector<16xf32>
      %add3A_444 = arith.addf %add3A_416, %get3A_443 : vector<16xf32>
      %add3A_445 = arith.constant 33 : i32
      %add3A_446 = arith.addi %mul3A_218, %add3A_445 : i32
      %get3A_447 = arith.index_cast %add3A_446 : i32 to index
      %get3A_448 = arith.constant 0 : index
      %get3A_449 = tpu.vector_load %arg13[%get3A_447, %get3A_448] {strides = array<i32>} : memref<3200x16xf32, #tpu.memory_space<vmem>>, vector<1x16xf32>,
      %get3A_450 = vector.shape_cast %get3A_449 : vector<1x16xf32> to vector<16xf32>
      %add3A_451 = arith.addf %add3A_423, %get3A_450 : vector<16xf32>
      %add3A_452 = arith.constant 34 : i32
      %add3A_453 = arith.addi %mul3A_218, %add3A_452 : i32
      %get3A_454 = arith.index_cast %add3A_453 : i32 to index
      %get3A_455 = arith.constant 0 : index
      %get3A_456 = tpu.vector_load %arg13[%get3A_454, %get3A_455] {strides = array<i32>} : memref<3200x16xf32, #tpu.memory_space<vmem>>, vector<1x16xf32>,
      %get3A_457 = vector.shape_cast %get3A_456 : vector<1x16xf32> to vector<16xf32>
      %add3A_458 = arith.addf %add3A_430, %get3A_457 : vector<16xf32>
      %add3A_459 = arith.constant 35 : i32
      %add3A_460 = arith.addi %mul3A_218, %add3A_459 : i32
      %get3A_461 = arith.index_cast %add3A_460 : i32 to index
      %get3A_462 = arith.constant 0 : index
      %get3A_463 = tpu.vector_load %arg13[%get3A_461, %get3A_462] {strides = array<i32>} : memref<3200x16xf32, #tpu.memory_space<vmem>>, vector<1x16xf32>,
      %get3A_464 = vector.shape_cast %get3A_463 : vector<1x16xf32> to vector<16xf32>
      %add3A_465 = arith.addf %add3A_437, %get3A_464 : vector<16xf32>
      %add3A_466 = arith.constant 36 : i32
      %add3A_467 = arith.addi %mul3A_218, %add3A_466 : i32
      %get3A_468 = arith.index_cast %add3A_467 : i32 to index
      %get3A_469 = arith.constant 0 : index
      %get3A_470 = tpu.vector_load %arg13[%get3A_468, %get3A_469] {strides = array<i32>} : memref<3200x16xf32, #tpu.memory_space<vmem>>, vector<1x16xf32>,
      %get3A_471 = vector.shape_cast %get3A_470 : vector<1x16xf32> to vector<16xf32>
      %add3A_472 = arith.addf %add3A_444, %get3A_471 : vector<16xf32>
      %add3A_473 = arith.constant 37 : i32
      %add3A_474 = arith.addi %mul3A_218, %add3A_473 : i32
      %get3A_475 = arith.index_cast %add3A_474 : i32 to index
      %get3A_476 = arith.constant 0 : index
      %get3A_477 = tpu.vector_load %arg13[%get3A_475, %get3A_476] {strides = array<i32>} : memref<3200x16xf32, #tpu.memory_space<vmem>>, vector<1x16xf32>,
      %get3A_478 = vector.shape_cast %get3A_477 : vector<1x16xf32> to vector<16xf32>
      %add3A_479 = arith.addf %add3A_451, %get3A_478 : vector<16xf32>
      %add3A_480 = arith.constant 38 : i32
      %add3A_481 = arith.addi %mul3A_218, %add3A_480 : i32
      %get3A_482 = arith.index_cast %add3A_481 : i32 to index
      %get3A_483 = arith.constant 0 : index
      %get3A_484 = tpu.vector_load %arg13[%get3A_482, %get3A_483] {strides = array<i32>} : memref<3200x16xf32, #tpu.memory_space<vmem>>, vector<1x16xf32>,
      %get3A_485 = vector.shape_cast %get3A_484 : vector<1x16xf32> to vector<16xf32>
      %add3A_486 = arith.addf %add3A_458, %get3A_485 : vector<16xf32>
      %add3A_487 = arith.constant 39 : i32
      %add3A_488 = arith.addi %mul3A_218, %add3A_487 : i32
      %get3A_489 = arith.index_cast %add3A_488 : i32 to index
      %get3A_490 = arith.constant 0 : index
      %get3A_491 = tpu.vector_load %arg13[%get3A_489, %get3A_490] {strides = array<i32>} : memref<3200x16xf32, #tpu.memory_space<vmem>>, vector<1x16xf32>,
      %get3A_492 = vector.shape_cast %get3A_491 : vector<1x16xf32> to vector<16xf32>
      %add3A_493 = arith.addf %add3A_465, %get3A_492 : vector<16xf32>
      %add3A_494 = arith.constant 40 : i32
      %add3A_495 = arith.addi %mul3A_218, %add3A_494 : i32
      %get3A_496 = arith.index_cast %add3A_495 : i32 to index
      %get3A_497 = arith.constant 0 : index
      %get3A_498 = tpu.vector_load %arg13[%get3A_496, %get3A_497] {strides = array<i32>} : memref<3200x16xf32, #tpu.memory_space<vmem>>, vector<1x16xf32>,
      %get3A_499 = vector.shape_cast %get3A_498 : vector<1x16xf32> to vector<16xf32>
      %add3A_500 = arith.addf %add3A_472, %get3A_499 : vector<16xf32>
      %add3A_501 = arith.constant 41 : i32
      %add3A_502 = arith.addi %mul3A_218, %add3A_501 : i32
      %get3A_503 = arith.index_cast %add3A_502 : i32 to index
      %get3A_504 = arith.constant 0 : index
      %get3A_505 = tpu.vector_load %arg13[%get3A_503, %get3A_504] {strides = array<i32>} : memref<3200x16xf32, #tpu.memory_space<vmem>>, vector<1x16xf32>,
      %get3A_506 = vector.shape_cast %get3A_505 : vector<1x16xf32> to vector<16xf32>
      %add3A_507 = arith.addf %add3A_479, %get3A_506 : vector<16xf32>
      %add3A_508 = arith.constant 42 : i32
      %add3A_509 = arith.addi %mul3A_218, %add3A_508 : i32
      %get3A_510 = arith.index_cast %add3A_509 : i32 to index
      %get3A_511 = arith.constant 0 : index
      %get3A_512 = tpu.vector_load %arg13[%get3A_510, %get3A_511] {strides = array<i32>} : memref<3200x16xf32, #tpu.memory_space<vmem>>, vector<1x16xf32>,
      %get3A_513 = vector.shape_cast %get3A_512 : vector<1x16xf32> to vector<16xf32>
      %add3A_514 = arith.addf %add3A_486, %get3A_513 : vector<16xf32>
      %add3A_515 = arith.constant 43 : i32
      %add3A_516 = arith.addi %mul3A_218, %add3A_515 : i32
      %get3A_517 = arith.index_cast %add3A_516 : i32 to index
      %get3A_518 = arith.constant 0 : index
      %get3A_519 = tpu.vector_load %arg13[%get3A_517, %get3A_518] {strides = array<i32>} : memref<3200x16xf32, #tpu.memory_space<vmem>>, vector<1x16xf32>,
      %get3A_520 = vector.shape_cast %get3A_519 : vector<1x16xf32> to vector<16xf32>
      %add3A_521 = arith.addf %add3A_493, %get3A_520 : vector<16xf32>
      %add3A_522 = arith.constant 44 : i32
      %add3A_523 = arith.addi %mul3A_218, %add3A_522 : i32
      %get3A_524 = arith.index_cast %add3A_523 : i32 to index
      %get3A_525 = arith.constant 0 : index
      %get3A_526 = tpu.vector_load %arg13[%get3A_524, %get3A_525] {strides = array<i32>} : memref<3200x16xf32, #tpu.memory_space<vmem>>, vector<1x16xf32>,
      %get3A_527 = vector.shape_cast %get3A_526 : vector<1x16xf32> to vector<16xf32>
      %add3A_528 = arith.addf %add3A_500, %get3A_527 : vector<16xf32>
      %add3A_529 = arith.constant 45 : i32
      %add3A_530 = arith.addi %mul3A_218, %add3A_529 : i32
      %get3A_531 = arith.index_cast %add3A_530 : i32 to index
      %get3A_532 = arith.constant 0 : index
      %get3A_533 = tpu.vector_load %arg13[%get3A_531, %get3A_532] {strides = array<i32>} : memref<3200x16xf32, #tpu.memory_space<vmem>>, vector<1x16xf32>,
      %get3A_534 = vector.shape_cast %get3A_533 : vector<1x16xf32> to vector<16xf32>
      %add3A_535 = arith.addf %add3A_507, %get3A_534 : vector<16xf32>
      %add3A_536 = arith.constant 46 : i32
      %add3A_537 = arith.addi %mul3A_218, %add3A_536 : i32
      %get3A_538 = arith.index_cast %add3A_537 : i32 to index
      %get3A_539 = arith.constant 0 : index
      %get3A_540 = tpu.vector_load %arg13[%get3A_538, %get3A_539] {strides = array<i32>} : memref<3200x16xf32, #tpu.memory_space<vmem>>, vector<1x16xf32>,
      %get3A_541 = vector.shape_cast %get3A_540 : vector<1x16xf32> to vector<16xf32>
      %add3A_542 = arith.addf %add3A_514, %get3A_541 : vector<16xf32>
      %add3A_543 = arith.constant 47 : i32
      %add3A_544 = arith.addi %mul3A_218, %add3A_543 : i32
      %get3A_545 = arith.index_cast %add3A_544 : i32 to index
      %get3A_546 = arith.constant 0 : index
      %get3A_547 = tpu.vector_load %arg13[%get3A_545, %get3A_546] {strides = array<i32>} : memref<3200x16xf32, #tpu.memory_space<vmem>>, vector<1x16xf32>,
      %get3A_548 = vector.shape_cast %get3A_547 : vector<1x16xf32> to vector<16xf32>
      %add3A_549 = arith.addf %add3A_521, %get3A_548 : vector<16xf32>
      %add3A_550 = arith.constant 48 : i32
      %add3A_551 = arith.addi %mul3A_218, %add3A_550 : i32
      %get3A_552 = arith.index_cast %add3A_551 : i32 to index
      %get3A_553 = arith.constant 0 : index
      %get3A_554 = tpu.vector_load %arg13[%get3A_552, %get3A_553] {strides = array<i32>} : memref<3200x16xf32, #tpu.memory_space<vmem>>, vector<1x16xf32>,
      %get3A_555 = vector.shape_cast %get3A_554 : vector<1x16xf32> to vector<16xf32>
      %add3A_556 = arith.addf %add3A_528, %get3A_555 : vector<16xf32>
      %add3A_557 = arith.constant 49 : i32
      %add3A_558 = arith.addi %mul3A_218, %add3A_557 : i32
      %get3A_559 = arith.index_cast %add3A_558 : i32 to index
      %get3A_560 = arith.constant 0 : index
      %get3A_561 = tpu.vector_load %arg13[%get3A_559, %get3A_560] {strides = array<i32>} : memref<3200x16xf32, #tpu.memory_space<vmem>>, vector<1x16xf32>,
      %get3A_562 = vector.shape_cast %get3A_561 : vector<1x16xf32> to vector<16xf32>
      %add3A_563 = arith.addf %add3A_535, %get3A_562 : vector<16xf32>
      %add3A_564 = arith.addf %add3A_556, %add3A_563 : vector<16xf32>
      %add3A_565 = arith.addf %add3A_542, %add3A_549 : vector<16xf32>
      %add3A_566 = arith.addf %add3A_564, %add3A_565 : vector<16xf32>
      %mul3A_567 = arith.constant 2.000000e-02 : f32
      %mul3A_568 = vector.broadcast %mul3A_567 : f32 to vector<16xf32>
      %mul3A_569 = arith.mulf %add3A_566, %mul3A_568 : vector<16xf32>
      %swap3A = arith.index_cast %scan3A_216 : i32 to index
      %swap3A_570 = arith.constant 0 : index
      %swap3A_571 = tpu.vector_load %arg14[%swap3A, %swap3A_570] {strides = array<i32>} : memref<64x16xf32, #tpu.memory_space<vmem>>, vector<1x16xf32>,
      %swap3A_572 = vector.shape_cast %swap3A_571 : vector<1x16xf32> to vector<16xf32>
      %swap3A_573 = vector.shape_cast %mul3A_569 : vector<16xf32> to vector<1x16xf32>
      tpu.vector_store %arg14[%swap3A, %swap3A_570], %swap3A_573 {strides = array<i32>} : memref<64x16xf32, #tpu.memory_space<vmem>>, vector<1x16xf32>,
    }
    %scan3A_171 = arith.constant 64 : i32
    %add3A_172 = arith.constant 320 : i32
    %add3A_173 = arith.addi %mul3A_2, %add3A_172 : i32
    "tpu.region"() ({
      %run_scoped3A = tpu.sem_alloc : memref<!tpu.dma_semaphore, #tpu.memory_space<semaphore_mem>>
      %dma_start3A_216 = arith.constant 0 : i32
      %dma_start3A_217 = tpu.memref_slice %arg7[%add3A_173, %dma_start3A_216] : memref<16384x16xf32, #tpu.memory_space<hbm>> -> memref<64x16xf32, #tpu.memory_space<hbm>>
      %dma_start3A_218 = arith.constant 0 : i32
      %dma_start3A_219 = tpu.memref_slice %arg7[%add3A_173, %dma_start3A_218] : memref<16384x16xf32, #tpu.memory_space<hbm>> -> memref<64x16xf32, #tpu.memory_space<hbm>>
      tpu.enqueue_dma source(%arg14 : memref<64x16xf32, #tpu.memory_space<vmem>>) target(%dma_start3A_219 : memref<64x16xf32, #tpu.memory_space<hbm>>) target_semaphore(%run_scoped3A : memref<!tpu.dma_semaphore, #tpu.memory_space<semaphore_mem>>)
      %dma_wait3A_220 = arith.constant 0 : i32
      %dma_wait3A_221 = tpu.memref_slice %arg7[%add3A_173, %dma_wait3A_220] : memref<16384x16xf32, #tpu.memory_space<hbm>> -> memref<64x16xf32, #tpu.memory_space<hbm>>
      %dma_wait3A_222 = arith.constant 0 : i32
      %dma_wait3A_223 = tpu.memref_slice %arg7[%add3A_173, %dma_wait3A_222] : memref<16384x16xf32, #tpu.memory_space<hbm>> -> memref<64x16xf32, #tpu.memory_space<hbm>>
      tpu.wait_dma2 semaphore(%run_scoped3A : memref<!tpu.dma_semaphore, #tpu.memory_space<semaphore_mem>>) src(%arg14 : memref<64x16xf32, #tpu.memory_space<vmem>>) dst(%dma_wait3A_223 : memref<64x16xf32, #tpu.memory_space<hbm>>)
      tpu.yield
    }) : () -> ()
    %add3A_174 = arith.constant 22400 : i32
    %add3A_175 = arith.addi %mul3A_4, %add3A_174 : i32
    "tpu.region"() ({
      %run_scoped3A = tpu.sem_alloc : memref<!tpu.dma_semaphore, #tpu.memory_space<semaphore_mem>>
      %dma_start3A_216 = tpu.memref_slice %arg3[%add3A_175] : memref<819200xi32, #tpu.memory_space<hbm>> -> memref<3200xi32, #tpu.memory_space<hbm>>
      %dma_start3A_217 = tpu.memref_slice %arg3[%add3A_175] : memref<819200xi32, #tpu.memory_space<hbm>> -> memref<3200xi32, #tpu.memory_space<hbm>>
      tpu.enqueue_dma source(%dma_start3A_217 : memref<3200xi32, #tpu.memory_space<hbm>>) target(%arg11 : memref<3200xi32, #tpu.memory_space<vmem>>) target_semaphore(%run_scoped3A : memref<!tpu.dma_semaphore, #tpu.memory_space<semaphore_mem>>)
      %dma_wait3A_218 = tpu.memref_slice %arg3[%add3A_175] : memref<819200xi32, #tpu.memory_space<hbm>> -> memref<3200xi32, #tpu.memory_space<hbm>>
      %dma_wait3A_219 = tpu.memref_slice %arg3[%add3A_175] : memref<819200xi32, #tpu.memory_space<hbm>> -> memref<3200xi32, #tpu.memory_space<hbm>>
      tpu.wait_dma2 semaphore(%run_scoped3A : memref<!tpu.dma_semaphore, #tpu.memory_space<semaphore_mem>>) src(%dma_wait3A_219 : memref<3200xi32, #tpu.memory_space<hbm>>) dst(%arg11 : memref<3200xi32, #tpu.memory_space<vmem>>)
      tpu.yield
    }) : () -> ()
    %scan3A_176 = arith.constant 0 : i32
    %scan3A_177 = arith.constant 0 : i32
    %scan3A_178 = arith.constant 25 : i32
    %scan3A_179 = arith.addi %scan3A_177, %scan3A_178 : i32
    %scan3A_180 = arith.constant 1 : i32
    scf.for %scan3A_216 = %scan3A_177 to %scan3A_179 step %scan3A_180  : i32 {
      %mul3A_217 = arith.constant 128 : i32
      %mul3A_218 = arith.muli %scan3A_216, %mul3A_217 : i32
      %mul3A_219 = arith.constant 128 : i32
      %mul3A_220 = arith.muli %scan3A_216, %mul3A_219 : i32
      %dma_start3A_221 = arith.constant 0 : i32
      %dma_start3A_222 = tpu.memref_slice %arg13[%mul3A_220, %dma_start3A_221] : memref<3200x16xf32, #tpu.memory_space<vmem>> -> memref<128x16xf32, #tpu.memory_space<vmem>>
      %dma_start3A_223 = tpu.memref_slice %arg11[%mul3A_218] : memref<3200xi32, #tpu.memory_space<vmem>> -> memref<128xi32, #tpu.memory_space<vmem>>
      %dma_start3A_224 = arith.constant 0 : i32
      %dma_start3A_225 = arith.constant 0 : i32
      %dma_start3A_226 = tpu.memref_slice %arg5[%dma_start3A_224, %dma_start3A_225] : memref<1000000x16xf32, #tpu.memory_space<hbm>> -> memref<1000000x16xf32, #tpu.memory_space<hbm>>
      tpu.enqueue_indirect_dma source(%dma_start3A_226 : memref<1000000x16xf32, #tpu.memory_space<hbm>>) target(%dma_start3A_222 : memref<128x16xf32, #tpu.memory_space<vmem>>) offsets(%dma_start3A_223 : memref<128xi32, #tpu.memory_space<vmem>>) semaphore(%arg17 : memref<!tpu.dma_semaphore, #tpu.memory_space<semaphore_mem>>)
    }
    %scan3A_181 = arith.constant 25 : i32
    %dma_wait3A_182 = arith.constant 0 : i32
    %dma_wait3A_183 = arith.constant 0 : i32
    %dma_wait3A_184 = tpu.memref_slice %arg5[%dma_wait3A_182, %dma_wait3A_183] : memref<1000000x16xf32, #tpu.memory_space<hbm>> -> memref<3200x16xf32, #tpu.memory_space<hbm>>
    %dma_wait3A_185 = arith.constant 0 : i32
    %dma_wait3A_186 = arith.constant 0 : i32
    %dma_wait3A_187 = tpu.memref_slice %arg5[%dma_wait3A_185, %dma_wait3A_186] : memref<1000000x16xf32, #tpu.memory_space<hbm>> -> memref<3200x16xf32, #tpu.memory_space<hbm>>
    tpu.wait_dma2 semaphore(%arg16 : memref<!tpu.dma_semaphore, #tpu.memory_space<semaphore_mem>>) src(%dma_wait3A_187 : memref<3200x16xf32, #tpu.memory_space<hbm>>) dst(%arg12 : memref<3200x16xf32, #tpu.memory_space<vmem>>)
    %scan3A_188 = arith.constant 0 : i32
    %scan3A_189 = arith.constant 0 : i32
    %scan3A_190 = arith.constant 64 : i32
    %scan3A_191 = arith.addi %scan3A_189, %scan3A_190 : i32
    %scan3A_192 = arith.constant 1 : i32
    scf.for %scan3A_216 = %scan3A_189 to %scan3A_191 step %scan3A_192  : i32 {
      %mul3A_217 = arith.constant 50 : i32
      %mul3A_218 = arith.muli %scan3A_216, %mul3A_217 : i32
      %add3A_219 = arith.constant 0 : i32
      %add3A_220 = arith.addi %mul3A_218, %add3A_219 : i32
      %get3A = arith.index_cast %add3A_220 : i32 to index
      %get3A_221 = arith.constant 0 : index
      %get3A_222 = tpu.vector_load %arg12[%get3A, %get3A_221] {strides = array<i32>} : memref<3200x16xf32, #tpu.memory_space<vmem>>, vector<1x16xf32>,
      %get3A_223 = vector.shape_cast %get3A_222 : vector<1x16xf32> to vector<16xf32>
      %add3A_224 = arith.constant 1 : i32
      %add3A_225 = arith.addi %mul3A_218, %add3A_224 : i32
      %get3A_226 = arith.index_cast %add3A_225 : i32 to index
      %get3A_227 = arith.constant 0 : index
      %get3A_228 = tpu.vector_load %arg12[%get3A_226, %get3A_227] {strides = array<i32>} : memref<3200x16xf32, #tpu.memory_space<vmem>>, vector<1x16xf32>,
      %get3A_229 = vector.shape_cast %get3A_228 : vector<1x16xf32> to vector<16xf32>
      %add3A_230 = arith.constant 2 : i32
      %add3A_231 = arith.addi %mul3A_218, %add3A_230 : i32
      %get3A_232 = arith.index_cast %add3A_231 : i32 to index
      %get3A_233 = arith.constant 0 : index
      %get3A_234 = tpu.vector_load %arg12[%get3A_232, %get3A_233] {strides = array<i32>} : memref<3200x16xf32, #tpu.memory_space<vmem>>, vector<1x16xf32>,
      %get3A_235 = vector.shape_cast %get3A_234 : vector<1x16xf32> to vector<16xf32>
      %add3A_236 = arith.constant 3 : i32
      %add3A_237 = arith.addi %mul3A_218, %add3A_236 : i32
      %get3A_238 = arith.index_cast %add3A_237 : i32 to index
      %get3A_239 = arith.constant 0 : index
      %get3A_240 = tpu.vector_load %arg12[%get3A_238, %get3A_239] {strides = array<i32>} : memref<3200x16xf32, #tpu.memory_space<vmem>>, vector<1x16xf32>,
      %get3A_241 = vector.shape_cast %get3A_240 : vector<1x16xf32> to vector<16xf32>
      %add3A_242 = arith.constant 4 : i32
      %add3A_243 = arith.addi %mul3A_218, %add3A_242 : i32
      %get3A_244 = arith.index_cast %add3A_243 : i32 to index
      %get3A_245 = arith.constant 0 : index
      %get3A_246 = tpu.vector_load %arg12[%get3A_244, %get3A_245] {strides = array<i32>} : memref<3200x16xf32, #tpu.memory_space<vmem>>, vector<1x16xf32>,
      %get3A_247 = vector.shape_cast %get3A_246 : vector<1x16xf32> to vector<16xf32>
      %add3A_248 = arith.addf %get3A_223, %get3A_247 : vector<16xf32>
      %add3A_249 = arith.constant 5 : i32
      %add3A_250 = arith.addi %mul3A_218, %add3A_249 : i32
      %get3A_251 = arith.index_cast %add3A_250 : i32 to index
      %get3A_252 = arith.constant 0 : index
      %get3A_253 = tpu.vector_load %arg12[%get3A_251, %get3A_252] {strides = array<i32>} : memref<3200x16xf32, #tpu.memory_space<vmem>>, vector<1x16xf32>,
      %get3A_254 = vector.shape_cast %get3A_253 : vector<1x16xf32> to vector<16xf32>
      %add3A_255 = arith.addf %get3A_229, %get3A_254 : vector<16xf32>
      %add3A_256 = arith.constant 6 : i32
      %add3A_257 = arith.addi %mul3A_218, %add3A_256 : i32
      %get3A_258 = arith.index_cast %add3A_257 : i32 to index
      %get3A_259 = arith.constant 0 : index
      %get3A_260 = tpu.vector_load %arg12[%get3A_258, %get3A_259] {strides = array<i32>} : memref<3200x16xf32, #tpu.memory_space<vmem>>, vector<1x16xf32>,
      %get3A_261 = vector.shape_cast %get3A_260 : vector<1x16xf32> to vector<16xf32>
      %add3A_262 = arith.addf %get3A_235, %get3A_261 : vector<16xf32>
      %add3A_263 = arith.constant 7 : i32
      %add3A_264 = arith.addi %mul3A_218, %add3A_263 : i32
      %get3A_265 = arith.index_cast %add3A_264 : i32 to index
      %get3A_266 = arith.constant 0 : index
      %get3A_267 = tpu.vector_load %arg12[%get3A_265, %get3A_266] {strides = array<i32>} : memref<3200x16xf32, #tpu.memory_space<vmem>>, vector<1x16xf32>,
      %get3A_268 = vector.shape_cast %get3A_267 : vector<1x16xf32> to vector<16xf32>
      %add3A_269 = arith.addf %get3A_241, %get3A_268 : vector<16xf32>
      %add3A_270 = arith.constant 8 : i32
      %add3A_271 = arith.addi %mul3A_218, %add3A_270 : i32
      %get3A_272 = arith.index_cast %add3A_271 : i32 to index
      %get3A_273 = arith.constant 0 : index
      %get3A_274 = tpu.vector_load %arg12[%get3A_272, %get3A_273] {strides = array<i32>} : memref<3200x16xf32, #tpu.memory_space<vmem>>, vector<1x16xf32>,
      %get3A_275 = vector.shape_cast %get3A_274 : vector<1x16xf32> to vector<16xf32>
      %add3A_276 = arith.addf %add3A_248, %get3A_275 : vector<16xf32>
      %add3A_277 = arith.constant 9 : i32
      %add3A_278 = arith.addi %mul3A_218, %add3A_277 : i32
      %get3A_279 = arith.index_cast %add3A_278 : i32 to index
      %get3A_280 = arith.constant 0 : index
      %get3A_281 = tpu.vector_load %arg12[%get3A_279, %get3A_280] {strides = array<i32>} : memref<3200x16xf32, #tpu.memory_space<vmem>>, vector<1x16xf32>,
      %get3A_282 = vector.shape_cast %get3A_281 : vector<1x16xf32> to vector<16xf32>
      %add3A_283 = arith.addf %add3A_255, %get3A_282 : vector<16xf32>
      %add3A_284 = arith.constant 10 : i32
      %add3A_285 = arith.addi %mul3A_218, %add3A_284 : i32
      %get3A_286 = arith.index_cast %add3A_285 : i32 to index
      %get3A_287 = arith.constant 0 : index
      %get3A_288 = tpu.vector_load %arg12[%get3A_286, %get3A_287] {strides = array<i32>} : memref<3200x16xf32, #tpu.memory_space<vmem>>, vector<1x16xf32>,
      %get3A_289 = vector.shape_cast %get3A_288 : vector<1x16xf32> to vector<16xf32>
      %add3A_290 = arith.addf %add3A_262, %get3A_289 : vector<16xf32>
      %add3A_291 = arith.constant 11 : i32
      %add3A_292 = arith.addi %mul3A_218, %add3A_291 : i32
      %get3A_293 = arith.index_cast %add3A_292 : i32 to index
      %get3A_294 = arith.constant 0 : index
      %get3A_295 = tpu.vector_load %arg12[%get3A_293, %get3A_294] {strides = array<i32>} : memref<3200x16xf32, #tpu.memory_space<vmem>>, vector<1x16xf32>,
      %get3A_296 = vector.shape_cast %get3A_295 : vector<1x16xf32> to vector<16xf32>
      %add3A_297 = arith.addf %add3A_269, %get3A_296 : vector<16xf32>
      %add3A_298 = arith.constant 12 : i32
      %add3A_299 = arith.addi %mul3A_218, %add3A_298 : i32
      %get3A_300 = arith.index_cast %add3A_299 : i32 to index
      %get3A_301 = arith.constant 0 : index
      %get3A_302 = tpu.vector_load %arg12[%get3A_300, %get3A_301] {strides = array<i32>} : memref<3200x16xf32, #tpu.memory_space<vmem>>, vector<1x16xf32>,
      %get3A_303 = vector.shape_cast %get3A_302 : vector<1x16xf32> to vector<16xf32>
      %add3A_304 = arith.addf %add3A_276, %get3A_303 : vector<16xf32>
      %add3A_305 = arith.constant 13 : i32
      %add3A_306 = arith.addi %mul3A_218, %add3A_305 : i32
      %get3A_307 = arith.index_cast %add3A_306 : i32 to index
      %get3A_308 = arith.constant 0 : index
      %get3A_309 = tpu.vector_load %arg12[%get3A_307, %get3A_308] {strides = array<i32>} : memref<3200x16xf32, #tpu.memory_space<vmem>>, vector<1x16xf32>,
      %get3A_310 = vector.shape_cast %get3A_309 : vector<1x16xf32> to vector<16xf32>
      %add3A_311 = arith.addf %add3A_283, %get3A_310 : vector<16xf32>
      %add3A_312 = arith.constant 14 : i32
      %add3A_313 = arith.addi %mul3A_218, %add3A_312 : i32
      %get3A_314 = arith.index_cast %add3A_313 : i32 to index
      %get3A_315 = arith.constant 0 : index
      %get3A_316 = tpu.vector_load %arg12[%get3A_314, %get3A_315] {strides = array<i32>} : memref<3200x16xf32, #tpu.memory_space<vmem>>, vector<1x16xf32>,
      %get3A_317 = vector.shape_cast %get3A_316 : vector<1x16xf32> to vector<16xf32>
      %add3A_318 = arith.addf %add3A_290, %get3A_317 : vector<16xf32>
      %add3A_319 = arith.constant 15 : i32
      %add3A_320 = arith.addi %mul3A_218, %add3A_319 : i32
      %get3A_321 = arith.index_cast %add3A_320 : i32 to index
      %get3A_322 = arith.constant 0 : index
      %get3A_323 = tpu.vector_load %arg12[%get3A_321, %get3A_322] {strides = array<i32>} : memref<3200x16xf32, #tpu.memory_space<vmem>>, vector<1x16xf32>,
      %get3A_324 = vector.shape_cast %get3A_323 : vector<1x16xf32> to vector<16xf32>
      %add3A_325 = arith.addf %add3A_297, %get3A_324 : vector<16xf32>
      %add3A_326 = arith.constant 16 : i32
      %add3A_327 = arith.addi %mul3A_218, %add3A_326 : i32
      %get3A_328 = arith.index_cast %add3A_327 : i32 to index
      %get3A_329 = arith.constant 0 : index
      %get3A_330 = tpu.vector_load %arg12[%get3A_328, %get3A_329] {strides = array<i32>} : memref<3200x16xf32, #tpu.memory_space<vmem>>, vector<1x16xf32>,
      %get3A_331 = vector.shape_cast %get3A_330 : vector<1x16xf32> to vector<16xf32>
      %add3A_332 = arith.addf %add3A_304, %get3A_331 : vector<16xf32>
      %add3A_333 = arith.constant 17 : i32
      %add3A_334 = arith.addi %mul3A_218, %add3A_333 : i32
      %get3A_335 = arith.index_cast %add3A_334 : i32 to index
      %get3A_336 = arith.constant 0 : index
      %get3A_337 = tpu.vector_load %arg12[%get3A_335, %get3A_336] {strides = array<i32>} : memref<3200x16xf32, #tpu.memory_space<vmem>>, vector<1x16xf32>,
      %get3A_338 = vector.shape_cast %get3A_337 : vector<1x16xf32> to vector<16xf32>
      %add3A_339 = arith.addf %add3A_311, %get3A_338 : vector<16xf32>
      %add3A_340 = arith.constant 18 : i32
      %add3A_341 = arith.addi %mul3A_218, %add3A_340 : i32
      %get3A_342 = arith.index_cast %add3A_341 : i32 to index
      %get3A_343 = arith.constant 0 : index
      %get3A_344 = tpu.vector_load %arg12[%get3A_342, %get3A_343] {strides = array<i32>} : memref<3200x16xf32, #tpu.memory_space<vmem>>, vector<1x16xf32>,
      %get3A_345 = vector.shape_cast %get3A_344 : vector<1x16xf32> to vector<16xf32>
      %add3A_346 = arith.addf %add3A_318, %get3A_345 : vector<16xf32>
      %add3A_347 = arith.constant 19 : i32
      %add3A_348 = arith.addi %mul3A_218, %add3A_347 : i32
      %get3A_349 = arith.index_cast %add3A_348 : i32 to index
      %get3A_350 = arith.constant 0 : index
      %get3A_351 = tpu.vector_load %arg12[%get3A_349, %get3A_350] {strides = array<i32>} : memref<3200x16xf32, #tpu.memory_space<vmem>>, vector<1x16xf32>,
      %get3A_352 = vector.shape_cast %get3A_351 : vector<1x16xf32> to vector<16xf32>
      %add3A_353 = arith.addf %add3A_325, %get3A_352 : vector<16xf32>
      %add3A_354 = arith.constant 20 : i32
      %add3A_355 = arith.addi %mul3A_218, %add3A_354 : i32
      %get3A_356 = arith.index_cast %add3A_355 : i32 to index
      %get3A_357 = arith.constant 0 : index
      %get3A_358 = tpu.vector_load %arg12[%get3A_356, %get3A_357] {strides = array<i32>} : memref<3200x16xf32, #tpu.memory_space<vmem>>, vector<1x16xf32>,
      %get3A_359 = vector.shape_cast %get3A_358 : vector<1x16xf32> to vector<16xf32>
      %add3A_360 = arith.addf %add3A_332, %get3A_359 : vector<16xf32>
      %add3A_361 = arith.constant 21 : i32
      %add3A_362 = arith.addi %mul3A_218, %add3A_361 : i32
      %get3A_363 = arith.index_cast %add3A_362 : i32 to index
      %get3A_364 = arith.constant 0 : index
      %get3A_365 = tpu.vector_load %arg12[%get3A_363, %get3A_364] {strides = array<i32>} : memref<3200x16xf32, #tpu.memory_space<vmem>>, vector<1x16xf32>,
      %get3A_366 = vector.shape_cast %get3A_365 : vector<1x16xf32> to vector<16xf32>
      %add3A_367 = arith.addf %add3A_339, %get3A_366 : vector<16xf32>
      %add3A_368 = arith.constant 22 : i32
      %add3A_369 = arith.addi %mul3A_218, %add3A_368 : i32
      %get3A_370 = arith.index_cast %add3A_369 : i32 to index
      %get3A_371 = arith.constant 0 : index
      %get3A_372 = tpu.vector_load %arg12[%get3A_370, %get3A_371] {strides = array<i32>} : memref<3200x16xf32, #tpu.memory_space<vmem>>, vector<1x16xf32>,
      %get3A_373 = vector.shape_cast %get3A_372 : vector<1x16xf32> to vector<16xf32>
      %add3A_374 = arith.addf %add3A_346, %get3A_373 : vector<16xf32>
      %add3A_375 = arith.constant 23 : i32
      %add3A_376 = arith.addi %mul3A_218, %add3A_375 : i32
      %get3A_377 = arith.index_cast %add3A_376 : i32 to index
      %get3A_378 = arith.constant 0 : index
      %get3A_379 = tpu.vector_load %arg12[%get3A_377, %get3A_378] {strides = array<i32>} : memref<3200x16xf32, #tpu.memory_space<vmem>>, vector<1x16xf32>,
      %get3A_380 = vector.shape_cast %get3A_379 : vector<1x16xf32> to vector<16xf32>
      %add3A_381 = arith.addf %add3A_353, %get3A_380 : vector<16xf32>
      %add3A_382 = arith.constant 24 : i32
      %add3A_383 = arith.addi %mul3A_218, %add3A_382 : i32
      %get3A_384 = arith.index_cast %add3A_383 : i32 to index
      %get3A_385 = arith.constant 0 : index
      %get3A_386 = tpu.vector_load %arg12[%get3A_384, %get3A_385] {strides = array<i32>} : memref<3200x16xf32, #tpu.memory_space<vmem>>, vector<1x16xf32>,
      %get3A_387 = vector.shape_cast %get3A_386 : vector<1x16xf32> to vector<16xf32>
      %add3A_388 = arith.addf %add3A_360, %get3A_387 : vector<16xf32>
      %add3A_389 = arith.constant 25 : i32
      %add3A_390 = arith.addi %mul3A_218, %add3A_389 : i32
      %get3A_391 = arith.index_cast %add3A_390 : i32 to index
      %get3A_392 = arith.constant 0 : index
      %get3A_393 = tpu.vector_load %arg12[%get3A_391, %get3A_392] {strides = array<i32>} : memref<3200x16xf32, #tpu.memory_space<vmem>>, vector<1x16xf32>,
      %get3A_394 = vector.shape_cast %get3A_393 : vector<1x16xf32> to vector<16xf32>
      %add3A_395 = arith.addf %add3A_367, %get3A_394 : vector<16xf32>
      %add3A_396 = arith.constant 26 : i32
      %add3A_397 = arith.addi %mul3A_218, %add3A_396 : i32
      %get3A_398 = arith.index_cast %add3A_397 : i32 to index
      %get3A_399 = arith.constant 0 : index
      %get3A_400 = tpu.vector_load %arg12[%get3A_398, %get3A_399] {strides = array<i32>} : memref<3200x16xf32, #tpu.memory_space<vmem>>, vector<1x16xf32>,
      %get3A_401 = vector.shape_cast %get3A_400 : vector<1x16xf32> to vector<16xf32>
      %add3A_402 = arith.addf %add3A_374, %get3A_401 : vector<16xf32>
      %add3A_403 = arith.constant 27 : i32
      %add3A_404 = arith.addi %mul3A_218, %add3A_403 : i32
      %get3A_405 = arith.index_cast %add3A_404 : i32 to index
      %get3A_406 = arith.constant 0 : index
      %get3A_407 = tpu.vector_load %arg12[%get3A_405, %get3A_406] {strides = array<i32>} : memref<3200x16xf32, #tpu.memory_space<vmem>>, vector<1x16xf32>,
      %get3A_408 = vector.shape_cast %get3A_407 : vector<1x16xf32> to vector<16xf32>
      %add3A_409 = arith.addf %add3A_381, %get3A_408 : vector<16xf32>
      %add3A_410 = arith.constant 28 : i32
      %add3A_411 = arith.addi %mul3A_218, %add3A_410 : i32
      %get3A_412 = arith.index_cast %add3A_411 : i32 to index
      %get3A_413 = arith.constant 0 : index
      %get3A_414 = tpu.vector_load %arg12[%get3A_412, %get3A_413] {strides = array<i32>} : memref<3200x16xf32, #tpu.memory_space<vmem>>, vector<1x16xf32>,
      %get3A_415 = vector.shape_cast %get3A_414 : vector<1x16xf32> to vector<16xf32>
      %add3A_416 = arith.addf %add3A_388, %get3A_415 : vector<16xf32>
      %add3A_417 = arith.constant 29 : i32
      %add3A_418 = arith.addi %mul3A_218, %add3A_417 : i32
      %get3A_419 = arith.index_cast %add3A_418 : i32 to index
      %get3A_420 = arith.constant 0 : index
      %get3A_421 = tpu.vector_load %arg12[%get3A_419, %get3A_420] {strides = array<i32>} : memref<3200x16xf32, #tpu.memory_space<vmem>>, vector<1x16xf32>,
      %get3A_422 = vector.shape_cast %get3A_421 : vector<1x16xf32> to vector<16xf32>
      %add3A_423 = arith.addf %add3A_395, %get3A_422 : vector<16xf32>
      %add3A_424 = arith.constant 30 : i32
      %add3A_425 = arith.addi %mul3A_218, %add3A_424 : i32
      %get3A_426 = arith.index_cast %add3A_425 : i32 to index
      %get3A_427 = arith.constant 0 : index
      %get3A_428 = tpu.vector_load %arg12[%get3A_426, %get3A_427] {strides = array<i32>} : memref<3200x16xf32, #tpu.memory_space<vmem>>, vector<1x16xf32>,
      %get3A_429 = vector.shape_cast %get3A_428 : vector<1x16xf32> to vector<16xf32>
      %add3A_430 = arith.addf %add3A_402, %get3A_429 : vector<16xf32>
      %add3A_431 = arith.constant 31 : i32
      %add3A_432 = arith.addi %mul3A_218, %add3A_431 : i32
      %get3A_433 = arith.index_cast %add3A_432 : i32 to index
      %get3A_434 = arith.constant 0 : index
      %get3A_435 = tpu.vector_load %arg12[%get3A_433, %get3A_434] {strides = array<i32>} : memref<3200x16xf32, #tpu.memory_space<vmem>>, vector<1x16xf32>,
      %get3A_436 = vector.shape_cast %get3A_435 : vector<1x16xf32> to vector<16xf32>
      %add3A_437 = arith.addf %add3A_409, %get3A_436 : vector<16xf32>
      %add3A_438 = arith.constant 32 : i32
      %add3A_439 = arith.addi %mul3A_218, %add3A_438 : i32
      %get3A_440 = arith.index_cast %add3A_439 : i32 to index
      %get3A_441 = arith.constant 0 : index
      %get3A_442 = tpu.vector_load %arg12[%get3A_440, %get3A_441] {strides = array<i32>} : memref<3200x16xf32, #tpu.memory_space<vmem>>, vector<1x16xf32>,
      %get3A_443 = vector.shape_cast %get3A_442 : vector<1x16xf32> to vector<16xf32>
      %add3A_444 = arith.addf %add3A_416, %get3A_443 : vector<16xf32>
      %add3A_445 = arith.constant 33 : i32
      %add3A_446 = arith.addi %mul3A_218, %add3A_445 : i32
      %get3A_447 = arith.index_cast %add3A_446 : i32 to index
      %get3A_448 = arith.constant 0 : index
      %get3A_449 = tpu.vector_load %arg12[%get3A_447, %get3A_448] {strides = array<i32>} : memref<3200x16xf32, #tpu.memory_space<vmem>>, vector<1x16xf32>,
      %get3A_450 = vector.shape_cast %get3A_449 : vector<1x16xf32> to vector<16xf32>
      %add3A_451 = arith.addf %add3A_423, %get3A_450 : vector<16xf32>
      %add3A_452 = arith.constant 34 : i32
      %add3A_453 = arith.addi %mul3A_218, %add3A_452 : i32
      %get3A_454 = arith.index_cast %add3A_453 : i32 to index
      %get3A_455 = arith.constant 0 : index
      %get3A_456 = tpu.vector_load %arg12[%get3A_454, %get3A_455] {strides = array<i32>} : memref<3200x16xf32, #tpu.memory_space<vmem>>, vector<1x16xf32>,
      %get3A_457 = vector.shape_cast %get3A_456 : vector<1x16xf32> to vector<16xf32>
      %add3A_458 = arith.addf %add3A_430, %get3A_457 : vector<16xf32>
      %add3A_459 = arith.constant 35 : i32
      %add3A_460 = arith.addi %mul3A_218, %add3A_459 : i32
      %get3A_461 = arith.index_cast %add3A_460 : i32 to index
      %get3A_462 = arith.constant 0 : index
      %get3A_463 = tpu.vector_load %arg12[%get3A_461, %get3A_462] {strides = array<i32>} : memref<3200x16xf32, #tpu.memory_space<vmem>>, vector<1x16xf32>,
      %get3A_464 = vector.shape_cast %get3A_463 : vector<1x16xf32> to vector<16xf32>
      %add3A_465 = arith.addf %add3A_437, %get3A_464 : vector<16xf32>
      %add3A_466 = arith.constant 36 : i32
      %add3A_467 = arith.addi %mul3A_218, %add3A_466 : i32
      %get3A_468 = arith.index_cast %add3A_467 : i32 to index
      %get3A_469 = arith.constant 0 : index
      %get3A_470 = tpu.vector_load %arg12[%get3A_468, %get3A_469] {strides = array<i32>} : memref<3200x16xf32, #tpu.memory_space<vmem>>, vector<1x16xf32>,
      %get3A_471 = vector.shape_cast %get3A_470 : vector<1x16xf32> to vector<16xf32>
      %add3A_472 = arith.addf %add3A_444, %get3A_471 : vector<16xf32>
      %add3A_473 = arith.constant 37 : i32
      %add3A_474 = arith.addi %mul3A_218, %add3A_473 : i32
      %get3A_475 = arith.index_cast %add3A_474 : i32 to index
      %get3A_476 = arith.constant 0 : index
      %get3A_477 = tpu.vector_load %arg12[%get3A_475, %get3A_476] {strides = array<i32>} : memref<3200x16xf32, #tpu.memory_space<vmem>>, vector<1x16xf32>,
      %get3A_478 = vector.shape_cast %get3A_477 : vector<1x16xf32> to vector<16xf32>
      %add3A_479 = arith.addf %add3A_451, %get3A_478 : vector<16xf32>
      %add3A_480 = arith.constant 38 : i32
      %add3A_481 = arith.addi %mul3A_218, %add3A_480 : i32
      %get3A_482 = arith.index_cast %add3A_481 : i32 to index
      %get3A_483 = arith.constant 0 : index
      %get3A_484 = tpu.vector_load %arg12[%get3A_482, %get3A_483] {strides = array<i32>} : memref<3200x16xf32, #tpu.memory_space<vmem>>, vector<1x16xf32>,
      %get3A_485 = vector.shape_cast %get3A_484 : vector<1x16xf32> to vector<16xf32>
      %add3A_486 = arith.addf %add3A_458, %get3A_485 : vector<16xf32>
      %add3A_487 = arith.constant 39 : i32
      %add3A_488 = arith.addi %mul3A_218, %add3A_487 : i32
      %get3A_489 = arith.index_cast %add3A_488 : i32 to index
      %get3A_490 = arith.constant 0 : index
      %get3A_491 = tpu.vector_load %arg12[%get3A_489, %get3A_490] {strides = array<i32>} : memref<3200x16xf32, #tpu.memory_space<vmem>>, vector<1x16xf32>,
      %get3A_492 = vector.shape_cast %get3A_491 : vector<1x16xf32> to vector<16xf32>
      %add3A_493 = arith.addf %add3A_465, %get3A_492 : vector<16xf32>
      %add3A_494 = arith.constant 40 : i32
      %add3A_495 = arith.addi %mul3A_218, %add3A_494 : i32
      %get3A_496 = arith.index_cast %add3A_495 : i32 to index
      %get3A_497 = arith.constant 0 : index
      %get3A_498 = tpu.vector_load %arg12[%get3A_496, %get3A_497] {strides = array<i32>} : memref<3200x16xf32, #tpu.memory_space<vmem>>, vector<1x16xf32>,
      %get3A_499 = vector.shape_cast %get3A_498 : vector<1x16xf32> to vector<16xf32>
      %add3A_500 = arith.addf %add3A_472, %get3A_499 : vector<16xf32>
      %add3A_501 = arith.constant 41 : i32
      %add3A_502 = arith.addi %mul3A_218, %add3A_501 : i32
      %get3A_503 = arith.index_cast %add3A_502 : i32 to index
      %get3A_504 = arith.constant 0 : index
      %get3A_505 = tpu.vector_load %arg12[%get3A_503, %get3A_504] {strides = array<i32>} : memref<3200x16xf32, #tpu.memory_space<vmem>>, vector<1x16xf32>,
      %get3A_506 = vector.shape_cast %get3A_505 : vector<1x16xf32> to vector<16xf32>
      %add3A_507 = arith.addf %add3A_479, %get3A_506 : vector<16xf32>
      %add3A_508 = arith.constant 42 : i32
      %add3A_509 = arith.addi %mul3A_218, %add3A_508 : i32
      %get3A_510 = arith.index_cast %add3A_509 : i32 to index
      %get3A_511 = arith.constant 0 : index
      %get3A_512 = tpu.vector_load %arg12[%get3A_510, %get3A_511] {strides = array<i32>} : memref<3200x16xf32, #tpu.memory_space<vmem>>, vector<1x16xf32>,
      %get3A_513 = vector.shape_cast %get3A_512 : vector<1x16xf32> to vector<16xf32>
      %add3A_514 = arith.addf %add3A_486, %get3A_513 : vector<16xf32>
      %add3A_515 = arith.constant 43 : i32
      %add3A_516 = arith.addi %mul3A_218, %add3A_515 : i32
      %get3A_517 = arith.index_cast %add3A_516 : i32 to index
      %get3A_518 = arith.constant 0 : index
      %get3A_519 = tpu.vector_load %arg12[%get3A_517, %get3A_518] {strides = array<i32>} : memref<3200x16xf32, #tpu.memory_space<vmem>>, vector<1x16xf32>,
      %get3A_520 = vector.shape_cast %get3A_519 : vector<1x16xf32> to vector<16xf32>
      %add3A_521 = arith.addf %add3A_493, %get3A_520 : vector<16xf32>
      %add3A_522 = arith.constant 44 : i32
      %add3A_523 = arith.addi %mul3A_218, %add3A_522 : i32
      %get3A_524 = arith.index_cast %add3A_523 : i32 to index
      %get3A_525 = arith.constant 0 : index
      %get3A_526 = tpu.vector_load %arg12[%get3A_524, %get3A_525] {strides = array<i32>} : memref<3200x16xf32, #tpu.memory_space<vmem>>, vector<1x16xf32>,
      %get3A_527 = vector.shape_cast %get3A_526 : vector<1x16xf32> to vector<16xf32>
      %add3A_528 = arith.addf %add3A_500, %get3A_527 : vector<16xf32>
      %add3A_529 = arith.constant 45 : i32
      %add3A_530 = arith.addi %mul3A_218, %add3A_529 : i32
      %get3A_531 = arith.index_cast %add3A_530 : i32 to index
      %get3A_532 = arith.constant 0 : index
      %get3A_533 = tpu.vector_load %arg12[%get3A_531, %get3A_532] {strides = array<i32>} : memref<3200x16xf32, #tpu.memory_space<vmem>>, vector<1x16xf32>,
      %get3A_534 = vector.shape_cast %get3A_533 : vector<1x16xf32> to vector<16xf32>
      %add3A_535 = arith.addf %add3A_507, %get3A_534 : vector<16xf32>
      %add3A_536 = arith.constant 46 : i32
      %add3A_537 = arith.addi %mul3A_218, %add3A_536 : i32
      %get3A_538 = arith.index_cast %add3A_537 : i32 to index
      %get3A_539 = arith.constant 0 : index
      %get3A_540 = tpu.vector_load %arg12[%get3A_538, %get3A_539] {strides = array<i32>} : memref<3200x16xf32, #tpu.memory_space<vmem>>, vector<1x16xf32>,
      %get3A_541 = vector.shape_cast %get3A_540 : vector<1x16xf32> to vector<16xf32>
      %add3A_542 = arith.addf %add3A_514, %get3A_541 : vector<16xf32>
      %add3A_543 = arith.constant 47 : i32
      %add3A_544 = arith.addi %mul3A_218, %add3A_543 : i32
      %get3A_545 = arith.index_cast %add3A_544 : i32 to index
      %get3A_546 = arith.constant 0 : index
      %get3A_547 = tpu.vector_load %arg12[%get3A_545, %get3A_546] {strides = array<i32>} : memref<3200x16xf32, #tpu.memory_space<vmem>>, vector<1x16xf32>,
      %get3A_548 = vector.shape_cast %get3A_547 : vector<1x16xf32> to vector<16xf32>
      %add3A_549 = arith.addf %add3A_521, %get3A_548 : vector<16xf32>
      %add3A_550 = arith.constant 48 : i32
      %add3A_551 = arith.addi %mul3A_218, %add3A_550 : i32
      %get3A_552 = arith.index_cast %add3A_551 : i32 to index
      %get3A_553 = arith.constant 0 : index
      %get3A_554 = tpu.vector_load %arg12[%get3A_552, %get3A_553] {strides = array<i32>} : memref<3200x16xf32, #tpu.memory_space<vmem>>, vector<1x16xf32>,
      %get3A_555 = vector.shape_cast %get3A_554 : vector<1x16xf32> to vector<16xf32>
      %add3A_556 = arith.addf %add3A_528, %get3A_555 : vector<16xf32>
      %add3A_557 = arith.constant 49 : i32
      %add3A_558 = arith.addi %mul3A_218, %add3A_557 : i32
      %get3A_559 = arith.index_cast %add3A_558 : i32 to index
      %get3A_560 = arith.constant 0 : index
      %get3A_561 = tpu.vector_load %arg12[%get3A_559, %get3A_560] {strides = array<i32>} : memref<3200x16xf32, #tpu.memory_space<vmem>>, vector<1x16xf32>,
      %get3A_562 = vector.shape_cast %get3A_561 : vector<1x16xf32> to vector<16xf32>
      %add3A_563 = arith.addf %add3A_535, %get3A_562 : vector<16xf32>
      %add3A_564 = arith.addf %add3A_556, %add3A_563 : vector<16xf32>
      %add3A_565 = arith.addf %add3A_542, %add3A_549 : vector<16xf32>
      %add3A_566 = arith.addf %add3A_564, %add3A_565 : vector<16xf32>
      %mul3A_567 = arith.constant 2.000000e-02 : f32
      %mul3A_568 = vector.broadcast %mul3A_567 : f32 to vector<16xf32>
      %mul3A_569 = arith.mulf %add3A_566, %mul3A_568 : vector<16xf32>
      %swap3A = arith.index_cast %scan3A_216 : i32 to index
      %swap3A_570 = arith.constant 0 : index
      %swap3A_571 = tpu.vector_load %arg14[%swap3A, %swap3A_570] {strides = array<i32>} : memref<64x16xf32, #tpu.memory_space<vmem>>, vector<1x16xf32>,
      %swap3A_572 = vector.shape_cast %swap3A_571 : vector<1x16xf32> to vector<16xf32>
      %swap3A_573 = vector.shape_cast %mul3A_569 : vector<16xf32> to vector<1x16xf32>
      tpu.vector_store %arg14[%swap3A, %swap3A_570], %swap3A_573 {strides = array<i32>} : memref<64x16xf32, #tpu.memory_space<vmem>>, vector<1x16xf32>,
    }
    %scan3A_193 = arith.constant 64 : i32
    %add3A_194 = arith.constant 384 : i32
    %add3A_195 = arith.addi %mul3A_2, %add3A_194 : i32
    "tpu.region"() ({
      %run_scoped3A = tpu.sem_alloc : memref<!tpu.dma_semaphore, #tpu.memory_space<semaphore_mem>>
      %dma_start3A_216 = arith.constant 0 : i32
      %dma_start3A_217 = tpu.memref_slice %arg7[%add3A_195, %dma_start3A_216] : memref<16384x16xf32, #tpu.memory_space<hbm>> -> memref<64x16xf32, #tpu.memory_space<hbm>>
      %dma_start3A_218 = arith.constant 0 : i32
      %dma_start3A_219 = tpu.memref_slice %arg7[%add3A_195, %dma_start3A_218] : memref<16384x16xf32, #tpu.memory_space<hbm>> -> memref<64x16xf32, #tpu.memory_space<hbm>>
      tpu.enqueue_dma source(%arg14 : memref<64x16xf32, #tpu.memory_space<vmem>>) target(%dma_start3A_219 : memref<64x16xf32, #tpu.memory_space<hbm>>) target_semaphore(%run_scoped3A : memref<!tpu.dma_semaphore, #tpu.memory_space<semaphore_mem>>)
      %dma_wait3A_220 = arith.constant 0 : i32
      %dma_wait3A_221 = tpu.memref_slice %arg7[%add3A_195, %dma_wait3A_220] : memref<16384x16xf32, #tpu.memory_space<hbm>> -> memref<64x16xf32, #tpu.memory_space<hbm>>
      %dma_wait3A_222 = arith.constant 0 : i32
      %dma_wait3A_223 = tpu.memref_slice %arg7[%add3A_195, %dma_wait3A_222] : memref<16384x16xf32, #tpu.memory_space<hbm>> -> memref<64x16xf32, #tpu.memory_space<hbm>>
      tpu.wait_dma2 semaphore(%run_scoped3A : memref<!tpu.dma_semaphore, #tpu.memory_space<semaphore_mem>>) src(%arg14 : memref<64x16xf32, #tpu.memory_space<vmem>>) dst(%dma_wait3A_223 : memref<64x16xf32, #tpu.memory_space<hbm>>)
      tpu.yield
    }) : () -> ()
    %dma_wait3A_196 = arith.constant 0 : i32
    %dma_wait3A_197 = arith.constant 0 : i32
    %dma_wait3A_198 = tpu.memref_slice %arg5[%dma_wait3A_196, %dma_wait3A_197] : memref<1000000x16xf32, #tpu.memory_space<hbm>> -> memref<3200x16xf32, #tpu.memory_space<hbm>>
    %dma_wait3A_199 = arith.constant 0 : i32
    %dma_wait3A_200 = arith.constant 0 : i32
    %dma_wait3A_201 = tpu.memref_slice %arg5[%dma_wait3A_199, %dma_wait3A_200] : memref<1000000x16xf32, #tpu.memory_space<hbm>> -> memref<3200x16xf32, #tpu.memory_space<hbm>>
    tpu.wait_dma2 semaphore(%arg17 : memref<!tpu.dma_semaphore, #tpu.memory_space<semaphore_mem>>) src(%dma_wait3A_201 : memref<3200x16xf32, #tpu.memory_space<hbm>>) dst(%arg13 : memref<3200x16xf32, #tpu.memory_space<vmem>>)
    %scan3A_202 = arith.constant 0 : i32
    %scan3A_203 = arith.constant 0 : i32
    %scan3A_204 = arith.constant 64 : i32
    %scan3A_205 = arith.addi %scan3A_203, %scan3A_204 : i32
    %scan3A_206 = arith.constant 1 : i32
    scf.for %scan3A_216 = %scan3A_203 to %scan3A_205 step %scan3A_206  : i32 {
      %mul3A_217 = arith.constant 50 : i32
      %mul3A_218 = arith.muli %scan3A_216, %mul3A_217 : i32
      %add3A_219 = arith.constant 0 : i32
      %add3A_220 = arith.addi %mul3A_218, %add3A_219 : i32
      %get3A = arith.index_cast %add3A_220 : i32 to index
      %get3A_221 = arith.constant 0 : index
      %get3A_222 = tpu.vector_load %arg13[%get3A, %get3A_221] {strides = array<i32>} : memref<3200x16xf32, #tpu.memory_space<vmem>>, vector<1x16xf32>,
      %get3A_223 = vector.shape_cast %get3A_222 : vector<1x16xf32> to vector<16xf32>
      %add3A_224 = arith.constant 1 : i32
      %add3A_225 = arith.addi %mul3A_218, %add3A_224 : i32
      %get3A_226 = arith.index_cast %add3A_225 : i32 to index
      %get3A_227 = arith.constant 0 : index
      %get3A_228 = tpu.vector_load %arg13[%get3A_226, %get3A_227] {strides = array<i32>} : memref<3200x16xf32, #tpu.memory_space<vmem>>, vector<1x16xf32>,
      %get3A_229 = vector.shape_cast %get3A_228 : vector<1x16xf32> to vector<16xf32>
      %add3A_230 = arith.constant 2 : i32
      %add3A_231 = arith.addi %mul3A_218, %add3A_230 : i32
      %get3A_232 = arith.index_cast %add3A_231 : i32 to index
      %get3A_233 = arith.constant 0 : index
      %get3A_234 = tpu.vector_load %arg13[%get3A_232, %get3A_233] {strides = array<i32>} : memref<3200x16xf32, #tpu.memory_space<vmem>>, vector<1x16xf32>,
      %get3A_235 = vector.shape_cast %get3A_234 : vector<1x16xf32> to vector<16xf32>
      %add3A_236 = arith.constant 3 : i32
      %add3A_237 = arith.addi %mul3A_218, %add3A_236 : i32
      %get3A_238 = arith.index_cast %add3A_237 : i32 to index
      %get3A_239 = arith.constant 0 : index
      %get3A_240 = tpu.vector_load %arg13[%get3A_238, %get3A_239] {strides = array<i32>} : memref<3200x16xf32, #tpu.memory_space<vmem>>, vector<1x16xf32>,
      %get3A_241 = vector.shape_cast %get3A_240 : vector<1x16xf32> to vector<16xf32>
      %add3A_242 = arith.constant 4 : i32
      %add3A_243 = arith.addi %mul3A_218, %add3A_242 : i32
      %get3A_244 = arith.index_cast %add3A_243 : i32 to index
      %get3A_245 = arith.constant 0 : index
      %get3A_246 = tpu.vector_load %arg13[%get3A_244, %get3A_245] {strides = array<i32>} : memref<3200x16xf32, #tpu.memory_space<vmem>>, vector<1x16xf32>,
      %get3A_247 = vector.shape_cast %get3A_246 : vector<1x16xf32> to vector<16xf32>
      %add3A_248 = arith.addf %get3A_223, %get3A_247 : vector<16xf32>
      %add3A_249 = arith.constant 5 : i32
      %add3A_250 = arith.addi %mul3A_218, %add3A_249 : i32
      %get3A_251 = arith.index_cast %add3A_250 : i32 to index
      %get3A_252 = arith.constant 0 : index
      %get3A_253 = tpu.vector_load %arg13[%get3A_251, %get3A_252] {strides = array<i32>} : memref<3200x16xf32, #tpu.memory_space<vmem>>, vector<1x16xf32>,
      %get3A_254 = vector.shape_cast %get3A_253 : vector<1x16xf32> to vector<16xf32>
      %add3A_255 = arith.addf %get3A_229, %get3A_254 : vector<16xf32>
      %add3A_256 = arith.constant 6 : i32
      %add3A_257 = arith.addi %mul3A_218, %add3A_256 : i32
      %get3A_258 = arith.index_cast %add3A_257 : i32 to index
      %get3A_259 = arith.constant 0 : index
      %get3A_260 = tpu.vector_load %arg13[%get3A_258, %get3A_259] {strides = array<i32>} : memref<3200x16xf32, #tpu.memory_space<vmem>>, vector<1x16xf32>,
      %get3A_261 = vector.shape_cast %get3A_260 : vector<1x16xf32> to vector<16xf32>
      %add3A_262 = arith.addf %get3A_235, %get3A_261 : vector<16xf32>
      %add3A_263 = arith.constant 7 : i32
      %add3A_264 = arith.addi %mul3A_218, %add3A_263 : i32
      %get3A_265 = arith.index_cast %add3A_264 : i32 to index
      %get3A_266 = arith.constant 0 : index
      %get3A_267 = tpu.vector_load %arg13[%get3A_265, %get3A_266] {strides = array<i32>} : memref<3200x16xf32, #tpu.memory_space<vmem>>, vector<1x16xf32>,
      %get3A_268 = vector.shape_cast %get3A_267 : vector<1x16xf32> to vector<16xf32>
      %add3A_269 = arith.addf %get3A_241, %get3A_268 : vector<16xf32>
      %add3A_270 = arith.constant 8 : i32
      %add3A_271 = arith.addi %mul3A_218, %add3A_270 : i32
      %get3A_272 = arith.index_cast %add3A_271 : i32 to index
      %get3A_273 = arith.constant 0 : index
      %get3A_274 = tpu.vector_load %arg13[%get3A_272, %get3A_273] {strides = array<i32>} : memref<3200x16xf32, #tpu.memory_space<vmem>>, vector<1x16xf32>,
      %get3A_275 = vector.shape_cast %get3A_274 : vector<1x16xf32> to vector<16xf32>
      %add3A_276 = arith.addf %add3A_248, %get3A_275 : vector<16xf32>
      %add3A_277 = arith.constant 9 : i32
      %add3A_278 = arith.addi %mul3A_218, %add3A_277 : i32
      %get3A_279 = arith.index_cast %add3A_278 : i32 to index
      %get3A_280 = arith.constant 0 : index
      %get3A_281 = tpu.vector_load %arg13[%get3A_279, %get3A_280] {strides = array<i32>} : memref<3200x16xf32, #tpu.memory_space<vmem>>, vector<1x16xf32>,
      %get3A_282 = vector.shape_cast %get3A_281 : vector<1x16xf32> to vector<16xf32>
      %add3A_283 = arith.addf %add3A_255, %get3A_282 : vector<16xf32>
      %add3A_284 = arith.constant 10 : i32
      %add3A_285 = arith.addi %mul3A_218, %add3A_284 : i32
      %get3A_286 = arith.index_cast %add3A_285 : i32 to index
      %get3A_287 = arith.constant 0 : index
      %get3A_288 = tpu.vector_load %arg13[%get3A_286, %get3A_287] {strides = array<i32>} : memref<3200x16xf32, #tpu.memory_space<vmem>>, vector<1x16xf32>,
      %get3A_289 = vector.shape_cast %get3A_288 : vector<1x16xf32> to vector<16xf32>
      %add3A_290 = arith.addf %add3A_262, %get3A_289 : vector<16xf32>
      %add3A_291 = arith.constant 11 : i32
      %add3A_292 = arith.addi %mul3A_218, %add3A_291 : i32
      %get3A_293 = arith.index_cast %add3A_292 : i32 to index
      %get3A_294 = arith.constant 0 : index
      %get3A_295 = tpu.vector_load %arg13[%get3A_293, %get3A_294] {strides = array<i32>} : memref<3200x16xf32, #tpu.memory_space<vmem>>, vector<1x16xf32>,
      %get3A_296 = vector.shape_cast %get3A_295 : vector<1x16xf32> to vector<16xf32>
      %add3A_297 = arith.addf %add3A_269, %get3A_296 : vector<16xf32>
      %add3A_298 = arith.constant 12 : i32
      %add3A_299 = arith.addi %mul3A_218, %add3A_298 : i32
      %get3A_300 = arith.index_cast %add3A_299 : i32 to index
      %get3A_301 = arith.constant 0 : index
      %get3A_302 = tpu.vector_load %arg13[%get3A_300, %get3A_301] {strides = array<i32>} : memref<3200x16xf32, #tpu.memory_space<vmem>>, vector<1x16xf32>,
      %get3A_303 = vector.shape_cast %get3A_302 : vector<1x16xf32> to vector<16xf32>
      %add3A_304 = arith.addf %add3A_276, %get3A_303 : vector<16xf32>
      %add3A_305 = arith.constant 13 : i32
      %add3A_306 = arith.addi %mul3A_218, %add3A_305 : i32
      %get3A_307 = arith.index_cast %add3A_306 : i32 to index
      %get3A_308 = arith.constant 0 : index
      %get3A_309 = tpu.vector_load %arg13[%get3A_307, %get3A_308] {strides = array<i32>} : memref<3200x16xf32, #tpu.memory_space<vmem>>, vector<1x16xf32>,
      %get3A_310 = vector.shape_cast %get3A_309 : vector<1x16xf32> to vector<16xf32>
      %add3A_311 = arith.addf %add3A_283, %get3A_310 : vector<16xf32>
      %add3A_312 = arith.constant 14 : i32
      %add3A_313 = arith.addi %mul3A_218, %add3A_312 : i32
      %get3A_314 = arith.index_cast %add3A_313 : i32 to index
      %get3A_315 = arith.constant 0 : index
      %get3A_316 = tpu.vector_load %arg13[%get3A_314, %get3A_315] {strides = array<i32>} : memref<3200x16xf32, #tpu.memory_space<vmem>>, vector<1x16xf32>,
      %get3A_317 = vector.shape_cast %get3A_316 : vector<1x16xf32> to vector<16xf32>
      %add3A_318 = arith.addf %add3A_290, %get3A_317 : vector<16xf32>
      %add3A_319 = arith.constant 15 : i32
      %add3A_320 = arith.addi %mul3A_218, %add3A_319 : i32
      %get3A_321 = arith.index_cast %add3A_320 : i32 to index
      %get3A_322 = arith.constant 0 : index
      %get3A_323 = tpu.vector_load %arg13[%get3A_321, %get3A_322] {strides = array<i32>} : memref<3200x16xf32, #tpu.memory_space<vmem>>, vector<1x16xf32>,
      %get3A_324 = vector.shape_cast %get3A_323 : vector<1x16xf32> to vector<16xf32>
      %add3A_325 = arith.addf %add3A_297, %get3A_324 : vector<16xf32>
      %add3A_326 = arith.constant 16 : i32
      %add3A_327 = arith.addi %mul3A_218, %add3A_326 : i32
      %get3A_328 = arith.index_cast %add3A_327 : i32 to index
      %get3A_329 = arith.constant 0 : index
      %get3A_330 = tpu.vector_load %arg13[%get3A_328, %get3A_329] {strides = array<i32>} : memref<3200x16xf32, #tpu.memory_space<vmem>>, vector<1x16xf32>,
      %get3A_331 = vector.shape_cast %get3A_330 : vector<1x16xf32> to vector<16xf32>
      %add3A_332 = arith.addf %add3A_304, %get3A_331 : vector<16xf32>
      %add3A_333 = arith.constant 17 : i32
      %add3A_334 = arith.addi %mul3A_218, %add3A_333 : i32
      %get3A_335 = arith.index_cast %add3A_334 : i32 to index
      %get3A_336 = arith.constant 0 : index
      %get3A_337 = tpu.vector_load %arg13[%get3A_335, %get3A_336] {strides = array<i32>} : memref<3200x16xf32, #tpu.memory_space<vmem>>, vector<1x16xf32>,
      %get3A_338 = vector.shape_cast %get3A_337 : vector<1x16xf32> to vector<16xf32>
      %add3A_339 = arith.addf %add3A_311, %get3A_338 : vector<16xf32>
      %add3A_340 = arith.constant 18 : i32
      %add3A_341 = arith.addi %mul3A_218, %add3A_340 : i32
      %get3A_342 = arith.index_cast %add3A_341 : i32 to index
      %get3A_343 = arith.constant 0 : index
      %get3A_344 = tpu.vector_load %arg13[%get3A_342, %get3A_343] {strides = array<i32>} : memref<3200x16xf32, #tpu.memory_space<vmem>>, vector<1x16xf32>,
      %get3A_345 = vector.shape_cast %get3A_344 : vector<1x16xf32> to vector<16xf32>
      %add3A_346 = arith.addf %add3A_318, %get3A_345 : vector<16xf32>
      %add3A_347 = arith.constant 19 : i32
      %add3A_348 = arith.addi %mul3A_218, %add3A_347 : i32
      %get3A_349 = arith.index_cast %add3A_348 : i32 to index
      %get3A_350 = arith.constant 0 : index
      %get3A_351 = tpu.vector_load %arg13[%get3A_349, %get3A_350] {strides = array<i32>} : memref<3200x16xf32, #tpu.memory_space<vmem>>, vector<1x16xf32>,
      %get3A_352 = vector.shape_cast %get3A_351 : vector<1x16xf32> to vector<16xf32>
      %add3A_353 = arith.addf %add3A_325, %get3A_352 : vector<16xf32>
      %add3A_354 = arith.constant 20 : i32
      %add3A_355 = arith.addi %mul3A_218, %add3A_354 : i32
      %get3A_356 = arith.index_cast %add3A_355 : i32 to index
      %get3A_357 = arith.constant 0 : index
      %get3A_358 = tpu.vector_load %arg13[%get3A_356, %get3A_357] {strides = array<i32>} : memref<3200x16xf32, #tpu.memory_space<vmem>>, vector<1x16xf32>,
      %get3A_359 = vector.shape_cast %get3A_358 : vector<1x16xf32> to vector<16xf32>
      %add3A_360 = arith.addf %add3A_332, %get3A_359 : vector<16xf32>
      %add3A_361 = arith.constant 21 : i32
      %add3A_362 = arith.addi %mul3A_218, %add3A_361 : i32
      %get3A_363 = arith.index_cast %add3A_362 : i32 to index
      %get3A_364 = arith.constant 0 : index
      %get3A_365 = tpu.vector_load %arg13[%get3A_363, %get3A_364] {strides = array<i32>} : memref<3200x16xf32, #tpu.memory_space<vmem>>, vector<1x16xf32>,
      %get3A_366 = vector.shape_cast %get3A_365 : vector<1x16xf32> to vector<16xf32>
      %add3A_367 = arith.addf %add3A_339, %get3A_366 : vector<16xf32>
      %add3A_368 = arith.constant 22 : i32
      %add3A_369 = arith.addi %mul3A_218, %add3A_368 : i32
      %get3A_370 = arith.index_cast %add3A_369 : i32 to index
      %get3A_371 = arith.constant 0 : index
      %get3A_372 = tpu.vector_load %arg13[%get3A_370, %get3A_371] {strides = array<i32>} : memref<3200x16xf32, #tpu.memory_space<vmem>>, vector<1x16xf32>,
      %get3A_373 = vector.shape_cast %get3A_372 : vector<1x16xf32> to vector<16xf32>
      %add3A_374 = arith.addf %add3A_346, %get3A_373 : vector<16xf32>
      %add3A_375 = arith.constant 23 : i32
      %add3A_376 = arith.addi %mul3A_218, %add3A_375 : i32
      %get3A_377 = arith.index_cast %add3A_376 : i32 to index
      %get3A_378 = arith.constant 0 : index
      %get3A_379 = tpu.vector_load %arg13[%get3A_377, %get3A_378] {strides = array<i32>} : memref<3200x16xf32, #tpu.memory_space<vmem>>, vector<1x16xf32>,
      %get3A_380 = vector.shape_cast %get3A_379 : vector<1x16xf32> to vector<16xf32>
      %add3A_381 = arith.addf %add3A_353, %get3A_380 : vector<16xf32>
      %add3A_382 = arith.constant 24 : i32
      %add3A_383 = arith.addi %mul3A_218, %add3A_382 : i32
      %get3A_384 = arith.index_cast %add3A_383 : i32 to index
      %get3A_385 = arith.constant 0 : index
      %get3A_386 = tpu.vector_load %arg13[%get3A_384, %get3A_385] {strides = array<i32>} : memref<3200x16xf32, #tpu.memory_space<vmem>>, vector<1x16xf32>,
      %get3A_387 = vector.shape_cast %get3A_386 : vector<1x16xf32> to vector<16xf32>
      %add3A_388 = arith.addf %add3A_360, %get3A_387 : vector<16xf32>
      %add3A_389 = arith.constant 25 : i32
      %add3A_390 = arith.addi %mul3A_218, %add3A_389 : i32
      %get3A_391 = arith.index_cast %add3A_390 : i32 to index
      %get3A_392 = arith.constant 0 : index
      %get3A_393 = tpu.vector_load %arg13[%get3A_391, %get3A_392] {strides = array<i32>} : memref<3200x16xf32, #tpu.memory_space<vmem>>, vector<1x16xf32>,
      %get3A_394 = vector.shape_cast %get3A_393 : vector<1x16xf32> to vector<16xf32>
      %add3A_395 = arith.addf %add3A_367, %get3A_394 : vector<16xf32>
      %add3A_396 = arith.constant 26 : i32
      %add3A_397 = arith.addi %mul3A_218, %add3A_396 : i32
      %get3A_398 = arith.index_cast %add3A_397 : i32 to index
      %get3A_399 = arith.constant 0 : index
      %get3A_400 = tpu.vector_load %arg13[%get3A_398, %get3A_399] {strides = array<i32>} : memref<3200x16xf32, #tpu.memory_space<vmem>>, vector<1x16xf32>,
      %get3A_401 = vector.shape_cast %get3A_400 : vector<1x16xf32> to vector<16xf32>
      %add3A_402 = arith.addf %add3A_374, %get3A_401 : vector<16xf32>
      %add3A_403 = arith.constant 27 : i32
      %add3A_404 = arith.addi %mul3A_218, %add3A_403 : i32
      %get3A_405 = arith.index_cast %add3A_404 : i32 to index
      %get3A_406 = arith.constant 0 : index
      %get3A_407 = tpu.vector_load %arg13[%get3A_405, %get3A_406] {strides = array<i32>} : memref<3200x16xf32, #tpu.memory_space<vmem>>, vector<1x16xf32>,
      %get3A_408 = vector.shape_cast %get3A_407 : vector<1x16xf32> to vector<16xf32>
      %add3A_409 = arith.addf %add3A_381, %get3A_408 : vector<16xf32>
      %add3A_410 = arith.constant 28 : i32
      %add3A_411 = arith.addi %mul3A_218, %add3A_410 : i32
      %get3A_412 = arith.index_cast %add3A_411 : i32 to index
      %get3A_413 = arith.constant 0 : index
      %get3A_414 = tpu.vector_load %arg13[%get3A_412, %get3A_413] {strides = array<i32>} : memref<3200x16xf32, #tpu.memory_space<vmem>>, vector<1x16xf32>,
      %get3A_415 = vector.shape_cast %get3A_414 : vector<1x16xf32> to vector<16xf32>
      %add3A_416 = arith.addf %add3A_388, %get3A_415 : vector<16xf32>
      %add3A_417 = arith.constant 29 : i32
      %add3A_418 = arith.addi %mul3A_218, %add3A_417 : i32
      %get3A_419 = arith.index_cast %add3A_418 : i32 to index
      %get3A_420 = arith.constant 0 : index
      %get3A_421 = tpu.vector_load %arg13[%get3A_419, %get3A_420] {strides = array<i32>} : memref<3200x16xf32, #tpu.memory_space<vmem>>, vector<1x16xf32>,
      %get3A_422 = vector.shape_cast %get3A_421 : vector<1x16xf32> to vector<16xf32>
      %add3A_423 = arith.addf %add3A_395, %get3A_422 : vector<16xf32>
      %add3A_424 = arith.constant 30 : i32
      %add3A_425 = arith.addi %mul3A_218, %add3A_424 : i32
      %get3A_426 = arith.index_cast %add3A_425 : i32 to index
      %get3A_427 = arith.constant 0 : index
      %get3A_428 = tpu.vector_load %arg13[%get3A_426, %get3A_427] {strides = array<i32>} : memref<3200x16xf32, #tpu.memory_space<vmem>>, vector<1x16xf32>,
      %get3A_429 = vector.shape_cast %get3A_428 : vector<1x16xf32> to vector<16xf32>
      %add3A_430 = arith.addf %add3A_402, %get3A_429 : vector<16xf32>
      %add3A_431 = arith.constant 31 : i32
      %add3A_432 = arith.addi %mul3A_218, %add3A_431 : i32
      %get3A_433 = arith.index_cast %add3A_432 : i32 to index
      %get3A_434 = arith.constant 0 : index
      %get3A_435 = tpu.vector_load %arg13[%get3A_433, %get3A_434] {strides = array<i32>} : memref<3200x16xf32, #tpu.memory_space<vmem>>, vector<1x16xf32>,
      %get3A_436 = vector.shape_cast %get3A_435 : vector<1x16xf32> to vector<16xf32>
      %add3A_437 = arith.addf %add3A_409, %get3A_436 : vector<16xf32>
      %add3A_438 = arith.constant 32 : i32
      %add3A_439 = arith.addi %mul3A_218, %add3A_438 : i32
      %get3A_440 = arith.index_cast %add3A_439 : i32 to index
      %get3A_441 = arith.constant 0 : index
      %get3A_442 = tpu.vector_load %arg13[%get3A_440, %get3A_441] {strides = array<i32>} : memref<3200x16xf32, #tpu.memory_space<vmem>>, vector<1x16xf32>,
      %get3A_443 = vector.shape_cast %get3A_442 : vector<1x16xf32> to vector<16xf32>
      %add3A_444 = arith.addf %add3A_416, %get3A_443 : vector<16xf32>
      %add3A_445 = arith.constant 33 : i32
      %add3A_446 = arith.addi %mul3A_218, %add3A_445 : i32
      %get3A_447 = arith.index_cast %add3A_446 : i32 to index
      %get3A_448 = arith.constant 0 : index
      %get3A_449 = tpu.vector_load %arg13[%get3A_447, %get3A_448] {strides = array<i32>} : memref<3200x16xf32, #tpu.memory_space<vmem>>, vector<1x16xf32>,
      %get3A_450 = vector.shape_cast %get3A_449 : vector<1x16xf32> to vector<16xf32>
      %add3A_451 = arith.addf %add3A_423, %get3A_450 : vector<16xf32>
      %add3A_452 = arith.constant 34 : i32
      %add3A_453 = arith.addi %mul3A_218, %add3A_452 : i32
      %get3A_454 = arith.index_cast %add3A_453 : i32 to index
      %get3A_455 = arith.constant 0 : index
      %get3A_456 = tpu.vector_load %arg13[%get3A_454, %get3A_455] {strides = array<i32>} : memref<3200x16xf32, #tpu.memory_space<vmem>>, vector<1x16xf32>,
      %get3A_457 = vector.shape_cast %get3A_456 : vector<1x16xf32> to vector<16xf32>
      %add3A_458 = arith.addf %add3A_430, %get3A_457 : vector<16xf32>
      %add3A_459 = arith.constant 35 : i32
      %add3A_460 = arith.addi %mul3A_218, %add3A_459 : i32
      %get3A_461 = arith.index_cast %add3A_460 : i32 to index
      %get3A_462 = arith.constant 0 : index
      %get3A_463 = tpu.vector_load %arg13[%get3A_461, %get3A_462] {strides = array<i32>} : memref<3200x16xf32, #tpu.memory_space<vmem>>, vector<1x16xf32>,
      %get3A_464 = vector.shape_cast %get3A_463 : vector<1x16xf32> to vector<16xf32>
      %add3A_465 = arith.addf %add3A_437, %get3A_464 : vector<16xf32>
      %add3A_466 = arith.constant 36 : i32
      %add3A_467 = arith.addi %mul3A_218, %add3A_466 : i32
      %get3A_468 = arith.index_cast %add3A_467 : i32 to index
      %get3A_469 = arith.constant 0 : index
      %get3A_470 = tpu.vector_load %arg13[%get3A_468, %get3A_469] {strides = array<i32>} : memref<3200x16xf32, #tpu.memory_space<vmem>>, vector<1x16xf32>,
      %get3A_471 = vector.shape_cast %get3A_470 : vector<1x16xf32> to vector<16xf32>
      %add3A_472 = arith.addf %add3A_444, %get3A_471 : vector<16xf32>
      %add3A_473 = arith.constant 37 : i32
      %add3A_474 = arith.addi %mul3A_218, %add3A_473 : i32
      %get3A_475 = arith.index_cast %add3A_474 : i32 to index
      %get3A_476 = arith.constant 0 : index
      %get3A_477 = tpu.vector_load %arg13[%get3A_475, %get3A_476] {strides = array<i32>} : memref<3200x16xf32, #tpu.memory_space<vmem>>, vector<1x16xf32>,
      %get3A_478 = vector.shape_cast %get3A_477 : vector<1x16xf32> to vector<16xf32>
      %add3A_479 = arith.addf %add3A_451, %get3A_478 : vector<16xf32>
      %add3A_480 = arith.constant 38 : i32
      %add3A_481 = arith.addi %mul3A_218, %add3A_480 : i32
      %get3A_482 = arith.index_cast %add3A_481 : i32 to index
      %get3A_483 = arith.constant 0 : index
      %get3A_484 = tpu.vector_load %arg13[%get3A_482, %get3A_483] {strides = array<i32>} : memref<3200x16xf32, #tpu.memory_space<vmem>>, vector<1x16xf32>,
      %get3A_485 = vector.shape_cast %get3A_484 : vector<1x16xf32> to vector<16xf32>
      %add3A_486 = arith.addf %add3A_458, %get3A_485 : vector<16xf32>
      %add3A_487 = arith.constant 39 : i32
      %add3A_488 = arith.addi %mul3A_218, %add3A_487 : i32
      %get3A_489 = arith.index_cast %add3A_488 : i32 to index
      %get3A_490 = arith.constant 0 : index
      %get3A_491 = tpu.vector_load %arg13[%get3A_489, %get3A_490] {strides = array<i32>} : memref<3200x16xf32, #tpu.memory_space<vmem>>, vector<1x16xf32>,
      %get3A_492 = vector.shape_cast %get3A_491 : vector<1x16xf32> to vector<16xf32>
      %add3A_493 = arith.addf %add3A_465, %get3A_492 : vector<16xf32>
      %add3A_494 = arith.constant 40 : i32
      %add3A_495 = arith.addi %mul3A_218, %add3A_494 : i32
      %get3A_496 = arith.index_cast %add3A_495 : i32 to index
      %get3A_497 = arith.constant 0 : index
      %get3A_498 = tpu.vector_load %arg13[%get3A_496, %get3A_497] {strides = array<i32>} : memref<3200x16xf32, #tpu.memory_space<vmem>>, vector<1x16xf32>,
      %get3A_499 = vector.shape_cast %get3A_498 : vector<1x16xf32> to vector<16xf32>
      %add3A_500 = arith.addf %add3A_472, %get3A_499 : vector<16xf32>
      %add3A_501 = arith.constant 41 : i32
      %add3A_502 = arith.addi %mul3A_218, %add3A_501 : i32
      %get3A_503 = arith.index_cast %add3A_502 : i32 to index
      %get3A_504 = arith.constant 0 : index
      %get3A_505 = tpu.vector_load %arg13[%get3A_503, %get3A_504] {strides = array<i32>} : memref<3200x16xf32, #tpu.memory_space<vmem>>, vector<1x16xf32>,
      %get3A_506 = vector.shape_cast %get3A_505 : vector<1x16xf32> to vector<16xf32>
      %add3A_507 = arith.addf %add3A_479, %get3A_506 : vector<16xf32>
      %add3A_508 = arith.constant 42 : i32
      %add3A_509 = arith.addi %mul3A_218, %add3A_508 : i32
      %get3A_510 = arith.index_cast %add3A_509 : i32 to index
      %get3A_511 = arith.constant 0 : index
      %get3A_512 = tpu.vector_load %arg13[%get3A_510, %get3A_511] {strides = array<i32>} : memref<3200x16xf32, #tpu.memory_space<vmem>>, vector<1x16xf32>,
      %get3A_513 = vector.shape_cast %get3A_512 : vector<1x16xf32> to vector<16xf32>
      %add3A_514 = arith.addf %add3A_486, %get3A_513 : vector<16xf32>
      %add3A_515 = arith.constant 43 : i32
      %add3A_516 = arith.addi %mul3A_218, %add3A_515 : i32
      %get3A_517 = arith.index_cast %add3A_516 : i32 to index
      %get3A_518 = arith.constant 0 : index
      %get3A_519 = tpu.vector_load %arg13[%get3A_517, %get3A_518] {strides = array<i32>} : memref<3200x16xf32, #tpu.memory_space<vmem>>, vector<1x16xf32>,
      %get3A_520 = vector.shape_cast %get3A_519 : vector<1x16xf32> to vector<16xf32>
      %add3A_521 = arith.addf %add3A_493, %get3A_520 : vector<16xf32>
      %add3A_522 = arith.constant 44 : i32
      %add3A_523 = arith.addi %mul3A_218, %add3A_522 : i32
      %get3A_524 = arith.index_cast %add3A_523 : i32 to index
      %get3A_525 = arith.constant 0 : index
      %get3A_526 = tpu.vector_load %arg13[%get3A_524, %get3A_525] {strides = array<i32>} : memref<3200x16xf32, #tpu.memory_space<vmem>>, vector<1x16xf32>,
      %get3A_527 = vector.shape_cast %get3A_526 : vector<1x16xf32> to vector<16xf32>
      %add3A_528 = arith.addf %add3A_500, %get3A_527 : vector<16xf32>
      %add3A_529 = arith.constant 45 : i32
      %add3A_530 = arith.addi %mul3A_218, %add3A_529 : i32
      %get3A_531 = arith.index_cast %add3A_530 : i32 to index
      %get3A_532 = arith.constant 0 : index
      %get3A_533 = tpu.vector_load %arg13[%get3A_531, %get3A_532] {strides = array<i32>} : memref<3200x16xf32, #tpu.memory_space<vmem>>, vector<1x16xf32>,
      %get3A_534 = vector.shape_cast %get3A_533 : vector<1x16xf32> to vector<16xf32>
      %add3A_535 = arith.addf %add3A_507, %get3A_534 : vector<16xf32>
      %add3A_536 = arith.constant 46 : i32
      %add3A_537 = arith.addi %mul3A_218, %add3A_536 : i32
      %get3A_538 = arith.index_cast %add3A_537 : i32 to index
      %get3A_539 = arith.constant 0 : index
      %get3A_540 = tpu.vector_load %arg13[%get3A_538, %get3A_539] {strides = array<i32>} : memref<3200x16xf32, #tpu.memory_space<vmem>>, vector<1x16xf32>,
      %get3A_541 = vector.shape_cast %get3A_540 : vector<1x16xf32> to vector<16xf32>
      %add3A_542 = arith.addf %add3A_514, %get3A_541 : vector<16xf32>
      %add3A_543 = arith.constant 47 : i32
      %add3A_544 = arith.addi %mul3A_218, %add3A_543 : i32
      %get3A_545 = arith.index_cast %add3A_544 : i32 to index
      %get3A_546 = arith.constant 0 : index
      %get3A_547 = tpu.vector_load %arg13[%get3A_545, %get3A_546] {strides = array<i32>} : memref<3200x16xf32, #tpu.memory_space<vmem>>, vector<1x16xf32>,
      %get3A_548 = vector.shape_cast %get3A_547 : vector<1x16xf32> to vector<16xf32>
      %add3A_549 = arith.addf %add3A_521, %get3A_548 : vector<16xf32>
      %add3A_550 = arith.constant 48 : i32
      %add3A_551 = arith.addi %mul3A_218, %add3A_550 : i32
      %get3A_552 = arith.index_cast %add3A_551 : i32 to index
      %get3A_553 = arith.constant 0 : index
      %get3A_554 = tpu.vector_load %arg13[%get3A_552, %get3A_553] {strides = array<i32>} : memref<3200x16xf32, #tpu.memory_space<vmem>>, vector<1x16xf32>,
      %get3A_555 = vector.shape_cast %get3A_554 : vector<1x16xf32> to vector<16xf32>
      %add3A_556 = arith.addf %add3A_528, %get3A_555 : vector<16xf32>
      %add3A_557 = arith.constant 49 : i32
      %add3A_558 = arith.addi %mul3A_218, %add3A_557 : i32
      %get3A_559 = arith.index_cast %add3A_558 : i32 to index
      %get3A_560 = arith.constant 0 : index
      %get3A_561 = tpu.vector_load %arg13[%get3A_559, %get3A_560] {strides = array<i32>} : memref<3200x16xf32, #tpu.memory_space<vmem>>, vector<1x16xf32>,
      %get3A_562 = vector.shape_cast %get3A_561 : vector<1x16xf32> to vector<16xf32>
      %add3A_563 = arith.addf %add3A_535, %get3A_562 : vector<16xf32>
      %add3A_564 = arith.addf %add3A_556, %add3A_563 : vector<16xf32>
      %add3A_565 = arith.addf %add3A_542, %add3A_549 : vector<16xf32>
      %add3A_566 = arith.addf %add3A_564, %add3A_565 : vector<16xf32>
      %mul3A_567 = arith.constant 2.000000e-02 : f32
      %mul3A_568 = vector.broadcast %mul3A_567 : f32 to vector<16xf32>
      %mul3A_569 = arith.mulf %add3A_566, %mul3A_568 : vector<16xf32>
      %swap3A = arith.index_cast %scan3A_216 : i32 to index
      %swap3A_570 = arith.constant 0 : index
      %swap3A_571 = tpu.vector_load %arg14[%swap3A, %swap3A_570] {strides = array<i32>} : memref<64x16xf32, #tpu.memory_space<vmem>>, vector<1x16xf32>,
      %swap3A_572 = vector.shape_cast %swap3A_571 : vector<1x16xf32> to vector<16xf32>
      %swap3A_573 = vector.shape_cast %mul3A_569 : vector<16xf32> to vector<1x16xf32>
      tpu.vector_store %arg14[%swap3A, %swap3A_570], %swap3A_573 {strides = array<i32>} : memref<64x16xf32, #tpu.memory_space<vmem>>, vector<1x16xf32>,
    }
    %scan3A_207 = arith.constant 64 : i32
    %add3A_208 = arith.constant 448 : i32
    %add3A_209 = arith.addi %mul3A_2, %add3A_208 : i32
    "tpu.region"() ({
      %run_scoped3A = tpu.sem_alloc : memref<!tpu.dma_semaphore, #tpu.memory_space<semaphore_mem>>
      %dma_start3A_216 = arith.constant 0 : i32
      %dma_start3A_217 = tpu.memref_slice %arg7[%add3A_209, %dma_start3A_216] : memref<16384x16xf32, #tpu.memory_space<hbm>> -> memref<64x16xf32, #tpu.memory_space<hbm>>
      %dma_start3A_218 = arith.constant 0 : i32
      %dma_start3A_219 = tpu.memref_slice %arg7[%add3A_209, %dma_start3A_218] : memref<16384x16xf32, #tpu.memory_space<hbm>> -> memref<64x16xf32, #tpu.memory_space<hbm>>
      tpu.enqueue_dma source(%arg14 : memref<64x16xf32, #tpu.memory_space<vmem>>) target(%dma_start3A_219 : memref<64x16xf32, #tpu.memory_space<hbm>>) target_semaphore(%run_scoped3A : memref<!tpu.dma_semaphore, #tpu.memory_space<semaphore_mem>>)
      %dma_wait3A_220 = arith.constant 0 : i32
      %dma_wait3A_221 = tpu.memref_slice %arg7[%add3A_209, %dma_wait3A_220] : memref<16384x16xf32, #tpu.memory_space<hbm>> -> memref<64x16xf32, #tpu.memory_space<hbm>>
      %dma_wait3A_222 = arith.constant 0 : i32
      %dma_wait3A_223 = tpu.memref_slice %arg7[%add3A_209, %dma_wait3A_222] : memref<16384x16xf32, #tpu.memory_space<hbm>> -> memref<64x16xf32, #tpu.memory_space<hbm>>
      tpu.wait_dma2 semaphore(%run_scoped3A : memref<!tpu.dma_semaphore, #tpu.memory_space<semaphore_mem>>) src(%arg14 : memref<64x16xf32, #tpu.memory_space<vmem>>) dst(%dma_wait3A_223 : memref<64x16xf32, #tpu.memory_space<hbm>>)
      tpu.yield
    }) : () -> ()
    %dma_wait3A_210 = arith.constant 0 : i32
    %dma_wait3A_211 = arith.constant 0 : i32
    %dma_wait3A_212 = tpu.memref_slice %arg4[%dma_wait3A_210, %dma_wait3A_211] : memref<100000x16xf32, #tpu.memory_space<hbm>> -> memref<512x16xf32, #tpu.memory_space<hbm>>
    %dma_wait3A_213 = arith.constant 0 : i32
    %dma_wait3A_214 = arith.constant 0 : i32
    %dma_wait3A_215 = tpu.memref_slice %arg4[%dma_wait3A_213, %dma_wait3A_214] : memref<100000x16xf32, #tpu.memory_space<hbm>> -> memref<512x16xf32, #tpu.memory_space<hbm>>
    tpu.wait_dma2 semaphore(%arg15 : memref<!tpu.dma_semaphore, #tpu.memory_space<semaphore_mem>>) src(%dma_wait3A_215 : memref<512x16xf32, #tpu.memory_space<hbm>>) dst(%arg9 : memref<512x16xf32, #tpu.memory_space<vmem>>)
    "tpu.region"() ({
      %run_scoped3A = tpu.sem_alloc : memref<!tpu.dma_semaphore, #tpu.memory_space<semaphore_mem>>
      %dma_start3A_216 = arith.constant 0 : i32
      %dma_start3A_217 = tpu.memref_slice %arg6[%mul3A_2, %dma_start3A_216] : memref<16384x16xf32, #tpu.memory_space<hbm>> -> memref<512x16xf32, #tpu.memory_space<hbm>>
      %dma_start3A_218 = arith.constant 0 : i32
      %dma_start3A_219 = tpu.memref_slice %arg6[%mul3A_2, %dma_start3A_218] : memref<16384x16xf32, #tpu.memory_space<hbm>> -> memref<512x16xf32, #tpu.memory_space<hbm>>
      tpu.enqueue_dma source(%arg9 : memref<512x16xf32, #tpu.memory_space<vmem>>) target(%dma_start3A_219 : memref<512x16xf32, #tpu.memory_space<hbm>>) target_semaphore(%run_scoped3A : memref<!tpu.dma_semaphore, #tpu.memory_space<semaphore_mem>>)
      %dma_wait3A_220 = arith.constant 0 : i32
      %dma_wait3A_221 = tpu.memref_slice %arg6[%mul3A_2, %dma_wait3A_220] : memref<16384x16xf32, #tpu.memory_space<hbm>> -> memref<512x16xf32, #tpu.memory_space<hbm>>
      %dma_wait3A_222 = arith.constant 0 : i32
      %dma_wait3A_223 = tpu.memref_slice %arg6[%mul3A_2, %dma_wait3A_222] : memref<16384x16xf32, #tpu.memory_space<hbm>> -> memref<512x16xf32, #tpu.memory_space<hbm>>
      tpu.wait_dma2 semaphore(%run_scoped3A : memref<!tpu.dma_semaphore, #tpu.memory_space<semaphore_mem>>) src(%arg9 : memref<512x16xf32, #tpu.memory_space<vmem>>) dst(%dma_wait3A_223 : memref<512x16xf32, #tpu.memory_space<hbm>>)
      tpu.yield
    }) : () -> ()
    return
  }
}

module attributes {stable_mosaic.version = 14 : i64} {
  func.func @_mlp_body(%arg0: i32, %arg1: memref<1024x16xf32, #tpu.memory_space<vmem>>, %arg2: memref<1024x16xf32, #tpu.memory_space<vmem>>, %arg3: memref<1024x4xf32, #tpu.memory_space<vmem>>, %arg4: memref<20x4xf32, #tpu.memory_space<vmem>>, %arg5: memref<1x20xf32, #tpu.memory_space<vmem>>, %arg6: memref<64x52xf32, #tpu.memory_space<vmem>>, %arg7: memref<1x64xf32, #tpu.memory_space<vmem>>, %arg8: memref<1024x64xf32, #tpu.memory_space<vmem>>) attributes {dimension_semantics = [#tpu.dimension_semantics<arbitrary>], iteration_bounds = array<i64: 16>, scalar_prefetch = 0 : i64, scratch_operands = 0 : i64, tpu.core_type = #tpu.core_type<tc>, window_params = [{transform_indices = @transform_0, window_bounds = array<i64: 1024, 16>}, {transform_indices = @transform_1, window_bounds = array<i64: 1024, 16>}, {transform_indices = @transform_2, window_bounds = array<i64: 1024, 4>}, {pipeline_mode = #tpu.pipeline_mode<synchronous>, transform_indices = @transform_3, window_bounds = array<i64: 20, 4>}, {pipeline_mode = #tpu.pipeline_mode<synchronous>, transform_indices = @transform_4, window_bounds = array<i64: 1, 20>}, {pipeline_mode = #tpu.pipeline_mode<synchronous>, transform_indices = @transform_5, window_bounds = array<i64: 64, 52>}, {pipeline_mode = #tpu.pipeline_mode<synchronous>, transform_indices = @transform_6, window_bounds = array<i64: 1, 64>}, {transform_indices = @transform_7, window_bounds = array<i64: 1024, 64>}]} {
    %get3A = arith.constant 0 : index
    %get3A_0 = arith.constant 0 : index
    %get3A_1 = vector.load %arg3[%get3A, %get3A_0] : memref<1024x4xf32, #tpu.memory_space<vmem>>, vector<1024x4xf32>
    %get3A_2 = arith.constant 0 : index
    %get3A_3 = arith.constant 0 : index
    %get3A_4 = vector.load %arg4[%get3A_2, %get3A_3] : memref<20x4xf32, #tpu.memory_space<vmem>>, vector<20x4xf32>
    %dot_general3A = arith.constant dense<0.000000e+00> : vector<1024x20xf32>
    %dot_general3A_5 = tpu.matmul %get3A_1, %get3A_4, %dot_general3A {dimension_numbers = #tpu.dot_dimension_numbers<[1], [1], [0], [0], [0, 0, 1, 0], [], []>, transpose_lhs_hint = false} : vector<1024x4xf32>, vector<20x4xf32>, vector<1024x20xf32> -> vector<1024x20xf32>
    %get3A_6 = arith.constant 0 : index
    %get3A_7 = arith.constant 0 : index
    %get3A_8 = vector.load %arg5[%get3A_6, %get3A_7] : memref<1x20xf32, #tpu.memory_space<vmem>>, vector<1x20xf32>
    %add3A = vector.broadcast %get3A_8 : vector<1x20xf32> to vector<1024x20xf32>
    %add3A_9 = arith.addf %dot_general3A_5, %add3A : vector<1024x20xf32>
    %get3A_10 = arith.constant 0 : index
    %get3A_11 = arith.constant 0 : index
    %get3A_12 = vector.load %arg6[%get3A_10, %get3A_11] : memref<64x52xf32, #tpu.memory_space<vmem>>, vector<64x52xf32>
    %get3A_13 = arith.constant 0 : index
    %get3A_14 = arith.constant 0 : index
    %get3A_15 = vector.load %arg1[%get3A_13, %get3A_14] : memref<1024x16xf32, #tpu.memory_space<vmem>>, vector<1024x16xf32>
    %slice3A = vector.extract_strided_slice %get3A_12 {offsets = [0, 0], sizes = [64, 16], strides = [1, 1]} : vector<64x52xf32> to vector<64x16xf32>
    %dot_general3A_16 = arith.constant dense<0.000000e+00> : vector<1024x64xf32>
    %dot_general3A_17 = tpu.matmul %get3A_15, %slice3A, %dot_general3A_16 {dimension_numbers = #tpu.dot_dimension_numbers<[1], [1], [0], [0], [0, 0, 1, 0], [], []>, transpose_lhs_hint = false} : vector<1024x16xf32>, vector<64x16xf32>, vector<1024x64xf32> -> vector<1024x64xf32>
    %get3A_18 = arith.constant 0 : index
    %get3A_19 = arith.constant 0 : index
    %get3A_20 = vector.load %arg2[%get3A_18, %get3A_19] : memref<1024x16xf32, #tpu.memory_space<vmem>>, vector<1024x16xf32>
    %slice3A_21 = vector.extract_strided_slice %get3A_12 {offsets = [0, 16], sizes = [64, 16], strides = [1, 1]} : vector<64x52xf32> to vector<64x16xf32>
    %dot_general3A_22 = arith.constant dense<0.000000e+00> : vector<1024x64xf32>
    %dot_general3A_23 = tpu.matmul %get3A_20, %slice3A_21, %dot_general3A_22 {dimension_numbers = #tpu.dot_dimension_numbers<[1], [1], [0], [0], [0, 0, 1, 0], [], []>, transpose_lhs_hint = false} : vector<1024x16xf32>, vector<64x16xf32>, vector<1024x64xf32> -> vector<1024x64xf32>
    %add3A_24 = arith.addf %dot_general3A_17, %dot_general3A_23 : vector<1024x64xf32>
    %slice3A_25 = vector.extract_strided_slice %get3A_12 {offsets = [0, 32], sizes = [64, 20], strides = [1, 1]} : vector<64x52xf32> to vector<64x20xf32>
    %dot_general3A_26 = arith.constant dense<0.000000e+00> : vector<1024x64xf32>
    %dot_general3A_27 = tpu.matmul %add3A_9, %slice3A_25, %dot_general3A_26 {dimension_numbers = #tpu.dot_dimension_numbers<[1], [1], [0], [0], [0, 0, 1, 0], [], []>, transpose_lhs_hint = false} : vector<1024x20xf32>, vector<64x20xf32>, vector<1024x64xf32> -> vector<1024x64xf32>
    %add3A_28 = arith.addf %add3A_24, %dot_general3A_27 : vector<1024x64xf32>
    %get3A_29 = arith.constant 0 : index
    %get3A_30 = arith.constant 0 : index
    %get3A_31 = vector.load %arg7[%get3A_29, %get3A_30] : memref<1x64xf32, #tpu.memory_space<vmem>>, vector<1x64xf32>
    %add3A_32 = vector.broadcast %get3A_31 : vector<1x64xf32> to vector<1024x64xf32>
    %add3A_33 = arith.addf %add3A_28, %add3A_32 : vector<1024x64xf32>
    %max3A = arith.constant 0.000000e+00 : f32
    %max3A_34 = vector.broadcast %max3A : f32 to vector<1024x64xf32>
    %max3A_35 = arith.maximumf %add3A_33, %max3A_34 : vector<1024x64xf32>
    %swap3A = arith.constant 0 : index
    %swap3A_36 = arith.constant 0 : index
    %swap3A_37 = vector.load %arg8[%swap3A, %swap3A_36] : memref<1024x64xf32, #tpu.memory_space<vmem>>, vector<1024x64xf32>
    tpu.vector_store %arg8[%swap3A, %swap3A_36], %max3A_35 {strides = array<i32>} : memref<1024x64xf32, #tpu.memory_space<vmem>>, vector<1024x64xf32>,
    return
  }
  func.func @transform_0(%arg0: i32) -> (i32, i32) {
    %c0_i32 = arith.constant 0 : i32
    %c0_i32_0 = arith.constant 0 : i32
    return %arg0, %c0_i32 : i32, i32
  }
  func.func @transform_1(%arg0: i32) -> (i32, i32) {
    %c0_i32 = arith.constant 0 : i32
    %c0_i32_0 = arith.constant 0 : i32
    return %arg0, %c0_i32 : i32, i32
  }
  func.func @transform_2(%arg0: i32) -> (i32, i32) {
    %c0_i32 = arith.constant 0 : i32
    %c0_i32_0 = arith.constant 0 : i32
    return %arg0, %c0_i32 : i32, i32
  }
  func.func @transform_3(%arg0: i32) -> (i32, i32) {
    %c0_i32 = arith.constant 0 : i32
    %c0_i32_0 = arith.constant 0 : i32
    %c0_i32_1 = arith.constant 0 : i32
    return %c0_i32, %c0_i32_0 : i32, i32
  }
  func.func @transform_4(%arg0: i32) -> (i32, i32) {
    %c0_i32 = arith.constant 0 : i32
    %c0_i32_0 = arith.constant 0 : i32
    %c0_i32_1 = arith.constant 0 : i32
    return %c0_i32, %c0_i32_0 : i32, i32
  }
  func.func @transform_5(%arg0: i32) -> (i32, i32) {
    %c0_i32 = arith.constant 0 : i32
    %c0_i32_0 = arith.constant 0 : i32
    %c0_i32_1 = arith.constant 0 : i32
    return %c0_i32, %c0_i32_0 : i32, i32
  }
  func.func @transform_6(%arg0: i32) -> (i32, i32) {
    %c0_i32 = arith.constant 0 : i32
    %c0_i32_0 = arith.constant 0 : i32
    %c0_i32_1 = arith.constant 0 : i32
    return %c0_i32, %c0_i32_0 : i32, i32
  }
  func.func @transform_7(%arg0: i32) -> (i32, i32) {
    %c0_i32 = arith.constant 0 : i32
    %c0_i32_0 = arith.constant 0 : i32
    return %arg0, %c0_i32 : i32, i32
  }
}

</mosaic_0001>

<sc_bundles>
// kernel: kernel.4.cloned.1.call-start
scs
__scs_entry_jumppad:
0x0: {  	(pc) =	sbr.rel $0x88, $3  }
0x1: {  	(tag) =	ssettag $0x0;
	lr =	simm.s32 $0x1  }
0x2: {  	[smem:$0x3F98] =	sst lr;
	_ =	strace $0xD0000000  }
0x3: {  	_ = 	snop  }
0x4: {  	_ = 	snop  }
0x5: {  	_ = 	snop  }
0x6: {  	_ = 	snop  }
0x7: {  	_ = 	snop  }
__scs_overlays_trampoline_lowered:
0x8: {  	[smem:$0x3FA7] =	sst s0  }
0x9: {  	[smem:$0x3FA8] =	sst s1  }
0xa: {  	[smem:$0x3FA9] =	sst s2  }
0xb: {  	[smem:$0x3FAA] =	sst s3  }
0xc: {  	[smem:$0x3FAB] =	sst s4  }
0xd: {  	[smem:$0x3FAC] =	sst s5  }
0xe: {  	[smem:$0x3FAD] =	sst s6  }
0xf: {  	[smem:$0x3FAE] =	sst s7  }
0x10: {  	[smem:$0x3FAF] =	sst s8  }
0x11: {  	[smem:$0x3FB0] =	sst s9;
	s0 =	simm.s32 @!p0 $0x0  }
0x12: {  	s1 =	sld [smem:$0x3F96];
	s0 =	simm.s32 @p0 $0x1  }
0x13: {  	[smem:$0x3FB1] =	sst s0;
	s0 =	simm.s32 @!p1 $0x0  }
0x14: {  	s2 =	sld [smem:$0x3F95];
	s0 =	simm.s32 @p1 $0x1  }
0x15: {  	[smem:$0x3FB2] =	sst s0;
	s0 =	simm.s32 @!p2 $0x0  }
0x16: {  	s3 =	sld [smem:$0x3FDB];
	s0 =	simm.s32 @p2 $0x1  }
0x17: {  	s4 =	simm.s32 $0x1BF5;
	[smem:$0x3FB4] =	sst s0  }
0x18: {  	s0 =	sld [smem:$0x3F97];
	_ =	swait.ge [sflag:s4], $0x0  }
0x19: {  	s7 =	sld [smem:$0x3F98]  }
0x1a: {  	s8 =	sadd.s32 $0xFFFFE003, lr  }
0x1b: {  	s9 =	sadd.s32 $0xFFFFFEF7, lr;
	s5 =	simm.s32 $0xFFFFFFFF;
	p2 =	slt.u32 s8, $0xFFFFF086  }
0x1c: {  	p1 =	slt.u32 s9, $0xF7A;
	s5 =	simm.s32 @!p2 $0x0  }
0x1d: {  	s5 =	simm.s32 @p1 $0x1;
	p0 =	seq.s32 s7, s2  }
0x1e: {  	s7 =	smul.u32 @!p0 $0xF7A, s2;
	p2 =	seq.s32 @!p0 s5, $0x0  }
0x1f: {  	s9 =	smul.u32 $0xF7A, s1;
	s8 =	simm.s32 @!p0 $0x1BF5;
	p2 =	por !p2, p0  }
0x20: {  	[sflag:s8] =	ssyncset.s32 @!p0 $0xFFFFF086;
	s6 =	sadd.s32 @!p0 s3, s7;
	s7 =	simm.s32 @!p0 $0x108  }
0x21: {  	s3 =	sadd.s32 s3, s9;
	s6 =	sadd.s32 @!p0 $0x88, s6;
	s7 =	simm.s32 @p2 $0x1082  }
0x22: {  	[simem:s7], [sflag:s8] =	dma.local @!p0 [hbm:s6], $0xF7A  }
0x23: {  	s9 =	sor.u32 $0xD0000000, s2;
	s6 =	simm.s32 $0x108;
	_ =	swait.ge @!p0 [sflag:s8], $0x0  }
0x24: {  	s3 =	sadd.s32 $0x88, s3;
	s6 =	simm.s32 @!p1 $0x1082;
	[sflag:s4] =	ssyncset.s32 $0xFFFFF086  }
0x25: {  	[simem:s6], [sflag:s4] =	dma.local [hbm:s3], $0xF7A  }
0x26: {  	[smem:$0x3F98] =	sst s1;
	(tag) =	ssettag s2;
	_ =	strace s9  }
0x27: {  	s1 =	sld [smem:$0x3FA8]  }
0x28: {  	s2 =	sld [smem:$0x3FA9]  }
0x29: {  	s4 =	sld [smem:$0x3FAB]  }
0x2a: {  	p0 =	seq.s32 s5, $0x0;
	s5 =	sld [smem:$0x3FAC]  }
0x2b: {  	s6 =	sld [smem:$0x3FAD]  }
0x2c: {  	s7 =	sld [smem:$0x3FAE]  }
0x2d: {  	s3 =	simm.s32 $0x108;
	s8 =	sld [smem:$0x3FAF]  }
0x2e: {  	s3 =	simm.s32 @!p0 $0x1082;
	s9 =	sld [smem:$0x3FB0]  }
0x2f: {  	lr =	sadd.s32 s0, s3;
	s0 =	sld [smem:$0x3FA7]  }
0x30: {  	s3 =	sld [smem:$0x3FAA]  }
0x31: {  	[smem:$0x3FB3] =	sst s10  }
0x32: {  	s10 =	sld [smem:$0x3FB1];
	_ =	sdelay $0x3  }
0x33: {  	p0 =	seq.s32 s10, $0x1;
	s10 =	sld [smem:$0x3FB3];
	_ =	sdelay $0x3  }
0x34: {  	[smem:$0x3FB3] =	sst s10  }
0x35: {  	s10 =	sld [smem:$0x3FB2];
	_ =	sdelay $0x3  }
0x36: {  	p1 =	seq.s32 s10, $0x1;
	s10 =	sld [smem:$0x3FB3];
	_ =	sdelay $0x3  }
0x37: {  	[smem:$0x3FB3] =	sst s10  }
0x38: {  	s10 =	sld [smem:$0x3FB4]  }
0x39: {  	_ = 	snop;
	(pc) =	sbr.ind lr, $3  }
0x3a: {  	_ = 	snop  }
0x3b: {  	_ = 	snop  }
0x3c: {  	p2 =	seq.s32 s10, $0x1;
	s10 =	sld [smem:$0x3FB3]  }
0x3d: {  	_ =	shalt  }
0x3e: {  	_ =	shalt  }
0x3f: {  	_ =	shalt  }
0x40: {  	_ =	shalt  }
0x41: {  	_ =	shalt  }
0x42: {  	_ =	shalt  }
0x43: {  	_ =	shalt  }
0x44: {  	_ =	shalt  }
0x45: {  	_ =	shalt  }
0x46: {  	_ =	shalt  }
0x47: {  	_ =	shalt  }
0x48: {  	_ =	shalt  }
0x49: {  	_ =	shalt  }
0x4a: {  	_ =	shalt  }
0x4b: {  	_ =	shalt  }
0x4c: {  	_ =	shalt  }
0x4d: {  	_ =	shalt  }
0x4e: {  	_ =	shalt  }
0x4f: {  	_ =	shalt  }
0x50: {  	_ =	shalt  }
0x51: {  	_ =	shalt  }
0x52: {  	_ =	shalt  }
0x53: {  	_ =	shalt  }
0x54: {  	_ =	shalt  }
0x55: {  	_ =	shalt  }
0x56: {  	_ =	shalt  }
0x57: {  	_ =	shalt  }
0x58: {  	_ =	shalt  }
0x59: {  	_ =	shalt  }
0x5a: {  	_ =	shalt  }
0x5b: {  	_ =	shalt  }
0x5c: {  	_ =	shalt  }
0x5d: {  	_ =	shalt  }
0x5e: {  	_ =	shalt  }
0x5f: {  	_ =	shalt  }
0x60: {  	_ =	shalt  }
0x61: {  	_ =	shalt  }
0x62: {  	_ =	shalt  }
0x63: {  	_ =	shalt  }
0x64: {  	_ =	shalt  }
0x65: {  	_ =	shalt  }
0x66: {  	_ =	shalt  }
0x67: {  	_ =	shalt  }
0x68: {  	_ =	shalt  }
0x69: {  	_ =	shalt  }
0x6a: {  	_ =	shalt  }
0x6b: {  	_ =	shalt  }
0x6c: {  	_ =	shalt  }
0x6d: {  	_ =	shalt  }
0x6e: {  	_ =	shalt  }
0x6f: {  	_ =	shalt  }
0x70: {  	_ =	shalt  }
0x71: {  	_ =	shalt  }
0x72: {  	_ =	shalt  }
0x73: {  	_ =	shalt  }
0x74: {  	_ =	shalt  }
0x75: {  	_ =	shalt  }
0x76: {  	_ =	shalt  }
0x77: {  	_ =	shalt  }
0x78: {  	_ =	shalt  }
0x79: {  	_ =	shalt  }
0x7a: {  	_ =	shalt  }
0x7b: {  	_ =	shalt  }
0x7c: {  	_ =	shalt  }
0x7d: {  	_ =	shalt  }
0x7e: {  	_ =	shalt  }
0x7f: {  	_ =	shalt  }
0x80: {  	_ =	shalt  }
0x81: {  	_ =	shalt  }
0x82: {  	_ =	shalt  }
0x83: {  	_ =	shalt  }
0x84: {  	_ =	shalt  }
0x85: {  	_ =	shalt  }
0x86: {  	_ =	shalt  }
0x87: {  	_ =	shalt  }
.Lfunc_end0:
.L_simem_size_0:
called_computation_lowered:
.L_overlay_start_0:
0x88: {  	s2 =	sld [smem:$0x3FD9]  }
0x89: {  	s3 =	sld [smem:$0x3FFE];
	_ =	sdelay $0x1  }
0x8a: {  	s1 =	srdreg.scid  }
0x8b: {  	s0 =	sand.u32 $0x1, s1  }
0x8c: {  	s17 =	sshll.u32 s0, $0xA;
	s2 =	sadd.s32 s3, s2  }
0x8d: {  	s2 =	sadd.s32 s2, s17  }
0x8e: {  	[smem:$0x3FBF] =	sst s2  }
0x8f: {  	_ = 	snop  }
0x90: {  	s2 =	sld [smem:$0x3FC9]  }
0x91: {  	s18 =	sld [smem:$0x3FD0];
	(tm) =	ssettm $0x1  }
0x92: {  	s4 =	sld [smem:$0x3FFB];
	_ =	sdelay $0x3  }
0x93: {  	_ =	strace s4  }
0x94: {  	s4 =	sld [smem:$0x3FFC];
	_ =	sdelay $0x3  }
0x95: {  	_ =	strace s4  }
0x96: {  	s4 =	sld [smem:$0x3FFD];
	_ =	sdelay $0x3  }
0x97: {  	_ =	strace s4  }
0x98: {  	_ =	strace $0x8FFFFFFF  }
0x99: {  	s19 =	sld [smem:$0x3FDB];
	_ =	sdelay $0x1  }
0x9a: {  	s5 =	simm.s32 $_scs_section_size  }
0x9b: {  	s6 =	simm.s32 $_size__tile_overlayer_lowered;
	s7 =	simm.s32 $_tile_overlayer_lowered  }
0x9c: {  	s22 =	simm.s32 $0x1BFF;
	s21 =	sshll.u32 s7, $0x1;
	s4 =	sadd.s32 s5, s19  }
0x9d: {  	s8 =	simm.s32 $0x0;
	s20 =	sshll.u32 s6, $0x1;
	s6 =	sadd.s32 s21, s4  }
0x9e: {  	[timem:s8], [sflag:s22] =	dma.local [hbm:s6], s20  }
0x9f: {  	_ =	swait.ge [sflag:s22], s20  }
0xa0: {  	s5 =	ssub.s32 $0x0, s20;
	[sflag:s22] =	ssyncset.done $0x0  }
0xa1: {  	[sflag:s22] =	ssyncadd.s32 s5;
	_ =	sdelay $0x1  }
0xa2: {  	s23 =	simm.s32 $0x1B8B  }
0xa3: {  	_ =	swait.ge [sflag:s23], $0x1  }
0xa4: {  	[sflag:s23] =	ssyncset.done $0x0  }
0xa5: {  	s25 =	simm.s32 $0x1B8E;
	s24 =	sld [smem:$0x3FFE];
	[sflag:s23] =	ssyncadd.s32 $0xFFFFFFFF  }
0xa6: {  	s26 =	simm.s32 $execute0_lowered;
	[smem:$0x3FD2] =	sst s25  }
0xa7: {  	s6 =	sshll.u32 s26, $0x1;
	_ =	strace $0x80000046;
	[dreg:$0x1] =	wrdreg $0xFFFFFFFF  }
0xa8: {  	s28 =	simm.s32 $_size_execute0_lowered;
	s4 =	sadd.s32 s4, s6;
	[dreg:$0x0] =	wrdreg $0x0  }
0xa9: {  	s6 =	sshll.u32 s28, $0x1;
	[dreg:$0x2] =	wrdreg s4  }
0xaa: {  	[dreg:$0x3] =	wrdreg s6  }
0xab: {  	[dreg:$0x4] =	wrdreg $0xC0  }
0xac: {  	_ =	task [dreg:s8], $0x5FFFF  }
0xad: {  	[dreg:$0x1] =	wrdreg $0xFFFFFFFF  }
0xae: {  	[dreg:$0x0] =	wrdreg $0x60  }
0xaf: {  	[dreg:$0x2] =	wrdreg s2  }
0xb0: {  	[dreg:$0x3] =	wrdreg s18  }
0xb1: {  	[dreg:$0x4] =	wrdreg s24  }
0xb2: {  	[dreg:$0x5] =	wrdreg $0x9  }
0xb3: {  	_ =	task.clear_ibuf [dreg:s8], $0x6FFFF;
	_ =	strace $0x90000046  }
0xb4: {  	s29 =	simm.s32 $0x9;
	_ =	strace $0x80000048  }
0xb5: {  	_ =	swait.ge [sflag:s29], $0x1  }
0xb6: {  	[sflag:s29] =	ssyncadd.s32 $0xFFFFFFFF  }
0xb7: {  	_ =	strace $0x90000048  }
0xb8: {  	_ =	sfence  }
0xb9: {  	s30 =	sld [smem:$0x0];
	_ =	sdelay $0x2  }
0xba: {  	s31 =	sshll.u32 s1, $0xD;
	s1 =	sshrl.u32 s1, $0x2  }
0xbb: {  	s3 =	sand.u32 $0x4000, s31;
	s1 =	sadd.s32 s1, s30  }
0xbc: {  	s0 =	sor.u32 s3, s0;
	s1 =	sshll.u32 s1, $0x11  }
0xbd: {  	s0 =	sor.u32 s1, s0  }
0xbe: {  	s0 =	sadd.s32 $0x8F2B, s0  }
0xbf: {  	[sflag:s0] =	ssyncadd.remote.s32 $0x1  }
0xc0: {  	_ =	sfence.sel $0xFFFF  }
0xc1: {  	[dreg:$0x0] =	wrdreg $0xFFFFFFFF;
	(pc) =	sbr.abs _section_cstart, $3  }
0xc2: {  	[dreg:$0x1] =	wrdreg $0xFFFFFFFF  }
0xc3: {  	_ =	task.clear_ibuf [dreg:s8], $0x2FFFF;
	_ =	strace $0x9FFFFFFF  }
0xc4: {  	(tm) =	ssettm $0x7FFFFFFF  }
0xc5: {  	_ =	shalt  }
tec
execute0_lowered:
.L_overlay_start_1:
0x0: {  	(tag) =	ssettag $0x1  }
0x1: {  	s0 =	rddreg [dreg:$0x0]  }
0x2: {  	s1 =	rddreg [dreg:$0x1]  }
0x3: {  	s5 =	rddreg [dreg:$0x2]  }
0x4: {  	s2 =	simm.s32 $0x0;
	s3 =	srdreg.scid;
	s4 =	stileid.u32  }
0x5: {  	s28 =	simm.s32 $0x1C300;
	s29 =	simm.s32 $0x2;
	s30 =	simm.s32 $0x1CB00  }
0x6: {  	s31 =	simm.s32 $0x3;
	s6 =	sand.u32 $0x1, s3;
	s25 =	sshll.u32 s4, $0x1  }
0x7: {  	[smem:$0x7FF] =	sst s2;
	s3 =	sadd.s32 $0x188200, s5;
	s7 =	sor.u32 s6, s25  }
0x8: {  	s8 =	smul.u32 $0x6400, s7;
	s9 =	sshll.u32 s7, $0xA;
	s7 =	sshll.u32 s7, $0x6  }
0x9: {  	s4 =	sadd.s32 $0xF43C00, s5;
	s5 =	sadd.s32 s9, s5;
	s0 =	sadd.s32 s0, s7  }
0xa: {  	_ =	strace $0x80000047;
	[dreg:$0x5] =	wrdreg s0;
	s11 =	sadd.s32 $0x1800, s5  }
0xb: {  	s6 =	ssub.s32 $0x2, s6;
	s13 =	sadd.s32 $0x1880, s5;
	[dreg:$0x7] =	wrdreg s11  }
0xc: {  	s26 =	sshrl.u32 s6, $0x1;
	s15 =	sadd.s32 $0x1900, s5;
	[dreg:$0x9] =	wrdreg s13  }
0xd: {  	s9 =	ssub.s32 s6, s26;
	s17 =	sadd.s32 $0x1980, s5;
	[dreg:$0xb] =	wrdreg s15  }
0xe: {  	s7 =	simm.s32 $0x200;
	s19 =	sadd.s32 $0x1A00, s5;
	[dreg:$0xd] =	wrdreg s17  }
0xf: {  	s8 =	sshrl.u32 s8, $0x3;
	s21 =	sadd.s32 $0x1A80, s5;
	[dreg:$0xf] =	wrdreg s19  }
0x10: {  	s23 =	sadd.s32 $0x1B00, s5;
	s24 =	sadd.s32 $0x1B80, s5;
	[dreg:$0x11] =	wrdreg s21  }
0x11: {  	s25 =	sadd.s32 $0x9800, s5;
	s26 =	smax.u32 s9, $0x1;
	[dreg:$0x13] =	wrdreg s23  }
0x12: {  	s5 =	simm.s32 $0x2E80;
	s9 =	simm.s32 $0x3700;
	[dreg:$0x14] =	wrdreg s24  }
0x13: {  	s0 =	simm.s32 $0x0;
	s8 =	sadd.s32 s1, s8;
	[dreg:$0x15] =	wrdreg s25  }
0x14: {  	[dreg:$0x16] =	wrdreg s26;
	s24 =	simm.s32 $0x4;
	s25 =	simm.s32 $0x80  }
0x15: {  	s1 =	simm.s32 $0x2200;
	s10 =	sadd.s32 $0x190, s8;
	[dreg:$0x4] =	wrdreg s8  }
0x16: {  	s11 =	simm.s32 $0x3780;
	s12 =	sadd.s32 $0x320, s8;
	[dreg:$0x6] =	wrdreg s10  }
0x17: {  	s13 =	simm.s32 $0x3800;
	s14 =	sadd.s32 $0x4B0, s8;
	[dreg:$0x8] =	wrdreg s12  }
0x18: {  	s15 =	simm.s32 $0x3880;
	s16 =	sadd.s32 $0x640, s8;
	[dreg:$0xa] =	wrdreg s14  }
0x19: {  	s17 =	simm.s32 $0x3900;
	s18 =	sadd.s32 $0x7D0, s8;
	[dreg:$0xc] =	wrdreg s16  }
0x1a: {  	s19 =	simm.s32 $0x3980;
	s20 =	sadd.s32 $0x960, s8;
	[dreg:$0xe] =	wrdreg s18  }
0x1b: {  	s21 =	simm.s32 $0x3A00;
	s22 =	sadd.s32 $0xAF0, s8;
	[dreg:$0x10] =	wrdreg s20  }
0x1c: {  	s23 =	simm.s32 $0x3A80;
	[dreg:$0x12] =	wrdreg s22;
	s10 =	simm.s32 $0x18B00  }
0x1d: {  	s12 =	simm.s32 $0x19300;
	s14 =	simm.s32 $0x19B00;
	s16 =	simm.s32 $0x1A300  }
0x1e: {  	s18 =	simm.s32 $0x1AB00;
	s20 =	simm.s32 $0x1B300;
	s22 =	simm.s32 $0x1BB00  }
.LBB2_1:
0x1f: {  	s6 =	rddreg [dreg:$0x5]  }
0x20: {  	[tilespmem:s2], [sflag:$0x4] =	stream.linear.gather [hbm4b:s6+s2], $0x200, $0x38;
	[tilespmem:$0x1CF00] =	vst v63  }
0x21: {  	_ =	swait.ge [sflag:s24], $0x200  }
0x22: {  	[sflag:s24] =	ssyncset.done $0x0  }
0x23: {  	[sflag:s24] =	ssyncadd.s32 $0xFFFFFE00  }
0x24: {  	[tilespmem:s7], [sflag:$0x1] =	stream.indirect.gather [hbm4b:s3+s25], $0x10, s2, s25, $0xb8;
	[tilespmem:$0x1CF00] =	vst v63  }
0x25: {  	s7 =	simm.s32 $0xA00  }
0x26: {  	[tilespmem:s7], [sflag:$0x1] =	stream.indirect.gather [hbm4b:s3+s25], $0x10, s25, s25, $0xb8;
	[tilespmem:$0x1CF00] =	vst v63  }
0x27: {  	s8 =	simm.s32 $0x100;
	s26 =	simm.s32 $0x1200  }
0x28: {  	[tilespmem:s26], [sflag:$0x1] =	stream.indirect.gather [hbm4b:s3+s25], $0x10, s8, s25, $0xb8;
	[tilespmem:$0x1CF00] =	vst v63  }
0x29: {  	s7 =	simm.s32 $0x180;
	s8 =	simm.s32 $0x1A00  }
0x2a: {  	[tilespmem:s8], [sflag:$0x1] =	stream.indirect.gather [hbm4b:s3+s25], $0x10, s7, s25, $0xb8;
	[tilespmem:$0x1CF00] =	vst v63  }
0x2b: {  	s26 =	rddreg [dreg:$0x4]  }
0x2c: {  	[tilespmem:s1], [sflag:$0x4] =	stream.linear.gather [hbm4b:s26+s2], $0xC80, $0x38;
	[tilespmem:$0x1CF00] =	vst v63  }
0x2d: {  	_ =	swait.ge [sflag:s24], $0xC80  }
0x2e: {  	[sflag:s24] =	ssyncset.done $0x0  }
0x2f: {  	s7 =	simm.s32 $0x3B00;
	[sflag:s24] =	ssyncadd.s32 $0xFFFFF380  }
0x30: {  	[tilespmem:s7], [sflag:$0x2] =	stream.indirect.gather [hbm4b:s4+s25], $0x10, s1, s25, $0xb8;
	[tilespmem:$0x1CF00] =	vst v63  }
0x31: {  	s8 =	simm.s32 $0x2280;
	s26 =	simm.s32 $0x4300  }
0x32: {  	[tilespmem:s26], [sflag:$0x2] =	stream.indirect.gather [hbm4b:s4+s25], $0x10, s8, s25, $0xb8;
	[tilespmem:$0x1CF00] =	vst v63  }
0x33: {  	s8 =	simm.s32 $0x2300;
	s26 =	simm.s32 $0x4B00  }
0x34: {  	[tilespmem:s26], [sflag:$0x2] =	stream.indirect.gather [hbm4b:s4+s25], $0x10, s8, s25, $0xb8;
	[tilespmem:$0x1CF00] =	vst v63  }
0x35: {  	s8 =	simm.s32 $0x2380;
	s26 =	simm.s32 $0x5300  }
0x36: {  	[tilespmem:s26], [sflag:$0x2] =	stream.indirect.gather [hbm4b:s4+s25], $0x10, s8, s25, $0xb8;
	[tilespmem:$0x1CF00] =	vst v63  }
0x37: {  	s8 =	simm.s32 $0x2400;
	s26 =	simm.s32 $0x5B00  }
0x38: {  	[tilespmem:s26], [sflag:$0x2] =	stream.indirect.gather [hbm4b:s4+s25], $0x10, s8, s25, $0xb8;
	[tilespmem:$0x1CF00] =	vst v63  }
0x39: {  	s8 =	simm.s32 $0x2480;
	s26 =	simm.s32 $0x6300  }
0x3a: {  	[tilespmem:s26], [sflag:$0x2] =	stream.indirect.gather [hbm4b:s4+s25], $0x10, s8, s25, $0xb8;
	[tilespmem:$0x1CF00] =	vst v63  }
0x3b: {  	s8 =	simm.s32 $0x2500;
	s26 =	simm.s32 $0x6B00  }
0x3c: {  	[tilespmem:s26], [sflag:$0x2] =	stream.indirect.gather [hbm4b:s4+s25], $0x10, s8, s25, $0xb8;
	[tilespmem:$0x1CF00] =	vst v63  }
0x3d: {  	s8 =	simm.s32 $0x2580;
	s26 =	simm.s32 $0x7300  }
0x3e: {  	[tilespmem:s26], [sflag:$0x2] =	stream.indirect.gather [hbm4b:s4+s25], $0x10, s8, s25, $0xb8;
	[tilespmem:$0x1CF00] =	vst v63  }
0x3f: {  	s8 =	simm.s32 $0x2600;
	s26 =	simm.s32 $0x7B00  }
0x40: {  	[tilespmem:s26], [sflag:$0x2] =	stream.indirect.gather [hbm4b:s4+s25], $0x10, s8, s25, $0xb8;
	[tilespmem:$0x1CF00] =	vst v63  }
0x41: {  	s8 =	simm.s32 $0x2680;
	s26 =	simm.s32 $0x8300  }
0x42: {  	[tilespmem:s26], [sflag:$0x2] =	stream.indirect.gather [hbm4b:s4+s25], $0x10, s8, s25, $0xb8;
	[tilespmem:$0x1CF00] =	vst v63  }
0x43: {  	s8 =	simm.s32 $0x2700;
	s26 =	simm.s32 $0x8B00  }
0x44: {  	[tilespmem:s26], [sflag:$0x2] =	stream.indirect.gather [hbm4b:s4+s25], $0x10, s8, s25, $0xb8;
	[tilespmem:$0x1CF00] =	vst v63  }
0x45: {  	s8 =	simm.s32 $0x2780;
	s26 =	simm.s32 $0x9300  }
0x46: {  	[tilespmem:s26], [sflag:$0x2] =	stream.indirect.gather [hbm4b:s4+s25], $0x10, s8, s25, $0xb8;
	[tilespmem:$0x1CF00] =	vst v63  }
0x47: {  	s8 =	simm.s32 $0x2800;
	s26 =	simm.s32 $0x9B00  }
0x48: {  	[tilespmem:s26], [sflag:$0x2] =	stream.indirect.gather [hbm4b:s4+s25], $0x10, s8, s25, $0xb8;
	[tilespmem:$0x1CF00] =	vst v63  }
0x49: {  	s8 =	simm.s32 $0x2880;
	s26 =	simm.s32 $0xA300  }
0x4a: {  	[tilespmem:s26], [sflag:$0x2] =	stream.indirect.gather [hbm4b:s4+s25], $0x10, s8, s25, $0xb8;
	[tilespmem:$0x1CF00] =	vst v63  }
0x4b: {  	s8 =	simm.s32 $0x2900;
	s26 =	simm.s32 $0xAB00  }
0x4c: {  	[tilespmem:s26], [sflag:$0x2] =	stream.indirect.gather [hbm4b:s4+s25], $0x10, s8, s25, $0xb8;
	[tilespmem:$0x1CF00] =	vst v63  }
0x4d: {  	s8 =	simm.s32 $0x2980;
	s26 =	simm.s32 $0xB300  }
0x4e: {  	[tilespmem:s26], [sflag:$0x2] =	stream.indirect.gather [hbm4b:s4+s25], $0x10, s8, s25, $0xb8;
	[tilespmem:$0x1CF00] =	vst v63  }
0x4f: {  	s8 =	simm.s32 $0x2A00;
	s26 =	simm.s32 $0xBB00  }
0x50: {  	[tilespmem:s26], [sflag:$0x2] =	stream.indirect.gather [hbm4b:s4+s25], $0x10, s8, s25, $0xb8;
	[tilespmem:$0x1CF00] =	vst v63  }
0x51: {  	s8 =	simm.s32 $0x2A80;
	s26 =	simm.s32 $0xC300  }
0x52: {  	[tilespmem:s26], [sflag:$0x2] =	stream.indirect.gather [hbm4b:s4+s25], $0x10, s8, s25, $0xb8;
	[tilespmem:$0x1CF00] =	vst v63  }
0x53: {  	s8 =	simm.s32 $0x2B00;
	s26 =	simm.s32 $0xCB00  }
0x54: {  	[tilespmem:s26], [sflag:$0x2] =	stream.indirect.gather [hbm4b:s4+s25], $0x10, s8, s25, $0xb8;
	[tilespmem:$0x1CF00] =	vst v63  }
0x55: {  	s8 =	simm.s32 $0x2B80;
	s26 =	simm.s32 $0xD300  }
0x56: {  	[tilespmem:s26], [sflag:$0x2] =	stream.indirect.gather [hbm4b:s4+s25], $0x10, s8, s25, $0xb8;
	[tilespmem:$0x1CF00] =	vst v63  }
0x57: {  	s8 =	simm.s32 $0x2C00;
	s26 =	simm.s32 $0xDB00  }
0x58: {  	[tilespmem:s26], [sflag:$0x2] =	stream.indirect.gather [hbm4b:s4+s25], $0x10, s8, s25, $0xb8;
	[tilespmem:$0x1CF00] =	vst v63  }
0x59: {  	s8 =	simm.s32 $0x2C80;
	s26 =	simm.s32 $0xE300  }
0x5a: {  	[tilespmem:s26], [sflag:$0x2] =	stream.indirect.gather [hbm4b:s4+s25], $0x10, s8, s25, $0xb8;
	[tilespmem:$0x1CF00] =	vst v63  }
0x5b: {  	s8 =	simm.s32 $0x2D00;
	s26 =	simm.s32 $0xEB00  }
0x5c: {  	[tilespmem:s26], [sflag:$0x2] =	stream.indirect.gather [hbm4b:s4+s25], $0x10, s8, s25, $0xb8;
	[tilespmem:$0x1CF00] =	vst v63  }
0x5d: {  	s8 =	simm.s32 $0x2D80;
	s26 =	simm.s32 $0xF300  }
0x5e: {  	[tilespmem:s26], [sflag:$0x2] =	stream.indirect.gather [hbm4b:s4+s25], $0x10, s8, s25, $0xb8;
	[tilespmem:$0x1CF00] =	vst v63  }
0x5f: {  	s7 =	simm.s32 $0x2E00;
	s8 =	simm.s32 $0xFB00  }
0x60: {  	[tilespmem:s8], [sflag:$0x2] =	stream.indirect.gather [hbm4b:s4+s25], $0x10, s7, s25, $0xb8;
	[tilespmem:$0x1CF00] =	vst v63  }
0x61: {  	s26 =	rddreg [dreg:$0x6]  }
0x62: {  	[tilespmem:s5], [sflag:$0x4] =	stream.linear.gather [hbm4b:s26+s2], $0xC80, $0x38;
	[tilespmem:$0x1CF00] =	vst v63  }
0x63: {  	_ =	swait.ge [sflag:s24], $0xC80  }
0x64: {  	[sflag:s24] =	ssyncset.done $0x0  }
0x65: {  	s7 =	simm.s32 $0x10300;
	[sflag:s24] =	ssyncadd.s32 $0xFFFFF380  }
0x66: {  	[tilespmem:s7], [sflag:$0x3] =	stream.indirect.gather [hbm4b:s4+s25], $0x10, s5, s25, $0xb8;
	[tilespmem:$0x1CF00] =	vst v63  }
0x67: {  	s8 =	simm.s32 $0x2F00;
	s26 =	simm.s32 $0x10B00  }
0x68: {  	[tilespmem:s26], [sflag:$0x3] =	stream.indirect.gather [hbm4b:s4+s25], $0x10, s8, s25, $0xb8;
	[tilespmem:$0x1CF00] =	vst v63  }
0x69: {  	s8 =	simm.s32 $0x2F80;
	s26 =	simm.s32 $0x11300  }
0x6a: {  	[tilespmem:s26], [sflag:$0x3] =	stream.indirect.gather [hbm4b:s4+s25], $0x10, s8, s25, $0xb8;
	[tilespmem:$0x1CF00] =	vst v63  }
0x6b: {  	s8 =	simm.s32 $0x3000;
	s26 =	simm.s32 $0x11B00  }
0x6c: {  	[tilespmem:s26], [sflag:$0x3] =	stream.indirect.gather [hbm4b:s4+s25], $0x10, s8, s25, $0xb8;
	[tilespmem:$0x1CF00] =	vst v63  }
0x6d: {  	s8 =	simm.s32 $0x3080;
	s26 =	simm.s32 $0x12300  }
0x6e: {  	[tilespmem:s26], [sflag:$0x3] =	stream.indirect.gather [hbm4b:s4+s25], $0x10, s8, s25, $0xb8;
	[tilespmem:$0x1CF00] =	vst v63  }
0x6f: {  	s8 =	simm.s32 $0x3100;
	s26 =	simm.s32 $0x12B00  }
0x70: {  	[tilespmem:s26], [sflag:$0x3] =	stream.indirect.gather [hbm4b:s4+s25], $0x10, s8, s25, $0xb8;
	[tilespmem:$0x1CF00] =	vst v63  }
0x71: {  	s8 =	simm.s32 $0x3180;
	s26 =	simm.s32 $0x13300  }
0x72: {  	[tilespmem:s26], [sflag:$0x3] =	stream.indirect.gather [hbm4b:s4+s25], $0x10, s8, s25, $0xb8;
	[tilespmem:$0x1CF00] =	vst v63  }
0x73: {  	s8 =	simm.s32 $0x3200;
	s26 =	simm.s32 $0x13B00  }
0x74: {  	[tilespmem:s26], [sflag:$0x3] =	stream.indirect.gather [hbm4b:s4+s25], $0x10, s8, s25, $0xb8;
	[tilespmem:$0x1CF00] =	vst v63  }
0x75: {  	s8 =	simm.s32 $0x3280;
	s26 =	simm.s32 $0x14300  }
0x76: {  	[tilespmem:s26], [sflag:$0x3] =	stream.indirect.gather [hbm4b:s4+s25], $0x10, s8, s25, $0xb8;
	[tilespmem:$0x1CF00] =	vst v63  }
0x77: {  	s8 =	simm.s32 $0x3300;
	s26 =	simm.s32 $0x14B00  }
0x78: {  	[tilespmem:s26], [sflag:$0x3] =	stream.indirect.gather [hbm4b:s4+s25], $0x10, s8, s25, $0xb8;
	[tilespmem:$0x1CF00] =	vst v63  }
0x79: {  	s8 =	simm.s32 $0x3380;
	s26 =	simm.s32 $0x15300  }
0x7a: {  	[tilespmem:s26], [sflag:$0x3] =	stream.indirect.gather [hbm4b:s4+s25], $0x10, s8, s25, $0xb8;
	[tilespmem:$0x1CF00] =	vst v63  }
0x7b: {  	s8 =	simm.s32 $0x3400;
	s26 =	simm.s32 $0x15B00  }
0x7c: {  	[tilespmem:s26], [sflag:$0x3] =	stream.indirect.gather [hbm4b:s4+s25], $0x10, s8, s25, $0xb8;
	[tilespmem:$0x1CF00] =	vst v63  }
0x7d: {  	s8 =	simm.s32 $0x3480;
	s26 =	simm.s32 $0x16300  }
0x7e: {  	[tilespmem:s26], [sflag:$0x3] =	stream.indirect.gather [hbm4b:s4+s25], $0x10, s8, s25, $0xb8;
	[tilespmem:$0x1CF00] =	vst v63  }
0x7f: {  	s8 =	simm.s32 $0x3500;
	s26 =	simm.s32 $0x16B00  }
0x80: {  	[tilespmem:s26], [sflag:$0x3] =	stream.indirect.gather [hbm4b:s4+s25], $0x10, s8, s25, $0xb8;
	[tilespmem:$0x1CF00] =	vst v63  }
0x81: {  	s8 =	simm.s32 $0x3580;
	s26 =	simm.s32 $0x17300  }
0x82: {  	[tilespmem:s26], [sflag:$0x3] =	stream.indirect.gather [hbm4b:s4+s25], $0x10, s8, s25, $0xb8;
	[tilespmem:$0x1CF00] =	vst v63  }
0x83: {  	s8 =	simm.s32 $0x3600;
	s26 =	simm.s32 $0x17B00  }
0x84: {  	[tilespmem:s26], [sflag:$0x3] =	stream.indirect.gather [hbm4b:s4+s25], $0x10, s8, s25, $0xb8;
	[tilespmem:$0x1CF00] =	vst v63  }
0x85: {  	s8 =	simm.s32 $0x3680;
	s26 =	simm.s32 $0x18300  }
0x86: {  	[tilespmem:s26], [sflag:$0x3] =	stream.indirect.gather [hbm4b:s4+s25], $0x10, s8, s25, $0xb8;
	[tilespmem:$0x1CF00] =	vst v63  }
0x87: {  	_ = 	snop  }
0x88: {  	[tilespmem:s10], [sflag:$0x3] =	stream.indirect.gather [hbm4b:s4+s25], $0x10, s9, s25, $0xb8;
	[tilespmem:$0x1CF00] =	vst v63  }
0x89: {  	_ = 	snop  }
0x8a: {  	[tilespmem:s12], [sflag:$0x3] =	stream.indirect.gather [hbm4b:s4+s25], $0x10, s11, s25, $0xb8;
	[tilespmem:$0x1CF00] =	vst v63  }
0x8b: {  	_ = 	snop  }
0x8c: {  	[tilespmem:s14], [sflag:$0x3] =	stream.indirect.gather [hbm4b:s4+s25], $0x10, s13, s25, $0xb8;
	[tilespmem:$0x1CF00] =	vst v63  }
0x8d: {  	_ = 	snop  }
0x8e: {  	[tilespmem:s16], [sflag:$0x3] =	stream.indirect.gather [hbm4b:s4+s25], $0x10, s15, s25, $0xb8;
	[tilespmem:$0x1CF00] =	vst v63  }
0x8f: {  	_ = 	snop  }
0x90: {  	[tilespmem:s18], [sflag:$0x3] =	stream.indirect.gather [hbm4b:s4+s25], $0x10, s17, s25, $0xb8;
	[tilespmem:$0x1CF00] =	vst v63  }
0x91: {  	_ = 	snop  }
0x92: {  	[tilespmem:s20], [sflag:$0x3] =	stream.indirect.gather [hbm4b:s4+s25], $0x10, s19, s25, $0xb8;
	[tilespmem:$0x1CF00] =	vst v63  }
0x93: {  	_ = 	snop  }
0x94: {  	[tilespmem:s22], [sflag:$0x3] =	stream.indirect.gather [hbm4b:s4+s25], $0x10, s21, s25, $0xb8;
	[tilespmem:$0x1CF00] =	vst v63  }
0x95: {  	_ = 	snop  }
0x96: {  	[tilespmem:s28], [sflag:$0x3] =	stream.indirect.gather [hbm4b:s4+s25], $0x10, s23, s25, $0xb8;
	[tilespmem:$0x1CF00] =	vst v63  }
0x97: {  	_ =	swait.ge [sflag:s29], $0xC800  }
0x98: {  	[sflag:s29] =	ssyncset.done $0x0  }
0x99: {  	s26 =	simm.s32 $0x3C90;
	[sflag:s29] =	ssyncadd.s32 $0xFFFF3800  }
0x9a: {  	v0 =	vld [tilespmem:s26+$0x170]  }
0x9b: {  	v1 =	vld [tilespmem:s26+$0x150]  }
0x9c: {  	v2 =	vld [tilespmem:s26+$0x130]  }
0x9d: {  	v3 =	vld [tilespmem:s26+$0x110]  }
0x9e: {  	v4 =	vld [tilespmem:s26+$0xF0]  }
0x9f: {  	v5 =	vld [tilespmem:s26+$0xD0]  }
0xa0: {  	v6 =	vld [tilespmem:s26+$0xB0]  }
0xa1: {  	v7 =	vld [tilespmem:s26+$0x90]  }
0xa2: {  	v8 =	vld [tilespmem:s26+$0x70]  }
0xa3: {  	v9 =	vld [tilespmem:s26+$0x50]  }
0xa4: {  	v10 =	vld [tilespmem:s26+$0x30]  }
0xa5: {  	v11 =	vld [tilespmem:s26+$0x10]  }
0xa6: {  	v12 =	vld [tilespmem:s26+$0xFFFFFFF0]  }
0xa7: {  	v13 =	vld [tilespmem:s26+$0xFFFFFFD0]  }
0xa8: {  	v14 =	vld [tilespmem:s26+$0xFFFFFFB0]  }
0xa9: {  	v15 =	vld [tilespmem:s26+$0xFFFFFF90]  }
0xaa: {  	v16 =	vld [tilespmem:s26+$0xFFFFFF70]  }
0xab: {  	v17 =	vld [tilespmem:s26+$0xFFFFFF50]  }
0xac: {  	v18 =	vld [tilespmem:s26+$0xFFFFFF30]  }
0xad: {  	v19 =	vld [tilespmem:s26+$0xFFFFFF10]  }
0xae: {  	v20 =	vld [tilespmem:s26+$0xFFFFFEF0]  }
0xaf: {  	v21 =	vld [tilespmem:s26+$0xFFFFFE90]  }
0xb0: {  	v22 =	vld [tilespmem:s26+$0xFFFFFED0]  }
0xb1: {  	v23 =	vld [tilespmem:s26+$0xFFFFFEA0]  }
0xb2: {  	v24 =	vld [tilespmem:s26+$0xFFFFFEB0]  }
0xb3: {  	v25 =	vld [tilespmem:s26+$0xFFFFFE70]  }
0xb4: {  	v26 =	vld [tilespmem:s26+$0xFFFFFE80]  }
0xb5: {  	s6 =	simm.s32 $0x0;
	s7 =	simm.s32 $0x40;
	v27 =	vld [tilespmem:s26+$0xFFFFFEC0]  }
.LBB2_2:
0xb6: {  	p0 =	sne.s32 s7, $0xFC0;
	v28 =	vld [tilespmem:s26+$0xFFFFFEE0]  }
0xb7: {  	v29 =	vld [tilespmem:s26+$0xFFFFFF00]  }
0xb8: {  	v30 =	vld [tilespmem:s26+$0xFFFFFF20]  }
0xb9: {  	v31 =	vld [tilespmem:s26+$0xFFFFFF40]  }
0xba: {  	v24 =	vadd.f32 v24, v25;
	v25 =	vadd.f32 v27, v26;
	v26 =	vld [tilespmem:s26+$0xFFFFFF60]  }
0xbb: {  	v21 =	vadd.f32 v22, v21;
	v22 =	vadd.f32 v28, v23;
	v23 =	vld [tilespmem:s26+$0xFFFFFF80]  }
0xbc: {  	v20 =	vadd.f32 v20, v24;
	v24 =	vadd.f32 v29, v25;
	v25 =	vld [tilespmem:s26+$0xFFFFFFA0]  }
0xbd: {  	v19 =	vadd.f32 v19, v21;
	v21 =	vadd.f32 v30, v22;
	v22 =	vld [tilespmem:s26+$0xFFFFFFC0]  }
0xbe: {  	v18 =	vadd.f32 v18, v20;
	v20 =	vadd.f32 v31, v24;
	v24 =	vld [tilespmem:s26+$0xFFFFFFE0]  }
0xbf: {  	v17 =	vadd.f32 v17, v19;
	v19 =	vadd.f32 v26, v21;
	v21 =	vld [tilespmem:s26+$0x0]  }
0xc0: {  	v16 =	vadd.f32 v16, v18;
	v18 =	vadd.f32 v23, v20;
	v20 =	vld [tilespmem:s26+$0x20]  }
0xc1: {  	v15 =	vadd.f32 v15, v17;
	v17 =	vadd.f32 v25, v19;
	v19 =	vld [tilespmem:s26+$0x40]  }
0xc2: {  	v14 =	vadd.f32 v14, v16;
	v16 =	vadd.f32 v22, v18;
	v18 =	vld [tilespmem:s26+$0x60]  }
0xc3: {  	v13 =	vadd.f32 v13, v15;
	v15 =	vadd.f32 v24, v17;
	v17 =	vld [tilespmem:s26+$0x80]  }
0xc4: {  	v12 =	vadd.f32 v12, v14;
	v14 =	vadd.f32 v21, v16;
	v16 =	vld [tilespmem:s26+$0xA0]  }
0xc5: {  	v11 =	vadd.f32 v11, v13;
	v13 =	vadd.f32 v20, v15;
	v15 =	vld [tilespmem:s26+$0xC0]  }
0xc6: {  	v10 =	vadd.f32 v10, v12;
	v12 =	vadd.f32 v19, v14;
	v14 =	vld [tilespmem:s26+$0xE0]  }
0xc7: {  	v9 =	vadd.f32 v9, v11;
	v11 =	vadd.f32 v18, v13;
	v13 =	vld [tilespmem:s26+$0x100]  }
0xc8: {  	v8 =	vadd.f32 v8, v10;
	v10 =	vadd.f32 v17, v12;
	v12 =	vld [tilespmem:s26+$0x120]  }
0xc9: {  	v7 =	vadd.f32 v7, v9;
	v9 =	vadd.f32 v16, v11;
	v11 =	vld [tilespmem:s26+$0x140]  }
0xca: {  	v6 =	vadd.f32 v6, v8;
	v8 =	vadd.f32 v15, v10;
	v10 =	vld [tilespmem:s26+$0x160]  }
0xcb: {  	v5 =	vadd.f32 v5, v7;
	v7 =	vadd.f32 v14, v9;
	v9 =	vld [tilespmem:s26+$0x180]  }
0xcc: {  	v4 =	vadd.f32 v4, v6;
	v6 =	vadd.f32 v13, v8  }
0xcd: {  	v3 =	vadd.f32 v3, v5;
	v5 =	vadd.f32 v12, v7  }
0xce: {  	v2 =	vadd.f32 v2, v4;
	v4 =	vadd.f32 v11, v6  }
0xcf: {  	v1 =	vadd.f32 v1, v3;
	v3 =	vadd.f32 v10, v5  }
0xd0: {  	v0 =	vadd.f32 v0, v2;
	v2 =	vadd.f32 v9, v4;
	_ =	sdelay $0x1  }
0xd1: {  	v1 =	vadd.f32 v3, v1;
	v0 =	vadd.f32 v2, v0;
	_ =	sdelay $0x1  }
0xd2: {  	v0 =	vadd.f32 v0, v1;
	_ =	sdelay $0x1  }
0xd3: {  	v0 =	vmul.f32 $1.999999960e-02, v0  }
0xd4: {  	s8 =	sshra.s32 s6, $0x2;
	s6 =	smov.u32 s7  }
0xd5: {  	s26 =	sadd.s32 $0x320, s26;
	[tilespmem:s8+$0x1CB00] =	vst v0  }
0xd6: {  	v0 =	vld [tilespmem:s26+$0x170]  }
0xd7: {  	v1 =	vld [tilespmem:s26+$0x150]  }
0xd8: {  	v2 =	vld [tilespmem:s26+$0x130]  }
0xd9: {  	v3 =	vld [tilespmem:s26+$0x110]  }
0xda: {  	v4 =	vld [tilespmem:s26+$0xF0]  }
0xdb: {  	v5 =	vld [tilespmem:s26+$0xD0]  }
0xdc: {  	v6 =	vld [tilespmem:s26+$0xB0]  }
0xdd: {  	v7 =	vld [tilespmem:s26+$0x90]  }
0xde: {  	v8 =	vld [tilespmem:s26+$0x70]  }
0xdf: {  	v9 =	vld [tilespmem:s26+$0x50]  }
0xe0: {  	v10 =	vld [tilespmem:s26+$0x30]  }
0xe1: {  	v11 =	vld [tilespmem:s26+$0x10]  }
0xe2: {  	v12 =	vld [tilespmem:s26+$0xFFFFFFF0]  }
0xe3: {  	v13 =	vld [tilespmem:s26+$0xFFFFFFD0]  }
0xe4: {  	v14 =	vld [tilespmem:s26+$0xFFFFFFB0]  }
0xe5: {  	v15 =	vld [tilespmem:s26+$0xFFFFFF90]  }
0xe6: {  	v16 =	vld [tilespmem:s26+$0xFFFFFF70]  }
0xe7: {  	v17 =	vld [tilespmem:s26+$0xFFFFFF50]  }
0xe8: {  	v18 =	vld [tilespmem:s26+$0xFFFFFF30]  }
0xe9: {  	v19 =	vld [tilespmem:s26+$0xFFFFFF10]  }
0xea: {  	v20 =	vld [tilespmem:s26+$0xFFFFFEF0]  }
0xeb: {  	v21 =	vld [tilespmem:s26+$0xFFFFFE90]  }
0xec: {  	v22 =	vld [tilespmem:s26+$0xFFFFFED0]  }
.Ltmp0:
0xed: {  	v23 =	vld [tilespmem:s26+$0xFFFFFEA0];
	(pc) =	sbr.rel @p0 .LBB2_2-.Ltmp0, $4  }
0xee: {  	v24 =	vld [tilespmem:s26+$0xFFFFFEB0]  }
0xef: {  	v25 =	vld [tilespmem:s26+$0xFFFFFE70]  }
0xf0: {  	v26 =	vld [tilespmem:s26+$0xFFFFFE80]  }
0xf1: {  	s7 =	sadd.s32 $0x40, s7;
	v27 =	vld [tilespmem:s26+$0xFFFFFEC0]  }
0xf2: {  	v28 =	vld [tilespmem:s26+$0xFFFFFEE0]  }
0xf3: {  	v29 =	vld [tilespmem:s26+$0xFFFFFF00]  }
0xf4: {  	v30 =	vld [tilespmem:s26+$0xFFFFFF20]  }
0xf5: {  	v31 =	vld [tilespmem:s26+$0xFFFFFF40];
	v24 =	vadd.f32 v24, v25  }
0xf6: {  	v21 =	vadd.f32 v22, v21;
	v25 =	vadd.f32 v27, v26;
	v26 =	vld [tilespmem:s26+$0xFFFFFF60]  }
0xf7: {  	v20 =	vadd.f32 v20, v24;
	v22 =	vadd.f32 v28, v23;
	v23 =	vld [tilespmem:s26+$0xFFFFFF80]  }
0xf8: {  	v19 =	vadd.f32 v19, v21;
	v24 =	vadd.f32 v29, v25;
	v25 =	vld [tilespmem:s26+$0xFFFFFFA0]  }
0xf9: {  	v18 =	vadd.f32 v18, v20;
	v21 =	vadd.f32 v30, v22;
	v22 =	vld [tilespmem:s26+$0xFFFFFFC0]  }
0xfa: {  	v17 =	vadd.f32 v17, v19;
	v20 =	vadd.f32 v31, v24;
	v24 =	vld [tilespmem:s26+$0xFFFFFFE0]  }
0xfb: {  	v16 =	vadd.f32 v16, v18;
	v19 =	vadd.f32 v26, v21;
	v21 =	vld [tilespmem:s26+$0x0]  }
0xfc: {  	v15 =	vadd.f32 v15, v17;
	v18 =	vadd.f32 v23, v20;
	v20 =	vld [tilespmem:s26+$0x20]  }
0xfd: {  	v14 =	vadd.f32 v14, v16;
	v17 =	vadd.f32 v25, v19;
	v19 =	vld [tilespmem:s26+$0x40]  }
0xfe: {  	v13 =	vadd.f32 v13, v15;
	v16 =	vadd.f32 v22, v18;
	v18 =	vld [tilespmem:s26+$0x60]  }
0xff: {  	v12 =	vadd.f32 v12, v14;
	v15 =	vadd.f32 v24, v17;
	v17 =	vld [tilespmem:s26+$0x80]  }
0x100: {  	v11 =	vadd.f32 v11, v13;
	v14 =	vadd.f32 v21, v16;
	v16 =	vld [tilespmem:s26+$0xA0]  }
0x101: {  	v10 =	vadd.f32 v10, v12;
	v13 =	vadd.f32 v20, v15;
	v15 =	vld [tilespmem:s26+$0xC0]  }
0x102: {  	v9 =	vadd.f32 v9, v11;
	v12 =	vadd.f32 v19, v14;
	v14 =	vld [tilespmem:s26+$0xE0]  }
0x103: {  	v8 =	vadd.f32 v8, v10;
	v11 =	vadd.f32 v18, v13;
	v13 =	vld [tilespmem:s26+$0x100]  }
0x104: {  	v7 =	vadd.f32 v7, v9;
	v10 =	vadd.f32 v17, v12;
	v12 =	vld [tilespmem:s26+$0x120]  }
0x105: {  	v6 =	vadd.f32 v6, v8;
	v9 =	vadd.f32 v16, v11;
	v11 =	vld [tilespmem:s26+$0x140]  }
0x106: {  	v5 =	vadd.f32 v5, v7;
	v8 =	vadd.f32 v15, v10;
	v10 =	vld [tilespmem:s26+$0x160]  }
0x107: {  	v4 =	vadd.f32 v4, v6;
	v7 =	vadd.f32 v14, v9;
	v9 =	vld [tilespmem:s26+$0x180]  }
0x108: {  	v6 =	vadd.f32 v13, v8  }
0x109: {  	v3 =	vadd.f32 v3, v5;
	v2 =	vadd.f32 v2, v4  }
0x10a: {  	v5 =	vadd.f32 v12, v7;
	v4 =	vadd.f32 v11, v6  }
0x10b: {  	v1 =	vadd.f32 v1, v3;
	v0 =	vadd.f32 v0, v2  }
0x10c: {  	v3 =	vadd.f32 v10, v5;
	v2 =	vadd.f32 v9, v4;
	_ =	sdelay $0x1  }
0x10d: {  	v1 =	vadd.f32 v3, v1;
	v0 =	vadd.f32 v2, v0;
	_ =	sdelay $0x1  }
0x10e: {  	v0 =	vadd.f32 v0, v1;
	_ =	sdelay $0x1  }
0x10f: {  	v0 =	vmul.f32 $1.999999960e-02, v0  }
0x110: {  	s6 =	sshra.s32 s6, $0x2  }
0x111: {  	s7 =	rddreg [dreg:$0x7];
	s26 =	simm.s32 $0x0;
	[tilespmem:s6+$0x1CB00] =	vst v0  }
0x112: {  	[hbm4b:s7+s26] =	stream.linear.scatter [tilespmem:s30], [sflag:$0x4], $0x400, $0x38;
	[tilespmem:$0x1CF00] =	vst v63  }
0x113: {  	_ =	swait.ge [sflag:s24], $0x400  }
0x114: {  	[sflag:s24] =	ssyncset.done $0x0  }
0x115: {  	s8 =	rddreg [dreg:$0x8];
	[sflag:s24] =	ssyncadd.s32 $0xFFFFFC00  }
0x116: {  	[tilespmem:s1], [sflag:$0x4] =	stream.linear.gather [hbm4b:s8+s26], $0xC80, $0x38;
	[tilespmem:$0x1CF00] =	vst v63  }
0x117: {  	_ =	swait.ge [sflag:s24], $0xC80  }
0x118: {  	[sflag:s24] =	ssyncset.done $0x0  }
0x119: {  	s7 =	simm.s32 $0x3B00;
	[sflag:s24] =	ssyncadd.s32 $0xFFFFF380  }
0x11a: {  	[tilespmem:s7], [sflag:$0x2] =	stream.indirect.gather [hbm4b:s4+s25], $0x10, s1, s25, $0xb8;
	[tilespmem:$0x1CF00] =	vst v63  }
0x11b: {  	s8 =	simm.s32 $0x2280;
	s7 =	simm.s32 $0x4300  }
0x11c: {  	[tilespmem:s7], [sflag:$0x2] =	stream.indirect.gather [hbm4b:s4+s25], $0x10, s8, s25, $0xb8;
	[tilespmem:$0x1CF00] =	vst v63  }
0x11d: {  	s7 =	simm.s32 $0x2300;
	s8 =	simm.s32 $0x4B00  }
0x11e: {  	[tilespmem:s8], [sflag:$0x2] =	stream.indirect.gather [hbm4b:s4+s25], $0x10, s7, s25, $0xb8;
	[tilespmem:$0x1CF00] =	vst v63  }
0x11f: {  	s7 =	simm.s32 $0x2380;
	s8 =	simm.s32 $0x5300  }
0x120: {  	[tilespmem:s8], [sflag:$0x2] =	stream.indirect.gather [hbm4b:s4+s25], $0x10, s7, s25, $0xb8;
	[tilespmem:$0x1CF00] =	vst v63  }
0x121: {  	s7 =	simm.s32 $0x2400;
	s8 =	simm.s32 $0x5B00  }
0x122: {  	[tilespmem:s8], [sflag:$0x2] =	stream.indirect.gather [hbm4b:s4+s25], $0x10, s7, s25, $0xb8;
	[tilespmem:$0x1CF00] =	vst v63  }
0x123: {  	s7 =	simm.s32 $0x2480;
	s8 =	simm.s32 $0x6300  }
0x124: {  	[tilespmem:s8], [sflag:$0x2] =	stream.indirect.gather [hbm4b:s4+s25], $0x10, s7, s25, $0xb8;
	[tilespmem:$0x1CF00] =	vst v63  }
0x125: {  	s7 =	simm.s32 $0x2500;
	s8 =	simm.s32 $0x6B00  }
0x126: {  	[tilespmem:s8], [sflag:$0x2] =	stream.indirect.gather [hbm4b:s4+s25], $0x10, s7, s25, $0xb8;
	[tilespmem:$0x1CF00] =	vst v63  }
0x127: {  	s7 =	simm.s32 $0x2580;
	s8 =	simm.s32 $0x7300  }
0x128: {  	[tilespmem:s8], [sflag:$0x2] =	stream.indirect.gather [hbm4b:s4+s25], $0x10, s7, s25, $0xb8;
	[tilespmem:$0x1CF00] =	vst v63  }
0x129: {  	s7 =	simm.s32 $0x2600;
	s8 =	simm.s32 $0x7B00  }
0x12a: {  	[tilespmem:s8], [sflag:$0x2] =	stream.indirect.gather [hbm4b:s4+s25], $0x10, s7, s25, $0xb8;
	[tilespmem:$0x1CF00] =	vst v63  }
0x12b: {  	s7 =	simm.s32 $0x2680;
	s8 =	simm.s32 $0x8300  }
0x12c: {  	[tilespmem:s8], [sflag:$0x2] =	stream.indirect.gather [hbm4b:s4+s25], $0x10, s7, s25, $0xb8;
	[tilespmem:$0x1CF00] =	vst v63  }
0x12d: {  	s7 =	simm.s32 $0x2700;
	s8 =	simm.s32 $0x8B00  }
0x12e: {  	[tilespmem:s8], [sflag:$0x2] =	stream.indirect.gather [hbm4b:s4+s25], $0x10, s7, s25, $0xb8;
	[tilespmem:$0x1CF00] =	vst v63  }
0x12f: {  	s7 =	simm.s32 $0x2780;
	s8 =	simm.s32 $0x9300  }
0x130: {  	[tilespmem:s8], [sflag:$0x2] =	stream.indirect.gather [hbm4b:s4+s25], $0x10, s7, s25, $0xb8;
	[tilespmem:$0x1CF00] =	vst v63  }
0x131: {  	s7 =	simm.s32 $0x2800;
	s8 =	simm.s32 $0x9B00  }
0x132: {  	[tilespmem:s8], [sflag:$0x2] =	stream.indirect.gather [hbm4b:s4+s25], $0x10, s7, s25, $0xb8;
	[tilespmem:$0x1CF00] =	vst v63  }
0x133: {  	s7 =	simm.s32 $0x2880;
	s8 =	simm.s32 $0xA300  }
0x134: {  	[tilespmem:s8], [sflag:$0x2] =	stream.indirect.gather [hbm4b:s4+s25], $0x10, s7, s25, $0xb8;
	[tilespmem:$0x1CF00] =	vst v63  }
0x135: {  	s7 =	simm.s32 $0x2900;
	s8 =	simm.s32 $0xAB00  }
0x136: {  	[tilespmem:s8], [sflag:$0x2] =	stream.indirect.gather [hbm4b:s4+s25], $0x10, s7, s25, $0xb8;
	[tilespmem:$0x1CF00] =	vst v63  }
0x137: {  	s7 =	simm.s32 $0x2980;
	s8 =	simm.s32 $0xB300  }
0x138: {  	[tilespmem:s8], [sflag:$0x2] =	stream.indirect.gather [hbm4b:s4+s25], $0x10, s7, s25, $0xb8;
	[tilespmem:$0x1CF00] =	vst v63  }
0x139: {  	s7 =	simm.s32 $0x2A00;
	s8 =	simm.s32 $0xBB00  }
0x13a: {  	[tilespmem:s8], [sflag:$0x2] =	stream.indirect.gather [hbm4b:s4+s25], $0x10, s7, s25, $0xb8;
	[tilespmem:$0x1CF00] =	vst v63  }
0x13b: {  	s7 =	simm.s32 $0x2A80;
	s8 =	simm.s32 $0xC300  }
0x13c: {  	[tilespmem:s8], [sflag:$0x2] =	stream.indirect.gather [hbm4b:s4+s25], $0x10, s7, s25, $0xb8;
	[tilespmem:$0x1CF00] =	vst v63  }
0x13d: {  	s7 =	simm.s32 $0x2B00;
	s8 =	simm.s32 $0xCB00  }
0x13e: {  	[tilespmem:s8], [sflag:$0x2] =	stream.indirect.gather [hbm4b:s4+s25], $0x10, s7, s25, $0xb8;
	[tilespmem:$0x1CF00] =	vst v63  }
0x13f: {  	s7 =	simm.s32 $0x2B80;
	s8 =	simm.s32 $0xD300  }
0x140: {  	[tilespmem:s8], [sflag:$0x2] =	stream.indirect.gather [hbm4b:s4+s25], $0x10, s7, s25, $0xb8;
	[tilespmem:$0x1CF00] =	vst v63  }
0x141: {  	s7 =	simm.s32 $0x2C00;
	s8 =	simm.s32 $0xDB00  }
0x142: {  	[tilespmem:s8], [sflag:$0x2] =	stream.indirect.gather [hbm4b:s4+s25], $0x10, s7, s25, $0xb8;
	[tilespmem:$0x1CF00] =	vst v63  }
0x143: {  	s7 =	simm.s32 $0x2C80;
	s8 =	simm.s32 $0xE300  }
0x144: {  	[tilespmem:s8], [sflag:$0x2] =	stream.indirect.gather [hbm4b:s4+s25], $0x10, s7, s25, $0xb8;
	[tilespmem:$0x1CF00] =	vst v63  }
0x145: {  	s7 =	simm.s32 $0x2D00;
	s8 =	simm.s32 $0xEB00  }
0x146: {  	[tilespmem:s8], [sflag:$0x2] =	stream.indirect.gather [hbm4b:s4+s25], $0x10, s7, s25, $0xb8;
	[tilespmem:$0x1CF00] =	vst v63  }
0x147: {  	s7 =	simm.s32 $0x2D80;
	s8 =	simm.s32 $0xF300  }
0x148: {  	[tilespmem:s8], [sflag:$0x2] =	stream.indirect.gather [hbm4b:s4+s25], $0x10, s7, s25, $0xb8;
	[tilespmem:$0x1CF00] =	vst v63  }
0x149: {  	s7 =	simm.s32 $0x2E00;
	s8 =	simm.s32 $0xFB00  }
0x14a: {  	[tilespmem:s8], [sflag:$0x2] =	stream.indirect.gather [hbm4b:s4+s25], $0x10, s7, s25, $0xb8;
	[tilespmem:$0x1CF00] =	vst v63  }
0x14b: {  	_ =	swait.ge [sflag:s31], $0xC800  }
0x14c: {  	[sflag:s31] =	ssyncset.done $0x0  }
0x14d: {  	s6 =	simm.s32 $0x10490;
	[sflag:s31] =	ssyncadd.s32 $0xFFFF3800  }
0x14e: {  	v0 =	vld [tilespmem:s6+$0x170]  }
0x14f: {  	v1 =	vld [tilespmem:s6+$0x150]  }
0x150: {  	v2 =	vld [tilespmem:s6+$0x130]  }
0x151: {  	v3 =	vld [tilespmem:s6+$0x110]  }
0x152: {  	v4 =	vld [tilespmem:s6+$0xF0]  }
0x153: {  	v5 =	vld [tilespmem:s6+$0xD0]  }
0x154: {  	v6 =	vld [tilespmem:s6+$0xB0]  }
0x155: {  	v7 =	vld [tilespmem:s6+$0x90]  }
0x156: {  	v8 =	vld [tilespmem:s6+$0x70]  }
0x157: {  	v9 =	vld [tilespmem:s6+$0x50]  }
0x158: {  	v10 =	vld [tilespmem:s6+$0x30]  }
0x159: {  	v11 =	vld [tilespmem:s6+$0x10]  }
0x15a: {  	v12 =	vld [tilespmem:s6+$0xFFFFFFF0]  }
0x15b: {  	v13 =	vld [tilespmem:s6+$0xFFFFFFD0]  }
0x15c: {  	v14 =	vld [tilespmem:s6+$0xFFFFFFB0]  }
0x15d: {  	v15 =	vld [tilespmem:s6+$0xFFFFFF90]  }
0x15e: {  	v16 =	vld [tilespmem:s6+$0xFFFFFF70]  }
0x15f: {  	v17 =	vld [tilespmem:s6+$0xFFFFFF50]  }
0x160: {  	v18 =	vld [tilespmem:s6+$0xFFFFFF30]  }
0x161: {  	v19 =	vld [tilespmem:s6+$0xFFFFFF10]  }
0x162: {  	v20 =	vld [tilespmem:s6+$0xFFFFFEF0]  }
0x163: {  	v21 =	vld [tilespmem:s6+$0xFFFFFE90]  }
0x164: {  	v22 =	vld [tilespmem:s6+$0xFFFFFED0]  }
0x165: {  	v23 =	vld [tilespmem:s6+$0xFFFFFEA0]  }
0x166: {  	v24 =	vld [tilespmem:s6+$0xFFFFFEB0]  }
0x167: {  	v25 =	vld [tilespmem:s6+$0xFFFFFE70]  }
0x168: {  	v26 =	vld [tilespmem:s6+$0xFFFFFE80]  }
0x169: {  	s7 =	simm.s32 $0x40;
	v27 =	vld [tilespmem:s6+$0xFFFFFEC0]  }
.LBB2_4:
0x16a: {  	p0 =	sne.s32 s7, $0xFC0;
	v28 =	vld [tilespmem:s6+$0xFFFFFEE0]  }
0x16b: {  	v29 =	vld [tilespmem:s6+$0xFFFFFF00]  }
0x16c: {  	v30 =	vld [tilespmem:s6+$0xFFFFFF20]  }
0x16d: {  	v31 =	vld [tilespmem:s6+$0xFFFFFF40]  }
0x16e: {  	v24 =	vadd.f32 v24, v25;
	v25 =	vadd.f32 v27, v26;
	v26 =	vld [tilespmem:s6+$0xFFFFFF60]  }
0x16f: {  	v21 =	vadd.f32 v22, v21;
	v22 =	vadd.f32 v28, v23;
	v23 =	vld [tilespmem:s6+$0xFFFFFF80]  }
0x170: {  	v20 =	vadd.f32 v20, v24;
	v24 =	vadd.f32 v29, v25;
	v25 =	vld [tilespmem:s6+$0xFFFFFFA0]  }
0x171: {  	v19 =	vadd.f32 v19, v21;
	v21 =	vadd.f32 v30, v22;
	v22 =	vld [tilespmem:s6+$0xFFFFFFC0]  }
0x172: {  	v18 =	vadd.f32 v18, v20;
	v20 =	vadd.f32 v31, v24;
	v24 =	vld [tilespmem:s6+$0xFFFFFFE0]  }
0x173: {  	v17 =	vadd.f32 v17, v19;
	v19 =	vadd.f32 v26, v21;
	v21 =	vld [tilespmem:s6+$0x0]  }
0x174: {  	v16 =	vadd.f32 v16, v18;
	v18 =	vadd.f32 v23, v20;
	v20 =	vld [tilespmem:s6+$0x20]  }
0x175: {  	v15 =	vadd.f32 v15, v17;
	v17 =	vadd.f32 v25, v19;
	v19 =	vld [tilespmem:s6+$0x40]  }
0x176: {  	v14 =	vadd.f32 v14, v16;
	v16 =	vadd.f32 v22, v18;
	v18 =	vld [tilespmem:s6+$0x60]  }
0x177: {  	v13 =	vadd.f32 v13, v15;
	v15 =	vadd.f32 v24, v17;
	v17 =	vld [tilespmem:s6+$0x80]  }
0x178: {  	v12 =	vadd.f32 v12, v14;
	v14 =	vadd.f32 v21, v16;
	v16 =	vld [tilespmem:s6+$0xA0]  }
0x179: {  	v11 =	vadd.f32 v11, v13;
	v13 =	vadd.f32 v20, v15;
	v15 =	vld [tilespmem:s6+$0xC0]  }
0x17a: {  	v10 =	vadd.f32 v10, v12;
	v12 =	vadd.f32 v19, v14;
	v14 =	vld [tilespmem:s6+$0xE0]  }
0x17b: {  	v9 =	vadd.f32 v9, v11;
	v11 =	vadd.f32 v18, v13;
	v13 =	vld [tilespmem:s6+$0x100]  }
0x17c: {  	v8 =	vadd.f32 v8, v10;
	v10 =	vadd.f32 v17, v12;
	v12 =	vld [tilespmem:s6+$0x120]  }
0x17d: {  	v7 =	vadd.f32 v7, v9;
	v9 =	vadd.f32 v16, v11;
	v11 =	vld [tilespmem:s6+$0x140]  }
0x17e: {  	v6 =	vadd.f32 v6, v8;
	v8 =	vadd.f32 v15, v10;
	v10 =	vld [tilespmem:s6+$0x160]  }
0x17f: {  	v5 =	vadd.f32 v5, v7;
	v7 =	vadd.f32 v14, v9;
	v9 =	vld [tilespmem:s6+$0x180]  }
0x180: {  	v4 =	vadd.f32 v4, v6;
	v6 =	vadd.f32 v13, v8  }
0x181: {  	v3 =	vadd.f32 v3, v5;
	v5 =	vadd.f32 v12, v7  }
0x182: {  	v2 =	vadd.f32 v2, v4;
	v4 =	vadd.f32 v11, v6  }
0x183: {  	v1 =	vadd.f32 v1, v3;
	v3 =	vadd.f32 v10, v5  }
0x184: {  	v0 =	vadd.f32 v0, v2;
	v2 =	vadd.f32 v9, v4;
	_ =	sdelay $0x1  }
0x185: {  	v1 =	vadd.f32 v3, v1;
	v0 =	vadd.f32 v2, v0;
	_ =	sdelay $0x1  }
0x186: {  	v0 =	vadd.f32 v0, v1;
	_ =	sdelay $0x1  }
0x187: {  	v0 =	vmul.f32 $1.999999960e-02, v0  }
0x188: {  	s8 =	sshra.s32 s26, $0x2;
	s26 =	smov.u32 s7  }
0x189: {  	s6 =	sadd.s32 $0x320, s6;
	[tilespmem:s8+$0x1CB00] =	vst v0  }
0x18a: {  	v0 =	vld [tilespmem:s6+$0x170]  }
0x18b: {  	v1 =	vld [tilespmem:s6+$0x150]  }
0x18c: {  	v2 =	vld [tilespmem:s6+$0x130]  }
0x18d: {  	v3 =	vld [tilespmem:s6+$0x110]  }
0x18e: {  	v4 =	vld [tilespmem:s6+$0xF0]  }
0x18f: {  	v5 =	vld [tilespmem:s6+$0xD0]  }
0x190: {  	v6 =	vld [tilespmem:s6+$0xB0]  }
0x191: {  	v7 =	vld [tilespmem:s6+$0x90]  }
0x192: {  	v8 =	vld [tilespmem:s6+$0x70]  }
0x193: {  	v9 =	vld [tilespmem:s6+$0x50]  }
0x194: {  	v10 =	vld [tilespmem:s6+$0x30]  }
0x195: {  	v11 =	vld [tilespmem:s6+$0x10]  }
0x196: {  	v12 =	vld [tilespmem:s6+$0xFFFFFFF0]  }
0x197: {  	v13 =	vld [tilespmem:s6+$0xFFFFFFD0]  }
0x198: {  	v14 =	vld [tilespmem:s6+$0xFFFFFFB0]  }
0x199: {  	v15 =	vld [tilespmem:s6+$0xFFFFFF90]  }
0x19a: {  	v16 =	vld [tilespmem:s6+$0xFFFFFF70]  }
0x19b: {  	v17 =	vld [tilespmem:s6+$0xFFFFFF50]  }
0x19c: {  	v18 =	vld [tilespmem:s6+$0xFFFFFF30]  }
0x19d: {  	v19 =	vld [tilespmem:s6+$0xFFFFFF10]  }
0x19e: {  	v20 =	vld [tilespmem:s6+$0xFFFFFEF0]  }
0x19f: {  	v21 =	vld [tilespmem:s6+$0xFFFFFE90]  }
0x1a0: {  	v22 =	vld [tilespmem:s6+$0xFFFFFED0]  }
.Ltmp1:
0x1a1: {  	v23 =	vld [tilespmem:s6+$0xFFFFFEA0];
	(pc) =	sbr.rel @p0 .LBB2_4-.Ltmp1, $4  }
0x1a2: {  	v24 =	vld [tilespmem:s6+$0xFFFFFEB0]  }
0x1a3: {  	v25 =	vld [tilespmem:s6+$0xFFFFFE70]  }
0x1a4: {  	v26 =	vld [tilespmem:s6+$0xFFFFFE80]  }
0x1a5: {  	s7 =	sadd.s32 $0x40, s7;
	v27 =	vld [tilespmem:s6+$0xFFFFFEC0]  }
0x1a6: {  	v28 =	vld [tilespmem:s6+$0xFFFFFEE0]  }
0x1a7: {  	v29 =	vld [tilespmem:s6+$0xFFFFFF00]  }
0x1a8: {  	v30 =	vld [tilespmem:s6+$0xFFFFFF20]  }
0x1a9: {  	v31 =	vld [tilespmem:s6+$0xFFFFFF40];
	v24 =	vadd.f32 v24, v25  }
0x1aa: {  	v21 =	vadd.f32 v22, v21;
	v25 =	vadd.f32 v27, v26;
	v26 =	vld [tilespmem:s6+$0xFFFFFF60]  }
0x1ab: {  	v20 =	vadd.f32 v20, v24;
	v22 =	vadd.f32 v28, v23;
	v23 =	vld [tilespmem:s6+$0xFFFFFF80]  }
0x1ac: {  	v19 =	vadd.f32 v19, v21;
	v24 =	vadd.f32 v29, v25;
	v25 =	vld [tilespmem:s6+$0xFFFFFFA0]  }
0x1ad: {  	v18 =	vadd.f32 v18, v20;
	v21 =	vadd.f32 v30, v22;
	v22 =	vld [tilespmem:s6+$0xFFFFFFC0]  }
0x1ae: {  	v17 =	vadd.f32 v17, v19;
	v20 =	vadd.f32 v31, v24;
	v24 =	vld [tilespmem:s6+$0xFFFFFFE0]  }
0x1af: {  	v16 =	vadd.f32 v16, v18;
	v19 =	vadd.f32 v26, v21;
	v21 =	vld [tilespmem:s6+$0x0]  }
0x1b0: {  	v15 =	vadd.f32 v15, v17;
	v18 =	vadd.f32 v23, v20;
	v20 =	vld [tilespmem:s6+$0x20]  }
0x1b1: {  	v14 =	vadd.f32 v14, v16;
	v17 =	vadd.f32 v25, v19;
	v19 =	vld [tilespmem:s6+$0x40]  }
0x1b2: {  	v13 =	vadd.f32 v13, v15;
	v16 =	vadd.f32 v22, v18;
	v18 =	vld [tilespmem:s6+$0x60]  }
0x1b3: {  	v12 =	vadd.f32 v12, v14;
	v15 =	vadd.f32 v24, v17;
	v17 =	vld [tilespmem:s6+$0x80]  }
0x1b4: {  	v11 =	vadd.f32 v11, v13;
	v14 =	vadd.f32 v21, v16;
	v16 =	vld [tilespmem:s6+$0xA0]  }
0x1b5: {  	v10 =	vadd.f32 v10, v12;
	v13 =	vadd.f32 v20, v15;
	v15 =	vld [tilespmem:s6+$0xC0]  }
0x1b6: {  	v9 =	vadd.f32 v9, v11;
	v12 =	vadd.f32 v19, v14;
	v14 =	vld [tilespmem:s6+$0xE0]  }
0x1b7: {  	v8 =	vadd.f32 v8, v10;
	v11 =	vadd.f32 v18, v13;
	v13 =	vld [tilespmem:s6+$0x100]  }
0x1b8: {  	v7 =	vadd.f32 v7, v9;
	v10 =	vadd.f32 v17, v12;
	v12 =	vld [tilespmem:s6+$0x120]  }
0x1b9: {  	v6 =	vadd.f32 v6, v8;
	v9 =	vadd.f32 v16, v11;
	v11 =	vld [tilespmem:s6+$0x140]  }
0x1ba: {  	v5 =	vadd.f32 v5, v7;
	v8 =	vadd.f32 v15, v10;
	v10 =	vld [tilespmem:s6+$0x160]  }
0x1bb: {  	v4 =	vadd.f32 v4, v6;
	v7 =	vadd.f32 v14, v9;
	v9 =	vld [tilespmem:s6+$0x180]  }
0x1bc: {  	v6 =	vadd.f32 v13, v8  }
0x1bd: {  	v3 =	vadd.f32 v3, v5;
	v2 =	vadd.f32 v2, v4  }
0x1be: {  	v5 =	vadd.f32 v12, v7;
	v4 =	vadd.f32 v11, v6  }
0x1bf: {  	v1 =	vadd.f32 v1, v3;
	v0 =	vadd.f32 v0, v2  }
0x1c0: {  	v3 =	vadd.f32 v10, v5;
	v2 =	vadd.f32 v9, v4;
	_ =	sdelay $0x1  }
0x1c1: {  	v1 =	vadd.f32 v3, v1;
	v0 =	vadd.f32 v2, v0;
	_ =	sdelay $0x1  }
0x1c2: {  	v0 =	vadd.f32 v0, v1;
	_ =	sdelay $0x1  }
0x1c3: {  	v0 =	vmul.f32 $1.999999960e-02, v0  }
0x1c4: {  	s26 =	sshra.s32 s26, $0x2  }
0x1c5: {  	s7 =	rddreg [dreg:$0x9];
	[tilespmem:s26+$0x1CB00] =	vst v0;
	s26 =	simm.s32 $0x0  }
0x1c6: {  	[hbm4b:s7+s26] =	stream.linear.scatter [tilespmem:s30], [sflag:$0x4], $0x400, $0x38;
	[tilespmem:$0x1CF00] =	vst v63  }
0x1c7: {  	_ =	swait.ge [sflag:s24], $0x400  }
0x1c8: {  	[sflag:s24] =	ssyncset.done $0x0  }
0x1c9: {  	s8 =	rddreg [dreg:$0xa];
	[sflag:s24] =	ssyncadd.s32 $0xFFFFFC00  }
0x1ca: {  	[tilespmem:s5], [sflag:$0x4] =	stream.linear.gather [hbm4b:s8+s26], $0xC80, $0x38;
	[tilespmem:$0x1CF00] =	vst v63  }
0x1cb: {  	_ =	swait.ge [sflag:s24], $0xC80  }
0x1cc: {  	[sflag:s24] =	ssyncset.done $0x0  }
0x1cd: {  	s7 =	simm.s32 $0x10300;
	[sflag:s24] =	ssyncadd.s32 $0xFFFFF380  }
0x1ce: {  	[tilespmem:s7], [sflag:$0x3] =	stream.indirect.gather [hbm4b:s4+s25], $0x10, s5, s25, $0xb8;
	[tilespmem:$0x1CF00] =	vst v63  }
0x1cf: {  	s8 =	simm.s32 $0x2F00;
	s7 =	simm.s32 $0x10B00  }
0x1d0: {  	[tilespmem:s7], [sflag:$0x3] =	stream.indirect.gather [hbm4b:s4+s25], $0x10, s8, s25, $0xb8;
	[tilespmem:$0x1CF00] =	vst v63  }
0x1d1: {  	s7 =	simm.s32 $0x2F80;
	s8 =	simm.s32 $0x11300  }
0x1d2: {  	[tilespmem:s8], [sflag:$0x3] =	stream.indirect.gather [hbm4b:s4+s25], $0x10, s7, s25, $0xb8;
	[tilespmem:$0x1CF00] =	vst v63  }
0x1d3: {  	s7 =	simm.s32 $0x3000;
	s8 =	simm.s32 $0x11B00  }
0x1d4: {  	[tilespmem:s8], [sflag:$0x3] =	stream.indirect.gather [hbm4b:s4+s25], $0x10, s7, s25, $0xb8;
	[tilespmem:$0x1CF00] =	vst v63  }
0x1d5: {  	s7 =	simm.s32 $0x3080;
	s8 =	simm.s32 $0x12300  }
0x1d6: {  	[tilespmem:s8], [sflag:$0x3] =	stream.indirect.gather [hbm4b:s4+s25], $0x10, s7, s25, $0xb8;
	[tilespmem:$0x1CF00] =	vst v63  }
0x1d7: {  	s7 =	simm.s32 $0x3100;
	s8 =	simm.s32 $0x12B00  }
0x1d8: {  	[tilespmem:s8], [sflag:$0x3] =	stream.indirect.gather [hbm4b:s4+s25], $0x10, s7, s25, $0xb8;
	[tilespmem:$0x1CF00] =	vst v63  }
0x1d9: {  	s7 =	simm.s32 $0x3180;
	s8 =	simm.s32 $0x13300  }
0x1da: {  	[tilespmem:s8], [sflag:$0x3] =	stream.indirect.gather [hbm4b:s4+s25], $0x10, s7, s25, $0xb8;
	[tilespmem:$0x1CF00] =	vst v63  }
0x1db: {  	s7 =	simm.s32 $0x3200;
	s8 =	simm.s32 $0x13B00  }
0x1dc: {  	[tilespmem:s8], [sflag:$0x3] =	stream.indirect.gather [hbm4b:s4+s25], $0x10, s7, s25, $0xb8;
	[tilespmem:$0x1CF00] =	vst v63  }
0x1dd: {  	s7 =	simm.s32 $0x3280;
	s8 =	simm.s32 $0x14300  }
0x1de: {  	[tilespmem:s8], [sflag:$0x3] =	stream.indirect.gather [hbm4b:s4+s25], $0x10, s7, s25, $0xb8;
	[tilespmem:$0x1CF00] =	vst v63  }
0x1df: {  	s7 =	simm.s32 $0x3300;
	s8 =	simm.s32 $0x14B00  }
0x1e0: {  	[tilespmem:s8], [sflag:$0x3] =	stream.indirect.gather [hbm4b:s4+s25], $0x10, s7, s25, $0xb8;
	[tilespmem:$0x1CF00] =	vst v63  }
0x1e1: {  	s7 =	simm.s32 $0x3380;
	s8 =	simm.s32 $0x15300  }
0x1e2: {  	[tilespmem:s8], [sflag:$0x3] =	stream.indirect.gather [hbm4b:s4+s25], $0x10, s7, s25, $0xb8;
	[tilespmem:$0x1CF00] =	vst v63  }
0x1e3: {  	s7 =	simm.s32 $0x3400;
	s8 =	simm.s32 $0x15B00  }
0x1e4: {  	[tilespmem:s8], [sflag:$0x3] =	stream.indirect.gather [hbm4b:s4+s25], $0x10, s7, s25, $0xb8;
	[tilespmem:$0x1CF00] =	vst v63  }
0x1e5: {  	s7 =	simm.s32 $0x3480;
	s8 =	simm.s32 $0x16300  }
0x1e6: {  	[tilespmem:s8], [sflag:$0x3] =	stream.indirect.gather [hbm4b:s4+s25], $0x10, s7, s25, $0xb8;
	[tilespmem:$0x1CF00] =	vst v63  }
0x1e7: {  	s7 =	simm.s32 $0x3500;
	s8 =	simm.s32 $0x16B00  }
0x1e8: {  	[tilespmem:s8], [sflag:$0x3] =	stream.indirect.gather [hbm4b:s4+s25], $0x10, s7, s25, $0xb8;
	[tilespmem:$0x1CF00] =	vst v63  }
0x1e9: {  	s7 =	simm.s32 $0x3580;
	s8 =	simm.s32 $0x17300  }
0x1ea: {  	[tilespmem:s8], [sflag:$0x3] =	stream.indirect.gather [hbm4b:s4+s25], $0x10, s7, s25, $0xb8;
	[tilespmem:$0x1CF00] =	vst v63  }
0x1eb: {  	s7 =	simm.s32 $0x3600;
	s8 =	simm.s32 $0x17B00  }
0x1ec: {  	[tilespmem:s8], [sflag:$0x3] =	stream.indirect.gather [hbm4b:s4+s25], $0x10, s7, s25, $0xb8;
	[tilespmem:$0x1CF00] =	vst v63  }
0x1ed: {  	s7 =	simm.s32 $0x3680;
	s8 =	simm.s32 $0x18300  }
0x1ee: {  	[tilespmem:s8], [sflag:$0x3] =	stream.indirect.gather [hbm4b:s4+s25], $0x10, s7, s25, $0xb8;
	[tilespmem:$0x1CF00] =	vst v63  }
0x1ef: {  	_ = 	snop  }
0x1f0: {  	[tilespmem:s10], [sflag:$0x3] =	stream.indirect.gather [hbm4b:s4+s25], $0x10, s9, s25, $0xb8;
	[tilespmem:$0x1CF00] =	vst v63  }
0x1f1: {  	_ = 	snop  }
0x1f2: {  	[tilespmem:s12], [sflag:$0x3] =	stream.indirect.gather [hbm4b:s4+s25], $0x10, s11, s25, $0xb8;
	[tilespmem:$0x1CF00] =	vst v63  }
0x1f3: {  	_ = 	snop  }
0x1f4: {  	[tilespmem:s14], [sflag:$0x3] =	stream.indirect.gather [hbm4b:s4+s25], $0x10, s13, s25, $0xb8;
	[tilespmem:$0x1CF00] =	vst v63  }
0x1f5: {  	_ = 	snop  }
0x1f6: {  	[tilespmem:s16], [sflag:$0x3] =	stream.indirect.gather [hbm4b:s4+s25], $0x10, s15, s25, $0xb8;
	[tilespmem:$0x1CF00] =	vst v63  }
0x1f7: {  	_ = 	snop  }
0x1f8: {  	[tilespmem:s18], [sflag:$0x3] =	stream.indirect.gather [hbm4b:s4+s25], $0x10, s17, s25, $0xb8;
	[tilespmem:$0x1CF00] =	vst v63  }
0x1f9: {  	_ = 	snop  }
0x1fa: {  	[tilespmem:s20], [sflag:$0x3] =	stream.indirect.gather [hbm4b:s4+s25], $0x10, s19, s25, $0xb8;
	[tilespmem:$0x1CF00] =	vst v63  }
0x1fb: {  	_ = 	snop  }
0x1fc: {  	[tilespmem:s22], [sflag:$0x3] =	stream.indirect.gather [hbm4b:s4+s25], $0x10, s21, s25, $0xb8;
	[tilespmem:$0x1CF00] =	vst v63  }
0x1fd: {  	_ = 	snop  }
0x1fe: {  	[tilespmem:s28], [sflag:$0x3] =	stream.indirect.gather [hbm4b:s4+s25], $0x10, s23, s25, $0xb8;
	[tilespmem:$0x1CF00] =	vst v63  }
0x1ff: {  	_ =	swait.ge [sflag:s29], $0xC800  }
0x200: {  	[sflag:s29] =	ssyncset.done $0x0  }
0x201: {  	s6 =	simm.s32 $0x3C90;
	[sflag:s29] =	ssyncadd.s32 $0xFFFF3800  }
0x202: {  	v0 =	vld [tilespmem:s6+$0x170]  }
0x203: {  	v1 =	vld [tilespmem:s6+$0x150]  }
0x204: {  	v2 =	vld [tilespmem:s6+$0x130]  }
0x205: {  	v3 =	vld [tilespmem:s6+$0x110]  }
0x206: {  	v4 =	vld [tilespmem:s6+$0xF0]  }
0x207: {  	v5 =	vld [tilespmem:s6+$0xD0]  }
0x208: {  	v6 =	vld [tilespmem:s6+$0xB0]  }
0x209: {  	v7 =	vld [tilespmem:s6+$0x90]  }
0x20a: {  	v8 =	vld [tilespmem:s6+$0x70]  }
0x20b: {  	v9 =	vld [tilespmem:s6+$0x50]  }
0x20c: {  	v10 =	vld [tilespmem:s6+$0x30]  }
0x20d: {  	v11 =	vld [tilespmem:s6+$0x10]  }
0x20e: {  	v12 =	vld [tilespmem:s6+$0xFFFFFFF0]  }
0x20f: {  	v13 =	vld [tilespmem:s6+$0xFFFFFFD0]  }
0x210: {  	v14 =	vld [tilespmem:s6+$0xFFFFFFB0]  }
0x211: {  	v15 =	vld [tilespmem:s6+$0xFFFFFF90]  }
0x212: {  	v16 =	vld [tilespmem:s6+$0xFFFFFF70]  }
0x213: {  	v17 =	vld [tilespmem:s6+$0xFFFFFF50]  }
0x214: {  	v18 =	vld [tilespmem:s6+$0xFFFFFF30]  }
0x215: {  	v19 =	vld [tilespmem:s6+$0xFFFFFF10]  }
0x216: {  	v20 =	vld [tilespmem:s6+$0xFFFFFEF0]  }
0x217: {  	v21 =	vld [tilespmem:s6+$0xFFFFFE90]  }
0x218: {  	v22 =	vld [tilespmem:s6+$0xFFFFFED0]  }
0x219: {  	v23 =	vld [tilespmem:s6+$0xFFFFFEA0]  }
0x21a: {  	v24 =	vld [tilespmem:s6+$0xFFFFFEB0]  }
0x21b: {  	v25 =	vld [tilespmem:s6+$0xFFFFFE70]  }
0x21c: {  	v26 =	vld [tilespmem:s6+$0xFFFFFE80]  }
0x21d: {  	s7 =	simm.s32 $0x40;
	v27 =	vld [tilespmem:s6+$0xFFFFFEC0]  }
.LBB2_6:
0x21e: {  	p0 =	sne.s32 s7, $0xFC0;
	v28 =	vld [tilespmem:s6+$0xFFFFFEE0]  }
0x21f: {  	v29 =	vld [tilespmem:s6+$0xFFFFFF00]  }
0x220: {  	v30 =	vld [tilespmem:s6+$0xFFFFFF20]  }
0x221: {  	v31 =	vld [tilespmem:s6+$0xFFFFFF40]  }
0x222: {  	v24 =	vadd.f32 v24, v25;
	v25 =	vadd.f32 v27, v26;
	v26 =	vld [tilespmem:s6+$0xFFFFFF60]  }
0x223: {  	v21 =	vadd.f32 v22, v21;
	v22 =	vadd.f32 v28, v23;
	v23 =	vld [tilespmem:s6+$0xFFFFFF80]  }
0x224: {  	v20 =	vadd.f32 v20, v24;
	v24 =	vadd.f32 v29, v25;
	v25 =	vld [tilespmem:s6+$0xFFFFFFA0]  }
0x225: {  	v19 =	vadd.f32 v19, v21;
	v21 =	vadd.f32 v30, v22;
	v22 =	vld [tilespmem:s6+$0xFFFFFFC0]  }
0x226: {  	v18 =	vadd.f32 v18, v20;
	v20 =	vadd.f32 v31, v24;
	v24 =	vld [tilespmem:s6+$0xFFFFFFE0]  }
0x227: {  	v17 =	vadd.f32 v17, v19;
	v19 =	vadd.f32 v26, v21;
	v21 =	vld [tilespmem:s6+$0x0]  }
0x228: {  	v16 =	vadd.f32 v16, v18;
	v18 =	vadd.f32 v23, v20;
	v20 =	vld [tilespmem:s6+$0x20]  }
0x229: {  	v15 =	vadd.f32 v15, v17;
	v17 =	vadd.f32 v25, v19;
	v19 =	vld [tilespmem:s6+$0x40]  }
0x22a: {  	v14 =	vadd.f32 v14, v16;
	v16 =	vadd.f32 v22, v18;
	v18 =	vld [tilespmem:s6+$0x60]  }
0x22b: {  	v13 =	vadd.f32 v13, v15;
	v15 =	vadd.f32 v24, v17;
	v17 =	vld [tilespmem:s6+$0x80]  }
0x22c: {  	v12 =	vadd.f32 v12, v14;
	v14 =	vadd.f32 v21, v16;
	v16 =	vld [tilespmem:s6+$0xA0]  }
0x22d: {  	v11 =	vadd.f32 v11, v13;
	v13 =	vadd.f32 v20, v15;
	v15 =	vld [tilespmem:s6+$0xC0]  }
0x22e: {  	v10 =	vadd.f32 v10, v12;
	v12 =	vadd.f32 v19, v14;
	v14 =	vld [tilespmem:s6+$0xE0]  }
0x22f: {  	v9 =	vadd.f32 v9, v11;
	v11 =	vadd.f32 v18, v13;
	v13 =	vld [tilespmem:s6+$0x100]  }
0x230: {  	v8 =	vadd.f32 v8, v10;
	v10 =	vadd.f32 v17, v12;
	v12 =	vld [tilespmem:s6+$0x120]  }
0x231: {  	v7 =	vadd.f32 v7, v9;
	v9 =	vadd.f32 v16, v11;
	v11 =	vld [tilespmem:s6+$0x140]  }
0x232: {  	v6 =	vadd.f32 v6, v8;
	v8 =	vadd.f32 v15, v10;
	v10 =	vld [tilespmem:s6+$0x160]  }
0x233: {  	v5 =	vadd.f32 v5, v7;
	v7 =	vadd.f32 v14, v9;
	v9 =	vld [tilespmem:s6+$0x180]  }
0x234: {  	v4 =	vadd.f32 v4, v6;
	v6 =	vadd.f32 v13, v8  }
0x235: {  	v3 =	vadd.f32 v3, v5;
	v5 =	vadd.f32 v12, v7  }
0x236: {  	v2 =	vadd.f32 v2, v4;
	v4 =	vadd.f32 v11, v6  }
0x237: {  	v1 =	vadd.f32 v1, v3;
	v3 =	vadd.f32 v10, v5  }
0x238: {  	v0 =	vadd.f32 v0, v2;
	v2 =	vadd.f32 v9, v4;
	_ =	sdelay $0x1  }
0x239: {  	v1 =	vadd.f32 v3, v1;
	v0 =	vadd.f32 v2, v0;
	_ =	sdelay $0x1  }
0x23a: {  	v0 =	vadd.f32 v0, v1;
	_ =	sdelay $0x1  }
0x23b: {  	v0 =	vmul.f32 $1.999999960e-02, v0  }
0x23c: {  	s8 =	sshra.s32 s26, $0x2;
	s26 =	smov.u32 s7  }
0x23d: {  	s6 =	sadd.s32 $0x320, s6;
	[tilespmem:s8+$0x1CB00] =	vst v0  }
0x23e: {  	v0 =	vld [tilespmem:s6+$0x170]  }
0x23f: {  	v1 =	vld [tilespmem:s6+$0x150]  }
0x240: {  	v2 =	vld [tilespmem:s6+$0x130]  }
0x241: {  	v3 =	vld [tilespmem:s6+$0x110]  }
0x242: {  	v4 =	vld [tilespmem:s6+$0xF0]  }
0x243: {  	v5 =	vld [tilespmem:s6+$0xD0]  }
0x244: {  	v6 =	vld [tilespmem:s6+$0xB0]  }
0x245: {  	v7 =	vld [tilespmem:s6+$0x90]  }
0x246: {  	v8 =	vld [tilespmem:s6+$0x70]  }
0x247: {  	v9 =	vld [tilespmem:s6+$0x50]  }
0x248: {  	v10 =	vld [tilespmem:s6+$0x30]  }
0x249: {  	v11 =	vld [tilespmem:s6+$0x10]  }
0x24a: {  	v12 =	vld [tilespmem:s6+$0xFFFFFFF0]  }
0x24b: {  	v13 =	vld [tilespmem:s6+$0xFFFFFFD0]  }
0x24c: {  	v14 =	vld [tilespmem:s6+$0xFFFFFFB0]  }
0x24d: {  	v15 =	vld [tilespmem:s6+$0xFFFFFF90]  }
0x24e: {  	v16 =	vld [tilespmem:s6+$0xFFFFFF70]  }
0x24f: {  	v17 =	vld [tilespmem:s6+$0xFFFFFF50]  }
0x250: {  	v18 =	vld [tilespmem:s6+$0xFFFFFF30]  }
0x251: {  	v19 =	vld [tilespmem:s6+$0xFFFFFF10]  }
0x252: {  	v20 =	vld [tilespmem:s6+$0xFFFFFEF0]  }
0x253: {  	v21 =	vld [tilespmem:s6+$0xFFFFFE90]  }
0x254: {  	v22 =	vld [tilespmem:s6+$0xFFFFFED0]  }
.Ltmp2:
0x255: {  	v23 =	vld [tilespmem:s6+$0xFFFFFEA0];
	(pc) =	sbr.rel @p0 .LBB2_6-.Ltmp2, $4  }
0x256: {  	v24 =	vld [tilespmem:s6+$0xFFFFFEB0]  }
0x257: {  	v25 =	vld [tilespmem:s6+$0xFFFFFE70]  }
0x258: {  	v26 =	vld [tilespmem:s6+$0xFFFFFE80]  }
0x259: {  	s7 =	sadd.s32 $0x40, s7;
	v27 =	vld [tilespmem:s6+$0xFFFFFEC0]  }
0x25a: {  	v28 =	vld [tilespmem:s6+$0xFFFFFEE0]  }
0x25b: {  	v29 =	vld [tilespmem:s6+$0xFFFFFF00]  }
0x25c: {  	v30 =	vld [tilespmem:s6+$0xFFFFFF20]  }
0x25d: {  	v31 =	vld [tilespmem:s6+$0xFFFFFF40];
	v24 =	vadd.f32 v24, v25  }
0x25e: {  	v21 =	vadd.f32 v22, v21;
	v25 =	vadd.f32 v27, v26;
	v26 =	vld [tilespmem:s6+$0xFFFFFF60]  }
0x25f: {  	v20 =	vadd.f32 v20, v24;
	v22 =	vadd.f32 v28, v23;
	v23 =	vld [tilespmem:s6+$0xFFFFFF80]  }
0x260: {  	v19 =	vadd.f32 v19, v21;
	v24 =	vadd.f32 v29, v25;
	v25 =	vld [tilespmem:s6+$0xFFFFFFA0]  }
0x261: {  	v18 =	vadd.f32 v18, v20;
	v21 =	vadd.f32 v30, v22;
	v22 =	vld [tilespmem:s6+$0xFFFFFFC0]  }
0x262: {  	v17 =	vadd.f32 v17, v19;
	v20 =	vadd.f32 v31, v24;
	v24 =	vld [tilespmem:s6+$0xFFFFFFE0]  }
0x263: {  	v16 =	vadd.f32 v16, v18;
	v19 =	vadd.f32 v26, v21;
	v21 =	vld [tilespmem:s6+$0x0]  }
0x264: {  	v15 =	vadd.f32 v15, v17;
	v18 =	vadd.f32 v23, v20;
	v20 =	vld [tilespmem:s6+$0x20]  }
0x265: {  	v14 =	vadd.f32 v14, v16;
	v17 =	vadd.f32 v25, v19;
	v19 =	vld [tilespmem:s6+$0x40]  }
0x266: {  	v13 =	vadd.f32 v13, v15;
	v16 =	vadd.f32 v22, v18;
	v18 =	vld [tilespmem:s6+$0x60]  }
0x267: {  	v12 =	vadd.f32 v12, v14;
	v15 =	vadd.f32 v24, v17;
	v17 =	vld [tilespmem:s6+$0x80]  }
0x268: {  	v11 =	vadd.f32 v11, v13;
	v14 =	vadd.f32 v21, v16;
	v16 =	vld [tilespmem:s6+$0xA0]  }
0x269: {  	v10 =	vadd.f32 v10, v12;
	v13 =	vadd.f32 v20, v15;
	v15 =	vld [tilespmem:s6+$0xC0]  }
0x26a: {  	v9 =	vadd.f32 v9, v11;
	v12 =	vadd.f32 v19, v14;
	v14 =	vld [tilespmem:s6+$0xE0]  }
0x26b: {  	v8 =	vadd.f32 v8, v10;
	v11 =	vadd.f32 v18, v13;
	v13 =	vld [tilespmem:s6+$0x100]  }
0x26c: {  	v7 =	vadd.f32 v7, v9;
	v10 =	vadd.f32 v17, v12;
	v12 =	vld [tilespmem:s6+$0x120]  }
0x26d: {  	v6 =	vadd.f32 v6, v8;
	v9 =	vadd.f32 v16, v11;
	v11 =	vld [tilespmem:s6+$0x140]  }
0x26e: {  	v5 =	vadd.f32 v5, v7;
	v8 =	vadd.f32 v15, v10;
	v10 =	vld [tilespmem:s6+$0x160]  }
0x26f: {  	v4 =	vadd.f32 v4, v6;
	v7 =	vadd.f32 v14, v9;
	v9 =	vld [tilespmem:s6+$0x180]  }
0x270: {  	v6 =	vadd.f32 v13, v8  }
0x271: {  	v3 =	vadd.f32 v3, v5;
	v2 =	vadd.f32 v2, v4  }
0x272: {  	v5 =	vadd.f32 v12, v7;
	v4 =	vadd.f32 v11, v6  }
0x273: {  	v1 =	vadd.f32 v1, v3;
	v0 =	vadd.f32 v0, v2  }
0x274: {  	v3 =	vadd.f32 v10, v5;
	v2 =	vadd.f32 v9, v4;
	_ =	sdelay $0x1  }
0x275: {  	v1 =	vadd.f32 v3, v1;
	v0 =	vadd.f32 v2, v0;
	_ =	sdelay $0x1  }
0x276: {  	v0 =	vadd.f32 v0, v1;
	_ =	sdelay $0x1  }
0x277: {  	v0 =	vmul.f32 $1.999999960e-02, v0  }
0x278: {  	s26 =	sshra.s32 s26, $0x2  }
0x279: {  	s7 =	rddreg [dreg:$0xb];
	[tilespmem:s26+$0x1CB00] =	vst v0;
	s26 =	simm.s32 $0x0  }
0x27a: {  	[hbm4b:s7+s26] =	stream.linear.scatter [tilespmem:s30], [sflag:$0x4], $0x400, $0x38;
	[tilespmem:$0x1CF00] =	vst v63  }
0x27b: {  	_ =	swait.ge [sflag:s24], $0x400  }
0x27c: {  	[sflag:s24] =	ssyncset.done $0x0  }
0x27d: {  	s8 =	rddreg [dreg:$0xc];
	[sflag:s24] =	ssyncadd.s32 $0xFFFFFC00  }
0x27e: {  	[tilespmem:s1], [sflag:$0x4] =	stream.linear.gather [hbm4b:s8+s26], $0xC80, $0x38;
	[tilespmem:$0x1CF00] =	vst v63  }
0x27f: {  	_ =	swait.ge [sflag:s24], $0xC80  }
0x280: {  	[sflag:s24] =	ssyncset.done $0x0  }
0x281: {  	s7 =	simm.s32 $0x3B00;
	[sflag:s24] =	ssyncadd.s32 $0xFFFFF380  }
0x282: {  	[tilespmem:s7], [sflag:$0x2] =	stream.indirect.gather [hbm4b:s4+s25], $0x10, s1, s25, $0xb8;
	[tilespmem:$0x1CF00] =	vst v63  }
0x283: {  	s8 =	simm.s32 $0x2280;
	s7 =	simm.s32 $0x4300  }
0x284: {  	[tilespmem:s7], [sflag:$0x2] =	stream.indirect.gather [hbm4b:s4+s25], $0x10, s8, s25, $0xb8;
	[tilespmem:$0x1CF00] =	vst v63  }
0x285: {  	s7 =	simm.s32 $0x2300;
	s8 =	simm.s32 $0x4B00  }
0x286: {  	[tilespmem:s8], [sflag:$0x2] =	stream.indirect.gather [hbm4b:s4+s25], $0x10, s7, s25, $0xb8;
	[tilespmem:$0x1CF00] =	vst v63  }
0x287: {  	s7 =	simm.s32 $0x2380;
	s8 =	simm.s32 $0x5300  }
0x288: {  	[tilespmem:s8], [sflag:$0x2] =	stream.indirect.gather [hbm4b:s4+s25], $0x10, s7, s25, $0xb8;
	[tilespmem:$0x1CF00] =	vst v63  }
0x289: {  	s7 =	simm.s32 $0x2400;
	s8 =	simm.s32 $0x5B00  }
0x28a: {  	[tilespmem:s8], [sflag:$0x2] =	stream.indirect.gather [hbm4b:s4+s25], $0x10, s7, s25, $0xb8;
	[tilespmem:$0x1CF00] =	vst v63  }
0x28b: {  	s7 =	simm.s32 $0x2480;
	s8 =	simm.s32 $0x6300  }
0x28c: {  	[tilespmem:s8], [sflag:$0x2] =	stream.indirect.gather [hbm4b:s4+s25], $0x10, s7, s25, $0xb8;
	[tilespmem:$0x1CF00] =	vst v63  }
0x28d: {  	s7 =	simm.s32 $0x2500;
	s8 =	simm.s32 $0x6B00  }
0x28e: {  	[tilespmem:s8], [sflag:$0x2] =	stream.indirect.gather [hbm4b:s4+s25], $0x10, s7, s25, $0xb8;
	[tilespmem:$0x1CF00] =	vst v63  }
0x28f: {  	s7 =	simm.s32 $0x2580;
	s8 =	simm.s32 $0x7300  }
0x290: {  	[tilespmem:s8], [sflag:$0x2] =	stream.indirect.gather [hbm4b:s4+s25], $0x10, s7, s25, $0xb8;
	[tilespmem:$0x1CF00] =	vst v63  }
0x291: {  	s7 =	simm.s32 $0x2600;
	s8 =	simm.s32 $0x7B00  }
0x292: {  	[tilespmem:s8], [sflag:$0x2] =	stream.indirect.gather [hbm4b:s4+s25], $0x10, s7, s25, $0xb8;
	[tilespmem:$0x1CF00] =	vst v63  }
0x293: {  	s7 =	simm.s32 $0x2680;
	s8 =	simm.s32 $0x8300  }
0x294: {  	[tilespmem:s8], [sflag:$0x2] =	stream.indirect.gather [hbm4b:s4+s25], $0x10, s7, s25, $0xb8;
	[tilespmem:$0x1CF00] =	vst v63  }
0x295: {  	s7 =	simm.s32 $0x2700;
	s8 =	simm.s32 $0x8B00  }
0x296: {  	[tilespmem:s8], [sflag:$0x2] =	stream.indirect.gather [hbm4b:s4+s25], $0x10, s7, s25, $0xb8;
	[tilespmem:$0x1CF00] =	vst v63  }
0x297: {  	s7 =	simm.s32 $0x2780;
	s8 =	simm.s32 $0x9300  }
0x298: {  	[tilespmem:s8], [sflag:$0x2] =	stream.indirect.gather [hbm4b:s4+s25], $0x10, s7, s25, $0xb8;
	[tilespmem:$0x1CF00] =	vst v63  }
0x299: {  	s7 =	simm.s32 $0x2800;
	s8 =	simm.s32 $0x9B00  }
0x29a: {  	[tilespmem:s8], [sflag:$0x2] =	stream.indirect.gather [hbm4b:s4+s25], $0x10, s7, s25, $0xb8;
	[tilespmem:$0x1CF00] =	vst v63  }
0x29b: {  	s7 =	simm.s32 $0x2880;
	s8 =	simm.s32 $0xA300  }
0x29c: {  	[tilespmem:s8], [sflag:$0x2] =	stream.indirect.gather [hbm4b:s4+s25], $0x10, s7, s25, $0xb8;
	[tilespmem:$0x1CF00] =	vst v63  }
0x29d: {  	s7 =	simm.s32 $0x2900;
	s8 =	simm.s32 $0xAB00  }
0x29e: {  	[tilespmem:s8], [sflag:$0x2] =	stream.indirect.gather [hbm4b:s4+s25], $0x10, s7, s25, $0xb8;
	[tilespmem:$0x1CF00] =	vst v63  }
0x29f: {  	s7 =	simm.s32 $0x2980;
	s8 =	simm.s32 $0xB300  }
0x2a0: {  	[tilespmem:s8], [sflag:$0x2] =	stream.indirect.gather [hbm4b:s4+s25], $0x10, s7, s25, $0xb8;
	[tilespmem:$0x1CF00] =	vst v63  }
0x2a1: {  	s7 =	simm.s32 $0x2A00;
	s8 =	simm.s32 $0xBB00  }
0x2a2: {  	[tilespmem:s8], [sflag:$0x2] =	stream.indirect.gather [hbm4b:s4+s25], $0x10, s7, s25, $0xb8;
	[tilespmem:$0x1CF00] =	vst v63  }
0x2a3: {  	s7 =	simm.s32 $0x2A80;
	s8 =	simm.s32 $0xC300  }
0x2a4: {  	[tilespmem:s8], [sflag:$0x2] =	stream.indirect.gather [hbm4b:s4+s25], $0x10, s7, s25, $0xb8;
	[tilespmem:$0x1CF00] =	vst v63  }
0x2a5: {  	s7 =	simm.s32 $0x2B00;
	s8 =	simm.s32 $0xCB00  }
0x2a6: {  	[tilespmem:s8], [sflag:$0x2] =	stream.indirect.gather [hbm4b:s4+s25], $0x10, s7, s25, $0xb8;
	[tilespmem:$0x1CF00] =	vst v63  }
0x2a7: {  	s7 =	simm.s32 $0x2B80;
	s8 =	simm.s32 $0xD300  }
0x2a8: {  	[tilespmem:s8], [sflag:$0x2] =	stream.indirect.gather [hbm4b:s4+s25], $0x10, s7, s25, $0xb8;
	[tilespmem:$0x1CF00] =	vst v63  }
0x2a9: {  	s7 =	simm.s32 $0x2C00;
	s8 =	simm.s32 $0xDB00  }
0x2aa: {  	[tilespmem:s8], [sflag:$0x2] =	stream.indirect.gather [hbm4b:s4+s25], $0x10, s7, s25, $0xb8;
	[tilespmem:$0x1CF00] =	vst v63  }
0x2ab: {  	s7 =	simm.s32 $0x2C80;
	s8 =	simm.s32 $0xE300  }
0x2ac: {  	[tilespmem:s8], [sflag:$0x2] =	stream.indirect.gather [hbm4b:s4+s25], $0x10, s7, s25, $0xb8;
	[tilespmem:$0x1CF00] =	vst v63  }
0x2ad: {  	s7 =	simm.s32 $0x2D00;
	s8 =	simm.s32 $0xEB00  }
0x2ae: {  	[tilespmem:s8], [sflag:$0x2] =	stream.indirect.gather [hbm4b:s4+s25], $0x10, s7, s25, $0xb8;
	[tilespmem:$0x1CF00] =	vst v63  }
0x2af: {  	s7 =	simm.s32 $0x2D80;
	s8 =	simm.s32 $0xF300  }
0x2b0: {  	[tilespmem:s8], [sflag:$0x2] =	stream.indirect.gather [hbm4b:s4+s25], $0x10, s7, s25, $0xb8;
	[tilespmem:$0x1CF00] =	vst v63  }
0x2b1: {  	s7 =	simm.s32 $0x2E00;
	s8 =	simm.s32 $0xFB00  }
0x2b2: {  	[tilespmem:s8], [sflag:$0x2] =	stream.indirect.gather [hbm4b:s4+s25], $0x10, s7, s25, $0xb8;
	[tilespmem:$0x1CF00] =	vst v63  }
0x2b3: {  	_ =	swait.ge [sflag:s31], $0xC800  }
0x2b4: {  	[sflag:s31] =	ssyncset.done $0x0  }
0x2b5: {  	s6 =	simm.s32 $0x10490;
	[sflag:s31] =	ssyncadd.s32 $0xFFFF3800  }
0x2b6: {  	v0 =	vld [tilespmem:s6+$0x170]  }
0x2b7: {  	v1 =	vld [tilespmem:s6+$0x150]  }
0x2b8: {  	v2 =	vld [tilespmem:s6+$0x130]  }
0x2b9: {  	v3 =	vld [tilespmem:s6+$0x110]  }
0x2ba: {  	v4 =	vld [tilespmem:s6+$0xF0]  }
0x2bb: {  	v5 =	vld [tilespmem:s6+$0xD0]  }
0x2bc: {  	v6 =	vld [tilespmem:s6+$0xB0]  }
0x2bd: {  	v7 =	vld [tilespmem:s6+$0x90]  }
0x2be: {  	v8 =	vld [tilespmem:s6+$0x70]  }
0x2bf: {  	v9 =	vld [tilespmem:s6+$0x50]  }
0x2c0: {  	v10 =	vld [tilespmem:s6+$0x30]  }
0x2c1: {  	v11 =	vld [tilespmem:s6+$0x10]  }
0x2c2: {  	v12 =	vld [tilespmem:s6+$0xFFFFFFF0]  }
0x2c3: {  	v13 =	vld [tilespmem:s6+$0xFFFFFFD0]  }
0x2c4: {  	v14 =	vld [tilespmem:s6+$0xFFFFFFB0]  }
0x2c5: {  	v15 =	vld [tilespmem:s6+$0xFFFFFF90]  }
0x2c6: {  	v16 =	vld [tilespmem:s6+$0xFFFFFF70]  }
0x2c7: {  	v17 =	vld [tilespmem:s6+$0xFFFFFF50]  }
0x2c8: {  	v18 =	vld [tilespmem:s6+$0xFFFFFF30]  }
0x2c9: {  	v19 =	vld [tilespmem:s6+$0xFFFFFF10]  }
0x2ca: {  	v20 =	vld [tilespmem:s6+$0xFFFFFEF0]  }
0x2cb: {  	v21 =	vld [tilespmem:s6+$0xFFFFFE90]  }
0x2cc: {  	v22 =	vld [tilespmem:s6+$0xFFFFFED0]  }
0x2cd: {  	v23 =	vld [tilespmem:s6+$0xFFFFFEA0]  }
0x2ce: {  	v24 =	vld [tilespmem:s6+$0xFFFFFEB0]  }
0x2cf: {  	v25 =	vld [tilespmem:s6+$0xFFFFFE70]  }
0x2d0: {  	v26 =	vld [tilespmem:s6+$0xFFFFFE80]  }
0x2d1: {  	s7 =	simm.s32 $0x40;
	v27 =	vld [tilespmem:s6+$0xFFFFFEC0]  }
.LBB2_8:
0x2d2: {  	p0 =	sne.s32 s7, $0xFC0;
	v28 =	vld [tilespmem:s6+$0xFFFFFEE0]  }
0x2d3: {  	v29 =	vld [tilespmem:s6+$0xFFFFFF00]  }
0x2d4: {  	v30 =	vld [tilespmem:s6+$0xFFFFFF20]  }
0x2d5: {  	v31 =	vld [tilespmem:s6+$0xFFFFFF40]  }
0x2d6: {  	v24 =	vadd.f32 v24, v25;
	v25 =	vadd.f32 v27, v26;
	v26 =	vld [tilespmem:s6+$0xFFFFFF60]  }
0x2d7: {  	v21 =	vadd.f32 v22, v21;
	v22 =	vadd.f32 v28, v23;
	v23 =	vld [tilespmem:s6+$0xFFFFFF80]  }
0x2d8: {  	v20 =	vadd.f32 v20, v24;
	v24 =	vadd.f32 v29, v25;
	v25 =	vld [tilespmem:s6+$0xFFFFFFA0]  }
0x2d9: {  	v19 =	vadd.f32 v19, v21;
	v21 =	vadd.f32 v30, v22;
	v22 =	vld [tilespmem:s6+$0xFFFFFFC0]  }
0x2da: {  	v18 =	vadd.f32 v18, v20;
	v20 =	vadd.f32 v31, v24;
	v24 =	vld [tilespmem:s6+$0xFFFFFFE0]  }
0x2db: {  	v17 =	vadd.f32 v17, v19;
	v19 =	vadd.f32 v26, v21;
	v21 =	vld [tilespmem:s6+$0x0]  }
0x2dc: {  	v16 =	vadd.f32 v16, v18;
	v18 =	vadd.f32 v23, v20;
	v20 =	vld [tilespmem:s6+$0x20]  }
0x2dd: {  	v15 =	vadd.f32 v15, v17;
	v17 =	vadd.f32 v25, v19;
	v19 =	vld [tilespmem:s6+$0x40]  }
0x2de: {  	v14 =	vadd.f32 v14, v16;
	v16 =	vadd.f32 v22, v18;
	v18 =	vld [tilespmem:s6+$0x60]  }
0x2df: {  	v13 =	vadd.f32 v13, v15;
	v15 =	vadd.f32 v24, v17;
	v17 =	vld [tilespmem:s6+$0x80]  }
0x2e0: {  	v12 =	vadd.f32 v12, v14;
	v14 =	vadd.f32 v21, v16;
	v16 =	vld [tilespmem:s6+$0xA0]  }
0x2e1: {  	v11 =	vadd.f32 v11, v13;
	v13 =	vadd.f32 v20, v15;
	v15 =	vld [tilespmem:s6+$0xC0]  }
0x2e2: {  	v10 =	vadd.f32 v10, v12;
	v12 =	vadd.f32 v19, v14;
	v14 =	vld [tilespmem:s6+$0xE0]  }
0x2e3: {  	v9 =	vadd.f32 v9, v11;
	v11 =	vadd.f32 v18, v13;
	v13 =	vld [tilespmem:s6+$0x100]  }
0x2e4: {  	v8 =	vadd.f32 v8, v10;
	v10 =	vadd.f32 v17, v12;
	v12 =	vld [tilespmem:s6+$0x120]  }
0x2e5: {  	v7 =	vadd.f32 v7, v9;
	v9 =	vadd.f32 v16, v11;
	v11 =	vld [tilespmem:s6+$0x140]  }
0x2e6: {  	v6 =	vadd.f32 v6, v8;
	v8 =	vadd.f32 v15, v10;
	v10 =	vld [tilespmem:s6+$0x160]  }
0x2e7: {  	v5 =	vadd.f32 v5, v7;
	v7 =	vadd.f32 v14, v9;
	v9 =	vld [tilespmem:s6+$0x180]  }
0x2e8: {  	v4 =	vadd.f32 v4, v6;
	v6 =	vadd.f32 v13, v8  }
0x2e9: {  	v3 =	vadd.f32 v3, v5;
	v5 =	vadd.f32 v12, v7  }
0x2ea: {  	v2 =	vadd.f32 v2, v4;
	v4 =	vadd.f32 v11, v6  }
0x2eb: {  	v1 =	vadd.f32 v1, v3;
	v3 =	vadd.f32 v10, v5  }
0x2ec: {  	v0 =	vadd.f32 v0, v2;
	v2 =	vadd.f32 v9, v4;
	_ =	sdelay $0x1  }
0x2ed: {  	v1 =	vadd.f32 v3, v1;
	v0 =	vadd.f32 v2, v0;
	_ =	sdelay $0x1  }
0x2ee: {  	v0 =	vadd.f32 v0, v1;
	_ =	sdelay $0x1  }
0x2ef: {  	v0 =	vmul.f32 $1.999999960e-02, v0  }
0x2f0: {  	s8 =	sshra.s32 s26, $0x2;
	s26 =	smov.u32 s7  }
0x2f1: {  	s6 =	sadd.s32 $0x320, s6;
	[tilespmem:s8+$0x1CB00] =	vst v0  }
0x2f2: {  	v0 =	vld [tilespmem:s6+$0x170]  }
0x2f3: {  	v1 =	vld [tilespmem:s6+$0x150]  }
0x2f4: {  	v2 =	vld [tilespmem:s6+$0x130]  }
0x2f5: {  	v3 =	vld [tilespmem:s6+$0x110]  }
0x2f6: {  	v4 =	vld [tilespmem:s6+$0xF0]  }
0x2f7: {  	v5 =	vld [tilespmem:s6+$0xD0]  }
0x2f8: {  	v6 =	vld [tilespmem:s6+$0xB0]  }
0x2f9: {  	v7 =	vld [tilespmem:s6+$0x90]  }
0x2fa: {  	v8 =	vld [tilespmem:s6+$0x70]  }
0x2fb: {  	v9 =	vld [tilespmem:s6+$0x50]  }
0x2fc: {  	v10 =	vld [tilespmem:s6+$0x30]  }
0x2fd: {  	v11 =	vld [tilespmem:s6+$0x10]  }
0x2fe: {  	v12 =	vld [tilespmem:s6+$0xFFFFFFF0]  }
0x2ff: {  	v13 =	vld [tilespmem:s6+$0xFFFFFFD0]  }
0x300: {  	v14 =	vld [tilespmem:s6+$0xFFFFFFB0]  }
0x301: {  	v15 =	vld [tilespmem:s6+$0xFFFFFF90]  }
0x302: {  	v16 =	vld [tilespmem:s6+$0xFFFFFF70]  }
0x303: {  	v17 =	vld [tilespmem:s6+$0xFFFFFF50]  }
0x304: {  	v18 =	vld [tilespmem:s6+$0xFFFFFF30]  }
0x305: {  	v19 =	vld [tilespmem:s6+$0xFFFFFF10]  }
0x306: {  	v20 =	vld [tilespmem:s6+$0xFFFFFEF0]  }
0x307: {  	v21 =	vld [tilespmem:s6+$0xFFFFFE90]  }
0x308: {  	v22 =	vld [tilespmem:s6+$0xFFFFFED0]  }
.Ltmp3:
0x309: {  	v23 =	vld [tilespmem:s6+$0xFFFFFEA0];
	(pc) =	sbr.rel @p0 .LBB2_8-.Ltmp3, $4  }
0x30a: {  	v24 =	vld [tilespmem:s6+$0xFFFFFEB0]  }
0x30b: {  	v25 =	vld [tilespmem:s6+$0xFFFFFE70]  }
0x30c: {  	v26 =	vld [tilespmem:s6+$0xFFFFFE80]  }
0x30d: {  	s7 =	sadd.s32 $0x40, s7;
	v27 =	vld [tilespmem:s6+$0xFFFFFEC0]  }
0x30e: {  	v28 =	vld [tilespmem:s6+$0xFFFFFEE0]  }
0x30f: {  	v29 =	vld [tilespmem:s6+$0xFFFFFF00]  }
0x310: {  	v30 =	vld [tilespmem:s6+$0xFFFFFF20]  }
0x311: {  	v31 =	vld [tilespmem:s6+$0xFFFFFF40];
	v24 =	vadd.f32 v24, v25  }
0x312: {  	v21 =	vadd.f32 v22, v21;
	v25 =	vadd.f32 v27, v26;
	v26 =	vld [tilespmem:s6+$0xFFFFFF60]  }
0x313: {  	v20 =	vadd.f32 v20, v24;
	v22 =	vadd.f32 v28, v23;
	v23 =	vld [tilespmem:s6+$0xFFFFFF80]  }
0x314: {  	v19 =	vadd.f32 v19, v21;
	v24 =	vadd.f32 v29, v25;
	v25 =	vld [tilespmem:s6+$0xFFFFFFA0]  }
0x315: {  	v18 =	vadd.f32 v18, v20;
	v21 =	vadd.f32 v30, v22;
	v22 =	vld [tilespmem:s6+$0xFFFFFFC0]  }
0x316: {  	v17 =	vadd.f32 v17, v19;
	v20 =	vadd.f32 v31, v24;
	v24 =	vld [tilespmem:s6+$0xFFFFFFE0]  }
0x317: {  	v16 =	vadd.f32 v16, v18;
	v19 =	vadd.f32 v26, v21;
	v21 =	vld [tilespmem:s6+$0x0]  }
0x318: {  	v15 =	vadd.f32 v15, v17;
	v18 =	vadd.f32 v23, v20;
	v20 =	vld [tilespmem:s6+$0x20]  }
0x319: {  	v14 =	vadd.f32 v14, v16;
	v17 =	vadd.f32 v25, v19;
	v19 =	vld [tilespmem:s6+$0x40]  }
0x31a: {  	v13 =	vadd.f32 v13, v15;
	v16 =	vadd.f32 v22, v18;
	v18 =	vld [tilespmem:s6+$0x60]  }
0x31b: {  	v12 =	vadd.f32 v12, v14;
	v15 =	vadd.f32 v24, v17;
	v17 =	vld [tilespmem:s6+$0x80]  }
0x31c: {  	v11 =	vadd.f32 v11, v13;
	v14 =	vadd.f32 v21, v16;
	v16 =	vld [tilespmem:s6+$0xA0]  }
0x31d: {  	v10 =	vadd.f32 v10, v12;
	v13 =	vadd.f32 v20, v15;
	v15 =	vld [tilespmem:s6+$0xC0]  }
0x31e: {  	v9 =	vadd.f32 v9, v11;
	v12 =	vadd.f32 v19, v14;
	v14 =	vld [tilespmem:s6+$0xE0]  }
0x31f: {  	v8 =	vadd.f32 v8, v10;
	v11 =	vadd.f32 v18, v13;
	v13 =	vld [tilespmem:s6+$0x100]  }
0x320: {  	v7 =	vadd.f32 v7, v9;
	v10 =	vadd.f32 v17, v12;
	v12 =	vld [tilespmem:s6+$0x120]  }
0x321: {  	v6 =	vadd.f32 v6, v8;
	v9 =	vadd.f32 v16, v11;
	v11 =	vld [tilespmem:s6+$0x140]  }
0x322: {  	v5 =	vadd.f32 v5, v7;
	v8 =	vadd.f32 v15, v10;
	v10 =	vld [tilespmem:s6+$0x160]  }
0x323: {  	v4 =	vadd.f32 v4, v6;
	v7 =	vadd.f32 v14, v9;
	v9 =	vld [tilespmem:s6+$0x180]  }
0x324: {  	v6 =	vadd.f32 v13, v8  }
0x325: {  	v3 =	vadd.f32 v3, v5;
	v2 =	vadd.f32 v2, v4  }
0x326: {  	v5 =	vadd.f32 v12, v7;
	v4 =	vadd.f32 v11, v6  }
0x327: {  	v1 =	vadd.f32 v1, v3;
	v0 =	vadd.f32 v0, v2  }
0x328: {  	v3 =	vadd.f32 v10, v5;
	v2 =	vadd.f32 v9, v4;
	_ =	sdelay $0x1  }
0x329: {  	v1 =	vadd.f32 v3, v1;
	v0 =	vadd.f32 v2, v0;
	_ =	sdelay $0x1  }
0x32a: {  	v0 =	vadd.f32 v0, v1;
	_ =	sdelay $0x1  }
0x32b: {  	v0 =	vmul.f32 $1.999999960e-02, v0  }
0x32c: {  	s26 =	sshra.s32 s26, $0x2  }
0x32d: {  	s7 =	rddreg [dreg:$0xd];
	[tilespmem:s26+$0x1CB00] =	vst v0;
	s26 =	simm.s32 $0x0  }
0x32e: {  	[hbm4b:s7+s26] =	stream.linear.scatter [tilespmem:s30], [sflag:$0x4], $0x400, $0x38;
	[tilespmem:$0x1CF00] =	vst v63  }
0x32f: {  	_ =	swait.ge [sflag:s24], $0x400  }
0x330: {  	[sflag:s24] =	ssyncset.done $0x0  }
0x331: {  	s8 =	rddreg [dreg:$0xe];
	[sflag:s24] =	ssyncadd.s32 $0xFFFFFC00  }
0x332: {  	[tilespmem:s5], [sflag:$0x4] =	stream.linear.gather [hbm4b:s8+s26], $0xC80, $0x38;
	[tilespmem:$0x1CF00] =	vst v63  }
0x333: {  	_ =	swait.ge [sflag:s24], $0xC80  }
0x334: {  	[sflag:s24] =	ssyncset.done $0x0  }
0x335: {  	s7 =	simm.s32 $0x10300;
	[sflag:s24] =	ssyncadd.s32 $0xFFFFF380  }
0x336: {  	[tilespmem:s7], [sflag:$0x3] =	stream.indirect.gather [hbm4b:s4+s25], $0x10, s5, s25, $0xb8;
	[tilespmem:$0x1CF00] =	vst v63  }
0x337: {  	s8 =	simm.s32 $0x2F00;
	s7 =	simm.s32 $0x10B00  }
0x338: {  	[tilespmem:s7], [sflag:$0x3] =	stream.indirect.gather [hbm4b:s4+s25], $0x10, s8, s25, $0xb8;
	[tilespmem:$0x1CF00] =	vst v63  }
0x339: {  	s7 =	simm.s32 $0x2F80;
	s8 =	simm.s32 $0x11300  }
0x33a: {  	[tilespmem:s8], [sflag:$0x3] =	stream.indirect.gather [hbm4b:s4+s25], $0x10, s7, s25, $0xb8;
	[tilespmem:$0x1CF00] =	vst v63  }
0x33b: {  	s7 =	simm.s32 $0x3000;
	s8 =	simm.s32 $0x11B00  }
0x33c: {  	[tilespmem:s8], [sflag:$0x3] =	stream.indirect.gather [hbm4b:s4+s25], $0x10, s7, s25, $0xb8;
	[tilespmem:$0x1CF00] =	vst v63  }
0x33d: {  	s7 =	simm.s32 $0x3080;
	s8 =	simm.s32 $0x12300  }
0x33e: {  	[tilespmem:s8], [sflag:$0x3] =	stream.indirect.gather [hbm4b:s4+s25], $0x10, s7, s25, $0xb8;
	[tilespmem:$0x1CF00] =	vst v63  }
0x33f: {  	s7 =	simm.s32 $0x3100;
	s8 =	simm.s32 $0x12B00  }
0x340: {  	[tilespmem:s8], [sflag:$0x3] =	stream.indirect.gather [hbm4b:s4+s25], $0x10, s7, s25, $0xb8;
	[tilespmem:$0x1CF00] =	vst v63  }
0x341: {  	s7 =	simm.s32 $0x3180;
	s8 =	simm.s32 $0x13300  }
0x342: {  	[tilespmem:s8], [sflag:$0x3] =	stream.indirect.gather [hbm4b:s4+s25], $0x10, s7, s25, $0xb8;
	[tilespmem:$0x1CF00] =	vst v63  }
0x343: {  	s7 =	simm.s32 $0x3200;
	s8 =	simm.s32 $0x13B00  }
0x344: {  	[tilespmem:s8], [sflag:$0x3] =	stream.indirect.gather [hbm4b:s4+s25], $0x10, s7, s25, $0xb8;
	[tilespmem:$0x1CF00] =	vst v63  }
0x345: {  	s7 =	simm.s32 $0x3280;
	s8 =	simm.s32 $0x14300  }
0x346: {  	[tilespmem:s8], [sflag:$0x3] =	stream.indirect.gather [hbm4b:s4+s25], $0x10, s7, s25, $0xb8;
	[tilespmem:$0x1CF00] =	vst v63  }
0x347: {  	s7 =	simm.s32 $0x3300;
	s8 =	simm.s32 $0x14B00  }
0x348: {  	[tilespmem:s8], [sflag:$0x3] =	stream.indirect.gather [hbm4b:s4+s25], $0x10, s7, s25, $0xb8;
	[tilespmem:$0x1CF00] =	vst v63  }
0x349: {  	s7 =	simm.s32 $0x3380;
	s8 =	simm.s32 $0x15300  }
0x34a: {  	[tilespmem:s8], [sflag:$0x3] =	stream.indirect.gather [hbm4b:s4+s25], $0x10, s7, s25, $0xb8;
	[tilespmem:$0x1CF00] =	vst v63  }
0x34b: {  	s7 =	simm.s32 $0x3400;
	s8 =	simm.s32 $0x15B00  }
0x34c: {  	[tilespmem:s8], [sflag:$0x3] =	stream.indirect.gather [hbm4b:s4+s25], $0x10, s7, s25, $0xb8;
	[tilespmem:$0x1CF00] =	vst v63  }
0x34d: {  	s7 =	simm.s32 $0x3480;
	s8 =	simm.s32 $0x16300  }
0x34e: {  	[tilespmem:s8], [sflag:$0x3] =	stream.indirect.gather [hbm4b:s4+s25], $0x10, s7, s25, $0xb8;
	[tilespmem:$0x1CF00] =	vst v63  }
0x34f: {  	s7 =	simm.s32 $0x3500;
	s8 =	simm.s32 $0x16B00  }
0x350: {  	[tilespmem:s8], [sflag:$0x3] =	stream.indirect.gather [hbm4b:s4+s25], $0x10, s7, s25, $0xb8;
	[tilespmem:$0x1CF00] =	vst v63  }
0x351: {  	s7 =	simm.s32 $0x3580;
	s8 =	simm.s32 $0x17300  }
0x352: {  	[tilespmem:s8], [sflag:$0x3] =	stream.indirect.gather [hbm4b:s4+s25], $0x10, s7, s25, $0xb8;
	[tilespmem:$0x1CF00] =	vst v63  }
0x353: {  	s7 =	simm.s32 $0x3600;
	s8 =	simm.s32 $0x17B00  }
0x354: {  	[tilespmem:s8], [sflag:$0x3] =	stream.indirect.gather [hbm4b:s4+s25], $0x10, s7, s25, $0xb8;
	[tilespmem:$0x1CF00] =	vst v63  }
0x355: {  	s7 =	simm.s32 $0x3680;
	s8 =	simm.s32 $0x18300  }
0x356: {  	[tilespmem:s8], [sflag:$0x3] =	stream.indirect.gather [hbm4b:s4+s25], $0x10, s7, s25, $0xb8;
	[tilespmem:$0x1CF00] =	vst v63  }
0x357: {  	_ = 	snop  }
0x358: {  	[tilespmem:s10], [sflag:$0x3] =	stream.indirect.gather [hbm4b:s4+s25], $0x10, s9, s25, $0xb8;
	[tilespmem:$0x1CF00] =	vst v63  }
0x359: {  	_ = 	snop  }
0x35a: {  	[tilespmem:s12], [sflag:$0x3] =	stream.indirect.gather [hbm4b:s4+s25], $0x10, s11, s25, $0xb8;
	[tilespmem:$0x1CF00] =	vst v63  }
0x35b: {  	_ = 	snop  }
0x35c: {  	[tilespmem:s14], [sflag:$0x3] =	stream.indirect.gather [hbm4b:s4+s25], $0x10, s13, s25, $0xb8;
	[tilespmem:$0x1CF00] =	vst v63  }
0x35d: {  	_ = 	snop  }
0x35e: {  	[tilespmem:s16], [sflag:$0x3] =	stream.indirect.gather [hbm4b:s4+s25], $0x10, s15, s25, $0xb8;
	[tilespmem:$0x1CF00] =	vst v63  }
0x35f: {  	_ = 	snop  }
0x360: {  	[tilespmem:s18], [sflag:$0x3] =	stream.indirect.gather [hbm4b:s4+s25], $0x10, s17, s25, $0xb8;
	[tilespmem:$0x1CF00] =	vst v63  }
0x361: {  	_ = 	snop  }
0x362: {  	[tilespmem:s20], [sflag:$0x3] =	stream.indirect.gather [hbm4b:s4+s25], $0x10, s19, s25, $0xb8;
	[tilespmem:$0x1CF00] =	vst v63  }
0x363: {  	_ = 	snop  }
0x364: {  	[tilespmem:s22], [sflag:$0x3] =	stream.indirect.gather [hbm4b:s4+s25], $0x10, s21, s25, $0xb8;
	[tilespmem:$0x1CF00] =	vst v63  }
0x365: {  	_ = 	snop  }
0x366: {  	[tilespmem:s28], [sflag:$0x3] =	stream.indirect.gather [hbm4b:s4+s25], $0x10, s23, s25, $0xb8;
	[tilespmem:$0x1CF00] =	vst v63  }
0x367: {  	_ =	swait.ge [sflag:s29], $0xC800  }
0x368: {  	[sflag:s29] =	ssyncset.done $0x0  }
0x369: {  	s6 =	simm.s32 $0x3C90;
	[sflag:s29] =	ssyncadd.s32 $0xFFFF3800  }
0x36a: {  	v0 =	vld [tilespmem:s6+$0x170]  }
0x36b: {  	v1 =	vld [tilespmem:s6+$0x150]  }
0x36c: {  	v2 =	vld [tilespmem:s6+$0x130]  }
0x36d: {  	v3 =	vld [tilespmem:s6+$0x110]  }
0x36e: {  	v4 =	vld [tilespmem:s6+$0xF0]  }
0x36f: {  	v5 =	vld [tilespmem:s6+$0xD0]  }
0x370: {  	v6 =	vld [tilespmem:s6+$0xB0]  }
0x371: {  	v7 =	vld [tilespmem:s6+$0x90]  }
0x372: {  	v8 =	vld [tilespmem:s6+$0x70]  }
0x373: {  	v9 =	vld [tilespmem:s6+$0x50]  }
0x374: {  	v10 =	vld [tilespmem:s6+$0x30]  }
0x375: {  	v11 =	vld [tilespmem:s6+$0x10]  }
0x376: {  	v12 =	vld [tilespmem:s6+$0xFFFFFFF0]  }
0x377: {  	v13 =	vld [tilespmem:s6+$0xFFFFFFD0]  }
0x378: {  	v14 =	vld [tilespmem:s6+$0xFFFFFFB0]  }
0x379: {  	v15 =	vld [tilespmem:s6+$0xFFFFFF90]  }
0x37a: {  	v16 =	vld [tilespmem:s6+$0xFFFFFF70]  }
0x37b: {  	v17 =	vld [tilespmem:s6+$0xFFFFFF50]  }
0x37c: {  	v18 =	vld [tilespmem:s6+$0xFFFFFF30]  }
0x37d: {  	v19 =	vld [tilespmem:s6+$0xFFFFFF10]  }
0x37e: {  	v20 =	vld [tilespmem:s6+$0xFFFFFEF0]  }
0x37f: {  	v21 =	vld [tilespmem:s6+$0xFFFFFE90]  }
0x380: {  	v22 =	vld [tilespmem:s6+$0xFFFFFED0]  }
0x381: {  	v23 =	vld [tilespmem:s6+$0xFFFFFEA0]  }
0x382: {  	v24 =	vld [tilespmem:s6+$0xFFFFFEB0]  }
0x383: {  	v25 =	vld [tilespmem:s6+$0xFFFFFE70]  }
0x384: {  	v26 =	vld [tilespmem:s6+$0xFFFFFE80]  }
0x385: {  	s7 =	simm.s32 $0x40;
	v27 =	vld [tilespmem:s6+$0xFFFFFEC0]  }
.LBB2_10:
0x386: {  	p0 =	sne.s32 s7, $0xFC0;
	v28 =	vld [tilespmem:s6+$0xFFFFFEE0]  }
0x387: {  	v29 =	vld [tilespmem:s6+$0xFFFFFF00]  }
0x388: {  	v30 =	vld [tilespmem:s6+$0xFFFFFF20]  }
0x389: {  	v31 =	vld [tilespmem:s6+$0xFFFFFF40]  }
0x38a: {  	v24 =	vadd.f32 v24, v25;
	v25 =	vadd.f32 v27, v26;
	v26 =	vld [tilespmem:s6+$0xFFFFFF60]  }
0x38b: {  	v21 =	vadd.f32 v22, v21;
	v22 =	vadd.f32 v28, v23;
	v23 =	vld [tilespmem:s6+$0xFFFFFF80]  }
0x38c: {  	v20 =	vadd.f32 v20, v24;
	v24 =	vadd.f32 v29, v25;
	v25 =	vld [tilespmem:s6+$0xFFFFFFA0]  }
0x38d: {  	v19 =	vadd.f32 v19, v21;
	v21 =	vadd.f32 v30, v22;
	v22 =	vld [tilespmem:s6+$0xFFFFFFC0]  }
0x38e: {  	v18 =	vadd.f32 v18, v20;
	v20 =	vadd.f32 v31, v24;
	v24 =	vld [tilespmem:s6+$0xFFFFFFE0]  }
0x38f: {  	v17 =	vadd.f32 v17, v19;
	v19 =	vadd.f32 v26, v21;
	v21 =	vld [tilespmem:s6+$0x0]  }
0x390: {  	v16 =	vadd.f32 v16, v18;
	v18 =	vadd.f32 v23, v20;
	v20 =	vld [tilespmem:s6+$0x20]  }
0x391: {  	v15 =	vadd.f32 v15, v17;
	v17 =	vadd.f32 v25, v19;
	v19 =	vld [tilespmem:s6+$0x40]  }
0x392: {  	v14 =	vadd.f32 v14, v16;
	v16 =	vadd.f32 v22, v18;
	v18 =	vld [tilespmem:s6+$0x60]  }
0x393: {  	v13 =	vadd.f32 v13, v15;
	v15 =	vadd.f32 v24, v17;
	v17 =	vld [tilespmem:s6+$0x80]  }
0x394: {  	v12 =	vadd.f32 v12, v14;
	v14 =	vadd.f32 v21, v16;
	v16 =	vld [tilespmem:s6+$0xA0]  }
0x395: {  	v11 =	vadd.f32 v11, v13;
	v13 =	vadd.f32 v20, v15;
	v15 =	vld [tilespmem:s6+$0xC0]  }
0x396: {  	v10 =	vadd.f32 v10, v12;
	v12 =	vadd.f32 v19, v14;
	v14 =	vld [tilespmem:s6+$0xE0]  }
0x397: {  	v9 =	vadd.f32 v9, v11;
	v11 =	vadd.f32 v18, v13;
	v13 =	vld [tilespmem:s6+$0x100]  }
0x398: {  	v8 =	vadd.f32 v8, v10;
	v10 =	vadd.f32 v17, v12;
	v12 =	vld [tilespmem:s6+$0x120]  }
0x399: {  	v7 =	vadd.f32 v7, v9;
	v9 =	vadd.f32 v16, v11;
	v11 =	vld [tilespmem:s6+$0x140]  }
0x39a: {  	v6 =	vadd.f32 v6, v8;
	v8 =	vadd.f32 v15, v10;
	v10 =	vld [tilespmem:s6+$0x160]  }
0x39b: {  	v5 =	vadd.f32 v5, v7;
	v7 =	vadd.f32 v14, v9;
	v9 =	vld [tilespmem:s6+$0x180]  }
0x39c: {  	v4 =	vadd.f32 v4, v6;
	v6 =	vadd.f32 v13, v8  }
0x39d: {  	v3 =	vadd.f32 v3, v5;
	v5 =	vadd.f32 v12, v7  }
0x39e: {  	v2 =	vadd.f32 v2, v4;
	v4 =	vadd.f32 v11, v6  }
0x39f: {  	v1 =	vadd.f32 v1, v3;
	v3 =	vadd.f32 v10, v5  }
0x3a0: {  	v0 =	vadd.f32 v0, v2;
	v2 =	vadd.f32 v9, v4;
	_ =	sdelay $0x1  }
0x3a1: {  	v1 =	vadd.f32 v3, v1;
	v0 =	vadd.f32 v2, v0;
	_ =	sdelay $0x1  }
0x3a2: {  	v0 =	vadd.f32 v0, v1;
	_ =	sdelay $0x1  }
0x3a3: {  	v0 =	vmul.f32 $1.999999960e-02, v0  }
0x3a4: {  	s8 =	sshra.s32 s26, $0x2;
	s26 =	smov.u32 s7  }
0x3a5: {  	s6 =	sadd.s32 $0x320, s6;
	[tilespmem:s8+$0x1CB00] =	vst v0  }
0x3a6: {  	v0 =	vld [tilespmem:s6+$0x170]  }
0x3a7: {  	v1 =	vld [tilespmem:s6+$0x150]  }
0x3a8: {  	v2 =	vld [tilespmem:s6+$0x130]  }
0x3a9: {  	v3 =	vld [tilespmem:s6+$0x110]  }
0x3aa: {  	v4 =	vld [tilespmem:s6+$0xF0]  }
0x3ab: {  	v5 =	vld [tilespmem:s6+$0xD0]  }
0x3ac: {  	v6 =	vld [tilespmem:s6+$0xB0]  }
0x3ad: {  	v7 =	vld [tilespmem:s6+$0x90]  }
0x3ae: {  	v8 =	vld [tilespmem:s6+$0x70]  }
0x3af: {  	v9 =	vld [tilespmem:s6+$0x50]  }
0x3b0: {  	v10 =	vld [tilespmem:s6+$0x30]  }
0x3b1: {  	v11 =	vld [tilespmem:s6+$0x10]  }
0x3b2: {  	v12 =	vld [tilespmem:s6+$0xFFFFFFF0]  }
0x3b3: {  	v13 =	vld [tilespmem:s6+$0xFFFFFFD0]  }
0x3b4: {  	v14 =	vld [tilespmem:s6+$0xFFFFFFB0]  }
0x3b5: {  	v15 =	vld [tilespmem:s6+$0xFFFFFF90]  }
0x3b6: {  	v16 =	vld [tilespmem:s6+$0xFFFFFF70]  }
0x3b7: {  	v17 =	vld [tilespmem:s6+$0xFFFFFF50]  }
0x3b8: {  	v18 =	vld [tilespmem:s6+$0xFFFFFF30]  }
0x3b9: {  	v19 =	vld [tilespmem:s6+$0xFFFFFF10]  }
0x3ba: {  	v20 =	vld [tilespmem:s6+$0xFFFFFEF0]  }
0x3bb: {  	v21 =	vld [tilespmem:s6+$0xFFFFFE90]  }
0x3bc: {  	v22 =	vld [tilespmem:s6+$0xFFFFFED0]  }
.Ltmp4:
0x3bd: {  	v23 =	vld [tilespmem:s6+$0xFFFFFEA0];
	(pc) =	sbr.rel @p0 .LBB2_10-.Ltmp4, $4  }
0x3be: {  	v24 =	vld [tilespmem:s6+$0xFFFFFEB0]  }
0x3bf: {  	v25 =	vld [tilespmem:s6+$0xFFFFFE70]  }
0x3c0: {  	v26 =	vld [tilespmem:s6+$0xFFFFFE80]  }
0x3c1: {  	s7 =	sadd.s32 $0x40, s7;
	v27 =	vld [tilespmem:s6+$0xFFFFFEC0]  }
0x3c2: {  	v28 =	vld [tilespmem:s6+$0xFFFFFEE0]  }
0x3c3: {  	v29 =	vld [tilespmem:s6+$0xFFFFFF00]  }
0x3c4: {  	v30 =	vld [tilespmem:s6+$0xFFFFFF20]  }
0x3c5: {  	v31 =	vld [tilespmem:s6+$0xFFFFFF40];
	v24 =	vadd.f32 v24, v25  }
0x3c6: {  	v21 =	vadd.f32 v22, v21;
	v25 =	vadd.f32 v27, v26;
	v26 =	vld [tilespmem:s6+$0xFFFFFF60]  }
0x3c7: {  	v20 =	vadd.f32 v20, v24;
	v22 =	vadd.f32 v28, v23;
	v23 =	vld [tilespmem:s6+$0xFFFFFF80]  }
0x3c8: {  	v19 =	vadd.f32 v19, v21;
	v24 =	vadd.f32 v29, v25;
	v25 =	vld [tilespmem:s6+$0xFFFFFFA0]  }
0x3c9: {  	v18 =	vadd.f32 v18, v20;
	v21 =	vadd.f32 v30, v22;
	v22 =	vld [tilespmem:s6+$0xFFFFFFC0]  }
0x3ca: {  	v17 =	vadd.f32 v17, v19;
	v20 =	vadd.f32 v31, v24;
	v24 =	vld [tilespmem:s6+$0xFFFFFFE0]  }
0x3cb: {  	v16 =	vadd.f32 v16, v18;
	v19 =	vadd.f32 v26, v21;
	v21 =	vld [tilespmem:s6+$0x0]  }
0x3cc: {  	v15 =	vadd.f32 v15, v17;
	v18 =	vadd.f32 v23, v20;
	v20 =	vld [tilespmem:s6+$0x20]  }
0x3cd: {  	v14 =	vadd.f32 v14, v16;
	v17 =	vadd.f32 v25, v19;
	v19 =	vld [tilespmem:s6+$0x40]  }
0x3ce: {  	v13 =	vadd.f32 v13, v15;
	v16 =	vadd.f32 v22, v18;
	v18 =	vld [tilespmem:s6+$0x60]  }
0x3cf: {  	v12 =	vadd.f32 v12, v14;
	v15 =	vadd.f32 v24, v17;
	v17 =	vld [tilespmem:s6+$0x80]  }
0x3d0: {  	v11 =	vadd.f32 v11, v13;
	v14 =	vadd.f32 v21, v16;
	v16 =	vld [tilespmem:s6+$0xA0]  }
0x3d1: {  	v10 =	vadd.f32 v10, v12;
	v13 =	vadd.f32 v20, v15;
	v15 =	vld [tilespmem:s6+$0xC0]  }
0x3d2: {  	v9 =	vadd.f32 v9, v11;
	v12 =	vadd.f32 v19, v14;
	v14 =	vld [tilespmem:s6+$0xE0]  }
0x3d3: {  	v8 =	vadd.f32 v8, v10;
	v11 =	vadd.f32 v18, v13;
	v13 =	vld [tilespmem:s6+$0x100]  }
0x3d4: {  	v7 =	vadd.f32 v7, v9;
	v10 =	vadd.f32 v17, v12;
	v12 =	vld [tilespmem:s6+$0x120]  }
0x3d5: {  	v6 =	vadd.f32 v6, v8;
	v9 =	vadd.f32 v16, v11;
	v11 =	vld [tilespmem:s6+$0x140]  }
0x3d6: {  	v5 =	vadd.f32 v5, v7;
	v8 =	vadd.f32 v15, v10;
	v10 =	vld [tilespmem:s6+$0x160]  }
0x3d7: {  	v4 =	vadd.f32 v4, v6;
	v7 =	vadd.f32 v14, v9;
	v9 =	vld [tilespmem:s6+$0x180]  }
0x3d8: {  	v6 =	vadd.f32 v13, v8  }
0x3d9: {  	v3 =	vadd.f32 v3, v5;
	v2 =	vadd.f32 v2, v4  }
0x3da: {  	v5 =	vadd.f32 v12, v7;
	v4 =	vadd.f32 v11, v6  }
0x3db: {  	v1 =	vadd.f32 v1, v3;
	v0 =	vadd.f32 v0, v2  }
0x3dc: {  	v3 =	vadd.f32 v10, v5;
	v2 =	vadd.f32 v9, v4;
	_ =	sdelay $0x1  }
0x3dd: {  	v1 =	vadd.f32 v3, v1;
	v0 =	vadd.f32 v2, v0;
	_ =	sdelay $0x1  }
0x3de: {  	v0 =	vadd.f32 v0, v1;
	_ =	sdelay $0x1  }
0x3df: {  	v0 =	vmul.f32 $1.999999960e-02, v0  }
0x3e0: {  	s26 =	sshra.s32 s26, $0x2  }
0x3e1: {  	s7 =	rddreg [dreg:$0xf];
	[tilespmem:s26+$0x1CB00] =	vst v0;
	s26 =	simm.s32 $0x0  }
0x3e2: {  	[hbm4b:s7+s26] =	stream.linear.scatter [tilespmem:s30], [sflag:$0x4], $0x400, $0x38;
	[tilespmem:$0x1CF00] =	vst v63  }
0x3e3: {  	_ =	swait.ge [sflag:s24], $0x400  }
0x3e4: {  	[sflag:s24] =	ssyncset.done $0x0  }
0x3e5: {  	s8 =	rddreg [dreg:$0x10];
	[sflag:s24] =	ssyncadd.s32 $0xFFFFFC00  }
0x3e6: {  	[tilespmem:s1], [sflag:$0x4] =	stream.linear.gather [hbm4b:s8+s26], $0xC80, $0x38;
	[tilespmem:$0x1CF00] =	vst v63  }
0x3e7: {  	_ =	swait.ge [sflag:s24], $0xC80  }
0x3e8: {  	[sflag:s24] =	ssyncset.done $0x0  }
0x3e9: {  	s7 =	simm.s32 $0x3B00;
	[sflag:s24] =	ssyncadd.s32 $0xFFFFF380  }
0x3ea: {  	[tilespmem:s7], [sflag:$0x2] =	stream.indirect.gather [hbm4b:s4+s25], $0x10, s1, s25, $0xb8;
	[tilespmem:$0x1CF00] =	vst v63  }
0x3eb: {  	s8 =	simm.s32 $0x2280;
	s7 =	simm.s32 $0x4300  }
0x3ec: {  	[tilespmem:s7], [sflag:$0x2] =	stream.indirect.gather [hbm4b:s4+s25], $0x10, s8, s25, $0xb8;
	[tilespmem:$0x1CF00] =	vst v63  }
0x3ed: {  	s7 =	simm.s32 $0x2300;
	s8 =	simm.s32 $0x4B00  }
0x3ee: {  	[tilespmem:s8], [sflag:$0x2] =	stream.indirect.gather [hbm4b:s4+s25], $0x10, s7, s25, $0xb8;
	[tilespmem:$0x1CF00] =	vst v63  }
0x3ef: {  	s7 =	simm.s32 $0x2380;
	s8 =	simm.s32 $0x5300  }
0x3f0: {  	[tilespmem:s8], [sflag:$0x2] =	stream.indirect.gather [hbm4b:s4+s25], $0x10, s7, s25, $0xb8;
	[tilespmem:$0x1CF00] =	vst v63  }
0x3f1: {  	s7 =	simm.s32 $0x2400;
	s8 =	simm.s32 $0x5B00  }
0x3f2: {  	[tilespmem:s8], [sflag:$0x2] =	stream.indirect.gather [hbm4b:s4+s25], $0x10, s7, s25, $0xb8;
	[tilespmem:$0x1CF00] =	vst v63  }
0x3f3: {  	s7 =	simm.s32 $0x2480;
	s8 =	simm.s32 $0x6300  }
0x3f4: {  	[tilespmem:s8], [sflag:$0x2] =	stream.indirect.gather [hbm4b:s4+s25], $0x10, s7, s25, $0xb8;
	[tilespmem:$0x1CF00] =	vst v63  }
0x3f5: {  	s7 =	simm.s32 $0x2500;
	s8 =	simm.s32 $0x6B00  }
0x3f6: {  	[tilespmem:s8], [sflag:$0x2] =	stream.indirect.gather [hbm4b:s4+s25], $0x10, s7, s25, $0xb8;
	[tilespmem:$0x1CF00] =	vst v63  }
0x3f7: {  	s7 =	simm.s32 $0x2580;
	s8 =	simm.s32 $0x7300  }
0x3f8: {  	[tilespmem:s8], [sflag:$0x2] =	stream.indirect.gather [hbm4b:s4+s25], $0x10, s7, s25, $0xb8;
	[tilespmem:$0x1CF00] =	vst v63  }
0x3f9: {  	s7 =	simm.s32 $0x2600;
	s8 =	simm.s32 $0x7B00  }
0x3fa: {  	[tilespmem:s8], [sflag:$0x2] =	stream.indirect.gather [hbm4b:s4+s25], $0x10, s7, s25, $0xb8;
	[tilespmem:$0x1CF00] =	vst v63  }
0x3fb: {  	s7 =	simm.s32 $0x2680;
	s8 =	simm.s32 $0x8300  }
0x3fc: {  	[tilespmem:s8], [sflag:$0x2] =	stream.indirect.gather [hbm4b:s4+s25], $0x10, s7, s25, $0xb8;
	[tilespmem:$0x1CF00] =	vst v63  }
0x3fd: {  	s7 =	simm.s32 $0x2700;
	s8 =	simm.s32 $0x8B00  }
0x3fe: {  	[tilespmem:s8], [sflag:$0x2] =	stream.indirect.gather [hbm4b:s4+s25], $0x10, s7, s25, $0xb8;
	[tilespmem:$0x1CF00] =	vst v63  }
0x3ff: {  	s7 =	simm.s32 $0x2780;
	s8 =	simm.s32 $0x9300  }
0x400: {  	[tilespmem:s8], [sflag:$0x2] =	stream.indirect.gather [hbm4b:s4+s25], $0x10, s7, s25, $0xb8;
	[tilespmem:$0x1CF00] =	vst v63  }
0x401: {  	s7 =	simm.s32 $0x2800;
	s8 =	simm.s32 $0x9B00  }
0x402: {  	[tilespmem:s8], [sflag:$0x2] =	stream.indirect.gather [hbm4b:s4+s25], $0x10, s7, s25, $0xb8;
	[tilespmem:$0x1CF00] =	vst v63  }
0x403: {  	s7 =	simm.s32 $0x2880;
	s8 =	simm.s32 $0xA300  }
0x404: {  	[tilespmem:s8], [sflag:$0x2] =	stream.indirect.gather [hbm4b:s4+s25], $0x10, s7, s25, $0xb8;
	[tilespmem:$0x1CF00] =	vst v63  }
0x405: {  	s7 =	simm.s32 $0x2900;
	s8 =	simm.s32 $0xAB00  }
0x406: {  	[tilespmem:s8], [sflag:$0x2] =	stream.indirect.gather [hbm4b:s4+s25], $0x10, s7, s25, $0xb8;
	[tilespmem:$0x1CF00] =	vst v63  }
0x407: {  	s7 =	simm.s32 $0x2980;
	s8 =	simm.s32 $0xB300  }
0x408: {  	[tilespmem:s8], [sflag:$0x2] =	stream.indirect.gather [hbm4b:s4+s25], $0x10, s7, s25, $0xb8;
	[tilespmem:$0x1CF00] =	vst v63  }
0x409: {  	s7 =	simm.s32 $0x2A00;
	s8 =	simm.s32 $0xBB00  }
0x40a: {  	[tilespmem:s8], [sflag:$0x2] =	stream.indirect.gather [hbm4b:s4+s25], $0x10, s7, s25, $0xb8;
	[tilespmem:$0x1CF00] =	vst v63  }
0x40b: {  	s7 =	simm.s32 $0x2A80;
	s8 =	simm.s32 $0xC300  }
0x40c: {  	[tilespmem:s8], [sflag:$0x2] =	stream.indirect.gather [hbm4b:s4+s25], $0x10, s7, s25, $0xb8;
	[tilespmem:$0x1CF00] =	vst v63  }
0x40d: {  	s7 =	simm.s32 $0x2B00;
	s8 =	simm.s32 $0xCB00  }
0x40e: {  	[tilespmem:s8], [sflag:$0x2] =	stream.indirect.gather [hbm4b:s4+s25], $0x10, s7, s25, $0xb8;
	[tilespmem:$0x1CF00] =	vst v63  }
0x40f: {  	s7 =	simm.s32 $0x2B80;
	s8 =	simm.s32 $0xD300  }
0x410: {  	[tilespmem:s8], [sflag:$0x2] =	stream.indirect.gather [hbm4b:s4+s25], $0x10, s7, s25, $0xb8;
	[tilespmem:$0x1CF00] =	vst v63  }
0x411: {  	s7 =	simm.s32 $0x2C00;
	s8 =	simm.s32 $0xDB00  }
0x412: {  	[tilespmem:s8], [sflag:$0x2] =	stream.indirect.gather [hbm4b:s4+s25], $0x10, s7, s25, $0xb8;
	[tilespmem:$0x1CF00] =	vst v63  }
0x413: {  	s7 =	simm.s32 $0x2C80;
	s8 =	simm.s32 $0xE300  }
0x414: {  	[tilespmem:s8], [sflag:$0x2] =	stream.indirect.gather [hbm4b:s4+s25], $0x10, s7, s25, $0xb8;
	[tilespmem:$0x1CF00] =	vst v63  }
0x415: {  	s7 =	simm.s32 $0x2D00;
	s8 =	simm.s32 $0xEB00  }
0x416: {  	[tilespmem:s8], [sflag:$0x2] =	stream.indirect.gather [hbm4b:s4+s25], $0x10, s7, s25, $0xb8;
	[tilespmem:$0x1CF00] =	vst v63  }
0x417: {  	s7 =	simm.s32 $0x2D80;
	s8 =	simm.s32 $0xF300  }
0x418: {  	[tilespmem:s8], [sflag:$0x2] =	stream.indirect.gather [hbm4b:s4+s25], $0x10, s7, s25, $0xb8;
	[tilespmem:$0x1CF00] =	vst v63  }
0x419: {  	s7 =	simm.s32 $0x2E00;
	s8 =	simm.s32 $0xFB00  }
0x41a: {  	[tilespmem:s8], [sflag:$0x2] =	stream.indirect.gather [hbm4b:s4+s25], $0x10, s7, s25, $0xb8;
	[tilespmem:$0x1CF00] =	vst v63  }
0x41b: {  	_ =	swait.ge [sflag:s31], $0xC800  }
0x41c: {  	[sflag:s31] =	ssyncset.done $0x0  }
0x41d: {  	s6 =	simm.s32 $0x10490;
	[sflag:s31] =	ssyncadd.s32 $0xFFFF3800  }
0x41e: {  	v0 =	vld [tilespmem:s6+$0x170]  }
0x41f: {  	v1 =	vld [tilespmem:s6+$0x150]  }
0x420: {  	v2 =	vld [tilespmem:s6+$0x130]  }
0x421: {  	v3 =	vld [tilespmem:s6+$0x110]  }
0x422: {  	v4 =	vld [tilespmem:s6+$0xF0]  }
0x423: {  	v5 =	vld [tilespmem:s6+$0xD0]  }
0x424: {  	v6 =	vld [tilespmem:s6+$0xB0]  }
0x425: {  	v7 =	vld [tilespmem:s6+$0x90]  }
0x426: {  	v8 =	vld [tilespmem:s6+$0x70]  }
0x427: {  	v9 =	vld [tilespmem:s6+$0x50]  }
0x428: {  	v10 =	vld [tilespmem:s6+$0x30]  }
0x429: {  	v11 =	vld [tilespmem:s6+$0x10]  }
0x42a: {  	v12 =	vld [tilespmem:s6+$0xFFFFFFF0]  }
0x42b: {  	v13 =	vld [tilespmem:s6+$0xFFFFFFD0]  }
0x42c: {  	v14 =	vld [tilespmem:s6+$0xFFFFFFB0]  }
0x42d: {  	v15 =	vld [tilespmem:s6+$0xFFFFFF90]  }
0x42e: {  	v16 =	vld [tilespmem:s6+$0xFFFFFF70]  }
0x42f: {  	v17 =	vld [tilespmem:s6+$0xFFFFFF50]  }
0x430: {  	v18 =	vld [tilespmem:s6+$0xFFFFFF30]  }
0x431: {  	v19 =	vld [tilespmem:s6+$0xFFFFFF10]  }
0x432: {  	v20 =	vld [tilespmem:s6+$0xFFFFFEF0]  }
0x433: {  	v21 =	vld [tilespmem:s6+$0xFFFFFE90]  }
0x434: {  	v22 =	vld [tilespmem:s6+$0xFFFFFED0]  }
0x435: {  	v23 =	vld [tilespmem:s6+$0xFFFFFEA0]  }
0x436: {  	v24 =	vld [tilespmem:s6+$0xFFFFFEB0]  }
0x437: {  	v25 =	vld [tilespmem:s6+$0xFFFFFE70]  }
0x438: {  	v26 =	vld [tilespmem:s6+$0xFFFFFE80]  }
0x439: {  	s7 =	simm.s32 $0x40;
	v27 =	vld [tilespmem:s6+$0xFFFFFEC0]  }
.LBB2_12:
0x43a: {  	p0 =	sne.s32 s7, $0xFC0;
	v28 =	vld [tilespmem:s6+$0xFFFFFEE0]  }
0x43b: {  	v29 =	vld [tilespmem:s6+$0xFFFFFF00]  }
0x43c: {  	v30 =	vld [tilespmem:s6+$0xFFFFFF20]  }
0x43d: {  	v31 =	vld [tilespmem:s6+$0xFFFFFF40]  }
0x43e: {  	v24 =	vadd.f32 v24, v25;
	v25 =	vadd.f32 v27, v26;
	v26 =	vld [tilespmem:s6+$0xFFFFFF60]  }
0x43f: {  	v21 =	vadd.f32 v22, v21;
	v22 =	vadd.f32 v28, v23;
	v23 =	vld [tilespmem:s6+$0xFFFFFF80]  }
0x440: {  	v20 =	vadd.f32 v20, v24;
	v24 =	vadd.f32 v29, v25;
	v25 =	vld [tilespmem:s6+$0xFFFFFFA0]  }
0x441: {  	v19 =	vadd.f32 v19, v21;
	v21 =	vadd.f32 v30, v22;
	v22 =	vld [tilespmem:s6+$0xFFFFFFC0]  }
0x442: {  	v18 =	vadd.f32 v18, v20;
	v20 =	vadd.f32 v31, v24;
	v24 =	vld [tilespmem:s6+$0xFFFFFFE0]  }
0x443: {  	v17 =	vadd.f32 v17, v19;
	v19 =	vadd.f32 v26, v21;
	v21 =	vld [tilespmem:s6+$0x0]  }
0x444: {  	v16 =	vadd.f32 v16, v18;
	v18 =	vadd.f32 v23, v20;
	v20 =	vld [tilespmem:s6+$0x20]  }
0x445: {  	v15 =	vadd.f32 v15, v17;
	v17 =	vadd.f32 v25, v19;
	v19 =	vld [tilespmem:s6+$0x40]  }
0x446: {  	v14 =	vadd.f32 v14, v16;
	v16 =	vadd.f32 v22, v18;
	v18 =	vld [tilespmem:s6+$0x60]  }
0x447: {  	v13 =	vadd.f32 v13, v15;
	v15 =	vadd.f32 v24, v17;
	v17 =	vld [tilespmem:s6+$0x80]  }
0x448: {  	v12 =	vadd.f32 v12, v14;
	v14 =	vadd.f32 v21, v16;
	v16 =	vld [tilespmem:s6+$0xA0]  }
0x449: {  	v11 =	vadd.f32 v11, v13;
	v13 =	vadd.f32 v20, v15;
	v15 =	vld [tilespmem:s6+$0xC0]  }
0x44a: {  	v10 =	vadd.f32 v10, v12;
	v12 =	vadd.f32 v19, v14;
	v14 =	vld [tilespmem:s6+$0xE0]  }
0x44b: {  	v9 =	vadd.f32 v9, v11;
	v11 =	vadd.f32 v18, v13;
	v13 =	vld [tilespmem:s6+$0x100]  }
0x44c: {  	v8 =	vadd.f32 v8, v10;
	v10 =	vadd.f32 v17, v12;
	v12 =	vld [tilespmem:s6+$0x120]  }
0x44d: {  	v7 =	vadd.f32 v7, v9;
	v9 =	vadd.f32 v16, v11;
	v11 =	vld [tilespmem:s6+$0x140]  }
0x44e: {  	v6 =	vadd.f32 v6, v8;
	v8 =	vadd.f32 v15, v10;
	v10 =	vld [tilespmem:s6+$0x160]  }
0x44f: {  	v5 =	vadd.f32 v5, v7;
	v7 =	vadd.f32 v14, v9;
	v9 =	vld [tilespmem:s6+$0x180]  }
0x450: {  	v4 =	vadd.f32 v4, v6;
	v6 =	vadd.f32 v13, v8  }
0x451: {  	v3 =	vadd.f32 v3, v5;
	v5 =	vadd.f32 v12, v7  }
0x452: {  	v2 =	vadd.f32 v2, v4;
	v4 =	vadd.f32 v11, v6  }
0x453: {  	v1 =	vadd.f32 v1, v3;
	v3 =	vadd.f32 v10, v5  }
0x454: {  	v0 =	vadd.f32 v0, v2;
	v2 =	vadd.f32 v9, v4;
	_ =	sdelay $0x1  }
0x455: {  	v1 =	vadd.f32 v3, v1;
	v0 =	vadd.f32 v2, v0;
	_ =	sdelay $0x1  }
0x456: {  	v0 =	vadd.f32 v0, v1;
	_ =	sdelay $0x1  }
0x457: {  	v0 =	vmul.f32 $1.999999960e-02, v0  }
0x458: {  	s8 =	sshra.s32 s26, $0x2;
	s26 =	smov.u32 s7  }
0x459: {  	s6 =	sadd.s32 $0x320, s6;
	[tilespmem:s8+$0x1CB00] =	vst v0  }
0x45a: {  	v0 =	vld [tilespmem:s6+$0x170]  }
0x45b: {  	v1 =	vld [tilespmem:s6+$0x150]  }
0x45c: {  	v2 =	vld [tilespmem:s6+$0x130]  }
0x45d: {  	v3 =	vld [tilespmem:s6+$0x110]  }
0x45e: {  	v4 =	vld [tilespmem:s6+$0xF0]  }
0x45f: {  	v5 =	vld [tilespmem:s6+$0xD0]  }
0x460: {  	v6 =	vld [tilespmem:s6+$0xB0]  }
0x461: {  	v7 =	vld [tilespmem:s6+$0x90]  }
0x462: {  	v8 =	vld [tilespmem:s6+$0x70]  }
0x463: {  	v9 =	vld [tilespmem:s6+$0x50]  }
0x464: {  	v10 =	vld [tilespmem:s6+$0x30]  }
0x465: {  	v11 =	vld [tilespmem:s6+$0x10]  }
0x466: {  	v12 =	vld [tilespmem:s6+$0xFFFFFFF0]  }
0x467: {  	v13 =	vld [tilespmem:s6+$0xFFFFFFD0]  }
0x468: {  	v14 =	vld [tilespmem:s6+$0xFFFFFFB0]  }
0x469: {  	v15 =	vld [tilespmem:s6+$0xFFFFFF90]  }
0x46a: {  	v16 =	vld [tilespmem:s6+$0xFFFFFF70]  }
0x46b: {  	v17 =	vld [tilespmem:s6+$0xFFFFFF50]  }
0x46c: {  	v18 =	vld [tilespmem:s6+$0xFFFFFF30]  }
0x46d: {  	v19 =	vld [tilespmem:s6+$0xFFFFFF10]  }
0x46e: {  	v20 =	vld [tilespmem:s6+$0xFFFFFEF0]  }
0x46f: {  	v21 =	vld [tilespmem:s6+$0xFFFFFE90]  }
0x470: {  	v22 =	vld [tilespmem:s6+$0xFFFFFED0]  }
.Ltmp5:
0x471: {  	v23 =	vld [tilespmem:s6+$0xFFFFFEA0];
	(pc) =	sbr.rel @p0 .LBB2_12-.Ltmp5, $4  }
0x472: {  	v24 =	vld [tilespmem:s6+$0xFFFFFEB0]  }
0x473: {  	v25 =	vld [tilespmem:s6+$0xFFFFFE70]  }
0x474: {  	v26 =	vld [tilespmem:s6+$0xFFFFFE80]  }
0x475: {  	s7 =	sadd.s32 $0x40, s7;
	v27 =	vld [tilespmem:s6+$0xFFFFFEC0]  }
0x476: {  	v28 =	vld [tilespmem:s6+$0xFFFFFEE0]  }
0x477: {  	v29 =	vld [tilespmem:s6+$0xFFFFFF00]  }
0x478: {  	v30 =	vld [tilespmem:s6+$0xFFFFFF20]  }
0x479: {  	v31 =	vld [tilespmem:s6+$0xFFFFFF40];
	v24 =	vadd.f32 v24, v25  }
0x47a: {  	v21 =	vadd.f32 v22, v21;
	v25 =	vadd.f32 v27, v26;
	v26 =	vld [tilespmem:s6+$0xFFFFFF60]  }
0x47b: {  	v20 =	vadd.f32 v20, v24;
	v22 =	vadd.f32 v28, v23;
	v23 =	vld [tilespmem:s6+$0xFFFFFF80]  }
0x47c: {  	v19 =	vadd.f32 v19, v21;
	v24 =	vadd.f32 v29, v25;
	v25 =	vld [tilespmem:s6+$0xFFFFFFA0]  }
0x47d: {  	v18 =	vadd.f32 v18, v20;
	v21 =	vadd.f32 v30, v22;
	v22 =	vld [tilespmem:s6+$0xFFFFFFC0]  }
0x47e: {  	v17 =	vadd.f32 v17, v19;
	v20 =	vadd.f32 v31, v24;
	v24 =	vld [tilespmem:s6+$0xFFFFFFE0]  }
0x47f: {  	v16 =	vadd.f32 v16, v18;
	v19 =	vadd.f32 v26, v21;
	v21 =	vld [tilespmem:s6+$0x0]  }
0x480: {  	v15 =	vadd.f32 v15, v17;
	v18 =	vadd.f32 v23, v20;
	v20 =	vld [tilespmem:s6+$0x20]  }
0x481: {  	v14 =	vadd.f32 v14, v16;
	v17 =	vadd.f32 v25, v19;
	v19 =	vld [tilespmem:s6+$0x40]  }
0x482: {  	v13 =	vadd.f32 v13, v15;
	v16 =	vadd.f32 v22, v18;
	v18 =	vld [tilespmem:s6+$0x60]  }
0x483: {  	v12 =	vadd.f32 v12, v14;
	v15 =	vadd.f32 v24, v17;
	v17 =	vld [tilespmem:s6+$0x80]  }
0x484: {  	v11 =	vadd.f32 v11, v13;
	v14 =	vadd.f32 v21, v16;
	v16 =	vld [tilespmem:s6+$0xA0]  }
0x485: {  	v10 =	vadd.f32 v10, v12;
	v13 =	vadd.f32 v20, v15;
	v15 =	vld [tilespmem:s6+$0xC0]  }
0x486: {  	v9 =	vadd.f32 v9, v11;
	v12 =	vadd.f32 v19, v14;
	v14 =	vld [tilespmem:s6+$0xE0]  }
0x487: {  	v8 =	vadd.f32 v8, v10;
	v11 =	vadd.f32 v18, v13;
	v13 =	vld [tilespmem:s6+$0x100]  }
0x488: {  	v7 =	vadd.f32 v7, v9;
	v10 =	vadd.f32 v17, v12;
	v12 =	vld [tilespmem:s6+$0x120]  }
0x489: {  	v6 =	vadd.f32 v6, v8;
	v9 =	vadd.f32 v16, v11;
	v11 =	vld [tilespmem:s6+$0x140]  }
0x48a: {  	v5 =	vadd.f32 v5, v7;
	v8 =	vadd.f32 v15, v10;
	v10 =	vld [tilespmem:s6+$0x160]  }
0x48b: {  	v4 =	vadd.f32 v4, v6;
	v7 =	vadd.f32 v14, v9;
	v9 =	vld [tilespmem:s6+$0x180]  }
0x48c: {  	v6 =	vadd.f32 v13, v8  }
0x48d: {  	v3 =	vadd.f32 v3, v5;
	v2 =	vadd.f32 v2, v4  }
0x48e: {  	v5 =	vadd.f32 v12, v7;
	v4 =	vadd.f32 v11, v6  }
0x48f: {  	v1 =	vadd.f32 v1, v3;
	v0 =	vadd.f32 v0, v2  }
0x490: {  	v3 =	vadd.f32 v10, v5;
	v2 =	vadd.f32 v9, v4;
	_ =	sdelay $0x1  }
0x491: {  	v1 =	vadd.f32 v3, v1;
	v0 =	vadd.f32 v2, v0;
	_ =	sdelay $0x1  }
0x492: {  	v0 =	vadd.f32 v0, v1;
	_ =	sdelay $0x1  }
0x493: {  	v0 =	vmul.f32 $1.999999960e-02, v0  }
0x494: {  	s26 =	sshra.s32 s26, $0x2  }
0x495: {  	s7 =	rddreg [dreg:$0x11];
	[tilespmem:s26+$0x1CB00] =	vst v0;
	s26 =	simm.s32 $0x0  }
0x496: {  	[hbm4b:s7+s26] =	stream.linear.scatter [tilespmem:s30], [sflag:$0x4], $0x400, $0x38;
	[tilespmem:$0x1CF00] =	vst v63  }
0x497: {  	_ =	swait.ge [sflag:s24], $0x400  }
0x498: {  	[sflag:s24] =	ssyncset.done $0x0  }
0x499: {  	s8 =	rddreg [dreg:$0x12];
	[sflag:s24] =	ssyncadd.s32 $0xFFFFFC00  }
0x49a: {  	[tilespmem:s5], [sflag:$0x4] =	stream.linear.gather [hbm4b:s8+s26], $0xC80, $0x38;
	[tilespmem:$0x1CF00] =	vst v63  }
0x49b: {  	_ =	swait.ge [sflag:s24], $0xC80  }
0x49c: {  	[sflag:s24] =	ssyncset.done $0x0  }
0x49d: {  	s7 =	simm.s32 $0x10300;
	[sflag:s24] =	ssyncadd.s32 $0xFFFFF380  }
0x49e: {  	[tilespmem:s7], [sflag:$0x3] =	stream.indirect.gather [hbm4b:s4+s25], $0x10, s5, s25, $0xb8;
	[tilespmem:$0x1CF00] =	vst v63  }
0x49f: {  	s8 =	simm.s32 $0x2F00;
	s7 =	simm.s32 $0x10B00  }
0x4a0: {  	[tilespmem:s7], [sflag:$0x3] =	stream.indirect.gather [hbm4b:s4+s25], $0x10, s8, s25, $0xb8;
	[tilespmem:$0x1CF00] =	vst v63  }
0x4a1: {  	s7 =	simm.s32 $0x2F80;
	s8 =	simm.s32 $0x11300  }
0x4a2: {  	[tilespmem:s8], [sflag:$0x3] =	stream.indirect.gather [hbm4b:s4+s25], $0x10, s7, s25, $0xb8;
	[tilespmem:$0x1CF00] =	vst v63  }
0x4a3: {  	s7 =	simm.s32 $0x3000;
	s8 =	simm.s32 $0x11B00  }
0x4a4: {  	[tilespmem:s8], [sflag:$0x3] =	stream.indirect.gather [hbm4b:s4+s25], $0x10, s7, s25, $0xb8;
	[tilespmem:$0x1CF00] =	vst v63  }
0x4a5: {  	s7 =	simm.s32 $0x3080;
	s8 =	simm.s32 $0x12300  }
0x4a6: {  	[tilespmem:s8], [sflag:$0x3] =	stream.indirect.gather [hbm4b:s4+s25], $0x10, s7, s25, $0xb8;
	[tilespmem:$0x1CF00] =	vst v63  }
0x4a7: {  	s7 =	simm.s32 $0x3100;
	s8 =	simm.s32 $0x12B00  }
0x4a8: {  	[tilespmem:s8], [sflag:$0x3] =	stream.indirect.gather [hbm4b:s4+s25], $0x10, s7, s25, $0xb8;
	[tilespmem:$0x1CF00] =	vst v63  }
0x4a9: {  	s7 =	simm.s32 $0x3180;
	s8 =	simm.s32 $0x13300  }
0x4aa: {  	[tilespmem:s8], [sflag:$0x3] =	stream.indirect.gather [hbm4b:s4+s25], $0x10, s7, s25, $0xb8;
	[tilespmem:$0x1CF00] =	vst v63  }
0x4ab: {  	s7 =	simm.s32 $0x3200;
	s8 =	simm.s32 $0x13B00  }
0x4ac: {  	[tilespmem:s8], [sflag:$0x3] =	stream.indirect.gather [hbm4b:s4+s25], $0x10, s7, s25, $0xb8;
	[tilespmem:$0x1CF00] =	vst v63  }
0x4ad: {  	s7 =	simm.s32 $0x3280;
	s8 =	simm.s32 $0x14300  }
0x4ae: {  	[tilespmem:s8], [sflag:$0x3] =	stream.indirect.gather [hbm4b:s4+s25], $0x10, s7, s25, $0xb8;
	[tilespmem:$0x1CF00] =	vst v63  }
0x4af: {  	s7 =	simm.s32 $0x3300;
	s8 =	simm.s32 $0x14B00  }
0x4b0: {  	[tilespmem:s8], [sflag:$0x3] =	stream.indirect.gather [hbm4b:s4+s25], $0x10, s7, s25, $0xb8;
	[tilespmem:$0x1CF00] =	vst v63  }
0x4b1: {  	s7 =	simm.s32 $0x3380;
	s8 =	simm.s32 $0x15300  }
0x4b2: {  	[tilespmem:s8], [sflag:$0x3] =	stream.indirect.gather [hbm4b:s4+s25], $0x10, s7, s25, $0xb8;
	[tilespmem:$0x1CF00] =	vst v63  }
0x4b3: {  	s7 =	simm.s32 $0x3400;
	s8 =	simm.s32 $0x15B00  }
0x4b4: {  	[tilespmem:s8], [sflag:$0x3] =	stream.indirect.gather [hbm4b:s4+s25], $0x10, s7, s25, $0xb8;
	[tilespmem:$0x1CF00] =	vst v63  }
0x4b5: {  	s7 =	simm.s32 $0x3480;
	s8 =	simm.s32 $0x16300  }
0x4b6: {  	[tilespmem:s8], [sflag:$0x3] =	stream.indirect.gather [hbm4b:s4+s25], $0x10, s7, s25, $0xb8;
	[tilespmem:$0x1CF00] =	vst v63  }
0x4b7: {  	s7 =	simm.s32 $0x3500;
	s8 =	simm.s32 $0x16B00  }
0x4b8: {  	[tilespmem:s8], [sflag:$0x3] =	stream.indirect.gather [hbm4b:s4+s25], $0x10, s7, s25, $0xb8;
	[tilespmem:$0x1CF00] =	vst v63  }
0x4b9: {  	s7 =	simm.s32 $0x3580;
	s8 =	simm.s32 $0x17300  }
0x4ba: {  	[tilespmem:s8], [sflag:$0x3] =	stream.indirect.gather [hbm4b:s4+s25], $0x10, s7, s25, $0xb8;
	[tilespmem:$0x1CF00] =	vst v63  }
0x4bb: {  	s7 =	simm.s32 $0x3600;
	s8 =	simm.s32 $0x17B00  }
0x4bc: {  	[tilespmem:s8], [sflag:$0x3] =	stream.indirect.gather [hbm4b:s4+s25], $0x10, s7, s25, $0xb8;
	[tilespmem:$0x1CF00] =	vst v63  }
0x4bd: {  	s7 =	simm.s32 $0x3680;
	s8 =	simm.s32 $0x18300  }
0x4be: {  	[tilespmem:s8], [sflag:$0x3] =	stream.indirect.gather [hbm4b:s4+s25], $0x10, s7, s25, $0xb8;
	[tilespmem:$0x1CF00] =	vst v63  }
0x4bf: {  	_ = 	snop  }
0x4c0: {  	[tilespmem:s10], [sflag:$0x3] =	stream.indirect.gather [hbm4b:s4+s25], $0x10, s9, s25, $0xb8;
	[tilespmem:$0x1CF00] =	vst v63  }
0x4c1: {  	_ = 	snop  }
0x4c2: {  	[tilespmem:s12], [sflag:$0x3] =	stream.indirect.gather [hbm4b:s4+s25], $0x10, s11, s25, $0xb8;
	[tilespmem:$0x1CF00] =	vst v63  }
0x4c3: {  	_ = 	snop  }
0x4c4: {  	[tilespmem:s14], [sflag:$0x3] =	stream.indirect.gather [hbm4b:s4+s25], $0x10, s13, s25, $0xb8;
	[tilespmem:$0x1CF00] =	vst v63  }
0x4c5: {  	_ = 	snop  }
0x4c6: {  	[tilespmem:s16], [sflag:$0x3] =	stream.indirect.gather [hbm4b:s4+s25], $0x10, s15, s25, $0xb8;
	[tilespmem:$0x1CF00] =	vst v63  }
0x4c7: {  	_ = 	snop  }
0x4c8: {  	[tilespmem:s18], [sflag:$0x3] =	stream.indirect.gather [hbm4b:s4+s25], $0x10, s17, s25, $0xb8;
	[tilespmem:$0x1CF00] =	vst v63  }
0x4c9: {  	_ = 	snop  }
0x4ca: {  	[tilespmem:s20], [sflag:$0x3] =	stream.indirect.gather [hbm4b:s4+s25], $0x10, s19, s25, $0xb8;
	[tilespmem:$0x1CF00] =	vst v63  }
0x4cb: {  	_ = 	snop  }
0x4cc: {  	[tilespmem:s22], [sflag:$0x3] =	stream.indirect.gather [hbm4b:s4+s25], $0x10, s21, s25, $0xb8;
	[tilespmem:$0x1CF00] =	vst v63  }
0x4cd: {  	_ = 	snop  }
0x4ce: {  	[tilespmem:s28], [sflag:$0x3] =	stream.indirect.gather [hbm4b:s4+s25], $0x10, s23, s25, $0xb8;
	[tilespmem:$0x1CF00] =	vst v63  }
0x4cf: {  	_ =	swait.ge [sflag:s29], $0xC800  }
0x4d0: {  	[sflag:s29] =	ssyncset.done $0x0  }
0x4d1: {  	s6 =	simm.s32 $0x3C90;
	[sflag:s29] =	ssyncadd.s32 $0xFFFF3800  }
0x4d2: {  	v0 =	vld [tilespmem:s6+$0x170]  }
0x4d3: {  	v1 =	vld [tilespmem:s6+$0x150]  }
0x4d4: {  	v2 =	vld [tilespmem:s6+$0x130]  }
0x4d5: {  	v3 =	vld [tilespmem:s6+$0x110]  }
0x4d6: {  	v4 =	vld [tilespmem:s6+$0xF0]  }
0x4d7: {  	v5 =	vld [tilespmem:s6+$0xD0]  }
0x4d8: {  	v6 =	vld [tilespmem:s6+$0xB0]  }
0x4d9: {  	v7 =	vld [tilespmem:s6+$0x90]  }
0x4da: {  	v8 =	vld [tilespmem:s6+$0x70]  }
0x4db: {  	v9 =	vld [tilespmem:s6+$0x50]  }
0x4dc: {  	v10 =	vld [tilespmem:s6+$0x30]  }
0x4dd: {  	v11 =	vld [tilespmem:s6+$0x10]  }
0x4de: {  	v12 =	vld [tilespmem:s6+$0xFFFFFFF0]  }
0x4df: {  	v13 =	vld [tilespmem:s6+$0xFFFFFFD0]  }
0x4e0: {  	v14 =	vld [tilespmem:s6+$0xFFFFFFB0]  }
0x4e1: {  	v15 =	vld [tilespmem:s6+$0xFFFFFF90]  }
0x4e2: {  	v16 =	vld [tilespmem:s6+$0xFFFFFF70]  }
0x4e3: {  	v17 =	vld [tilespmem:s6+$0xFFFFFF50]  }
0x4e4: {  	v18 =	vld [tilespmem:s6+$0xFFFFFF30]  }
0x4e5: {  	v19 =	vld [tilespmem:s6+$0xFFFFFF10]  }
0x4e6: {  	v20 =	vld [tilespmem:s6+$0xFFFFFEF0]  }
0x4e7: {  	v21 =	vld [tilespmem:s6+$0xFFFFFE90]  }
0x4e8: {  	v22 =	vld [tilespmem:s6+$0xFFFFFED0]  }
0x4e9: {  	v23 =	vld [tilespmem:s6+$0xFFFFFEA0]  }
0x4ea: {  	v24 =	vld [tilespmem:s6+$0xFFFFFEB0]  }
0x4eb: {  	v25 =	vld [tilespmem:s6+$0xFFFFFE70]  }
0x4ec: {  	v26 =	vld [tilespmem:s6+$0xFFFFFE80]  }
0x4ed: {  	s7 =	simm.s32 $0x40;
	v27 =	vld [tilespmem:s6+$0xFFFFFEC0]  }
.LBB2_14:
0x4ee: {  	p0 =	sne.s32 s7, $0xFC0;
	v28 =	vld [tilespmem:s6+$0xFFFFFEE0]  }
0x4ef: {  	v29 =	vld [tilespmem:s6+$0xFFFFFF00]  }
0x4f0: {  	v30 =	vld [tilespmem:s6+$0xFFFFFF20]  }
0x4f1: {  	v31 =	vld [tilespmem:s6+$0xFFFFFF40]  }
0x4f2: {  	v24 =	vadd.f32 v24, v25;
	v25 =	vadd.f32 v27, v26;
	v26 =	vld [tilespmem:s6+$0xFFFFFF60]  }
0x4f3: {  	v21 =	vadd.f32 v22, v21;
	v22 =	vadd.f32 v28, v23;
	v23 =	vld [tilespmem:s6+$0xFFFFFF80]  }
0x4f4: {  	v20 =	vadd.f32 v20, v24;
	v24 =	vadd.f32 v29, v25;
	v25 =	vld [tilespmem:s6+$0xFFFFFFA0]  }
0x4f5: {  	v19 =	vadd.f32 v19, v21;
	v21 =	vadd.f32 v30, v22;
	v22 =	vld [tilespmem:s6+$0xFFFFFFC0]  }
0x4f6: {  	v18 =	vadd.f32 v18, v20;
	v20 =	vadd.f32 v31, v24;
	v24 =	vld [tilespmem:s6+$0xFFFFFFE0]  }
0x4f7: {  	v17 =	vadd.f32 v17, v19;
	v19 =	vadd.f32 v26, v21;
	v21 =	vld [tilespmem:s6+$0x0]  }
0x4f8: {  	v16 =	vadd.f32 v16, v18;
	v18 =	vadd.f32 v23, v20;
	v20 =	vld [tilespmem:s6+$0x20]  }
0x4f9: {  	v15 =	vadd.f32 v15, v17;
	v17 =	vadd.f32 v25, v19;
	v19 =	vld [tilespmem:s6+$0x40]  }
0x4fa: {  	v14 =	vadd.f32 v14, v16;
	v16 =	vadd.f32 v22, v18;
	v18 =	vld [tilespmem:s6+$0x60]  }
0x4fb: {  	v13 =	vadd.f32 v13, v15;
	v15 =	vadd.f32 v24, v17;
	v17 =	vld [tilespmem:s6+$0x80]  }
0x4fc: {  	v12 =	vadd.f32 v12, v14;
	v14 =	vadd.f32 v21, v16;
	v16 =	vld [tilespmem:s6+$0xA0]  }
0x4fd: {  	v11 =	vadd.f32 v11, v13;
	v13 =	vadd.f32 v20, v15;
	v15 =	vld [tilespmem:s6+$0xC0]  }
0x4fe: {  	v10 =	vadd.f32 v10, v12;
	v12 =	vadd.f32 v19, v14;
	v14 =	vld [tilespmem:s6+$0xE0]  }
0x4ff: {  	v9 =	vadd.f32 v9, v11;
	v11 =	vadd.f32 v18, v13;
	v13 =	vld [tilespmem:s6+$0x100]  }
0x500: {  	v8 =	vadd.f32 v8, v10;
	v10 =	vadd.f32 v17, v12;
	v12 =	vld [tilespmem:s6+$0x120]  }
0x501: {  	v7 =	vadd.f32 v7, v9;
	v9 =	vadd.f32 v16, v11;
	v11 =	vld [tilespmem:s6+$0x140]  }
0x502: {  	v6 =	vadd.f32 v6, v8;
	v8 =	vadd.f32 v15, v10;
	v10 =	vld [tilespmem:s6+$0x160]  }
0x503: {  	v5 =	vadd.f32 v5, v7;
	v7 =	vadd.f32 v14, v9;
	v9 =	vld [tilespmem:s6+$0x180]  }
0x504: {  	v4 =	vadd.f32 v4, v6;
	v6 =	vadd.f32 v13, v8  }
0x505: {  	v3 =	vadd.f32 v3, v5;
	v5 =	vadd.f32 v12, v7  }
0x506: {  	v2 =	vadd.f32 v2, v4;
	v4 =	vadd.f32 v11, v6  }
0x507: {  	v1 =	vadd.f32 v1, v3;
	v3 =	vadd.f32 v10, v5  }
0x508: {  	v0 =	vadd.f32 v0, v2;
	v2 =	vadd.f32 v9, v4;
	_ =	sdelay $0x1  }
0x509: {  	v1 =	vadd.f32 v3, v1;
	v0 =	vadd.f32 v2, v0;
	_ =	sdelay $0x1  }
0x50a: {  	v0 =	vadd.f32 v0, v1;
	_ =	sdelay $0x1  }
0x50b: {  	v0 =	vmul.f32 $1.999999960e-02, v0  }
0x50c: {  	s8 =	sshra.s32 s26, $0x2;
	s26 =	smov.u32 s7  }
0x50d: {  	s6 =	sadd.s32 $0x320, s6;
	[tilespmem:s8+$0x1CB00] =	vst v0  }
0x50e: {  	v0 =	vld [tilespmem:s6+$0x170]  }
0x50f: {  	v1 =	vld [tilespmem:s6+$0x150]  }
0x510: {  	v2 =	vld [tilespmem:s6+$0x130]  }
0x511: {  	v3 =	vld [tilespmem:s6+$0x110]  }
0x512: {  	v4 =	vld [tilespmem:s6+$0xF0]  }
0x513: {  	v5 =	vld [tilespmem:s6+$0xD0]  }
0x514: {  	v6 =	vld [tilespmem:s6+$0xB0]  }
0x515: {  	v7 =	vld [tilespmem:s6+$0x90]  }
0x516: {  	v8 =	vld [tilespmem:s6+$0x70]  }
0x517: {  	v9 =	vld [tilespmem:s6+$0x50]  }
0x518: {  	v10 =	vld [tilespmem:s6+$0x30]  }
0x519: {  	v11 =	vld [tilespmem:s6+$0x10]  }
0x51a: {  	v12 =	vld [tilespmem:s6+$0xFFFFFFF0]  }
0x51b: {  	v13 =	vld [tilespmem:s6+$0xFFFFFFD0]  }
0x51c: {  	v14 =	vld [tilespmem:s6+$0xFFFFFFB0]  }
0x51d: {  	v15 =	vld [tilespmem:s6+$0xFFFFFF90]  }
0x51e: {  	v16 =	vld [tilespmem:s6+$0xFFFFFF70]  }
0x51f: {  	v17 =	vld [tilespmem:s6+$0xFFFFFF50]  }
0x520: {  	v18 =	vld [tilespmem:s6+$0xFFFFFF30]  }
0x521: {  	v19 =	vld [tilespmem:s6+$0xFFFFFF10]  }
0x522: {  	v20 =	vld [tilespmem:s6+$0xFFFFFEF0]  }
0x523: {  	v21 =	vld [tilespmem:s6+$0xFFFFFE90]  }
0x524: {  	v22 =	vld [tilespmem:s6+$0xFFFFFED0]  }
.Ltmp6:
0x525: {  	v23 =	vld [tilespmem:s6+$0xFFFFFEA0];
	(pc) =	sbr.rel @p0 .LBB2_14-.Ltmp6, $4  }
0x526: {  	v24 =	vld [tilespmem:s6+$0xFFFFFEB0]  }
0x527: {  	v25 =	vld [tilespmem:s6+$0xFFFFFE70]  }
0x528: {  	v26 =	vld [tilespmem:s6+$0xFFFFFE80]  }
0x529: {  	s7 =	sadd.s32 $0x40, s7;
	v27 =	vld [tilespmem:s6+$0xFFFFFEC0]  }
0x52a: {  	v28 =	vld [tilespmem:s6+$0xFFFFFEE0]  }
0x52b: {  	v29 =	vld [tilespmem:s6+$0xFFFFFF00]  }
0x52c: {  	v30 =	vld [tilespmem:s6+$0xFFFFFF20]  }
0x52d: {  	v31 =	vld [tilespmem:s6+$0xFFFFFF40];
	v24 =	vadd.f32 v24, v25  }
0x52e: {  	v21 =	vadd.f32 v22, v21;
	v25 =	vadd.f32 v27, v26;
	v26 =	vld [tilespmem:s6+$0xFFFFFF60]  }
0x52f: {  	v20 =	vadd.f32 v20, v24;
	v22 =	vadd.f32 v28, v23;
	v23 =	vld [tilespmem:s6+$0xFFFFFF80]  }
0x530: {  	v19 =	vadd.f32 v19, v21;
	v24 =	vadd.f32 v29, v25;
	v25 =	vld [tilespmem:s6+$0xFFFFFFA0]  }
0x531: {  	v18 =	vadd.f32 v18, v20;
	v21 =	vadd.f32 v30, v22;
	v22 =	vld [tilespmem:s6+$0xFFFFFFC0]  }
0x532: {  	v17 =	vadd.f32 v17, v19;
	v20 =	vadd.f32 v31, v24;
	v24 =	vld [tilespmem:s6+$0xFFFFFFE0]  }
0x533: {  	v16 =	vadd.f32 v16, v18;
	v19 =	vadd.f32 v26, v21;
	v21 =	vld [tilespmem:s6+$0x0]  }
0x534: {  	v15 =	vadd.f32 v15, v17;
	v18 =	vadd.f32 v23, v20;
	v20 =	vld [tilespmem:s6+$0x20]  }
0x535: {  	v14 =	vadd.f32 v14, v16;
	v17 =	vadd.f32 v25, v19;
	v19 =	vld [tilespmem:s6+$0x40]  }
0x536: {  	v13 =	vadd.f32 v13, v15;
	v16 =	vadd.f32 v22, v18;
	v18 =	vld [tilespmem:s6+$0x60]  }
0x537: {  	v12 =	vadd.f32 v12, v14;
	v15 =	vadd.f32 v24, v17;
	v17 =	vld [tilespmem:s6+$0x80]  }
0x538: {  	v11 =	vadd.f32 v11, v13;
	v14 =	vadd.f32 v21, v16;
	v16 =	vld [tilespmem:s6+$0xA0]  }
0x539: {  	v10 =	vadd.f32 v10, v12;
	v13 =	vadd.f32 v20, v15;
	v15 =	vld [tilespmem:s6+$0xC0]  }
0x53a: {  	v9 =	vadd.f32 v9, v11;
	v12 =	vadd.f32 v19, v14;
	v14 =	vld [tilespmem:s6+$0xE0]  }
0x53b: {  	v8 =	vadd.f32 v8, v10;
	v11 =	vadd.f32 v18, v13;
	v13 =	vld [tilespmem:s6+$0x100]  }
0x53c: {  	v7 =	vadd.f32 v7, v9;
	v10 =	vadd.f32 v17, v12;
	v12 =	vld [tilespmem:s6+$0x120]  }
0x53d: {  	v6 =	vadd.f32 v6, v8;
	v9 =	vadd.f32 v16, v11;
	v11 =	vld [tilespmem:s6+$0x140]  }
0x53e: {  	v5 =	vadd.f32 v5, v7;
	v8 =	vadd.f32 v15, v10;
	v10 =	vld [tilespmem:s6+$0x160]  }
0x53f: {  	v4 =	vadd.f32 v4, v6;
	v7 =	vadd.f32 v14, v9;
	v9 =	vld [tilespmem:s6+$0x180]  }
0x540: {  	v6 =	vadd.f32 v13, v8  }
0x541: {  	v3 =	vadd.f32 v3, v5;
	v2 =	vadd.f32 v2, v4  }
0x542: {  	v5 =	vadd.f32 v12, v7;
	v4 =	vadd.f32 v11, v6  }
0x543: {  	v1 =	vadd.f32 v1, v3;
	v0 =	vadd.f32 v0, v2  }
0x544: {  	v3 =	vadd.f32 v10, v5;
	v2 =	vadd.f32 v9, v4;
	_ =	sdelay $0x1  }
0x545: {  	v1 =	vadd.f32 v3, v1;
	v0 =	vadd.f32 v2, v0;
	_ =	sdelay $0x1  }
0x546: {  	v0 =	vadd.f32 v0, v1;
	_ =	sdelay $0x1  }
0x547: {  	v0 =	vmul.f32 $1.999999960e-02, v0  }
0x548: {  	s7 =	sshra.s32 s26, $0x2  }
0x549: {  	s26 =	simm.s32 $0x0;
	s8 =	rddreg [dreg:$0x13];
	[tilespmem:s7+$0x1CB00] =	vst v0  }
0x54a: {  	[hbm4b:s8+s26] =	stream.linear.scatter [tilespmem:s30], [sflag:$0x4], $0x400, $0x38;
	[tilespmem:$0x1CF00] =	vst v63  }
0x54b: {  	_ =	swait.ge [sflag:s24], $0x400  }
0x54c: {  	[sflag:s24] =	ssyncset.done $0x0  }
0x54d: {  	[sflag:s24] =	ssyncadd.s32 $0xFFFFFC00  }
0x54e: {  	_ =	swait.ge [sflag:s31], $0xC800  }
0x54f: {  	[sflag:s31] =	ssyncset.done $0x0  }
0x550: {  	s6 =	simm.s32 $0x10490;
	[sflag:s31] =	ssyncadd.s32 $0xFFFF3800  }
0x551: {  	v0 =	vld [tilespmem:s6+$0x170]  }
0x552: {  	v1 =	vld [tilespmem:s6+$0x150]  }
0x553: {  	v2 =	vld [tilespmem:s6+$0x130]  }
0x554: {  	v3 =	vld [tilespmem:s6+$0x110]  }
0x555: {  	v4 =	vld [tilespmem:s6+$0xF0]  }
0x556: {  	v5 =	vld [tilespmem:s6+$0xD0]  }
0x557: {  	v6 =	vld [tilespmem:s6+$0xB0]  }
0x558: {  	v7 =	vld [tilespmem:s6+$0x90]  }
0x559: {  	v8 =	vld [tilespmem:s6+$0x70]  }
0x55a: {  	v9 =	vld [tilespmem:s6+$0x50]  }
0x55b: {  	v10 =	vld [tilespmem:s6+$0x30]  }
0x55c: {  	v11 =	vld [tilespmem:s6+$0x10]  }
0x55d: {  	v12 =	vld [tilespmem:s6+$0xFFFFFFF0]  }
0x55e: {  	v13 =	vld [tilespmem:s6+$0xFFFFFFD0]  }
0x55f: {  	v14 =	vld [tilespmem:s6+$0xFFFFFFB0]  }
0x560: {  	v15 =	vld [tilespmem:s6+$0xFFFFFF90]  }
0x561: {  	v16 =	vld [tilespmem:s6+$0xFFFFFF70]  }
0x562: {  	v17 =	vld [tilespmem:s6+$0xFFFFFF50]  }
0x563: {  	v18 =	vld [tilespmem:s6+$0xFFFFFF30]  }
0x564: {  	v19 =	vld [tilespmem:s6+$0xFFFFFF10]  }
0x565: {  	v20 =	vld [tilespmem:s6+$0xFFFFFEF0]  }
0x566: {  	v21 =	vld [tilespmem:s6+$0xFFFFFE90]  }
0x567: {  	v22 =	vld [tilespmem:s6+$0xFFFFFED0]  }
0x568: {  	v23 =	vld [tilespmem:s6+$0xFFFFFEA0]  }
0x569: {  	v24 =	vld [tilespmem:s6+$0xFFFFFEB0]  }
0x56a: {  	v25 =	vld [tilespmem:s6+$0xFFFFFE70]  }
0x56b: {  	v26 =	vld [tilespmem:s6+$0xFFFFFE80]  }
0x56c: {  	s7 =	simm.s32 $0x40;
	v27 =	vld [tilespmem:s6+$0xFFFFFEC0]  }
.LBB2_16:
0x56d: {  	p0 =	sne.s32 s7, $0xFC0;
	v28 =	vld [tilespmem:s6+$0xFFFFFEE0]  }
0x56e: {  	v29 =	vld [tilespmem:s6+$0xFFFFFF00]  }
0x56f: {  	v30 =	vld [tilespmem:s6+$0xFFFFFF20]  }
0x570: {  	v31 =	vld [tilespmem:s6+$0xFFFFFF40]  }
0x571: {  	v24 =	vadd.f32 v24, v25;
	v25 =	vadd.f32 v27, v26;
	v26 =	vld [tilespmem:s6+$0xFFFFFF60]  }
0x572: {  	v21 =	vadd.f32 v22, v21;
	v22 =	vadd.f32 v28, v23;
	v23 =	vld [tilespmem:s6+$0xFFFFFF80]  }
0x573: {  	v20 =	vadd.f32 v20, v24;
	v24 =	vadd.f32 v29, v25;
	v25 =	vld [tilespmem:s6+$0xFFFFFFA0]  }
0x574: {  	v19 =	vadd.f32 v19, v21;
	v21 =	vadd.f32 v30, v22;
	v22 =	vld [tilespmem:s6+$0xFFFFFFC0]  }
0x575: {  	v18 =	vadd.f32 v18, v20;
	v20 =	vadd.f32 v31, v24;
	v24 =	vld [tilespmem:s6+$0xFFFFFFE0]  }
0x576: {  	v17 =	vadd.f32 v17, v19;
	v19 =	vadd.f32 v26, v21;
	v21 =	vld [tilespmem:s6+$0x0]  }
0x577: {  	v16 =	vadd.f32 v16, v18;
	v18 =	vadd.f32 v23, v20;
	v20 =	vld [tilespmem:s6+$0x20]  }
0x578: {  	v15 =	vadd.f32 v15, v17;
	v17 =	vadd.f32 v25, v19;
	v19 =	vld [tilespmem:s6+$0x40]  }
0x579: {  	v14 =	vadd.f32 v14, v16;
	v16 =	vadd.f32 v22, v18;
	v18 =	vld [tilespmem:s6+$0x60]  }
0x57a: {  	v13 =	vadd.f32 v13, v15;
	v15 =	vadd.f32 v24, v17;
	v17 =	vld [tilespmem:s6+$0x80]  }
0x57b: {  	v12 =	vadd.f32 v12, v14;
	v14 =	vadd.f32 v21, v16;
	v16 =	vld [tilespmem:s6+$0xA0]  }
0x57c: {  	v11 =	vadd.f32 v11, v13;
	v13 =	vadd.f32 v20, v15;
	v15 =	vld [tilespmem:s6+$0xC0]  }
0x57d: {  	v10 =	vadd.f32 v10, v12;
	v12 =	vadd.f32 v19, v14;
	v14 =	vld [tilespmem:s6+$0xE0]  }
0x57e: {  	v9 =	vadd.f32 v9, v11;
	v11 =	vadd.f32 v18, v13;
	v13 =	vld [tilespmem:s6+$0x100]  }
0x57f: {  	v8 =	vadd.f32 v8, v10;
	v10 =	vadd.f32 v17, v12;
	v12 =	vld [tilespmem:s6+$0x120]  }
0x580: {  	v7 =	vadd.f32 v7, v9;
	v9 =	vadd.f32 v16, v11;
	v11 =	vld [tilespmem:s6+$0x140]  }
0x581: {  	v6 =	vadd.f32 v6, v8;
	v8 =	vadd.f32 v15, v10;
	v10 =	vld [tilespmem:s6+$0x160]  }
0x582: {  	v5 =	vadd.f32 v5, v7;
	v7 =	vadd.f32 v14, v9;
	v9 =	vld [tilespmem:s6+$0x180]  }
0x583: {  	v4 =	vadd.f32 v4, v6;
	v6 =	vadd.f32 v13, v8  }
0x584: {  	v3 =	vadd.f32 v3, v5;
	v5 =	vadd.f32 v12, v7  }
0x585: {  	v2 =	vadd.f32 v2, v4;
	v4 =	vadd.f32 v11, v6  }
0x586: {  	v1 =	vadd.f32 v1, v3;
	v3 =	vadd.f32 v10, v5  }
0x587: {  	v0 =	vadd.f32 v0, v2;
	v2 =	vadd.f32 v9, v4;
	_ =	sdelay $0x1  }
0x588: {  	v1 =	vadd.f32 v3, v1;
	v0 =	vadd.f32 v2, v0;
	_ =	sdelay $0x1  }
0x589: {  	v0 =	vadd.f32 v0, v1;
	_ =	sdelay $0x1  }
0x58a: {  	v0 =	vmul.f32 $1.999999960e-02, v0  }
0x58b: {  	s8 =	sshra.s32 s26, $0x2;
	s26 =	smov.u32 s7  }
0x58c: {  	s6 =	sadd.s32 $0x320, s6;
	[tilespmem:s8+$0x1CB00] =	vst v0  }
0x58d: {  	v0 =	vld [tilespmem:s6+$0x170]  }
0x58e: {  	v1 =	vld [tilespmem:s6+$0x150]  }
0x58f: {  	v2 =	vld [tilespmem:s6+$0x130]  }
0x590: {  	v3 =	vld [tilespmem:s6+$0x110]  }
0x591: {  	v4 =	vld [tilespmem:s6+$0xF0]  }
0x592: {  	v5 =	vld [tilespmem:s6+$0xD0]  }
0x593: {  	v6 =	vld [tilespmem:s6+$0xB0]  }
0x594: {  	v7 =	vld [tilespmem:s6+$0x90]  }
0x595: {  	v8 =	vld [tilespmem:s6+$0x70]  }
0x596: {  	v9 =	vld [tilespmem:s6+$0x50]  }
0x597: {  	v10 =	vld [tilespmem:s6+$0x30]  }
0x598: {  	v11 =	vld [tilespmem:s6+$0x10]  }
0x599: {  	v12 =	vld [tilespmem:s6+$0xFFFFFFF0]  }
0x59a: {  	v13 =	vld [tilespmem:s6+$0xFFFFFFD0]  }
0x59b: {  	v14 =	vld [tilespmem:s6+$0xFFFFFFB0]  }
0x59c: {  	v15 =	vld [tilespmem:s6+$0xFFFFFF90]  }
0x59d: {  	v16 =	vld [tilespmem:s6+$0xFFFFFF70]  }
0x59e: {  	v17 =	vld [tilespmem:s6+$0xFFFFFF50]  }
0x59f: {  	v18 =	vld [tilespmem:s6+$0xFFFFFF30]  }
0x5a0: {  	v19 =	vld [tilespmem:s6+$0xFFFFFF10]  }
0x5a1: {  	v20 =	vld [tilespmem:s6+$0xFFFFFEF0]  }
0x5a2: {  	v21 =	vld [tilespmem:s6+$0xFFFFFE90]  }
0x5a3: {  	v22 =	vld [tilespmem:s6+$0xFFFFFED0]  }
.Ltmp7:
0x5a4: {  	v23 =	vld [tilespmem:s6+$0xFFFFFEA0];
	(pc) =	sbr.rel @p0 .LBB2_16-.Ltmp7, $4  }
0x5a5: {  	v24 =	vld [tilespmem:s6+$0xFFFFFEB0]  }
0x5a6: {  	v25 =	vld [tilespmem:s6+$0xFFFFFE70]  }
0x5a7: {  	v26 =	vld [tilespmem:s6+$0xFFFFFE80]  }
0x5a8: {  	s7 =	sadd.s32 $0x40, s7;
	v27 =	vld [tilespmem:s6+$0xFFFFFEC0]  }
0x5a9: {  	v28 =	vld [tilespmem:s6+$0xFFFFFEE0]  }
0x5aa: {  	v29 =	vld [tilespmem:s6+$0xFFFFFF00]  }
0x5ab: {  	v30 =	vld [tilespmem:s6+$0xFFFFFF20]  }
0x5ac: {  	v31 =	vld [tilespmem:s6+$0xFFFFFF40];
	v24 =	vadd.f32 v24, v25  }
0x5ad: {  	v60 =	vld [tilespmem:s6+$0xFFFFFF60];
	v21 =	vadd.f32 v22, v21;
	v59 =	vadd.f32 v27, v26  }
0x5ae: {  	v62 =	vld [tilespmem:s6+$0xFFFFFF80];
	v20 =	vadd.f32 v20, v24;
	v61 =	vadd.f32 v28, v23  }
0x5af: {  	v19 =	vadd.f32 v19, v21;
	v28 =	vld [tilespmem:s6+$0xFFFFFFA0];
	v63 =	vadd.f32 v29, v59  }
0x5b0: {  	v18 =	vadd.f32 v18, v20;
	v29 =	vadd.f32 v30, v61;
	v30 =	vld [tilespmem:s6+$0xFFFFFFC0]  }
0x5b1: {  	v32 =	vld [tilespmem:s6+$0xFFFFFFE0];
	v31 =	vadd.f32 v31, v63  }
0x5b2: {  	v34 =	vld [tilespmem:s6+$0x0];
	v17 =	vadd.f32 v17, v19;
	v16 =	vadd.f32 v16, v18  }
0x5b3: {  	v36 =	vld [tilespmem:s6+$0x20];
	v33 =	vadd.f32 v60, v29;
	v35 =	vadd.f32 v62, v31  }
0x5b4: {  	v38 =	vld [tilespmem:s6+$0x40];
	v15 =	vadd.f32 v15, v17;
	v14 =	vadd.f32 v14, v16  }
0x5b5: {  	v40 =	vld [tilespmem:s6+$0x60];
	v37 =	vadd.f32 v28, v33;
	v39 =	vadd.f32 v30, v35  }
0x5b6: {  	v42 =	vld [tilespmem:s6+$0x80];
	v13 =	vadd.f32 v13, v15;
	v12 =	vadd.f32 v12, v14  }
0x5b7: {  	v44 =	vld [tilespmem:s6+$0xA0];
	v41 =	vadd.f32 v32, v37;
	v43 =	vadd.f32 v34, v39  }
0x5b8: {  	v46 =	vld [tilespmem:s6+$0xC0];
	v11 =	vadd.f32 v11, v13;
	v10 =	vadd.f32 v10, v12  }
0x5b9: {  	v48 =	vld [tilespmem:s6+$0xE0];
	v45 =	vadd.f32 v36, v41;
	v47 =	vadd.f32 v38, v43  }
0x5ba: {  	v50 =	vld [tilespmem:s6+$0x100];
	v9 =	vadd.f32 v9, v11;
	v8 =	vadd.f32 v8, v10  }
0x5bb: {  	v52 =	vld [tilespmem:s6+$0x120];
	v49 =	vadd.f32 v40, v45;
	v51 =	vadd.f32 v42, v47  }
0x5bc: {  	v54 =	vld [tilespmem:s6+$0x140];
	v7 =	vadd.f32 v7, v9;
	v6 =	vadd.f32 v6, v8  }
0x5bd: {  	v56 =	vld [tilespmem:s6+$0x160];
	v53 =	vadd.f32 v44, v49;
	v55 =	vadd.f32 v46, v51  }
0x5be: {  	v58 =	vld [tilespmem:s6+$0x180];
	v5 =	vadd.f32 v5, v7;
	v4 =	vadd.f32 v4, v6  }
0x5bf: {  	v57 =	vadd.f32 v48, v53;
	v59 =	vadd.f32 v50, v55  }
0x5c0: {  	v3 =	vadd.f32 v3, v5;
	v2 =	vadd.f32 v2, v4  }
0x5c1: {  	v60 =	vadd.f32 v52, v57;
	v61 =	vadd.f32 v54, v59  }
0x5c2: {  	v1 =	vadd.f32 v1, v3;
	v0 =	vadd.f32 v0, v2  }
0x5c3: {  	v62 =	vadd.f32 v56, v60;
	v63 =	vadd.f32 v58, v61;
	_ =	sdelay $0x1  }
0x5c4: {  	v1 =	vadd.f32 v62, v1;
	v0 =	vadd.f32 v63, v0;
	_ =	sdelay $0x1  }
0x5c5: {  	v0 =	vadd.f32 v0, v1;
	_ =	sdelay $0x1  }
0x5c6: {  	v0 =	vmul.f32 $1.999999960e-02, v0  }
0x5c7: {  	s8 =	sshra.s32 s26, $0x2  }
0x5c8: {  	s26 =	rddreg [dreg:$0x14];
	[tilespmem:s8+$0x1CB00] =	vst v0  }
0x5c9: {  	[hbm4b:s26+s2] =	stream.linear.scatter [tilespmem:s30], [sflag:$0x4], $0x400, $0x38;
	[tilespmem:$0x1CF00] =	vst v63  }
0x5ca: {  	_ =	swait.ge [sflag:s24], $0x400  }
0x5cb: {  	[sflag:s24] =	ssyncset.done $0x0  }
0x5cc: {  	s7 =	simm.s32 $0x1;
	[sflag:s24] =	ssyncadd.s32 $0xFFFFFC00  }
0x5cd: {  	_ =	swait.ge [sflag:s7], $0x2000  }
0x5ce: {  	[sflag:s7] =	ssyncset.done $0x0  }
0x5cf: {  	s8 =	rddreg [dreg:$0x15];
	[sflag:s7] =	ssyncadd.s32 $0xFFFFE000;
	s7 =	simm.s32 $0x200  }
0x5d0: {  	[hbm4b:s8+s2] =	stream.linear.scatter [tilespmem:s7], [sflag:$0x4], $0x2000, $0x38;
	[tilespmem:$0x1CF00] =	vst v63  }
0x5d1: {  	_ =	swait.ge [sflag:s24], $0x2000  }
0x5d2: {  	s0 =	sadd.s32 $0x1, s0;
	s26 =	rddreg [dreg:$0x16]  }
0x5d3: {  	p0 =	sne.s32 s0, s26  }
.Ltmp8:
0x5d4: {  	_ = 	snop;
	(pc) =	sbr.rel @p0 .LBB2_1-.Ltmp8, $3  }
0x5d5: {  	_ =	sdelay $0x1  }
0x5d6: {  	[sflag:s24] =	ssyncset.done $0x0  }
0x5d7: {  	[sflag:s24] =	ssyncadd.s32 $0xFFFFE000  }
0x5d8: {  	_ =	sfence.sel $0x180000  }
0x5d9: {  	[bflag:$0x0] =	sbarrier.arrive $0xFFFF  }
0x5da: {  	_ =	strace $0x90000047  }
0x5db: {  	s0 =	stileid.u32;
	[bflag:$0x2] =	sbarrier.arrive $0xFFFF  }
0x5dc: {  	p0 =	sne.s32 s0, $0x0;
	s0 =	rddreg [dreg:$0x3]  }
0x5dd: {  	s0 =	sadd.s32 @!p0 $0x100000, s0  }
0x5de: {  	[sflag:s0] =	ssyncadd.tile.s32 @!p0 $0x1;
	_ =	shalt  }
.Lfunc_end2:
_tile_overlayer_lowered:
.L_overlay_start_2:
0x5df: {  	(tag) =	ssettag $0x2  }
0x5e0: {  	s0 =	rddreg [dreg:$0x0];
	s2 =	stileid.u32  }
0x5e1: {  	s1 =	rddreg [dreg:$0x1];
	p0 =	sne.s32 s2, $0x0  }
0x5e2: {  	s3 =	rddreg [dreg:$0x2];
	[bflag:$0x3] =	sbarrier.arrive $0xFFFF;
	s2 =	simm.s32 @!p0 $0x1C04  }
0x5e3: {  	[timem:s3], [sflag:s2] =	dma.local @!p0 [hbm:s0], s1  }
0x5e4: {  	s0 =	simm.s32 @!p0 $0x4  }
0x5e5: {  	_ =	swait.ge @!p0 [sflag:s0], s1  }
0x5e6: {  	s1 =	ssub.s32 @!p0 $0x0, s1;
	[sflag:s0] =	ssyncset.done @!p0 $0x0  }
0x5e7: {  	[sflag:s0] =	ssyncadd.s32 @!p0 s1  }
0x5e8: {  	[bflag:$0x3] =	sbarrier.arrive $0xFFFF  }
0x5e9: {  	_ =	shalt  }

</sc_bundles>
